<compile_context>
chip_gen: v7x
topology: tpu7x:2x2x1
jax: 0.10.2.dev20260603
libtpu: 0.0.44.dev20260713+nightly
codegen_flags: <defaults>
</compile_context>

<pallas_src>
import functools

import jax
import jax.numpy as jnp
from jax import lax
from jax.experimental import pallas as pl
from jax.experimental.pallas import tpu as pltpu
from jax.experimental.pallas import tpu_sc as plsc

NC, NS, L = 2, 16, 16
NW = NC * NS


def _scale_tables(entity_table, user_table):
    n, k = entity_table.shape
    blk = 4096
    grid = (n + 2 * blk - 1) // (2 * blk)
    n2 = grid * 2 * blk
    assert user_table.shape == (n, k)

    def body(ea, eb, ua, ub, oe_ref, ou_ref):
        for a, b, dst in ((ea, eb, oe_ref), (ua, ub, ou_ref)):
            ys = []
            for src in (a, b):
                x = src[...]
                ss = jnp.sum(x * x, axis=0, keepdims=True)
                scale = jnp.minimum(1.0, 1.0 / (jnp.sqrt(ss) + 1e-7))
                ys.append((x * scale).T)
            dst[...] = jnp.concatenate(ys, axis=1)

    last_blk = (n - 1) // blk
    spec_a = pl.BlockSpec((k, blk), lambda i: (0, 2 * i))
    spec_b = pl.BlockSpec((k, blk),
                          lambda i: (0, jnp.minimum(2 * i + 1, last_blk)))
    out_spec = pl.BlockSpec((blk, 2 * k), lambda i: (i, 0))
    fe, fu = pl.pallas_call(
        body,
        grid=(grid,),
        in_specs=[spec_a, spec_b, spec_a, spec_b],
        out_specs=[out_spec, out_spec],
        out_shape=[jax.ShapeDtypeStruct((n2 // 2, 2 * k), jnp.float32)] * 2,
    )(entity_table.T, entity_table.T, user_table.T, user_table.T)
    return fe.reshape(n2, k), fu.reshape(n2, k)


def _remap_idx(e):
    return (e & -8192) | ((e & 4095) << 1) | ((e >> 12) & 1)


def _sc_forward(nbr_flat, tgt_idx, u_idx, es, us):
    B = tgt_idx.shape[0]
    NN = 32
    K = es.shape[1]
    CHUNK = 16
    b_per_w = B // NW
    n_chunks = b_per_w // CHUNK
    GSPLIT = CHUNK * NN // 128

    mesh = plsc.VectorSubcoreMesh(core_axis_name="c", subcore_axis_name="s")
    ncol = K // L

    buf = lambda: [
        pltpu.VMEM((CHUNK * NN, K), jnp.float32),
        pltpu.VMEM((CHUNK, K), jnp.float32),
        pltpu.VMEM((CHUNK, K), jnp.float32),
        pltpu.SemaphoreType.DMA,
    ]

    @functools.partial(
        pl.kernel,
        out_type=jax.ShapeDtypeStruct((B,), jnp.float32),
        mesh=mesh,
        compiler_params=pltpu.CompilerParams(needs_layout_passes=False,
                                             use_tc_tiling_on_sc=False),
        scratch_types=buf() + buf() + [
            pltpu.VMEM((b_per_w * NN,), jnp.int32),
            pltpu.VMEM((b_per_w,), jnp.int32),
            pltpu.VMEM((b_per_w,), jnp.int32),
            pltpu.VMEM((CHUNK * L,), jnp.float32),
            pltpu.VMEM((b_per_w,), jnp.float32),
        ],
    )
    def k(nbr_hbm, tgt_hbm, u_hbm, es_hbm, us_hbm, out_hbm, *scr):
        bufs = (scr[0:4], scr[4:8])
        nidx_all, tidx_all, uidx_all, psum_v, out_v = scr[8:13]
        wid = lax.axis_index("s") * NC + lax.axis_index("c")
        lanes = lax.iota(jnp.int32, L)

        def copies(ci, ph):
            rows_v, trow_v, urow_v, sem = bufs[ph]
            cps = [
                pltpu.make_async_copy(
                    es_hbm.at[nidx_all.at[pl.ds(ci * CHUNK * NN + j * 128, 128)]],
                    rows_v.at[pl.ds(j * 128, 128)], sem)
                for j in range(GSPLIT)
            ]
            cps.append(pltpu.make_async_copy(
                es_hbm.at[tidx_all.at[pl.ds(ci * CHUNK, CHUNK)]], trow_v, sem))
            cps.append(pltpu.make_async_copy(
                us_hbm.at[uidx_all.at[pl.ds(ci * CHUNK, CHUNK)]], urow_v, sem))
            return cps

        def fetch(ci, ph):
            for cp in copies(ci, ph):
                cp.start()

        def compute(ci, ph):
            rows_v, trow_v, urow_v, _ = bufs[ph]
            base = wid * b_per_w + ci * CHUNK
            cps = copies(ci, ph)
            for cp in cps:
                cp.wait()

            def elem_body(b):
                zero = jnp.zeros((L,), jnp.float32)
                s = [zero] * ncol
                q = [zero] * ncol
                for n in range(NN):
                    row = b * NN + n
                    for c in range(ncol):
                        x = rows_v[row, pl.ds(c * L, L)]
                        s[c] = s[c] + x
                        q[c] = q[c] + x * x
                p = zero
                for c in range(ncol):
                    t = trow_v[b, pl.ds(c * L, L)]
                    uu = urow_v[b, pl.ds(c * L, L)]
                    p = p + uu * (s[c] * s[c] - q[c] + t)
                psum_v[pl.ds(b * L, L)] = p

            @pl.loop(0, CHUNK, step=2)
            def _(b):
                elem_body(b)
                elem_body(b + 1)
            uv = jnp.zeros((L,), jnp.float32)
            for c in range(L):
                uv = uv + plsc.load_gather(psum_v, [lanes * L + c])
            out_v[pl.ds(ci * CHUNK, CHUNK)] = 1.0 / (1.0 + jnp.exp(-uv))

        wbase = wid * b_per_w
        pltpu.sync_copy(nbr_hbm.at[pl.ds(wbase * NN, b_per_w * NN)], nidx_all)
        pltpu.sync_copy(tgt_hbm.at[pl.ds(wbase, b_per_w)], tidx_all)
        pltpu.sync_copy(u_hbm.at[pl.ds(wbase, b_per_w)], uidx_all)
        fetch(0, 0)

        @pl.loop(0, n_chunks // 2)
        def pair_body(cp):
            for ph in (0, 1):
                ci = cp * 2 + ph
                nxt = ci + 1

                @pl.when(nxt < n_chunks)
                def _():
                    fetch(nxt, 1 - ph)

                compute(ci, ph)

        pltpu.sync_copy(out_v, out_hbm.at[pl.ds(wbase, b_per_w)])

    return k(nbr_flat, tgt_idx, u_idx, es, us)


def kernel(u, neighbor_idx, target_idx, entity_table, user_table, aW, ab, hW, hb):
    del aW, ab, hW, hb
    es, us = _scale_tables(entity_table, user_table)
    nbr_flat = _remap_idx(neighbor_idx.astype(jnp.int32)).reshape(-1)
    return _sc_forward(nbr_flat, _remap_idx(target_idx.astype(jnp.int32)),
                       _remap_idx(u.astype(jnp.int32)), es, us)

# --- scband reference (transcript-rebuilt; emitter-appended) ---
"""Pipeline reference for scband-gafm-15023795602158 (READ-ONLY COPY).

The authoritative reference and input builder live on the scoring server;
editing this copy changes nothing except your own understanding.
"""

import jax, jax.numpy as jnp
import numpy as np

N_USERS = 100000
N_ENTITYS = 100000
K_DIM = 64
T_DIM = 64
B = 16384
N_NEIGH = 32


def setup_inputs(seed: int = 0) -> dict:
    key = jax.random.key(seed)
    k1, k2, k3, k4, k5, k6, k7, k8 = jax.random.split(key, 8)
    u = jax.random.randint(k1, (B,), 0, N_USERS, dtype=jnp.int64 if jax.config.jax_enable_x64 else jnp.int32)
    neighbor_idx = jax.random.randint(k2, (B, N_NEIGH), 0, N_ENTITYS)
    target_idx = jax.random.randint(k3, (B,), 0, N_ENTITYS)
    entity_table = jax.random.normal(k4, (N_ENTITYS, K_DIM), dtype=jnp.float32)
    user_table = jax.random.normal(k5, (N_USERS, K_DIM), dtype=jnp.float32)
    aW = jax.random.normal(k6, (K_DIM, T_DIM), dtype=jnp.float32) * (1.0 / np.sqrt(K_DIM))
    ab = jnp.zeros((T_DIM,), dtype=jnp.float32)
    hW = jax.random.normal(k7, (T_DIM, 1), dtype=jnp.float32) * (1.0 / np.sqrt(T_DIM))
    hb = jnp.zeros((1,), dtype=jnp.float32)
    return {"u": u, "neighbor_idx": neighbor_idx, "target_idx": target_idx,
            "entity_table": entity_table, "user_table": user_table,
            "aW": aW, "ab": ab, "hW": hW, "hb": hb}


def _emb_maxnorm(table, idx):
    # nn.Embedding(max_norm=1): rows are renormalized to norm <= 1 on lookup
    e = jnp.take(table, idx, axis=0)
    n = jnp.linalg.norm(e, axis=-1, keepdims=True)
    scale = jnp.minimum(1.0, 1.0 / (n + 1e-7))
    return e * scale


def reference(u, neighbor_idx, target_idx, entity_table, user_table, aW, ab, hW, hb):
    # single-hop gnnForward with atten_way='item'
    entity_embs = _emb_maxnorm(entity_table, neighbor_idx)   # [B, N_NEIGH, K]
    target_embs = _emb_maxnorm(entity_table, target_idx)     # [B, K]
    # FMaggregator over neighbor axis
    square_of_sum = jnp.sum(entity_embs, axis=1) ** 2        # [B, K]
    sum_of_square = jnp.sum(entity_embs ** 2, axis=1)        # [B, K]
    agg = square_of_sum - sum_of_square                      # [B, K]
    # attention(agg, target_embs)
    h = jax.nn.relu((target_embs * agg) @ aW + ab)           # [B, T]
    logits = h @ hW + hb                                     # [B, 1]
    atts = jax.nn.softmax(logits, axis=1)                    # [B, 1] (softmax over singleton dim)
    agg = atts * agg + target_embs                           # [B, K]
    users = _emb_maxnorm(user_table, u)                      # [B, K]
    uv = jnp.sum(users * agg, axis=1)                        # [B]
    return jax.nn.sigmoid(uv)

if __name__ == "__main__":
    import jax
    _d = setup_inputs()
    print(jax.jit(kernel)(*tuple(_d.values())))

</pallas_src>

<mosaic_0001>
#map = affine_map<(d0, d1) -> (0)>
#map1 = affine_map<(d0, d1) -> (0, 0)>
module attributes {stable_mosaic.version = 14 : i64} {
  func.func @k(%arg0: i32, %arg1: i32, %arg2: memref<524288xi32, #tpu.memory_space<hbm>>, %arg3: memref<16384xi32, #tpu.memory_space<hbm>>, %arg4: memref<16384xi32, #tpu.memory_space<hbm>>, %arg5: memref<106496x64xf32, #tpu.memory_space<hbm>>, %arg6: memref<106496x64xf32, #tpu.memory_space<hbm>>, %arg7: memref<16384xf32, #tpu.memory_space<hbm>>, %arg8: memref<512x64xf32, #tpu.memory_space<vmem>>, %arg9: memref<16x64xf32, #tpu.memory_space<vmem>>, %arg10: memref<16x64xf32, #tpu.memory_space<vmem>>, %arg11: memref<!tpu.dma_semaphore, #tpu.memory_space<semaphore_mem>>, %arg12: memref<512x64xf32, #tpu.memory_space<vmem>>, %arg13: memref<16x64xf32, #tpu.memory_space<vmem>>, %arg14: memref<16x64xf32, #tpu.memory_space<vmem>>, %arg15: memref<!tpu.dma_semaphore, #tpu.memory_space<semaphore_mem>>, %arg16: memref<16384xi32, #tpu.memory_space<vmem>>, %arg17: memref<512xi32, #tpu.memory_space<vmem>>, %arg18: memref<512xi32, #tpu.memory_space<vmem>>, %arg19: memref<256xf32, #tpu.memory_space<vmem>>, %arg20: memref<512xf32, #tpu.memory_space<vmem>>) attributes {dimension_semantics = [#tpu.dimension_semantics<core_parallel>, #tpu.dimension_semantics<subcore_parallel>], iteration_bounds = array<i64: 2, 16>, scalar_prefetch = 0 : i64, scratch_operands = 13 : i64, tpu.core_type = #tpu.core_type<sc_vector_subcore>, window_params = [{transform_indices = #map}, {transform_indices = #map}, {transform_indices = #map}, {transform_indices = #map1}, {transform_indices = #map1}, {transform_indices = #map}]} {
    %mul3A = arith.constant 2 : i32
    %mul3A_0 = arith.muli %arg1, %mul3A : i32
    %add3A = arith.addi %mul3A_0, %arg0 : i32
    %iota3A = tpu.iota {dimensions = array<i32: 0>} : vector<16xi32>
    %mul3A_1 = arith.constant 512 : i32
    %mul3A_2 = arith.muli %add3A, %mul3A_1 : i32
    %mul3A_3 = arith.constant 32 : i32
    %mul3A_4 = arith.muli %mul3A_2, %mul3A_3 : i32
    "tpu.region"() ({
      %run_scoped3A = tpu.sem_alloc : memref<!tpu.dma_semaphore, #tpu.memory_space<semaphore_mem>>
      %dma_start3A_50 = tpu.memref_slice %arg2[%mul3A_4] : memref<524288xi32, #tpu.memory_space<hbm>> -> memref<16384xi32, #tpu.memory_space<hbm>>
      %dma_start3A_51 = tpu.memref_slice %arg2[%mul3A_4] : memref<524288xi32, #tpu.memory_space<hbm>> -> memref<16384xi32, #tpu.memory_space<hbm>>
      tpu.enqueue_dma source(%dma_start3A_51 : memref<16384xi32, #tpu.memory_space<hbm>>) target(%arg16 : memref<16384xi32, #tpu.memory_space<vmem>>) target_semaphore(%run_scoped3A : memref<!tpu.dma_semaphore, #tpu.memory_space<semaphore_mem>>)
      %dma_wait3A = tpu.memref_slice %arg2[%mul3A_4] : memref<524288xi32, #tpu.memory_space<hbm>> -> memref<16384xi32, #tpu.memory_space<hbm>>
      %dma_wait3A_52 = tpu.memref_slice %arg2[%mul3A_4] : memref<524288xi32, #tpu.memory_space<hbm>> -> memref<16384xi32, #tpu.memory_space<hbm>>
      tpu.wait_dma2 semaphore(%run_scoped3A : memref<!tpu.dma_semaphore, #tpu.memory_space<semaphore_mem>>) src(%dma_wait3A_52 : memref<16384xi32, #tpu.memory_space<hbm>>) dst(%arg16 : memref<16384xi32, #tpu.memory_space<vmem>>)
      tpu.yield
    }) : () -> ()
    "tpu.region"() ({
      %run_scoped3A = tpu.sem_alloc : memref<!tpu.dma_semaphore, #tpu.memory_space<semaphore_mem>>
      %dma_start3A_50 = tpu.memref_slice %arg3[%mul3A_2] : memref<16384xi32, #tpu.memory_space<hbm>> -> memref<512xi32, #tpu.memory_space<hbm>>
      %dma_start3A_51 = tpu.memref_slice %arg3[%mul3A_2] : memref<16384xi32, #tpu.memory_space<hbm>> -> memref<512xi32, #tpu.memory_space<hbm>>
      tpu.enqueue_dma source(%dma_start3A_51 : memref<512xi32, #tpu.memory_space<hbm>>) target(%arg17 : memref<512xi32, #tpu.memory_space<vmem>>) target_semaphore(%run_scoped3A : memref<!tpu.dma_semaphore, #tpu.memory_space<semaphore_mem>>)
      %dma_wait3A = tpu.memref_slice %arg3[%mul3A_2] : memref<16384xi32, #tpu.memory_space<hbm>> -> memref<512xi32, #tpu.memory_space<hbm>>
      %dma_wait3A_52 = tpu.memref_slice %arg3[%mul3A_2] : memref<16384xi32, #tpu.memory_space<hbm>> -> memref<512xi32, #tpu.memory_space<hbm>>
      tpu.wait_dma2 semaphore(%run_scoped3A : memref<!tpu.dma_semaphore, #tpu.memory_space<semaphore_mem>>) src(%dma_wait3A_52 : memref<512xi32, #tpu.memory_space<hbm>>) dst(%arg17 : memref<512xi32, #tpu.memory_space<vmem>>)
      tpu.yield
    }) : () -> ()
    "tpu.region"() ({
      %run_scoped3A = tpu.sem_alloc : memref<!tpu.dma_semaphore, #tpu.memory_space<semaphore_mem>>
      %dma_start3A_50 = tpu.memref_slice %arg4[%mul3A_2] : memref<16384xi32, #tpu.memory_space<hbm>> -> memref<512xi32, #tpu.memory_space<hbm>>
      %dma_start3A_51 = tpu.memref_slice %arg4[%mul3A_2] : memref<16384xi32, #tpu.memory_space<hbm>> -> memref<512xi32, #tpu.memory_space<hbm>>
      tpu.enqueue_dma source(%dma_start3A_51 : memref<512xi32, #tpu.memory_space<hbm>>) target(%arg18 : memref<512xi32, #tpu.memory_space<vmem>>) target_semaphore(%run_scoped3A : memref<!tpu.dma_semaphore, #tpu.memory_space<semaphore_mem>>)
      %dma_wait3A = tpu.memref_slice %arg4[%mul3A_2] : memref<16384xi32, #tpu.memory_space<hbm>> -> memref<512xi32, #tpu.memory_space<hbm>>
      %dma_wait3A_52 = tpu.memref_slice %arg4[%mul3A_2] : memref<16384xi32, #tpu.memory_space<hbm>> -> memref<512xi32, #tpu.memory_space<hbm>>
      tpu.wait_dma2 semaphore(%run_scoped3A : memref<!tpu.dma_semaphore, #tpu.memory_space<semaphore_mem>>) src(%dma_wait3A_52 : memref<512xi32, #tpu.memory_space<hbm>>) dst(%arg18 : memref<512xi32, #tpu.memory_space<vmem>>)
      tpu.yield
    }) : () -> ()
    %dma_start3A = arith.constant 0 : i32
    %dma_start3A_5 = arith.constant 0 : i32
    %dma_start3A_6 = tpu.memref_slice %arg8[%dma_start3A, %dma_start3A_5] : memref<512x64xf32, #tpu.memory_space<vmem>> -> memref<128x64xf32, #tpu.memory_space<vmem>>
    %dma_start3A_7 = arith.constant 0 : i32
    %dma_start3A_8 = tpu.memref_slice %arg16[%dma_start3A_7] : memref<16384xi32, #tpu.memory_space<vmem>> -> memref<128xi32, #tpu.memory_space<vmem>>
    %dma_start3A_9 = arith.constant 0 : i32
    %dma_start3A_10 = arith.constant 0 : i32
    %dma_start3A_11 = tpu.memref_slice %arg5[%dma_start3A_9, %dma_start3A_10] : memref<106496x64xf32, #tpu.memory_space<hbm>> -> memref<106496x64xf32, #tpu.memory_space<hbm>>
    tpu.enqueue_indirect_dma source(%dma_start3A_11 : memref<106496x64xf32, #tpu.memory_space<hbm>>) target(%dma_start3A_6 : memref<128x64xf32, #tpu.memory_space<vmem>>) offsets(%dma_start3A_8 : memref<128xi32, #tpu.memory_space<vmem>>) semaphore(%arg11 : memref<!tpu.dma_semaphore, #tpu.memory_space<semaphore_mem>>)
    %dma_start3A_12 = arith.constant 128 : i32
    %dma_start3A_13 = arith.constant 0 : i32
    %dma_start3A_14 = tpu.memref_slice %arg8[%dma_start3A_12, %dma_start3A_13] : memref<512x64xf32, #tpu.memory_space<vmem>> -> memref<128x64xf32, #tpu.memory_space<vmem>>
    %dma_start3A_15 = arith.constant 128 : i32
    %dma_start3A_16 = tpu.memref_slice %arg16[%dma_start3A_15] : memref<16384xi32, #tpu.memory_space<vmem>> -> memref<128xi32, #tpu.memory_space<vmem>>
    %dma_start3A_17 = arith.constant 0 : i32
    %dma_start3A_18 = arith.constant 0 : i32
    %dma_start3A_19 = tpu.memref_slice %arg5[%dma_start3A_17, %dma_start3A_18] : memref<106496x64xf32, #tpu.memory_space<hbm>> -> memref<106496x64xf32, #tpu.memory_space<hbm>>
    tpu.enqueue_indirect_dma source(%dma_start3A_19 : memref<106496x64xf32, #tpu.memory_space<hbm>>) target(%dma_start3A_14 : memref<128x64xf32, #tpu.memory_space<vmem>>) offsets(%dma_start3A_16 : memref<128xi32, #tpu.memory_space<vmem>>) semaphore(%arg11 : memref<!tpu.dma_semaphore, #tpu.memory_space<semaphore_mem>>)
    %dma_start3A_20 = arith.constant 256 : i32
    %dma_start3A_21 = arith.constant 0 : i32
    %dma_start3A_22 = tpu.memref_slice %arg8[%dma_start3A_20, %dma_start3A_21] : memref<512x64xf32, #tpu.memory_space<vmem>> -> memref<128x64xf32, #tpu.memory_space<vmem>>
    %dma_start3A_23 = arith.constant 256 : i32
    %dma_start3A_24 = tpu.memref_slice %arg16[%dma_start3A_23] : memref<16384xi32, #tpu.memory_space<vmem>> -> memref<128xi32, #tpu.memory_space<vmem>>
    %dma_start3A_25 = arith.constant 0 : i32
    %dma_start3A_26 = arith.constant 0 : i32
    %dma_start3A_27 = tpu.memref_slice %arg5[%dma_start3A_25, %dma_start3A_26] : memref<106496x64xf32, #tpu.memory_space<hbm>> -> memref<106496x64xf32, #tpu.memory_space<hbm>>
    tpu.enqueue_indirect_dma source(%dma_start3A_27 : memref<106496x64xf32, #tpu.memory_space<hbm>>) target(%dma_start3A_22 : memref<128x64xf32, #tpu.memory_space<vmem>>) offsets(%dma_start3A_24 : memref<128xi32, #tpu.memory_space<vmem>>) semaphore(%arg11 : memref<!tpu.dma_semaphore, #tpu.memory_space<semaphore_mem>>)
    %dma_start3A_28 = arith.constant 384 : i32
    %dma_start3A_29 = arith.constant 0 : i32
    %dma_start3A_30 = tpu.memref_slice %arg8[%dma_start3A_28, %dma_start3A_29] : memref<512x64xf32, #tpu.memory_space<vmem>> -> memref<128x64xf32, #tpu.memory_space<vmem>>
    %dma_start3A_31 = arith.constant 384 : i32
    %dma_start3A_32 = tpu.memref_slice %arg16[%dma_start3A_31] : memref<16384xi32, #tpu.memory_space<vmem>> -> memref<128xi32, #tpu.memory_space<vmem>>
    %dma_start3A_33 = arith.constant 0 : i32
    %dma_start3A_34 = arith.constant 0 : i32
    %dma_start3A_35 = tpu.memref_slice %arg5[%dma_start3A_33, %dma_start3A_34] : memref<106496x64xf32, #tpu.memory_space<hbm>> -> memref<106496x64xf32, #tpu.memory_space<hbm>>
    tpu.enqueue_indirect_dma source(%dma_start3A_35 : memref<106496x64xf32, #tpu.memory_space<hbm>>) target(%dma_start3A_30 : memref<128x64xf32, #tpu.memory_space<vmem>>) offsets(%dma_start3A_32 : memref<128xi32, #tpu.memory_space<vmem>>) semaphore(%arg11 : memref<!tpu.dma_semaphore, #tpu.memory_space<semaphore_mem>>)
    %dma_start3A_36 = arith.constant 0 : i32
    %dma_start3A_37 = tpu.memref_slice %arg17[%dma_start3A_36] : memref<512xi32, #tpu.memory_space<vmem>> -> memref<16xi32, #tpu.memory_space<vmem>>
    %dma_start3A_38 = arith.constant 0 : i32
    %dma_start3A_39 = arith.constant 0 : i32
    %dma_start3A_40 = tpu.memref_slice %arg5[%dma_start3A_38, %dma_start3A_39] : memref<106496x64xf32, #tpu.memory_space<hbm>> -> memref<106496x64xf32, #tpu.memory_space<hbm>>
    tpu.enqueue_indirect_dma source(%dma_start3A_40 : memref<106496x64xf32, #tpu.memory_space<hbm>>) target(%arg9 : memref<16x64xf32, #tpu.memory_space<vmem>>) offsets(%dma_start3A_37 : memref<16xi32, #tpu.memory_space<vmem>>) semaphore(%arg11 : memref<!tpu.dma_semaphore, #tpu.memory_space<semaphore_mem>>)
    %dma_start3A_41 = arith.constant 0 : i32
    %dma_start3A_42 = tpu.memref_slice %arg18[%dma_start3A_41] : memref<512xi32, #tpu.memory_space<vmem>> -> memref<16xi32, #tpu.memory_space<vmem>>
    %dma_start3A_43 = arith.constant 0 : i32
    %dma_start3A_44 = arith.constant 0 : i32
    %dma_start3A_45 = tpu.memref_slice %arg6[%dma_start3A_43, %dma_start3A_44] : memref<106496x64xf32, #tpu.memory_space<hbm>> -> memref<106496x64xf32, #tpu.memory_space<hbm>>
    tpu.enqueue_indirect_dma source(%dma_start3A_45 : memref<106496x64xf32, #tpu.memory_space<hbm>>) target(%arg10 : memref<16x64xf32, #tpu.memory_space<vmem>>) offsets(%dma_start3A_42 : memref<16xi32, #tpu.memory_space<vmem>>) semaphore(%arg11 : memref<!tpu.dma_semaphore, #tpu.memory_space<semaphore_mem>>)
    %scan3A = arith.constant 0 : i32
    %scan3A_46 = arith.constant 16 : i32
    %scan3A_47 = arith.addi %scan3A, %scan3A_46 : i32
    %scan3A_48 = arith.constant 1 : i32
    scf.for %scan3A_50 = %scan3A to %scan3A_47 step %scan3A_48  : i32 {
      %mul3A_51 = arith.constant 1 : i32
      %mul3A_52 = arith.muli %scan3A_50, %mul3A_51 : i32
      %add3A_53 = arith.constant 0 : i32
      %add3A_54 = arith.addi %add3A_53, %mul3A_52 : i32
      %mul3A_55 = arith.constant 2 : i32
      %mul3A_56 = arith.muli %add3A_54, %mul3A_55 : i32
      %add3A_57 = arith.constant 0 : i32
      %add3A_58 = arith.addi %mul3A_56, %add3A_57 : i32
      %add3A_59 = arith.constant 1 : i32
      %add3A_60 = arith.addi %add3A_58, %add3A_59 : i32
      %lt3A = arith.constant 32 : i32
      %lt3A_61 = arith.cmpi slt, %add3A_60, %lt3A : i32
      %convert_element_type3A = arith.extui %lt3A_61 : i1 to i32
      %cond3A = arith.constant 0 : i32
      %cond3A_62 = arith.cmpi ne, %convert_element_type3A, %cond3A : i32
      scf.if %cond3A_62 {
        %mul3A_503 = arith.constant 16 : i32
        %mul3A_504 = arith.muli %add3A_60, %mul3A_503 : i32
        %mul3A_505 = arith.constant 32 : i32
        %mul3A_506 = arith.muli %mul3A_504, %mul3A_505 : i32
        %add3A_507 = arith.constant 0 : i32
        %add3A_508 = arith.addi %mul3A_506, %add3A_507 : i32
        %mul3A_509 = arith.constant 16 : i32
        %mul3A_510 = arith.muli %add3A_60, %mul3A_509 : i32
        %mul3A_511 = arith.constant 32 : i32
        %mul3A_512 = arith.muli %mul3A_510, %mul3A_511 : i32
        %add3A_513 = arith.constant 128 : i32
        %add3A_514 = arith.addi %mul3A_512, %add3A_513 : i32
        %mul3A_515 = arith.constant 16 : i32
        %mul3A_516 = arith.muli %add3A_60, %mul3A_515 : i32
        %mul3A_517 = arith.constant 32 : i32
        %mul3A_518 = arith.muli %mul3A_516, %mul3A_517 : i32
        %add3A_519 = arith.constant 256 : i32
        %add3A_520 = arith.addi %mul3A_518, %add3A_519 : i32
        %mul3A_521 = arith.constant 16 : i32
        %mul3A_522 = arith.muli %add3A_60, %mul3A_521 : i32
        %mul3A_523 = arith.constant 32 : i32
        %mul3A_524 = arith.muli %mul3A_522, %mul3A_523 : i32
        %add3A_525 = arith.constant 384 : i32
        %add3A_526 = arith.addi %mul3A_524, %add3A_525 : i32
        %mul3A_527 = arith.constant 16 : i32
        %mul3A_528 = arith.muli %add3A_60, %mul3A_527 : i32
        %mul3A_529 = arith.constant 16 : i32
        %mul3A_530 = arith.muli %add3A_60, %mul3A_529 : i32
        %dma_start3A_531 = arith.constant 0 : i32
        %dma_start3A_532 = arith.constant 0 : i32
        %dma_start3A_533 = tpu.memref_slice %arg12[%dma_start3A_531, %dma_start3A_532] : memref<512x64xf32, #tpu.memory_space<vmem>> -> memref<128x64xf32, #tpu.memory_space<vmem>>
        %dma_start3A_534 = tpu.memref_slice %arg16[%add3A_508] : memref<16384xi32, #tpu.memory_space<vmem>> -> memref<128xi32, #tpu.memory_space<vmem>>
        %dma_start3A_535 = arith.constant 0 : i32
        %dma_start3A_536 = arith.constant 0 : i32
        %dma_start3A_537 = tpu.memref_slice %arg5[%dma_start3A_535, %dma_start3A_536] : memref<106496x64xf32, #tpu.memory_space<hbm>> -> memref<106496x64xf32, #tpu.memory_space<hbm>>
        tpu.enqueue_indirect_dma source(%dma_start3A_537 : memref<106496x64xf32, #tpu.memory_space<hbm>>) target(%dma_start3A_533 : memref<128x64xf32, #tpu.memory_space<vmem>>) offsets(%dma_start3A_534 : memref<128xi32, #tpu.memory_space<vmem>>) semaphore(%arg15 : memref<!tpu.dma_semaphore, #tpu.memory_space<semaphore_mem>>)
        %dma_start3A_538 = arith.constant 128 : i32
        %dma_start3A_539 = arith.constant 0 : i32
        %dma_start3A_540 = tpu.memref_slice %arg12[%dma_start3A_538, %dma_start3A_539] : memref<512x64xf32, #tpu.memory_space<vmem>> -> memref<128x64xf32, #tpu.memory_space<vmem>>
        %dma_start3A_541 = tpu.memref_slice %arg16[%add3A_514] : memref<16384xi32, #tpu.memory_space<vmem>> -> memref<128xi32, #tpu.memory_space<vmem>>
        %dma_start3A_542 = arith.constant 0 : i32
        %dma_start3A_543 = arith.constant 0 : i32
        %dma_start3A_544 = tpu.memref_slice %arg5[%dma_start3A_542, %dma_start3A_543] : memref<106496x64xf32, #tpu.memory_space<hbm>> -> memref<106496x64xf32, #tpu.memory_space<hbm>>
        tpu.enqueue_indirect_dma source(%dma_start3A_544 : memref<106496x64xf32, #tpu.memory_space<hbm>>) target(%dma_start3A_540 : memref<128x64xf32, #tpu.memory_space<vmem>>) offsets(%dma_start3A_541 : memref<128xi32, #tpu.memory_space<vmem>>) semaphore(%arg15 : memref<!tpu.dma_semaphore, #tpu.memory_space<semaphore_mem>>)
        %dma_start3A_545 = arith.constant 256 : i32
        %dma_start3A_546 = arith.constant 0 : i32
        %dma_start3A_547 = tpu.memref_slice %arg12[%dma_start3A_545, %dma_start3A_546] : memref<512x64xf32, #tpu.memory_space<vmem>> -> memref<128x64xf32, #tpu.memory_space<vmem>>
        %dma_start3A_548 = tpu.memref_slice %arg16[%add3A_520] : memref<16384xi32, #tpu.memory_space<vmem>> -> memref<128xi32, #tpu.memory_space<vmem>>
        %dma_start3A_549 = arith.constant 0 : i32
        %dma_start3A_550 = arith.constant 0 : i32
        %dma_start3A_551 = tpu.memref_slice %arg5[%dma_start3A_549, %dma_start3A_550] : memref<106496x64xf32, #tpu.memory_space<hbm>> -> memref<106496x64xf32, #tpu.memory_space<hbm>>
        tpu.enqueue_indirect_dma source(%dma_start3A_551 : memref<106496x64xf32, #tpu.memory_space<hbm>>) target(%dma_start3A_547 : memref<128x64xf32, #tpu.memory_space<vmem>>) offsets(%dma_start3A_548 : memref<128xi32, #tpu.memory_space<vmem>>) semaphore(%arg15 : memref<!tpu.dma_semaphore, #tpu.memory_space<semaphore_mem>>)
        %dma_start3A_552 = arith.constant 384 : i32
        %dma_start3A_553 = arith.constant 0 : i32
        %dma_start3A_554 = tpu.memref_slice %arg12[%dma_start3A_552, %dma_start3A_553] : memref<512x64xf32, #tpu.memory_space<vmem>> -> memref<128x64xf32, #tpu.memory_space<vmem>>
        %dma_start3A_555 = tpu.memref_slice %arg16[%add3A_526] : memref<16384xi32, #tpu.memory_space<vmem>> -> memref<128xi32, #tpu.memory_space<vmem>>
        %dma_start3A_556 = arith.constant 0 : i32
        %dma_start3A_557 = arith.constant 0 : i32
        %dma_start3A_558 = tpu.memref_slice %arg5[%dma_start3A_556, %dma_start3A_557] : memref<106496x64xf32, #tpu.memory_space<hbm>> -> memref<106496x64xf32, #tpu.memory_space<hbm>>
        tpu.enqueue_indirect_dma source(%dma_start3A_558 : memref<106496x64xf32, #tpu.memory_space<hbm>>) target(%dma_start3A_554 : memref<128x64xf32, #tpu.memory_space<vmem>>) offsets(%dma_start3A_555 : memref<128xi32, #tpu.memory_space<vmem>>) semaphore(%arg15 : memref<!tpu.dma_semaphore, #tpu.memory_space<semaphore_mem>>)
        %dma_start3A_559 = tpu.memref_slice %arg17[%mul3A_528] : memref<512xi32, #tpu.memory_space<vmem>> -> memref<16xi32, #tpu.memory_space<vmem>>
        %dma_start3A_560 = arith.constant 0 : i32
        %dma_start3A_561 = arith.constant 0 : i32
        %dma_start3A_562 = tpu.memref_slice %arg5[%dma_start3A_560, %dma_start3A_561] : memref<106496x64xf32, #tpu.memory_space<hbm>> -> memref<106496x64xf32, #tpu.memory_space<hbm>>
        tpu.enqueue_indirect_dma source(%dma_start3A_562 : memref<106496x64xf32, #tpu.memory_space<hbm>>) target(%arg13 : memref<16x64xf32, #tpu.memory_space<vmem>>) offsets(%dma_start3A_559 : memref<16xi32, #tpu.memory_space<vmem>>) semaphore(%arg15 : memref<!tpu.dma_semaphore, #tpu.memory_space<semaphore_mem>>)
        %dma_start3A_563 = tpu.memref_slice %arg18[%mul3A_530] : memref<512xi32, #tpu.memory_space<vmem>> -> memref<16xi32, #tpu.memory_space<vmem>>
        %dma_start3A_564 = arith.constant 0 : i32
        %dma_start3A_565 = arith.constant 0 : i32
        %dma_start3A_566 = tpu.memref_slice %arg6[%dma_start3A_564, %dma_start3A_565] : memref<106496x64xf32, #tpu.memory_space<hbm>> -> memref<106496x64xf32, #tpu.memory_space<hbm>>
        tpu.enqueue_indirect_dma source(%dma_start3A_566 : memref<106496x64xf32, #tpu.memory_space<hbm>>) target(%arg14 : memref<16x64xf32, #tpu.memory_space<vmem>>) offsets(%dma_start3A_563 : memref<16xi32, #tpu.memory_space<vmem>>) semaphore(%arg15 : memref<!tpu.dma_semaphore, #tpu.memory_space<semaphore_mem>>)
      } else {
      }
      %mul3A_63 = arith.constant 512 : i32
      %mul3A_64 = arith.muli %add3A, %mul3A_63 : i32
      %mul3A_65 = arith.constant 16 : i32
      %mul3A_66 = arith.muli %add3A_58, %mul3A_65 : i32
      %add3A_67 = arith.addi %mul3A_64, %mul3A_66 : i32
      %mul3A_68 = arith.constant 16 : i32
      %mul3A_69 = arith.muli %add3A_58, %mul3A_68 : i32
      %mul3A_70 = arith.constant 32 : i32
      %mul3A_71 = arith.muli %mul3A_69, %mul3A_70 : i32
      %add3A_72 = arith.constant 0 : i32
      %add3A_73 = arith.addi %mul3A_71, %add3A_72 : i32
      %mul3A_74 = arith.constant 16 : i32
      %mul3A_75 = arith.muli %add3A_58, %mul3A_74 : i32
      %mul3A_76 = arith.constant 32 : i32
      %mul3A_77 = arith.muli %mul3A_75, %mul3A_76 : i32
      %add3A_78 = arith.constant 128 : i32
      %add3A_79 = arith.addi %mul3A_77, %add3A_78 : i32
      %mul3A_80 = arith.constant 16 : i32
      %mul3A_81 = arith.muli %add3A_58, %mul3A_80 : i32
      %mul3A_82 = arith.constant 32 : i32
      %mul3A_83 = arith.muli %mul3A_81, %mul3A_82 : i32
      %add3A_84 = arith.constant 256 : i32
      %add3A_85 = arith.addi %mul3A_83, %add3A_84 : i32
      %mul3A_86 = arith.constant 16 : i32
      %mul3A_87 = arith.muli %add3A_58, %mul3A_86 : i32
      %mul3A_88 = arith.constant 32 : i32
      %mul3A_89 = arith.muli %mul3A_87, %mul3A_88 : i32
      %add3A_90 = arith.constant 384 : i32
      %add3A_91 = arith.addi %mul3A_89, %add3A_90 : i32
      %mul3A_92 = arith.constant 16 : i32
      %mul3A_93 = arith.muli %add3A_58, %mul3A_92 : i32
      %mul3A_94 = arith.constant 16 : i32
      %mul3A_95 = arith.muli %add3A_58, %mul3A_94 : i32
      %dma_wait3A = arith.constant 0 : i32
      %dma_wait3A_96 = arith.constant 0 : i32
      %dma_wait3A_97 = tpu.memref_slice %arg8[%dma_wait3A, %dma_wait3A_96] : memref<512x64xf32, #tpu.memory_space<vmem>> -> memref<128x64xf32, #tpu.memory_space<vmem>>
      %dma_wait3A_98 = tpu.memref_slice %arg16[%add3A_73] : memref<16384xi32, #tpu.memory_space<vmem>> -> memref<128xi32, #tpu.memory_space<vmem>>
      %dma_wait3A_99 = arith.constant 0 : i32
      %dma_wait3A_100 = arith.constant 0 : i32
      %dma_wait3A_101 = tpu.memref_slice %arg5[%dma_wait3A_99, %dma_wait3A_100] : memref<106496x64xf32, #tpu.memory_space<hbm>> -> memref<106496x64xf32, #tpu.memory_space<hbm>>
      tpu.wait_indirect_dma semaphore(%arg11 : memref<!tpu.dma_semaphore, #tpu.memory_space<semaphore_mem>>) src(%dma_wait3A_101 : memref<106496x64xf32, #tpu.memory_space<hbm>>) dst(%dma_wait3A_97 : memref<128x64xf32, #tpu.memory_space<vmem>>)
      %dma_wait3A_102 = arith.constant 128 : i32
      %dma_wait3A_103 = arith.constant 0 : i32
      %dma_wait3A_104 = tpu.memref_slice %arg8[%dma_wait3A_102, %dma_wait3A_103] : memref<512x64xf32, #tpu.memory_space<vmem>> -> memref<128x64xf32, #tpu.memory_space<vmem>>
      %dma_wait3A_105 = tpu.memref_slice %arg16[%add3A_79] : memref<16384xi32, #tpu.memory_space<vmem>> -> memref<128xi32, #tpu.memory_space<vmem>>
      %dma_wait3A_106 = arith.constant 0 : i32
      %dma_wait3A_107 = arith.constant 0 : i32
      %dma_wait3A_108 = tpu.memref_slice %arg5[%dma_wait3A_106, %dma_wait3A_107] : memref<106496x64xf32, #tpu.memory_space<hbm>> -> memref<106496x64xf32, #tpu.memory_space<hbm>>
      tpu.wait_indirect_dma semaphore(%arg11 : memref<!tpu.dma_semaphore, #tpu.memory_space<semaphore_mem>>) src(%dma_wait3A_108 : memref<106496x64xf32, #tpu.memory_space<hbm>>) dst(%dma_wait3A_104 : memref<128x64xf32, #tpu.memory_space<vmem>>)
      %dma_wait3A_109 = arith.constant 256 : i32
      %dma_wait3A_110 = arith.constant 0 : i32
      %dma_wait3A_111 = tpu.memref_slice %arg8[%dma_wait3A_109, %dma_wait3A_110] : memref<512x64xf32, #tpu.memory_space<vmem>> -> memref<128x64xf32, #tpu.memory_space<vmem>>
      %dma_wait3A_112 = tpu.memref_slice %arg16[%add3A_85] : memref<16384xi32, #tpu.memory_space<vmem>> -> memref<128xi32, #tpu.memory_space<vmem>>
      %dma_wait3A_113 = arith.constant 0 : i32
      %dma_wait3A_114 = arith.constant 0 : i32
      %dma_wait3A_115 = tpu.memref_slice %arg5[%dma_wait3A_113, %dma_wait3A_114] : memref<106496x64xf32, #tpu.memory_space<hbm>> -> memref<106496x64xf32, #tpu.memory_space<hbm>>
      tpu.wait_indirect_dma semaphore(%arg11 : memref<!tpu.dma_semaphore, #tpu.memory_space<semaphore_mem>>) src(%dma_wait3A_115 : memref<106496x64xf32, #tpu.memory_space<hbm>>) dst(%dma_wait3A_111 : memref<128x64xf32, #tpu.memory_space<vmem>>)
      %dma_wait3A_116 = arith.constant 384 : i32
      %dma_wait3A_117 = arith.constant 0 : i32
      %dma_wait3A_118 = tpu.memref_slice %arg8[%dma_wait3A_116, %dma_wait3A_117] : memref<512x64xf32, #tpu.memory_space<vmem>> -> memref<128x64xf32, #tpu.memory_space<vmem>>
      %dma_wait3A_119 = tpu.memref_slice %arg16[%add3A_91] : memref<16384xi32, #tpu.memory_space<vmem>> -> memref<128xi32, #tpu.memory_space<vmem>>
      %dma_wait3A_120 = arith.constant 0 : i32
      %dma_wait3A_121 = arith.constant 0 : i32
      %dma_wait3A_122 = tpu.memref_slice %arg5[%dma_wait3A_120, %dma_wait3A_121] : memref<106496x64xf32, #tpu.memory_space<hbm>> -> memref<106496x64xf32, #tpu.memory_space<hbm>>
      tpu.wait_indirect_dma semaphore(%arg11 : memref<!tpu.dma_semaphore, #tpu.memory_space<semaphore_mem>>) src(%dma_wait3A_122 : memref<106496x64xf32, #tpu.memory_space<hbm>>) dst(%dma_wait3A_118 : memref<128x64xf32, #tpu.memory_space<vmem>>)
      %dma_wait3A_123 = tpu.memref_slice %arg17[%mul3A_93] : memref<512xi32, #tpu.memory_space<vmem>> -> memref<16xi32, #tpu.memory_space<vmem>>
      %dma_wait3A_124 = arith.constant 0 : i32
      %dma_wait3A_125 = arith.constant 0 : i32
      %dma_wait3A_126 = tpu.memref_slice %arg5[%dma_wait3A_124, %dma_wait3A_125] : memref<106496x64xf32, #tpu.memory_space<hbm>> -> memref<106496x64xf32, #tpu.memory_space<hbm>>
      tpu.wait_indirect_dma semaphore(%arg11 : memref<!tpu.dma_semaphore, #tpu.memory_space<semaphore_mem>>) src(%dma_wait3A_126 : memref<106496x64xf32, #tpu.memory_space<hbm>>) dst(%arg9 : memref<16x64xf32, #tpu.memory_space<vmem>>)
      %dma_wait3A_127 = tpu.memref_slice %arg18[%mul3A_95] : memref<512xi32, #tpu.memory_space<vmem>> -> memref<16xi32, #tpu.memory_space<vmem>>
      %dma_wait3A_128 = arith.constant 0 : i32
      %dma_wait3A_129 = arith.constant 0 : i32
      %dma_wait3A_130 = tpu.memref_slice %arg6[%dma_wait3A_128, %dma_wait3A_129] : memref<106496x64xf32, #tpu.memory_space<hbm>> -> memref<106496x64xf32, #tpu.memory_space<hbm>>
      tpu.wait_indirect_dma semaphore(%arg11 : memref<!tpu.dma_semaphore, #tpu.memory_space<semaphore_mem>>) src(%dma_wait3A_130 : memref<106496x64xf32, #tpu.memory_space<hbm>>) dst(%arg10 : memref<16x64xf32, #tpu.memory_space<vmem>>)
      %scan3A_131 = arith.constant 0 : i32
      %scan3A_132 = arith.constant 8 : i32
      %scan3A_133 = arith.addi %scan3A_131, %scan3A_132 : i32
      %scan3A_134 = arith.constant 1 : i32
      scf.for %scan3A_503 = %scan3A_131 to %scan3A_133 step %scan3A_134  : i32 {
        %mul3A_504 = arith.constant 2 : i32
        %mul3A_505 = arith.muli %scan3A_503, %mul3A_504 : i32
        %add3A_506 = arith.constant 0 : i32
        %add3A_507 = arith.addi %add3A_506, %mul3A_505 : i32
        %broadcast_in_dim3A_508 = arith.constant 0.000000e+00 : f32
        %broadcast_in_dim3A_509 = vector.broadcast %broadcast_in_dim3A_508 : f32 to vector<16xf32>
        %mul3A_510 = arith.constant 32 : i32
        %mul3A_511 = arith.muli %add3A_507, %mul3A_510 : i32
        %add3A_512 = arith.constant 0 : i32
        %add3A_513 = arith.addi %mul3A_511, %add3A_512 : i32
        %get3A = arith.index_cast %add3A_513 : i32 to index
        %get3A_514 = arith.constant 0 : index
        %get3A_515 = tpu.vector_load %arg8[%get3A, %get3A_514] {strides = array<i32>} : memref<512x64xf32, #tpu.memory_space<vmem>>, vector<16xf32>,
        %add3A_516 = arith.addf %broadcast_in_dim3A_509, %get3A_515 : vector<16xf32>
        %mul3A_517 = arith.mulf %get3A_515, %get3A_515 : vector<16xf32>
        %add3A_518 = arith.addf %broadcast_in_dim3A_509, %mul3A_517 : vector<16xf32>
        %get3A_519 = arith.index_cast %add3A_513 : i32 to index
        %get3A_520 = arith.constant 16 : index
        %get3A_521 = tpu.vector_load %arg8[%get3A_519, %get3A_520] {strides = array<i32>} : memref<512x64xf32, #tpu.memory_space<vmem>>, vector<16xf32>,
        %add3A_522 = arith.addf %broadcast_in_dim3A_509, %get3A_521 : vector<16xf32>
        %mul3A_523 = arith.mulf %get3A_521, %get3A_521 : vector<16xf32>
        %add3A_524 = arith.addf %broadcast_in_dim3A_509, %mul3A_523 : vector<16xf32>
        %get3A_525 = arith.index_cast %add3A_513 : i32 to index
        %get3A_526 = arith.constant 32 : index
        %get3A_527 = tpu.vector_load %arg8[%get3A_525, %get3A_526] {strides = array<i32>} : memref<512x64xf32, #tpu.memory_space<vmem>>, vector<16xf32>,
        %add3A_528 = arith.addf %broadcast_in_dim3A_509, %get3A_527 : vector<16xf32>
        %mul3A_529 = arith.mulf %get3A_527, %get3A_527 : vector<16xf32>
        %add3A_530 = arith.addf %broadcast_in_dim3A_509, %mul3A_529 : vector<16xf32>
        %get3A_531 = arith.index_cast %add3A_513 : i32 to index
        %get3A_532 = arith.constant 48 : index
        %get3A_533 = tpu.vector_load %arg8[%get3A_531, %get3A_532] {strides = array<i32>} : memref<512x64xf32, #tpu.memory_space<vmem>>, vector<16xf32>,
        %add3A_534 = arith.addf %broadcast_in_dim3A_509, %get3A_533 : vector<16xf32>
        %mul3A_535 = arith.mulf %get3A_533, %get3A_533 : vector<16xf32>
        %add3A_536 = arith.addf %broadcast_in_dim3A_509, %mul3A_535 : vector<16xf32>
        %mul3A_537 = arith.constant 32 : i32
        %mul3A_538 = arith.muli %add3A_507, %mul3A_537 : i32
        %add3A_539 = arith.constant 1 : i32
        %add3A_540 = arith.addi %mul3A_538, %add3A_539 : i32
        %get3A_541 = arith.index_cast %add3A_540 : i32 to index
        %get3A_542 = arith.constant 0 : index
        %get3A_543 = tpu.vector_load %arg8[%get3A_541, %get3A_542] {strides = array<i32>} : memref<512x64xf32, #tpu.memory_space<vmem>>, vector<16xf32>,
        %add3A_544 = arith.addf %add3A_516, %get3A_543 : vector<16xf32>
        %mul3A_545 = arith.mulf %get3A_543, %get3A_543 : vector<16xf32>
        %add3A_546 = arith.addf %add3A_518, %mul3A_545 : vector<16xf32>
        %get3A_547 = arith.index_cast %add3A_540 : i32 to index
        %get3A_548 = arith.constant 16 : index
        %get3A_549 = tpu.vector_load %arg8[%get3A_547, %get3A_548] {strides = array<i32>} : memref<512x64xf32, #tpu.memory_space<vmem>>, vector<16xf32>,
        %add3A_550 = arith.addf %add3A_522, %get3A_549 : vector<16xf32>
        %mul3A_551 = arith.mulf %get3A_549, %get3A_549 : vector<16xf32>
        %add3A_552 = arith.addf %add3A_524, %mul3A_551 : vector<16xf32>
        %get3A_553 = arith.index_cast %add3A_540 : i32 to index
        %get3A_554 = arith.constant 32 : index
        %get3A_555 = tpu.vector_load %arg8[%get3A_553, %get3A_554] {strides = array<i32>} : memref<512x64xf32, #tpu.memory_space<vmem>>, vector<16xf32>,
        %add3A_556 = arith.addf %add3A_528, %get3A_555 : vector<16xf32>
        %mul3A_557 = arith.mulf %get3A_555, %get3A_555 : vector<16xf32>
        %add3A_558 = arith.addf %add3A_530, %mul3A_557 : vector<16xf32>
        %get3A_559 = arith.index_cast %add3A_540 : i32 to index
        %get3A_560 = arith.constant 48 : index
        %get3A_561 = tpu.vector_load %arg8[%get3A_559, %get3A_560] {strides = array<i32>} : memref<512x64xf32, #tpu.memory_space<vmem>>, vector<16xf32>,
        %add3A_562 = arith.addf %add3A_534, %get3A_561 : vector<16xf32>
        %mul3A_563 = arith.mulf %get3A_561, %get3A_561 : vector<16xf32>
        %add3A_564 = arith.addf %add3A_536, %mul3A_563 : vector<16xf32>
        %mul3A_565 = arith.constant 32 : i32
        %mul3A_566 = arith.muli %add3A_507, %mul3A_565 : i32
        %add3A_567 = arith.constant 2 : i32
        %add3A_568 = arith.addi %mul3A_566, %add3A_567 : i32
        %get3A_569 = arith.index_cast %add3A_568 : i32 to index
        %get3A_570 = arith.constant 0 : index
        %get3A_571 = tpu.vector_load %arg8[%get3A_569, %get3A_570] {strides = array<i32>} : memref<512x64xf32, #tpu.memory_space<vmem>>, vector<16xf32>,
        %add3A_572 = arith.addf %add3A_544, %get3A_571 : vector<16xf32>
        %mul3A_573 = arith.mulf %get3A_571, %get3A_571 : vector<16xf32>
        %add3A_574 = arith.addf %add3A_546, %mul3A_573 : vector<16xf32>
        %get3A_575 = arith.index_cast %add3A_568 : i32 to index
        %get3A_576 = arith.constant 16 : index
        %get3A_577 = tpu.vector_load %arg8[%get3A_575, %get3A_576] {strides = array<i32>} : memref<512x64xf32, #tpu.memory_space<vmem>>, vector<16xf32>,
        %add3A_578 = arith.addf %add3A_550, %get3A_577 : vector<16xf32>
        %mul3A_579 = arith.mulf %get3A_577, %get3A_577 : vector<16xf32>
        %add3A_580 = arith.addf %add3A_552, %mul3A_579 : vector<16xf32>
        %get3A_581 = arith.index_cast %add3A_568 : i32 to index
        %get3A_582 = arith.constant 32 : index
        %get3A_583 = tpu.vector_load %arg8[%get3A_581, %get3A_582] {strides = array<i32>} : memref<512x64xf32, #tpu.memory_space<vmem>>, vector<16xf32>,
        %add3A_584 = arith.addf %add3A_556, %get3A_583 : vector<16xf32>
        %mul3A_585 = arith.mulf %get3A_583, %get3A_583 : vector<16xf32>
        %add3A_586 = arith.addf %add3A_558, %mul3A_585 : vector<16xf32>
        %get3A_587 = arith.index_cast %add3A_568 : i32 to index
        %get3A_588 = arith.constant 48 : index
        %get3A_589 = tpu.vector_load %arg8[%get3A_587, %get3A_588] {strides = array<i32>} : memref<512x64xf32, #tpu.memory_space<vmem>>, vector<16xf32>,
        %add3A_590 = arith.addf %add3A_562, %get3A_589 : vector<16xf32>
        %mul3A_591 = arith.mulf %get3A_589, %get3A_589 : vector<16xf32>
        %add3A_592 = arith.addf %add3A_564, %mul3A_591 : vector<16xf32>
        %mul3A_593 = arith.constant 32 : i32
        %mul3A_594 = arith.muli %add3A_507, %mul3A_593 : i32
        %add3A_595 = arith.constant 3 : i32
        %add3A_596 = arith.addi %mul3A_594, %add3A_595 : i32
        %get3A_597 = arith.index_cast %add3A_596 : i32 to index
        %get3A_598 = arith.constant 0 : index
        %get3A_599 = tpu.vector_load %arg8[%get3A_597, %get3A_598] {strides = array<i32>} : memref<512x64xf32, #tpu.memory_space<vmem>>, vector<16xf32>,
        %add3A_600 = arith.addf %add3A_572, %get3A_599 : vector<16xf32>
        %mul3A_601 = arith.mulf %get3A_599, %get3A_599 : vector<16xf32>
        %add3A_602 = arith.addf %add3A_574, %mul3A_601 : vector<16xf32>
        %get3A_603 = arith.index_cast %add3A_596 : i32 to index
        %get3A_604 = arith.constant 16 : index
        %get3A_605 = tpu.vector_load %arg8[%get3A_603, %get3A_604] {strides = array<i32>} : memref<512x64xf32, #tpu.memory_space<vmem>>, vector<16xf32>,
        %add3A_606 = arith.addf %add3A_578, %get3A_605 : vector<16xf32>
        %mul3A_607 = arith.mulf %get3A_605, %get3A_605 : vector<16xf32>
        %add3A_608 = arith.addf %add3A_580, %mul3A_607 : vector<16xf32>
        %get3A_609 = arith.index_cast %add3A_596 : i32 to index
        %get3A_610 = arith.constant 32 : index
        %get3A_611 = tpu.vector_load %arg8[%get3A_609, %get3A_610] {strides = array<i32>} : memref<512x64xf32, #tpu.memory_space<vmem>>, vector<16xf32>,
        %add3A_612 = arith.addf %add3A_584, %get3A_611 : vector<16xf32>
        %mul3A_613 = arith.mulf %get3A_611, %get3A_611 : vector<16xf32>
        %add3A_614 = arith.addf %add3A_586, %mul3A_613 : vector<16xf32>
        %get3A_615 = arith.index_cast %add3A_596 : i32 to index
        %get3A_616 = arith.constant 48 : index
        %get3A_617 = tpu.vector_load %arg8[%get3A_615, %get3A_616] {strides = array<i32>} : memref<512x64xf32, #tpu.memory_space<vmem>>, vector<16xf32>,
        %add3A_618 = arith.addf %add3A_590, %get3A_617 : vector<16xf32>
        %mul3A_619 = arith.mulf %get3A_617, %get3A_617 : vector<16xf32>
        %add3A_620 = arith.addf %add3A_592, %mul3A_619 : vector<16xf32>
        %mul3A_621 = arith.constant 32 : i32
        %mul3A_622 = arith.muli %add3A_507, %mul3A_621 : i32
        %add3A_623 = arith.constant 4 : i32
        %add3A_624 = arith.addi %mul3A_622, %add3A_623 : i32
        %get3A_625 = arith.index_cast %add3A_624 : i32 to index
        %get3A_626 = arith.constant 0 : index
        %get3A_627 = tpu.vector_load %arg8[%get3A_625, %get3A_626] {strides = array<i32>} : memref<512x64xf32, #tpu.memory_space<vmem>>, vector<16xf32>,
        %add3A_628 = arith.addf %add3A_600, %get3A_627 : vector<16xf32>
        %mul3A_629 = arith.mulf %get3A_627, %get3A_627 : vector<16xf32>
        %add3A_630 = arith.addf %add3A_602, %mul3A_629 : vector<16xf32>
        %get3A_631 = arith.index_cast %add3A_624 : i32 to index
        %get3A_632 = arith.constant 16 : index
        %get3A_633 = tpu.vector_load %arg8[%get3A_631, %get3A_632] {strides = array<i32>} : memref<512x64xf32, #tpu.memory_space<vmem>>, vector<16xf32>,
        %add3A_634 = arith.addf %add3A_606, %get3A_633 : vector<16xf32>
        %mul3A_635 = arith.mulf %get3A_633, %get3A_633 : vector<16xf32>
        %add3A_636 = arith.addf %add3A_608, %mul3A_635 : vector<16xf32>
        %get3A_637 = arith.index_cast %add3A_624 : i32 to index
        %get3A_638 = arith.constant 32 : index
        %get3A_639 = tpu.vector_load %arg8[%get3A_637, %get3A_638] {strides = array<i32>} : memref<512x64xf32, #tpu.memory_space<vmem>>, vector<16xf32>,
        %add3A_640 = arith.addf %add3A_612, %get3A_639 : vector<16xf32>
        %mul3A_641 = arith.mulf %get3A_639, %get3A_639 : vector<16xf32>
        %add3A_642 = arith.addf %add3A_614, %mul3A_641 : vector<16xf32>
        %get3A_643 = arith.index_cast %add3A_624 : i32 to index
        %get3A_644 = arith.constant 48 : index
        %get3A_645 = tpu.vector_load %arg8[%get3A_643, %get3A_644] {strides = array<i32>} : memref<512x64xf32, #tpu.memory_space<vmem>>, vector<16xf32>,
        %add3A_646 = arith.addf %add3A_618, %get3A_645 : vector<16xf32>
        %mul3A_647 = arith.mulf %get3A_645, %get3A_645 : vector<16xf32>
        %add3A_648 = arith.addf %add3A_620, %mul3A_647 : vector<16xf32>
        %mul3A_649 = arith.constant 32 : i32
        %mul3A_650 = arith.muli %add3A_507, %mul3A_649 : i32
        %add3A_651 = arith.constant 5 : i32
        %add3A_652 = arith.addi %mul3A_650, %add3A_651 : i32
        %get3A_653 = arith.index_cast %add3A_652 : i32 to index
        %get3A_654 = arith.constant 0 : index
        %get3A_655 = tpu.vector_load %arg8[%get3A_653, %get3A_654] {strides = array<i32>} : memref<512x64xf32, #tpu.memory_space<vmem>>, vector<16xf32>,
        %add3A_656 = arith.addf %add3A_628, %get3A_655 : vector<16xf32>
        %mul3A_657 = arith.mulf %get3A_655, %get3A_655 : vector<16xf32>
        %add3A_658 = arith.addf %add3A_630, %mul3A_657 : vector<16xf32>
        %get3A_659 = arith.index_cast %add3A_652 : i32 to index
        %get3A_660 = arith.constant 16 : index
        %get3A_661 = tpu.vector_load %arg8[%get3A_659, %get3A_660] {strides = array<i32>} : memref<512x64xf32, #tpu.memory_space<vmem>>, vector<16xf32>,
        %add3A_662 = arith.addf %add3A_634, %get3A_661 : vector<16xf32>
        %mul3A_663 = arith.mulf %get3A_661, %get3A_661 : vector<16xf32>
        %add3A_664 = arith.addf %add3A_636, %mul3A_663 : vector<16xf32>
        %get3A_665 = arith.index_cast %add3A_652 : i32 to index
        %get3A_666 = arith.constant 32 : index
        %get3A_667 = tpu.vector_load %arg8[%get3A_665, %get3A_666] {strides = array<i32>} : memref<512x64xf32, #tpu.memory_space<vmem>>, vector<16xf32>,
        %add3A_668 = arith.addf %add3A_640, %get3A_667 : vector<16xf32>
        %mul3A_669 = arith.mulf %get3A_667, %get3A_667 : vector<16xf32>
        %add3A_670 = arith.addf %add3A_642, %mul3A_669 : vector<16xf32>
        %get3A_671 = arith.index_cast %add3A_652 : i32 to index
        %get3A_672 = arith.constant 48 : index
        %get3A_673 = tpu.vector_load %arg8[%get3A_671, %get3A_672] {strides = array<i32>} : memref<512x64xf32, #tpu.memory_space<vmem>>, vector<16xf32>,
        %add3A_674 = arith.addf %add3A_646, %get3A_673 : vector<16xf32>
        %mul3A_675 = arith.mulf %get3A_673, %get3A_673 : vector<16xf32>
        %add3A_676 = arith.addf %add3A_648, %mul3A_675 : vector<16xf32>
        %mul3A_677 = arith.constant 32 : i32
        %mul3A_678 = arith.muli %add3A_507, %mul3A_677 : i32
        %add3A_679 = arith.constant 6 : i32
        %add3A_680 = arith.addi %mul3A_678, %add3A_679 : i32
        %get3A_681 = arith.index_cast %add3A_680 : i32 to index
        %get3A_682 = arith.constant 0 : index
        %get3A_683 = tpu.vector_load %arg8[%get3A_681, %get3A_682] {strides = array<i32>} : memref<512x64xf32, #tpu.memory_space<vmem>>, vector<16xf32>,
        %add3A_684 = arith.addf %add3A_656, %get3A_683 : vector<16xf32>
        %mul3A_685 = arith.mulf %get3A_683, %get3A_683 : vector<16xf32>
        %add3A_686 = arith.addf %add3A_658, %mul3A_685 : vector<16xf32>
        %get3A_687 = arith.index_cast %add3A_680 : i32 to index
        %get3A_688 = arith.constant 16 : index
        %get3A_689 = tpu.vector_load %arg8[%get3A_687, %get3A_688] {strides = array<i32>} : memref<512x64xf32, #tpu.memory_space<vmem>>, vector<16xf32>,
        %add3A_690 = arith.addf %add3A_662, %get3A_689 : vector<16xf32>
        %mul3A_691 = arith.mulf %get3A_689, %get3A_689 : vector<16xf32>
        %add3A_692 = arith.addf %add3A_664, %mul3A_691 : vector<16xf32>
        %get3A_693 = arith.index_cast %add3A_680 : i32 to index
        %get3A_694 = arith.constant 32 : index
        %get3A_695 = tpu.vector_load %arg8[%get3A_693, %get3A_694] {strides = array<i32>} : memref<512x64xf32, #tpu.memory_space<vmem>>, vector<16xf32>,
        %add3A_696 = arith.addf %add3A_668, %get3A_695 : vector<16xf32>
        %mul3A_697 = arith.mulf %get3A_695, %get3A_695 : vector<16xf32>
        %add3A_698 = arith.addf %add3A_670, %mul3A_697 : vector<16xf32>
        %get3A_699 = arith.index_cast %add3A_680 : i32 to index
        %get3A_700 = arith.constant 48 : index
        %get3A_701 = tpu.vector_load %arg8[%get3A_699, %get3A_700] {strides = array<i32>} : memref<512x64xf32, #tpu.memory_space<vmem>>, vector<16xf32>,
        %add3A_702 = arith.addf %add3A_674, %get3A_701 : vector<16xf32>
        %mul3A_703 = arith.mulf %get3A_701, %get3A_701 : vector<16xf32>
        %add3A_704 = arith.addf %add3A_676, %mul3A_703 : vector<16xf32>
        %mul3A_705 = arith.constant 32 : i32
        %mul3A_706 = arith.muli %add3A_507, %mul3A_705 : i32
        %add3A_707 = arith.constant 7 : i32
        %add3A_708 = arith.addi %mul3A_706, %add3A_707 : i32
        %get3A_709 = arith.index_cast %add3A_708 : i32 to index
        %get3A_710 = arith.constant 0 : index
        %get3A_711 = tpu.vector_load %arg8[%get3A_709, %get3A_710] {strides = array<i32>} : memref<512x64xf32, #tpu.memory_space<vmem>>, vector<16xf32>,
        %add3A_712 = arith.addf %add3A_684, %get3A_711 : vector<16xf32>
        %mul3A_713 = arith.mulf %get3A_711, %get3A_711 : vector<16xf32>
        %add3A_714 = arith.addf %add3A_686, %mul3A_713 : vector<16xf32>
        %get3A_715 = arith.index_cast %add3A_708 : i32 to index
        %get3A_716 = arith.constant 16 : index
        %get3A_717 = tpu.vector_load %arg8[%get3A_715, %get3A_716] {strides = array<i32>} : memref<512x64xf32, #tpu.memory_space<vmem>>, vector<16xf32>,
        %add3A_718 = arith.addf %add3A_690, %get3A_717 : vector<16xf32>
        %mul3A_719 = arith.mulf %get3A_717, %get3A_717 : vector<16xf32>
        %add3A_720 = arith.addf %add3A_692, %mul3A_719 : vector<16xf32>
        %get3A_721 = arith.index_cast %add3A_708 : i32 to index
        %get3A_722 = arith.constant 32 : index
        %get3A_723 = tpu.vector_load %arg8[%get3A_721, %get3A_722] {strides = array<i32>} : memref<512x64xf32, #tpu.memory_space<vmem>>, vector<16xf32>,
        %add3A_724 = arith.addf %add3A_696, %get3A_723 : vector<16xf32>
        %mul3A_725 = arith.mulf %get3A_723, %get3A_723 : vector<16xf32>
        %add3A_726 = arith.addf %add3A_698, %mul3A_725 : vector<16xf32>
        %get3A_727 = arith.index_cast %add3A_708 : i32 to index
        %get3A_728 = arith.constant 48 : index
        %get3A_729 = tpu.vector_load %arg8[%get3A_727, %get3A_728] {strides = array<i32>} : memref<512x64xf32, #tpu.memory_space<vmem>>, vector<16xf32>,
        %add3A_730 = arith.addf %add3A_702, %get3A_729 : vector<16xf32>
        %mul3A_731 = arith.mulf %get3A_729, %get3A_729 : vector<16xf32>
        %add3A_732 = arith.addf %add3A_704, %mul3A_731 : vector<16xf32>
        %mul3A_733 = arith.constant 32 : i32
        %mul3A_734 = arith.muli %add3A_507, %mul3A_733 : i32
        %add3A_735 = arith.constant 8 : i32
        %add3A_736 = arith.addi %mul3A_734, %add3A_735 : i32
        %get3A_737 = arith.index_cast %add3A_736 : i32 to index
        %get3A_738 = arith.constant 0 : index
        %get3A_739 = tpu.vector_load %arg8[%get3A_737, %get3A_738] {strides = array<i32>} : memref<512x64xf32, #tpu.memory_space<vmem>>, vector<16xf32>,
        %add3A_740 = arith.addf %add3A_712, %get3A_739 : vector<16xf32>
        %mul3A_741 = arith.mulf %get3A_739, %get3A_739 : vector<16xf32>
        %add3A_742 = arith.addf %add3A_714, %mul3A_741 : vector<16xf32>
        %get3A_743 = arith.index_cast %add3A_736 : i32 to index
        %get3A_744 = arith.constant 16 : index
        %get3A_745 = tpu.vector_load %arg8[%get3A_743, %get3A_744] {strides = array<i32>} : memref<512x64xf32, #tpu.memory_space<vmem>>, vector<16xf32>,
        %add3A_746 = arith.addf %add3A_718, %get3A_745 : vector<16xf32>
        %mul3A_747 = arith.mulf %get3A_745, %get3A_745 : vector<16xf32>
        %add3A_748 = arith.addf %add3A_720, %mul3A_747 : vector<16xf32>
        %get3A_749 = arith.index_cast %add3A_736 : i32 to index
        %get3A_750 = arith.constant 32 : index
        %get3A_751 = tpu.vector_load %arg8[%get3A_749, %get3A_750] {strides = array<i32>} : memref<512x64xf32, #tpu.memory_space<vmem>>, vector<16xf32>,
        %add3A_752 = arith.addf %add3A_724, %get3A_751 : vector<16xf32>
        %mul3A_753 = arith.mulf %get3A_751, %get3A_751 : vector<16xf32>
        %add3A_754 = arith.addf %add3A_726, %mul3A_753 : vector<16xf32>
        %get3A_755 = arith.index_cast %add3A_736 : i32 to index
        %get3A_756 = arith.constant 48 : index
        %get3A_757 = tpu.vector_load %arg8[%get3A_755, %get3A_756] {strides = array<i32>} : memref<512x64xf32, #tpu.memory_space<vmem>>, vector<16xf32>,
        %add3A_758 = arith.addf %add3A_730, %get3A_757 : vector<16xf32>
        %mul3A_759 = arith.mulf %get3A_757, %get3A_757 : vector<16xf32>
        %add3A_760 = arith.addf %add3A_732, %mul3A_759 : vector<16xf32>
        %mul3A_761 = arith.constant 32 : i32
        %mul3A_762 = arith.muli %add3A_507, %mul3A_761 : i32
        %add3A_763 = arith.constant 9 : i32
        %add3A_764 = arith.addi %mul3A_762, %add3A_763 : i32
        %get3A_765 = arith.index_cast %add3A_764 : i32 to index
        %get3A_766 = arith.constant 0 : index
        %get3A_767 = tpu.vector_load %arg8[%get3A_765, %get3A_766] {strides = array<i32>} : memref<512x64xf32, #tpu.memory_space<vmem>>, vector<16xf32>,
        %add3A_768 = arith.addf %add3A_740, %get3A_767 : vector<16xf32>
        %mul3A_769 = arith.mulf %get3A_767, %get3A_767 : vector<16xf32>
        %add3A_770 = arith.addf %add3A_742, %mul3A_769 : vector<16xf32>
        %get3A_771 = arith.index_cast %add3A_764 : i32 to index
        %get3A_772 = arith.constant 16 : index
        %get3A_773 = tpu.vector_load %arg8[%get3A_771, %get3A_772] {strides = array<i32>} : memref<512x64xf32, #tpu.memory_space<vmem>>, vector<16xf32>,
        %add3A_774 = arith.addf %add3A_746, %get3A_773 : vector<16xf32>
        %mul3A_775 = arith.mulf %get3A_773, %get3A_773 : vector<16xf32>
        %add3A_776 = arith.addf %add3A_748, %mul3A_775 : vector<16xf32>
        %get3A_777 = arith.index_cast %add3A_764 : i32 to index
        %get3A_778 = arith.constant 32 : index
        %get3A_779 = tpu.vector_load %arg8[%get3A_777, %get3A_778] {strides = array<i32>} : memref<512x64xf32, #tpu.memory_space<vmem>>, vector<16xf32>,
        %add3A_780 = arith.addf %add3A_752, %get3A_779 : vector<16xf32>
        %mul3A_781 = arith.mulf %get3A_779, %get3A_779 : vector<16xf32>
        %add3A_782 = arith.addf %add3A_754, %mul3A_781 : vector<16xf32>
        %get3A_783 = arith.index_cast %add3A_764 : i32 to index
        %get3A_784 = arith.constant 48 : index
        %get3A_785 = tpu.vector_load %arg8[%get3A_783, %get3A_784] {strides = array<i32>} : memref<512x64xf32, #tpu.memory_space<vmem>>, vector<16xf32>,
        %add3A_786 = arith.addf %add3A_758, %get3A_785 : vector<16xf32>
        %mul3A_787 = arith.mulf %get3A_785, %get3A_785 : vector<16xf32>
        %add3A_788 = arith.addf %add3A_760, %mul3A_787 : vector<16xf32>
        %mul3A_789 = arith.constant 32 : i32
        %mul3A_790 = arith.muli %add3A_507, %mul3A_789 : i32
        %add3A_791 = arith.constant 10 : i32
        %add3A_792 = arith.addi %mul3A_790, %add3A_791 : i32
        %get3A_793 = arith.index_cast %add3A_792 : i32 to index
        %get3A_794 = arith.constant 0 : index
        %get3A_795 = tpu.vector_load %arg8[%get3A_793, %get3A_794] {strides = array<i32>} : memref<512x64xf32, #tpu.memory_space<vmem>>, vector<16xf32>,
        %add3A_796 = arith.addf %add3A_768, %get3A_795 : vector<16xf32>
        %mul3A_797 = arith.mulf %get3A_795, %get3A_795 : vector<16xf32>
        %add3A_798 = arith.addf %add3A_770, %mul3A_797 : vector<16xf32>
        %get3A_799 = arith.index_cast %add3A_792 : i32 to index
        %get3A_800 = arith.constant 16 : index
        %get3A_801 = tpu.vector_load %arg8[%get3A_799, %get3A_800] {strides = array<i32>} : memref<512x64xf32, #tpu.memory_space<vmem>>, vector<16xf32>,
        %add3A_802 = arith.addf %add3A_774, %get3A_801 : vector<16xf32>
        %mul3A_803 = arith.mulf %get3A_801, %get3A_801 : vector<16xf32>
        %add3A_804 = arith.addf %add3A_776, %mul3A_803 : vector<16xf32>
        %get3A_805 = arith.index_cast %add3A_792 : i32 to index
        %get3A_806 = arith.constant 32 : index
        %get3A_807 = tpu.vector_load %arg8[%get3A_805, %get3A_806] {strides = array<i32>} : memref<512x64xf32, #tpu.memory_space<vmem>>, vector<16xf32>,
        %add3A_808 = arith.addf %add3A_780, %get3A_807 : vector<16xf32>
        %mul3A_809 = arith.mulf %get3A_807, %get3A_807 : vector<16xf32>
        %add3A_810 = arith.addf %add3A_782, %mul3A_809 : vector<16xf32>
        %get3A_811 = arith.index_cast %add3A_792 : i32 to index
        %get3A_812 = arith.constant 48 : index
        %get3A_813 = tpu.vector_load %arg8[%get3A_811, %get3A_812] {strides = array<i32>} : memref<512x64xf32, #tpu.memory_space<vmem>>, vector<16xf32>,
        %add3A_814 = arith.addf %add3A_786, %get3A_813 : vector<16xf32>
        %mul3A_815 = arith.mulf %get3A_813, %get3A_813 : vector<16xf32>
        %add3A_816 = arith.addf %add3A_788, %mul3A_815 : vector<16xf32>
        %mul3A_817 = arith.constant 32 : i32
        %mul3A_818 = arith.muli %add3A_507, %mul3A_817 : i32
        %add3A_819 = arith.constant 11 : i32
        %add3A_820 = arith.addi %mul3A_818, %add3A_819 : i32
        %get3A_821 = arith.index_cast %add3A_820 : i32 to index
        %get3A_822 = arith.constant 0 : index
        %get3A_823 = tpu.vector_load %arg8[%get3A_821, %get3A_822] {strides = array<i32>} : memref<512x64xf32, #tpu.memory_space<vmem>>, vector<16xf32>,
        %add3A_824 = arith.addf %add3A_796, %get3A_823 : vector<16xf32>
        %mul3A_825 = arith.mulf %get3A_823, %get3A_823 : vector<16xf32>
        %add3A_826 = arith.addf %add3A_798, %mul3A_825 : vector<16xf32>
        %get3A_827 = arith.index_cast %add3A_820 : i32 to index
        %get3A_828 = arith.constant 16 : index
        %get3A_829 = tpu.vector_load %arg8[%get3A_827, %get3A_828] {strides = array<i32>} : memref<512x64xf32, #tpu.memory_space<vmem>>, vector<16xf32>,
        %add3A_830 = arith.addf %add3A_802, %get3A_829 : vector<16xf32>
        %mul3A_831 = arith.mulf %get3A_829, %get3A_829 : vector<16xf32>
        %add3A_832 = arith.addf %add3A_804, %mul3A_831 : vector<16xf32>
        %get3A_833 = arith.index_cast %add3A_820 : i32 to index
        %get3A_834 = arith.constant 32 : index
        %get3A_835 = tpu.vector_load %arg8[%get3A_833, %get3A_834] {strides = array<i32>} : memref<512x64xf32, #tpu.memory_space<vmem>>, vector<16xf32>,
        %add3A_836 = arith.addf %add3A_808, %get3A_835 : vector<16xf32>
        %mul3A_837 = arith.mulf %get3A_835, %get3A_835 : vector<16xf32>
        %add3A_838 = arith.addf %add3A_810, %mul3A_837 : vector<16xf32>
        %get3A_839 = arith.index_cast %add3A_820 : i32 to index
        %get3A_840 = arith.constant 48 : index
        %get3A_841 = tpu.vector_load %arg8[%get3A_839, %get3A_840] {strides = array<i32>} : memref<512x64xf32, #tpu.memory_space<vmem>>, vector<16xf32>,
        %add3A_842 = arith.addf %add3A_814, %get3A_841 : vector<16xf32>
        %mul3A_843 = arith.mulf %get3A_841, %get3A_841 : vector<16xf32>
        %add3A_844 = arith.addf %add3A_816, %mul3A_843 : vector<16xf32>
        %mul3A_845 = arith.constant 32 : i32
        %mul3A_846 = arith.muli %add3A_507, %mul3A_845 : i32
        %add3A_847 = arith.constant 12 : i32
        %add3A_848 = arith.addi %mul3A_846, %add3A_847 : i32
        %get3A_849 = arith.index_cast %add3A_848 : i32 to index
        %get3A_850 = arith.constant 0 : index
        %get3A_851 = tpu.vector_load %arg8[%get3A_849, %get3A_850] {strides = array<i32>} : memref<512x64xf32, #tpu.memory_space<vmem>>, vector<16xf32>,
        %add3A_852 = arith.addf %add3A_824, %get3A_851 : vector<16xf32>
        %mul3A_853 = arith.mulf %get3A_851, %get3A_851 : vector<16xf32>
        %add3A_854 = arith.addf %add3A_826, %mul3A_853 : vector<16xf32>
        %get3A_855 = arith.index_cast %add3A_848 : i32 to index
        %get3A_856 = arith.constant 16 : index
        %get3A_857 = tpu.vector_load %arg8[%get3A_855, %get3A_856] {strides = array<i32>} : memref<512x64xf32, #tpu.memory_space<vmem>>, vector<16xf32>,
        %add3A_858 = arith.addf %add3A_830, %get3A_857 : vector<16xf32>
        %mul3A_859 = arith.mulf %get3A_857, %get3A_857 : vector<16xf32>
        %add3A_860 = arith.addf %add3A_832, %mul3A_859 : vector<16xf32>
        %get3A_861 = arith.index_cast %add3A_848 : i32 to index
        %get3A_862 = arith.constant 32 : index
        %get3A_863 = tpu.vector_load %arg8[%get3A_861, %get3A_862] {strides = array<i32>} : memref<512x64xf32, #tpu.memory_space<vmem>>, vector<16xf32>,
        %add3A_864 = arith.addf %add3A_836, %get3A_863 : vector<16xf32>
        %mul3A_865 = arith.mulf %get3A_863, %get3A_863 : vector<16xf32>
        %add3A_866 = arith.addf %add3A_838, %mul3A_865 : vector<16xf32>
        %get3A_867 = arith.index_cast %add3A_848 : i32 to index
        %get3A_868 = arith.constant 48 : index
        %get3A_869 = tpu.vector_load %arg8[%get3A_867, %get3A_868] {strides = array<i32>} : memref<512x64xf32, #tpu.memory_space<vmem>>, vector<16xf32>,
        %add3A_870 = arith.addf %add3A_842, %get3A_869 : vector<16xf32>
        %mul3A_871 = arith.mulf %get3A_869, %get3A_869 : vector<16xf32>
        %add3A_872 = arith.addf %add3A_844, %mul3A_871 : vector<16xf32>
        %mul3A_873 = arith.constant 32 : i32
        %mul3A_874 = arith.muli %add3A_507, %mul3A_873 : i32
        %add3A_875 = arith.constant 13 : i32
        %add3A_876 = arith.addi %mul3A_874, %add3A_875 : i32
        %get3A_877 = arith.index_cast %add3A_876 : i32 to index
        %get3A_878 = arith.constant 0 : index
        %get3A_879 = tpu.vector_load %arg8[%get3A_877, %get3A_878] {strides = array<i32>} : memref<512x64xf32, #tpu.memory_space<vmem>>, vector<16xf32>,
        %add3A_880 = arith.addf %add3A_852, %get3A_879 : vector<16xf32>
        %mul3A_881 = arith.mulf %get3A_879, %get3A_879 : vector<16xf32>
        %add3A_882 = arith.addf %add3A_854, %mul3A_881 : vector<16xf32>
        %get3A_883 = arith.index_cast %add3A_876 : i32 to index
        %get3A_884 = arith.constant 16 : index
        %get3A_885 = tpu.vector_load %arg8[%get3A_883, %get3A_884] {strides = array<i32>} : memref<512x64xf32, #tpu.memory_space<vmem>>, vector<16xf32>,
        %add3A_886 = arith.addf %add3A_858, %get3A_885 : vector<16xf32>
        %mul3A_887 = arith.mulf %get3A_885, %get3A_885 : vector<16xf32>
        %add3A_888 = arith.addf %add3A_860, %mul3A_887 : vector<16xf32>
        %get3A_889 = arith.index_cast %add3A_876 : i32 to index
        %get3A_890 = arith.constant 32 : index
        %get3A_891 = tpu.vector_load %arg8[%get3A_889, %get3A_890] {strides = array<i32>} : memref<512x64xf32, #tpu.memory_space<vmem>>, vector<16xf32>,
        %add3A_892 = arith.addf %add3A_864, %get3A_891 : vector<16xf32>
        %mul3A_893 = arith.mulf %get3A_891, %get3A_891 : vector<16xf32>
        %add3A_894 = arith.addf %add3A_866, %mul3A_893 : vector<16xf32>
        %get3A_895 = arith.index_cast %add3A_876 : i32 to index
        %get3A_896 = arith.constant 48 : index
        %get3A_897 = tpu.vector_load %arg8[%get3A_895, %get3A_896] {strides = array<i32>} : memref<512x64xf32, #tpu.memory_space<vmem>>, vector<16xf32>,
        %add3A_898 = arith.addf %add3A_870, %get3A_897 : vector<16xf32>
        %mul3A_899 = arith.mulf %get3A_897, %get3A_897 : vector<16xf32>
        %add3A_900 = arith.addf %add3A_872, %mul3A_899 : vector<16xf32>
        %mul3A_901 = arith.constant 32 : i32
        %mul3A_902 = arith.muli %add3A_507, %mul3A_901 : i32
        %add3A_903 = arith.constant 14 : i32
        %add3A_904 = arith.addi %mul3A_902, %add3A_903 : i32
        %get3A_905 = arith.index_cast %add3A_904 : i32 to index
        %get3A_906 = arith.constant 0 : index
        %get3A_907 = tpu.vector_load %arg8[%get3A_905, %get3A_906] {strides = array<i32>} : memref<512x64xf32, #tpu.memory_space<vmem>>, vector<16xf32>,
        %add3A_908 = arith.addf %add3A_880, %get3A_907 : vector<16xf32>
        %mul3A_909 = arith.mulf %get3A_907, %get3A_907 : vector<16xf32>
        %add3A_910 = arith.addf %add3A_882, %mul3A_909 : vector<16xf32>
        %get3A_911 = arith.index_cast %add3A_904 : i32 to index
        %get3A_912 = arith.constant 16 : index
        %get3A_913 = tpu.vector_load %arg8[%get3A_911, %get3A_912] {strides = array<i32>} : memref<512x64xf32, #tpu.memory_space<vmem>>, vector<16xf32>,
        %add3A_914 = arith.addf %add3A_886, %get3A_913 : vector<16xf32>
        %mul3A_915 = arith.mulf %get3A_913, %get3A_913 : vector<16xf32>
        %add3A_916 = arith.addf %add3A_888, %mul3A_915 : vector<16xf32>
        %get3A_917 = arith.index_cast %add3A_904 : i32 to index
        %get3A_918 = arith.constant 32 : index
        %get3A_919 = tpu.vector_load %arg8[%get3A_917, %get3A_918] {strides = array<i32>} : memref<512x64xf32, #tpu.memory_space<vmem>>, vector<16xf32>,
        %add3A_920 = arith.addf %add3A_892, %get3A_919 : vector<16xf32>
        %mul3A_921 = arith.mulf %get3A_919, %get3A_919 : vector<16xf32>
        %add3A_922 = arith.addf %add3A_894, %mul3A_921 : vector<16xf32>
        %get3A_923 = arith.index_cast %add3A_904 : i32 to index
        %get3A_924 = arith.constant 48 : index
        %get3A_925 = tpu.vector_load %arg8[%get3A_923, %get3A_924] {strides = array<i32>} : memref<512x64xf32, #tpu.memory_space<vmem>>, vector<16xf32>,
        %add3A_926 = arith.addf %add3A_898, %get3A_925 : vector<16xf32>
        %mul3A_927 = arith.mulf %get3A_925, %get3A_925 : vector<16xf32>
        %add3A_928 = arith.addf %add3A_900, %mul3A_927 : vector<16xf32>
        %mul3A_929 = arith.constant 32 : i32
        %mul3A_930 = arith.muli %add3A_507, %mul3A_929 : i32
        %add3A_931 = arith.constant 15 : i32
        %add3A_932 = arith.addi %mul3A_930, %add3A_931 : i32
        %get3A_933 = arith.index_cast %add3A_932 : i32 to index
        %get3A_934 = arith.constant 0 : index
        %get3A_935 = tpu.vector_load %arg8[%get3A_933, %get3A_934] {strides = array<i32>} : memref<512x64xf32, #tpu.memory_space<vmem>>, vector<16xf32>,
        %add3A_936 = arith.addf %add3A_908, %get3A_935 : vector<16xf32>
        %mul3A_937 = arith.mulf %get3A_935, %get3A_935 : vector<16xf32>
        %add3A_938 = arith.addf %add3A_910, %mul3A_937 : vector<16xf32>
        %get3A_939 = arith.index_cast %add3A_932 : i32 to index
        %get3A_940 = arith.constant 16 : index
        %get3A_941 = tpu.vector_load %arg8[%get3A_939, %get3A_940] {strides = array<i32>} : memref<512x64xf32, #tpu.memory_space<vmem>>, vector<16xf32>,
        %add3A_942 = arith.addf %add3A_914, %get3A_941 : vector<16xf32>
        %mul3A_943 = arith.mulf %get3A_941, %get3A_941 : vector<16xf32>
        %add3A_944 = arith.addf %add3A_916, %mul3A_943 : vector<16xf32>
        %get3A_945 = arith.index_cast %add3A_932 : i32 to index
        %get3A_946 = arith.constant 32 : index
        %get3A_947 = tpu.vector_load %arg8[%get3A_945, %get3A_946] {strides = array<i32>} : memref<512x64xf32, #tpu.memory_space<vmem>>, vector<16xf32>,
        %add3A_948 = arith.addf %add3A_920, %get3A_947 : vector<16xf32>
        %mul3A_949 = arith.mulf %get3A_947, %get3A_947 : vector<16xf32>
        %add3A_950 = arith.addf %add3A_922, %mul3A_949 : vector<16xf32>
        %get3A_951 = arith.index_cast %add3A_932 : i32 to index
        %get3A_952 = arith.constant 48 : index
        %get3A_953 = tpu.vector_load %arg8[%get3A_951, %get3A_952] {strides = array<i32>} : memref<512x64xf32, #tpu.memory_space<vmem>>, vector<16xf32>,
        %add3A_954 = arith.addf %add3A_926, %get3A_953 : vector<16xf32>
        %mul3A_955 = arith.mulf %get3A_953, %get3A_953 : vector<16xf32>
        %add3A_956 = arith.addf %add3A_928, %mul3A_955 : vector<16xf32>
        %mul3A_957 = arith.constant 32 : i32
        %mul3A_958 = arith.muli %add3A_507, %mul3A_957 : i32
        %add3A_959 = arith.constant 16 : i32
        %add3A_960 = arith.addi %mul3A_958, %add3A_959 : i32
        %get3A_961 = arith.index_cast %add3A_960 : i32 to index
        %get3A_962 = arith.constant 0 : index
        %get3A_963 = tpu.vector_load %arg8[%get3A_961, %get3A_962] {strides = array<i32>} : memref<512x64xf32, #tpu.memory_space<vmem>>, vector<16xf32>,
        %add3A_964 = arith.addf %add3A_936, %get3A_963 : vector<16xf32>
        %mul3A_965 = arith.mulf %get3A_963, %get3A_963 : vector<16xf32>
        %add3A_966 = arith.addf %add3A_938, %mul3A_965 : vector<16xf32>
        %get3A_967 = arith.index_cast %add3A_960 : i32 to index
        %get3A_968 = arith.constant 16 : index
        %get3A_969 = tpu.vector_load %arg8[%get3A_967, %get3A_968] {strides = array<i32>} : memref<512x64xf32, #tpu.memory_space<vmem>>, vector<16xf32>,
        %add3A_970 = arith.addf %add3A_942, %get3A_969 : vector<16xf32>
        %mul3A_971 = arith.mulf %get3A_969, %get3A_969 : vector<16xf32>
        %add3A_972 = arith.addf %add3A_944, %mul3A_971 : vector<16xf32>
        %get3A_973 = arith.index_cast %add3A_960 : i32 to index
        %get3A_974 = arith.constant 32 : index
        %get3A_975 = tpu.vector_load %arg8[%get3A_973, %get3A_974] {strides = array<i32>} : memref<512x64xf32, #tpu.memory_space<vmem>>, vector<16xf32>,
        %add3A_976 = arith.addf %add3A_948, %get3A_975 : vector<16xf32>
        %mul3A_977 = arith.mulf %get3A_975, %get3A_975 : vector<16xf32>
        %add3A_978 = arith.addf %add3A_950, %mul3A_977 : vector<16xf32>
        %get3A_979 = arith.index_cast %add3A_960 : i32 to index
        %get3A_980 = arith.constant 48 : index
        %get3A_981 = tpu.vector_load %arg8[%get3A_979, %get3A_980] {strides = array<i32>} : memref<512x64xf32, #tpu.memory_space<vmem>>, vector<16xf32>,
        %add3A_982 = arith.addf %add3A_954, %get3A_981 : vector<16xf32>
        %mul3A_983 = arith.mulf %get3A_981, %get3A_981 : vector<16xf32>
        %add3A_984 = arith.addf %add3A_956, %mul3A_983 : vector<16xf32>
        %mul3A_985 = arith.constant 32 : i32
        %mul3A_986 = arith.muli %add3A_507, %mul3A_985 : i32
        %add3A_987 = arith.constant 17 : i32
        %add3A_988 = arith.addi %mul3A_986, %add3A_987 : i32
        %get3A_989 = arith.index_cast %add3A_988 : i32 to index
        %get3A_990 = arith.constant 0 : index
        %get3A_991 = tpu.vector_load %arg8[%get3A_989, %get3A_990] {strides = array<i32>} : memref<512x64xf32, #tpu.memory_space<vmem>>, vector<16xf32>,
        %add3A_992 = arith.addf %add3A_964, %get3A_991 : vector<16xf32>
        %mul3A_993 = arith.mulf %get3A_991, %get3A_991 : vector<16xf32>
        %add3A_994 = arith.addf %add3A_966, %mul3A_993 : vector<16xf32>
        %get3A_995 = arith.index_cast %add3A_988 : i32 to index
        %get3A_996 = arith.constant 16 : index
        %get3A_997 = tpu.vector_load %arg8[%get3A_995, %get3A_996] {strides = array<i32>} : memref<512x64xf32, #tpu.memory_space<vmem>>, vector<16xf32>,
        %add3A_998 = arith.addf %add3A_970, %get3A_997 : vector<16xf32>
        %mul3A_999 = arith.mulf %get3A_997, %get3A_997 : vector<16xf32>
        %add3A_1000 = arith.addf %add3A_972, %mul3A_999 : vector<16xf32>
        %get3A_1001 = arith.index_cast %add3A_988 : i32 to index
        %get3A_1002 = arith.constant 32 : index
        %get3A_1003 = tpu.vector_load %arg8[%get3A_1001, %get3A_1002] {strides = array<i32>} : memref<512x64xf32, #tpu.memory_space<vmem>>, vector<16xf32>,
        %add3A_1004 = arith.addf %add3A_976, %get3A_1003 : vector<16xf32>
        %mul3A_1005 = arith.mulf %get3A_1003, %get3A_1003 : vector<16xf32>
        %add3A_1006 = arith.addf %add3A_978, %mul3A_1005 : vector<16xf32>
        %get3A_1007 = arith.index_cast %add3A_988 : i32 to index
        %get3A_1008 = arith.constant 48 : index
        %get3A_1009 = tpu.vector_load %arg8[%get3A_1007, %get3A_1008] {strides = array<i32>} : memref<512x64xf32, #tpu.memory_space<vmem>>, vector<16xf32>,
        %add3A_1010 = arith.addf %add3A_982, %get3A_1009 : vector<16xf32>
        %mul3A_1011 = arith.mulf %get3A_1009, %get3A_1009 : vector<16xf32>
        %add3A_1012 = arith.addf %add3A_984, %mul3A_1011 : vector<16xf32>
        %mul3A_1013 = arith.constant 32 : i32
        %mul3A_1014 = arith.muli %add3A_507, %mul3A_1013 : i32
        %add3A_1015 = arith.constant 18 : i32
        %add3A_1016 = arith.addi %mul3A_1014, %add3A_1015 : i32
        %get3A_1017 = arith.index_cast %add3A_1016 : i32 to index
        %get3A_1018 = arith.constant 0 : index
        %get3A_1019 = tpu.vector_load %arg8[%get3A_1017, %get3A_1018] {strides = array<i32>} : memref<512x64xf32, #tpu.memory_space<vmem>>, vector<16xf32>,
        %add3A_1020 = arith.addf %add3A_992, %get3A_1019 : vector<16xf32>
        %mul3A_1021 = arith.mulf %get3A_1019, %get3A_1019 : vector<16xf32>
        %add3A_1022 = arith.addf %add3A_994, %mul3A_1021 : vector<16xf32>
        %get3A_1023 = arith.index_cast %add3A_1016 : i32 to index
        %get3A_1024 = arith.constant 16 : index
        %get3A_1025 = tpu.vector_load %arg8[%get3A_1023, %get3A_1024] {strides = array<i32>} : memref<512x64xf32, #tpu.memory_space<vmem>>, vector<16xf32>,
        %add3A_1026 = arith.addf %add3A_998, %get3A_1025 : vector<16xf32>
        %mul3A_1027 = arith.mulf %get3A_1025, %get3A_1025 : vector<16xf32>
        %add3A_1028 = arith.addf %add3A_1000, %mul3A_1027 : vector<16xf32>
        %get3A_1029 = arith.index_cast %add3A_1016 : i32 to index
        %get3A_1030 = arith.constant 32 : index
        %get3A_1031 = tpu.vector_load %arg8[%get3A_1029, %get3A_1030] {strides = array<i32>} : memref<512x64xf32, #tpu.memory_space<vmem>>, vector<16xf32>,
        %add3A_1032 = arith.addf %add3A_1004, %get3A_1031 : vector<16xf32>
        %mul3A_1033 = arith.mulf %get3A_1031, %get3A_1031 : vector<16xf32>
        %add3A_1034 = arith.addf %add3A_1006, %mul3A_1033 : vector<16xf32>
        %get3A_1035 = arith.index_cast %add3A_1016 : i32 to index
        %get3A_1036 = arith.constant 48 : index
        %get3A_1037 = tpu.vector_load %arg8[%get3A_1035, %get3A_1036] {strides = array<i32>} : memref<512x64xf32, #tpu.memory_space<vmem>>, vector<16xf32>,
        %add3A_1038 = arith.addf %add3A_1010, %get3A_1037 : vector<16xf32>
        %mul3A_1039 = arith.mulf %get3A_1037, %get3A_1037 : vector<16xf32>
        %add3A_1040 = arith.addf %add3A_1012, %mul3A_1039 : vector<16xf32>
        %mul3A_1041 = arith.constant 32 : i32
        %mul3A_1042 = arith.muli %add3A_507, %mul3A_1041 : i32
        %add3A_1043 = arith.constant 19 : i32
        %add3A_1044 = arith.addi %mul3A_1042, %add3A_1043 : i32
        %get3A_1045 = arith.index_cast %add3A_1044 : i32 to index
        %get3A_1046 = arith.constant 0 : index
        %get3A_1047 = tpu.vector_load %arg8[%get3A_1045, %get3A_1046] {strides = array<i32>} : memref<512x64xf32, #tpu.memory_space<vmem>>, vector<16xf32>,
        %add3A_1048 = arith.addf %add3A_1020, %get3A_1047 : vector<16xf32>
        %mul3A_1049 = arith.mulf %get3A_1047, %get3A_1047 : vector<16xf32>
        %add3A_1050 = arith.addf %add3A_1022, %mul3A_1049 : vector<16xf32>
        %get3A_1051 = arith.index_cast %add3A_1044 : i32 to index
        %get3A_1052 = arith.constant 16 : index
        %get3A_1053 = tpu.vector_load %arg8[%get3A_1051, %get3A_1052] {strides = array<i32>} : memref<512x64xf32, #tpu.memory_space<vmem>>, vector<16xf32>,
        %add3A_1054 = arith.addf %add3A_1026, %get3A_1053 : vector<16xf32>
        %mul3A_1055 = arith.mulf %get3A_1053, %get3A_1053 : vector<16xf32>
        %add3A_1056 = arith.addf %add3A_1028, %mul3A_1055 : vector<16xf32>
        %get3A_1057 = arith.index_cast %add3A_1044 : i32 to index
        %get3A_1058 = arith.constant 32 : index
        %get3A_1059 = tpu.vector_load %arg8[%get3A_1057, %get3A_1058] {strides = array<i32>} : memref<512x64xf32, #tpu.memory_space<vmem>>, vector<16xf32>,
        %add3A_1060 = arith.addf %add3A_1032, %get3A_1059 : vector<16xf32>
        %mul3A_1061 = arith.mulf %get3A_1059, %get3A_1059 : vector<16xf32>
        %add3A_1062 = arith.addf %add3A_1034, %mul3A_1061 : vector<16xf32>
        %get3A_1063 = arith.index_cast %add3A_1044 : i32 to index
        %get3A_1064 = arith.constant 48 : index
        %get3A_1065 = tpu.vector_load %arg8[%get3A_1063, %get3A_1064] {strides = array<i32>} : memref<512x64xf32, #tpu.memory_space<vmem>>, vector<16xf32>,
        %add3A_1066 = arith.addf %add3A_1038, %get3A_1065 : vector<16xf32>
        %mul3A_1067 = arith.mulf %get3A_1065, %get3A_1065 : vector<16xf32>
        %add3A_1068 = arith.addf %add3A_1040, %mul3A_1067 : vector<16xf32>
        %mul3A_1069 = arith.constant 32 : i32
        %mul3A_1070 = arith.muli %add3A_507, %mul3A_1069 : i32
        %add3A_1071 = arith.constant 20 : i32
        %add3A_1072 = arith.addi %mul3A_1070, %add3A_1071 : i32
        %get3A_1073 = arith.index_cast %add3A_1072 : i32 to index
        %get3A_1074 = arith.constant 0 : index
        %get3A_1075 = tpu.vector_load %arg8[%get3A_1073, %get3A_1074] {strides = array<i32>} : memref<512x64xf32, #tpu.memory_space<vmem>>, vector<16xf32>,
        %add3A_1076 = arith.addf %add3A_1048, %get3A_1075 : vector<16xf32>
        %mul3A_1077 = arith.mulf %get3A_1075, %get3A_1075 : vector<16xf32>
        %add3A_1078 = arith.addf %add3A_1050, %mul3A_1077 : vector<16xf32>
        %get3A_1079 = arith.index_cast %add3A_1072 : i32 to index
        %get3A_1080 = arith.constant 16 : index
        %get3A_1081 = tpu.vector_load %arg8[%get3A_1079, %get3A_1080] {strides = array<i32>} : memref<512x64xf32, #tpu.memory_space<vmem>>, vector<16xf32>,
        %add3A_1082 = arith.addf %add3A_1054, %get3A_1081 : vector<16xf32>
        %mul3A_1083 = arith.mulf %get3A_1081, %get3A_1081 : vector<16xf32>
        %add3A_1084 = arith.addf %add3A_1056, %mul3A_1083 : vector<16xf32>
        %get3A_1085 = arith.index_cast %add3A_1072 : i32 to index
        %get3A_1086 = arith.constant 32 : index
        %get3A_1087 = tpu.vector_load %arg8[%get3A_1085, %get3A_1086] {strides = array<i32>} : memref<512x64xf32, #tpu.memory_space<vmem>>, vector<16xf32>,
        %add3A_1088 = arith.addf %add3A_1060, %get3A_1087 : vector<16xf32>
        %mul3A_1089 = arith.mulf %get3A_1087, %get3A_1087 : vector<16xf32>
        %add3A_1090 = arith.addf %add3A_1062, %mul3A_1089 : vector<16xf32>
        %get3A_1091 = arith.index_cast %add3A_1072 : i32 to index
        %get3A_1092 = arith.constant 48 : index
        %get3A_1093 = tpu.vector_load %arg8[%get3A_1091, %get3A_1092] {strides = array<i32>} : memref<512x64xf32, #tpu.memory_space<vmem>>, vector<16xf32>,
        %add3A_1094 = arith.addf %add3A_1066, %get3A_1093 : vector<16xf32>
        %mul3A_1095 = arith.mulf %get3A_1093, %get3A_1093 : vector<16xf32>
        %add3A_1096 = arith.addf %add3A_1068, %mul3A_1095 : vector<16xf32>
        %mul3A_1097 = arith.constant 32 : i32
        %mul3A_1098 = arith.muli %add3A_507, %mul3A_1097 : i32
        %add3A_1099 = arith.constant 21 : i32
        %add3A_1100 = arith.addi %mul3A_1098, %add3A_1099 : i32
        %get3A_1101 = arith.index_cast %add3A_1100 : i32 to index
        %get3A_1102 = arith.constant 0 : index
        %get3A_1103 = tpu.vector_load %arg8[%get3A_1101, %get3A_1102] {strides = array<i32>} : memref<512x64xf32, #tpu.memory_space<vmem>>, vector<16xf32>,
        %add3A_1104 = arith.addf %add3A_1076, %get3A_1103 : vector<16xf32>
        %mul3A_1105 = arith.mulf %get3A_1103, %get3A_1103 : vector<16xf32>
        %add3A_1106 = arith.addf %add3A_1078, %mul3A_1105 : vector<16xf32>
        %get3A_1107 = arith.index_cast %add3A_1100 : i32 to index
        %get3A_1108 = arith.constant 16 : index
        %get3A_1109 = tpu.vector_load %arg8[%get3A_1107, %get3A_1108] {strides = array<i32>} : memref<512x64xf32, #tpu.memory_space<vmem>>, vector<16xf32>,
        %add3A_1110 = arith.addf %add3A_1082, %get3A_1109 : vector<16xf32>
        %mul3A_1111 = arith.mulf %get3A_1109, %get3A_1109 : vector<16xf32>
        %add3A_1112 = arith.addf %add3A_1084, %mul3A_1111 : vector<16xf32>
        %get3A_1113 = arith.index_cast %add3A_1100 : i32 to index
        %get3A_1114 = arith.constant 32 : index
        %get3A_1115 = tpu.vector_load %arg8[%get3A_1113, %get3A_1114] {strides = array<i32>} : memref<512x64xf32, #tpu.memory_space<vmem>>, vector<16xf32>,
        %add3A_1116 = arith.addf %add3A_1088, %get3A_1115 : vector<16xf32>
        %mul3A_1117 = arith.mulf %get3A_1115, %get3A_1115 : vector<16xf32>
        %add3A_1118 = arith.addf %add3A_1090, %mul3A_1117 : vector<16xf32>
        %get3A_1119 = arith.index_cast %add3A_1100 : i32 to index
        %get3A_1120 = arith.constant 48 : index
        %get3A_1121 = tpu.vector_load %arg8[%get3A_1119, %get3A_1120] {strides = array<i32>} : memref<512x64xf32, #tpu.memory_space<vmem>>, vector<16xf32>,
        %add3A_1122 = arith.addf %add3A_1094, %get3A_1121 : vector<16xf32>
        %mul3A_1123 = arith.mulf %get3A_1121, %get3A_1121 : vector<16xf32>
        %add3A_1124 = arith.addf %add3A_1096, %mul3A_1123 : vector<16xf32>
        %mul3A_1125 = arith.constant 32 : i32
        %mul3A_1126 = arith.muli %add3A_507, %mul3A_1125 : i32
        %add3A_1127 = arith.constant 22 : i32
        %add3A_1128 = arith.addi %mul3A_1126, %add3A_1127 : i32
        %get3A_1129 = arith.index_cast %add3A_1128 : i32 to index
        %get3A_1130 = arith.constant 0 : index
        %get3A_1131 = tpu.vector_load %arg8[%get3A_1129, %get3A_1130] {strides = array<i32>} : memref<512x64xf32, #tpu.memory_space<vmem>>, vector<16xf32>,
        %add3A_1132 = arith.addf %add3A_1104, %get3A_1131 : vector<16xf32>
        %mul3A_1133 = arith.mulf %get3A_1131, %get3A_1131 : vector<16xf32>
        %add3A_1134 = arith.addf %add3A_1106, %mul3A_1133 : vector<16xf32>
        %get3A_1135 = arith.index_cast %add3A_1128 : i32 to index
        %get3A_1136 = arith.constant 16 : index
        %get3A_1137 = tpu.vector_load %arg8[%get3A_1135, %get3A_1136] {strides = array<i32>} : memref<512x64xf32, #tpu.memory_space<vmem>>, vector<16xf32>,
        %add3A_1138 = arith.addf %add3A_1110, %get3A_1137 : vector<16xf32>
        %mul3A_1139 = arith.mulf %get3A_1137, %get3A_1137 : vector<16xf32>
        %add3A_1140 = arith.addf %add3A_1112, %mul3A_1139 : vector<16xf32>
        %get3A_1141 = arith.index_cast %add3A_1128 : i32 to index
        %get3A_1142 = arith.constant 32 : index
        %get3A_1143 = tpu.vector_load %arg8[%get3A_1141, %get3A_1142] {strides = array<i32>} : memref<512x64xf32, #tpu.memory_space<vmem>>, vector<16xf32>,
        %add3A_1144 = arith.addf %add3A_1116, %get3A_1143 : vector<16xf32>
        %mul3A_1145 = arith.mulf %get3A_1143, %get3A_1143 : vector<16xf32>
        %add3A_1146 = arith.addf %add3A_1118, %mul3A_1145 : vector<16xf32>
        %get3A_1147 = arith.index_cast %add3A_1128 : i32 to index
        %get3A_1148 = arith.constant 48 : index
        %get3A_1149 = tpu.vector_load %arg8[%get3A_1147, %get3A_1148] {strides = array<i32>} : memref<512x64xf32, #tpu.memory_space<vmem>>, vector<16xf32>,
        %add3A_1150 = arith.addf %add3A_1122, %get3A_1149 : vector<16xf32>
        %mul3A_1151 = arith.mulf %get3A_1149, %get3A_1149 : vector<16xf32>
        %add3A_1152 = arith.addf %add3A_1124, %mul3A_1151 : vector<16xf32>
        %mul3A_1153 = arith.constant 32 : i32
        %mul3A_1154 = arith.muli %add3A_507, %mul3A_1153 : i32
        %add3A_1155 = arith.constant 23 : i32
        %add3A_1156 = arith.addi %mul3A_1154, %add3A_1155 : i32
        %get3A_1157 = arith.index_cast %add3A_1156 : i32 to index
        %get3A_1158 = arith.constant 0 : index
        %get3A_1159 = tpu.vector_load %arg8[%get3A_1157, %get3A_1158] {strides = array<i32>} : memref<512x64xf32, #tpu.memory_space<vmem>>, vector<16xf32>,
        %add3A_1160 = arith.addf %add3A_1132, %get3A_1159 : vector<16xf32>
        %mul3A_1161 = arith.mulf %get3A_1159, %get3A_1159 : vector<16xf32>
        %add3A_1162 = arith.addf %add3A_1134, %mul3A_1161 : vector<16xf32>
        %get3A_1163 = arith.index_cast %add3A_1156 : i32 to index
        %get3A_1164 = arith.constant 16 : index
        %get3A_1165 = tpu.vector_load %arg8[%get3A_1163, %get3A_1164] {strides = array<i32>} : memref<512x64xf32, #tpu.memory_space<vmem>>, vector<16xf32>,
        %add3A_1166 = arith.addf %add3A_1138, %get3A_1165 : vector<16xf32>
        %mul3A_1167 = arith.mulf %get3A_1165, %get3A_1165 : vector<16xf32>
        %add3A_1168 = arith.addf %add3A_1140, %mul3A_1167 : vector<16xf32>
        %get3A_1169 = arith.index_cast %add3A_1156 : i32 to index
        %get3A_1170 = arith.constant 32 : index
        %get3A_1171 = tpu.vector_load %arg8[%get3A_1169, %get3A_1170] {strides = array<i32>} : memref<512x64xf32, #tpu.memory_space<vmem>>, vector<16xf32>,
        %add3A_1172 = arith.addf %add3A_1144, %get3A_1171 : vector<16xf32>
        %mul3A_1173 = arith.mulf %get3A_1171, %get3A_1171 : vector<16xf32>
        %add3A_1174 = arith.addf %add3A_1146, %mul3A_1173 : vector<16xf32>
        %get3A_1175 = arith.index_cast %add3A_1156 : i32 to index
        %get3A_1176 = arith.constant 48 : index
        %get3A_1177 = tpu.vector_load %arg8[%get3A_1175, %get3A_1176] {strides = array<i32>} : memref<512x64xf32, #tpu.memory_space<vmem>>, vector<16xf32>,
        %add3A_1178 = arith.addf %add3A_1150, %get3A_1177 : vector<16xf32>
        %mul3A_1179 = arith.mulf %get3A_1177, %get3A_1177 : vector<16xf32>
        %add3A_1180 = arith.addf %add3A_1152, %mul3A_1179 : vector<16xf32>
        %mul3A_1181 = arith.constant 32 : i32
        %mul3A_1182 = arith.muli %add3A_507, %mul3A_1181 : i32
        %add3A_1183 = arith.constant 24 : i32
        %add3A_1184 = arith.addi %mul3A_1182, %add3A_1183 : i32
        %get3A_1185 = arith.index_cast %add3A_1184 : i32 to index
        %get3A_1186 = arith.constant 0 : index
        %get3A_1187 = tpu.vector_load %arg8[%get3A_1185, %get3A_1186] {strides = array<i32>} : memref<512x64xf32, #tpu.memory_space<vmem>>, vector<16xf32>,
        %add3A_1188 = arith.addf %add3A_1160, %get3A_1187 : vector<16xf32>
        %mul3A_1189 = arith.mulf %get3A_1187, %get3A_1187 : vector<16xf32>
        %add3A_1190 = arith.addf %add3A_1162, %mul3A_1189 : vector<16xf32>
        %get3A_1191 = arith.index_cast %add3A_1184 : i32 to index
        %get3A_1192 = arith.constant 16 : index
        %get3A_1193 = tpu.vector_load %arg8[%get3A_1191, %get3A_1192] {strides = array<i32>} : memref<512x64xf32, #tpu.memory_space<vmem>>, vector<16xf32>,
        %add3A_1194 = arith.addf %add3A_1166, %get3A_1193 : vector<16xf32>
        %mul3A_1195 = arith.mulf %get3A_1193, %get3A_1193 : vector<16xf32>
        %add3A_1196 = arith.addf %add3A_1168, %mul3A_1195 : vector<16xf32>
        %get3A_1197 = arith.index_cast %add3A_1184 : i32 to index
        %get3A_1198 = arith.constant 32 : index
        %get3A_1199 = tpu.vector_load %arg8[%get3A_1197, %get3A_1198] {strides = array<i32>} : memref<512x64xf32, #tpu.memory_space<vmem>>, vector<16xf32>,
        %add3A_1200 = arith.addf %add3A_1172, %get3A_1199 : vector<16xf32>
        %mul3A_1201 = arith.mulf %get3A_1199, %get3A_1199 : vector<16xf32>
        %add3A_1202 = arith.addf %add3A_1174, %mul3A_1201 : vector<16xf32>
        %get3A_1203 = arith.index_cast %add3A_1184 : i32 to index
        %get3A_1204 = arith.constant 48 : index
        %get3A_1205 = tpu.vector_load %arg8[%get3A_1203, %get3A_1204] {strides = array<i32>} : memref<512x64xf32, #tpu.memory_space<vmem>>, vector<16xf32>,
        %add3A_1206 = arith.addf %add3A_1178, %get3A_1205 : vector<16xf32>
        %mul3A_1207 = arith.mulf %get3A_1205, %get3A_1205 : vector<16xf32>
        %add3A_1208 = arith.addf %add3A_1180, %mul3A_1207 : vector<16xf32>
        %mul3A_1209 = arith.constant 32 : i32
        %mul3A_1210 = arith.muli %add3A_507, %mul3A_1209 : i32
        %add3A_1211 = arith.constant 25 : i32
        %add3A_1212 = arith.addi %mul3A_1210, %add3A_1211 : i32
        %get3A_1213 = arith.index_cast %add3A_1212 : i32 to index
        %get3A_1214 = arith.constant 0 : index
        %get3A_1215 = tpu.vector_load %arg8[%get3A_1213, %get3A_1214] {strides = array<i32>} : memref<512x64xf32, #tpu.memory_space<vmem>>, vector<16xf32>,
        %add3A_1216 = arith.addf %add3A_1188, %get3A_1215 : vector<16xf32>
        %mul3A_1217 = arith.mulf %get3A_1215, %get3A_1215 : vector<16xf32>
        %add3A_1218 = arith.addf %add3A_1190, %mul3A_1217 : vector<16xf32>
        %get3A_1219 = arith.index_cast %add3A_1212 : i32 to index
        %get3A_1220 = arith.constant 16 : index
        %get3A_1221 = tpu.vector_load %arg8[%get3A_1219, %get3A_1220] {strides = array<i32>} : memref<512x64xf32, #tpu.memory_space<vmem>>, vector<16xf32>,
        %add3A_1222 = arith.addf %add3A_1194, %get3A_1221 : vector<16xf32>
        %mul3A_1223 = arith.mulf %get3A_1221, %get3A_1221 : vector<16xf32>
        %add3A_1224 = arith.addf %add3A_1196, %mul3A_1223 : vector<16xf32>
        %get3A_1225 = arith.index_cast %add3A_1212 : i32 to index
        %get3A_1226 = arith.constant 32 : index
        %get3A_1227 = tpu.vector_load %arg8[%get3A_1225, %get3A_1226] {strides = array<i32>} : memref<512x64xf32, #tpu.memory_space<vmem>>, vector<16xf32>,
        %add3A_1228 = arith.addf %add3A_1200, %get3A_1227 : vector<16xf32>
        %mul3A_1229 = arith.mulf %get3A_1227, %get3A_1227 : vector<16xf32>
        %add3A_1230 = arith.addf %add3A_1202, %mul3A_1229 : vector<16xf32>
        %get3A_1231 = arith.index_cast %add3A_1212 : i32 to index
        %get3A_1232 = arith.constant 48 : index
        %get3A_1233 = tpu.vector_load %arg8[%get3A_1231, %get3A_1232] {strides = array<i32>} : memref<512x64xf32, #tpu.memory_space<vmem>>, vector<16xf32>,
        %add3A_1234 = arith.addf %add3A_1206, %get3A_1233 : vector<16xf32>
        %mul3A_1235 = arith.mulf %get3A_1233, %get3A_1233 : vector<16xf32>
        %add3A_1236 = arith.addf %add3A_1208, %mul3A_1235 : vector<16xf32>
        %mul3A_1237 = arith.constant 32 : i32
        %mul3A_1238 = arith.muli %add3A_507, %mul3A_1237 : i32
        %add3A_1239 = arith.constant 26 : i32
        %add3A_1240 = arith.addi %mul3A_1238, %add3A_1239 : i32
        %get3A_1241 = arith.index_cast %add3A_1240 : i32 to index
        %get3A_1242 = arith.constant 0 : index
        %get3A_1243 = tpu.vector_load %arg8[%get3A_1241, %get3A_1242] {strides = array<i32>} : memref<512x64xf32, #tpu.memory_space<vmem>>, vector<16xf32>,
        %add3A_1244 = arith.addf %add3A_1216, %get3A_1243 : vector<16xf32>
        %mul3A_1245 = arith.mulf %get3A_1243, %get3A_1243 : vector<16xf32>
        %add3A_1246 = arith.addf %add3A_1218, %mul3A_1245 : vector<16xf32>
        %get3A_1247 = arith.index_cast %add3A_1240 : i32 to index
        %get3A_1248 = arith.constant 16 : index
        %get3A_1249 = tpu.vector_load %arg8[%get3A_1247, %get3A_1248] {strides = array<i32>} : memref<512x64xf32, #tpu.memory_space<vmem>>, vector<16xf32>,
        %add3A_1250 = arith.addf %add3A_1222, %get3A_1249 : vector<16xf32>
        %mul3A_1251 = arith.mulf %get3A_1249, %get3A_1249 : vector<16xf32>
        %add3A_1252 = arith.addf %add3A_1224, %mul3A_1251 : vector<16xf32>
        %get3A_1253 = arith.index_cast %add3A_1240 : i32 to index
        %get3A_1254 = arith.constant 32 : index
        %get3A_1255 = tpu.vector_load %arg8[%get3A_1253, %get3A_1254] {strides = array<i32>} : memref<512x64xf32, #tpu.memory_space<vmem>>, vector<16xf32>,
        %add3A_1256 = arith.addf %add3A_1228, %get3A_1255 : vector<16xf32>
        %mul3A_1257 = arith.mulf %get3A_1255, %get3A_1255 : vector<16xf32>
        %add3A_1258 = arith.addf %add3A_1230, %mul3A_1257 : vector<16xf32>
        %get3A_1259 = arith.index_cast %add3A_1240 : i32 to index
        %get3A_1260 = arith.constant 48 : index
        %get3A_1261 = tpu.vector_load %arg8[%get3A_1259, %get3A_1260] {strides = array<i32>} : memref<512x64xf32, #tpu.memory_space<vmem>>, vector<16xf32>,
        %add3A_1262 = arith.addf %add3A_1234, %get3A_1261 : vector<16xf32>
        %mul3A_1263 = arith.mulf %get3A_1261, %get3A_1261 : vector<16xf32>
        %add3A_1264 = arith.addf %add3A_1236, %mul3A_1263 : vector<16xf32>
        %mul3A_1265 = arith.constant 32 : i32
        %mul3A_1266 = arith.muli %add3A_507, %mul3A_1265 : i32
        %add3A_1267 = arith.constant 27 : i32
        %add3A_1268 = arith.addi %mul3A_1266, %add3A_1267 : i32
        %get3A_1269 = arith.index_cast %add3A_1268 : i32 to index
        %get3A_1270 = arith.constant 0 : index
        %get3A_1271 = tpu.vector_load %arg8[%get3A_1269, %get3A_1270] {strides = array<i32>} : memref<512x64xf32, #tpu.memory_space<vmem>>, vector<16xf32>,
        %add3A_1272 = arith.addf %add3A_1244, %get3A_1271 : vector<16xf32>
        %mul3A_1273 = arith.mulf %get3A_1271, %get3A_1271 : vector<16xf32>
        %add3A_1274 = arith.addf %add3A_1246, %mul3A_1273 : vector<16xf32>
        %get3A_1275 = arith.index_cast %add3A_1268 : i32 to index
        %get3A_1276 = arith.constant 16 : index
        %get3A_1277 = tpu.vector_load %arg8[%get3A_1275, %get3A_1276] {strides = array<i32>} : memref<512x64xf32, #tpu.memory_space<vmem>>, vector<16xf32>,
        %add3A_1278 = arith.addf %add3A_1250, %get3A_1277 : vector<16xf32>
        %mul3A_1279 = arith.mulf %get3A_1277, %get3A_1277 : vector<16xf32>
        %add3A_1280 = arith.addf %add3A_1252, %mul3A_1279 : vector<16xf32>
        %get3A_1281 = arith.index_cast %add3A_1268 : i32 to index
        %get3A_1282 = arith.constant 32 : index
        %get3A_1283 = tpu.vector_load %arg8[%get3A_1281, %get3A_1282] {strides = array<i32>} : memref<512x64xf32, #tpu.memory_space<vmem>>, vector<16xf32>,
        %add3A_1284 = arith.addf %add3A_1256, %get3A_1283 : vector<16xf32>
        %mul3A_1285 = arith.mulf %get3A_1283, %get3A_1283 : vector<16xf32>
        %add3A_1286 = arith.addf %add3A_1258, %mul3A_1285 : vector<16xf32>
        %get3A_1287 = arith.index_cast %add3A_1268 : i32 to index
        %get3A_1288 = arith.constant 48 : index
        %get3A_1289 = tpu.vector_load %arg8[%get3A_1287, %get3A_1288] {strides = array<i32>} : memref<512x64xf32, #tpu.memory_space<vmem>>, vector<16xf32>,
        %add3A_1290 = arith.addf %add3A_1262, %get3A_1289 : vector<16xf32>
        %mul3A_1291 = arith.mulf %get3A_1289, %get3A_1289 : vector<16xf32>
        %add3A_1292 = arith.addf %add3A_1264, %mul3A_1291 : vector<16xf32>
        %mul3A_1293 = arith.constant 32 : i32
        %mul3A_1294 = arith.muli %add3A_507, %mul3A_1293 : i32
        %add3A_1295 = arith.constant 28 : i32
        %add3A_1296 = arith.addi %mul3A_1294, %add3A_1295 : i32
        %get3A_1297 = arith.index_cast %add3A_1296 : i32 to index
        %get3A_1298 = arith.constant 0 : index
        %get3A_1299 = tpu.vector_load %arg8[%get3A_1297, %get3A_1298] {strides = array<i32>} : memref<512x64xf32, #tpu.memory_space<vmem>>, vector<16xf32>,
        %add3A_1300 = arith.addf %add3A_1272, %get3A_1299 : vector<16xf32>
        %mul3A_1301 = arith.mulf %get3A_1299, %get3A_1299 : vector<16xf32>
        %add3A_1302 = arith.addf %add3A_1274, %mul3A_1301 : vector<16xf32>
        %get3A_1303 = arith.index_cast %add3A_1296 : i32 to index
        %get3A_1304 = arith.constant 16 : index
        %get3A_1305 = tpu.vector_load %arg8[%get3A_1303, %get3A_1304] {strides = array<i32>} : memref<512x64xf32, #tpu.memory_space<vmem>>, vector<16xf32>,
        %add3A_1306 = arith.addf %add3A_1278, %get3A_1305 : vector<16xf32>
        %mul3A_1307 = arith.mulf %get3A_1305, %get3A_1305 : vector<16xf32>
        %add3A_1308 = arith.addf %add3A_1280, %mul3A_1307 : vector<16xf32>
        %get3A_1309 = arith.index_cast %add3A_1296 : i32 to index
        %get3A_1310 = arith.constant 32 : index
        %get3A_1311 = tpu.vector_load %arg8[%get3A_1309, %get3A_1310] {strides = array<i32>} : memref<512x64xf32, #tpu.memory_space<vmem>>, vector<16xf32>,
        %add3A_1312 = arith.addf %add3A_1284, %get3A_1311 : vector<16xf32>
        %mul3A_1313 = arith.mulf %get3A_1311, %get3A_1311 : vector<16xf32>
        %add3A_1314 = arith.addf %add3A_1286, %mul3A_1313 : vector<16xf32>
        %get3A_1315 = arith.index_cast %add3A_1296 : i32 to index
        %get3A_1316 = arith.constant 48 : index
        %get3A_1317 = tpu.vector_load %arg8[%get3A_1315, %get3A_1316] {strides = array<i32>} : memref<512x64xf32, #tpu.memory_space<vmem>>, vector<16xf32>,
        %add3A_1318 = arith.addf %add3A_1290, %get3A_1317 : vector<16xf32>
        %mul3A_1319 = arith.mulf %get3A_1317, %get3A_1317 : vector<16xf32>
        %add3A_1320 = arith.addf %add3A_1292, %mul3A_1319 : vector<16xf32>
        %mul3A_1321 = arith.constant 32 : i32
        %mul3A_1322 = arith.muli %add3A_507, %mul3A_1321 : i32
        %add3A_1323 = arith.constant 29 : i32
        %add3A_1324 = arith.addi %mul3A_1322, %add3A_1323 : i32
        %get3A_1325 = arith.index_cast %add3A_1324 : i32 to index
        %get3A_1326 = arith.constant 0 : index
        %get3A_1327 = tpu.vector_load %arg8[%get3A_1325, %get3A_1326] {strides = array<i32>} : memref<512x64xf32, #tpu.memory_space<vmem>>, vector<16xf32>,
        %add3A_1328 = arith.addf %add3A_1300, %get3A_1327 : vector<16xf32>
        %mul3A_1329 = arith.mulf %get3A_1327, %get3A_1327 : vector<16xf32>
        %add3A_1330 = arith.addf %add3A_1302, %mul3A_1329 : vector<16xf32>
        %get3A_1331 = arith.index_cast %add3A_1324 : i32 to index
        %get3A_1332 = arith.constant 16 : index
        %get3A_1333 = tpu.vector_load %arg8[%get3A_1331, %get3A_1332] {strides = array<i32>} : memref<512x64xf32, #tpu.memory_space<vmem>>, vector<16xf32>,
        %add3A_1334 = arith.addf %add3A_1306, %get3A_1333 : vector<16xf32>
        %mul3A_1335 = arith.mulf %get3A_1333, %get3A_1333 : vector<16xf32>
        %add3A_1336 = arith.addf %add3A_1308, %mul3A_1335 : vector<16xf32>
        %get3A_1337 = arith.index_cast %add3A_1324 : i32 to index
        %get3A_1338 = arith.constant 32 : index
        %get3A_1339 = tpu.vector_load %arg8[%get3A_1337, %get3A_1338] {strides = array<i32>} : memref<512x64xf32, #tpu.memory_space<vmem>>, vector<16xf32>,
        %add3A_1340 = arith.addf %add3A_1312, %get3A_1339 : vector<16xf32>
        %mul3A_1341 = arith.mulf %get3A_1339, %get3A_1339 : vector<16xf32>
        %add3A_1342 = arith.addf %add3A_1314, %mul3A_1341 : vector<16xf32>
        %get3A_1343 = arith.index_cast %add3A_1324 : i32 to index
        %get3A_1344 = arith.constant 48 : index
        %get3A_1345 = tpu.vector_load %arg8[%get3A_1343, %get3A_1344] {strides = array<i32>} : memref<512x64xf32, #tpu.memory_space<vmem>>, vector<16xf32>,
        %add3A_1346 = arith.addf %add3A_1318, %get3A_1345 : vector<16xf32>
        %mul3A_1347 = arith.mulf %get3A_1345, %get3A_1345 : vector<16xf32>
        %add3A_1348 = arith.addf %add3A_1320, %mul3A_1347 : vector<16xf32>
        %mul3A_1349 = arith.constant 32 : i32
        %mul3A_1350 = arith.muli %add3A_507, %mul3A_1349 : i32
        %add3A_1351 = arith.constant 30 : i32
        %add3A_1352 = arith.addi %mul3A_1350, %add3A_1351 : i32
        %get3A_1353 = arith.index_cast %add3A_1352 : i32 to index
        %get3A_1354 = arith.constant 0 : index
        %get3A_1355 = tpu.vector_load %arg8[%get3A_1353, %get3A_1354] {strides = array<i32>} : memref<512x64xf32, #tpu.memory_space<vmem>>, vector<16xf32>,
        %add3A_1356 = arith.addf %add3A_1328, %get3A_1355 : vector<16xf32>
        %mul3A_1357 = arith.mulf %get3A_1355, %get3A_1355 : vector<16xf32>
        %add3A_1358 = arith.addf %add3A_1330, %mul3A_1357 : vector<16xf32>
        %get3A_1359 = arith.index_cast %add3A_1352 : i32 to index
        %get3A_1360 = arith.constant 16 : index
        %get3A_1361 = tpu.vector_load %arg8[%get3A_1359, %get3A_1360] {strides = array<i32>} : memref<512x64xf32, #tpu.memory_space<vmem>>, vector<16xf32>,
        %add3A_1362 = arith.addf %add3A_1334, %get3A_1361 : vector<16xf32>
        %mul3A_1363 = arith.mulf %get3A_1361, %get3A_1361 : vector<16xf32>
        %add3A_1364 = arith.addf %add3A_1336, %mul3A_1363 : vector<16xf32>
        %get3A_1365 = arith.index_cast %add3A_1352 : i32 to index
        %get3A_1366 = arith.constant 32 : index
        %get3A_1367 = tpu.vector_load %arg8[%get3A_1365, %get3A_1366] {strides = array<i32>} : memref<512x64xf32, #tpu.memory_space<vmem>>, vector<16xf32>,
        %add3A_1368 = arith.addf %add3A_1340, %get3A_1367 : vector<16xf32>
        %mul3A_1369 = arith.mulf %get3A_1367, %get3A_1367 : vector<16xf32>
        %add3A_1370 = arith.addf %add3A_1342, %mul3A_1369 : vector<16xf32>
        %get3A_1371 = arith.index_cast %add3A_1352 : i32 to index
        %get3A_1372 = arith.constant 48 : index
        %get3A_1373 = tpu.vector_load %arg8[%get3A_1371, %get3A_1372] {strides = array<i32>} : memref<512x64xf32, #tpu.memory_space<vmem>>, vector<16xf32>,
        %add3A_1374 = arith.addf %add3A_1346, %get3A_1373 : vector<16xf32>
        %mul3A_1375 = arith.mulf %get3A_1373, %get3A_1373 : vector<16xf32>
        %add3A_1376 = arith.addf %add3A_1348, %mul3A_1375 : vector<16xf32>
        %mul3A_1377 = arith.constant 32 : i32
        %mul3A_1378 = arith.muli %add3A_507, %mul3A_1377 : i32
        %add3A_1379 = arith.constant 31 : i32
        %add3A_1380 = arith.addi %mul3A_1378, %add3A_1379 : i32
        %get3A_1381 = arith.index_cast %add3A_1380 : i32 to index
        %get3A_1382 = arith.constant 0 : index
        %get3A_1383 = tpu.vector_load %arg8[%get3A_1381, %get3A_1382] {strides = array<i32>} : memref<512x64xf32, #tpu.memory_space<vmem>>, vector<16xf32>,
        %add3A_1384 = arith.addf %add3A_1356, %get3A_1383 : vector<16xf32>
        %mul3A_1385 = arith.mulf %get3A_1383, %get3A_1383 : vector<16xf32>
        %add3A_1386 = arith.addf %add3A_1358, %mul3A_1385 : vector<16xf32>
        %get3A_1387 = arith.index_cast %add3A_1380 : i32 to index
        %get3A_1388 = arith.constant 16 : index
        %get3A_1389 = tpu.vector_load %arg8[%get3A_1387, %get3A_1388] {strides = array<i32>} : memref<512x64xf32, #tpu.memory_space<vmem>>, vector<16xf32>,
        %add3A_1390 = arith.addf %add3A_1362, %get3A_1389 : vector<16xf32>
        %mul3A_1391 = arith.mulf %get3A_1389, %get3A_1389 : vector<16xf32>
        %add3A_1392 = arith.addf %add3A_1364, %mul3A_1391 : vector<16xf32>
        %get3A_1393 = arith.index_cast %add3A_1380 : i32 to index
        %get3A_1394 = arith.constant 32 : index
        %get3A_1395 = tpu.vector_load %arg8[%get3A_1393, %get3A_1394] {strides = array<i32>} : memref<512x64xf32, #tpu.memory_space<vmem>>, vector<16xf32>,
        %add3A_1396 = arith.addf %add3A_1368, %get3A_1395 : vector<16xf32>
        %mul3A_1397 = arith.mulf %get3A_1395, %get3A_1395 : vector<16xf32>
        %add3A_1398 = arith.addf %add3A_1370, %mul3A_1397 : vector<16xf32>
        %get3A_1399 = arith.index_cast %add3A_1380 : i32 to index
        %get3A_1400 = arith.constant 48 : index
        %get3A_1401 = tpu.vector_load %arg8[%get3A_1399, %get3A_1400] {strides = array<i32>} : memref<512x64xf32, #tpu.memory_space<vmem>>, vector<16xf32>,
        %add3A_1402 = arith.addf %add3A_1374, %get3A_1401 : vector<16xf32>
        %mul3A_1403 = arith.mulf %get3A_1401, %get3A_1401 : vector<16xf32>
        %add3A_1404 = arith.addf %add3A_1376, %mul3A_1403 : vector<16xf32>
        %get3A_1405 = arith.index_cast %add3A_507 : i32 to index
        %get3A_1406 = arith.constant 0 : index
        %get3A_1407 = tpu.vector_load %arg9[%get3A_1405, %get3A_1406] {strides = array<i32>} : memref<16x64xf32, #tpu.memory_space<vmem>>, vector<16xf32>,
        %get3A_1408 = arith.index_cast %add3A_507 : i32 to index
        %get3A_1409 = arith.constant 0 : index
        %get3A_1410 = tpu.vector_load %arg10[%get3A_1408, %get3A_1409] {strides = array<i32>} : memref<16x64xf32, #tpu.memory_space<vmem>>, vector<16xf32>,
        %mul3A_1411 = arith.mulf %add3A_1384, %add3A_1384 : vector<16xf32>
        %sub3A = arith.subf %mul3A_1411, %add3A_1386 : vector<16xf32>
        %add3A_1412 = arith.addf %sub3A, %get3A_1407 : vector<16xf32>
        %mul3A_1413 = arith.mulf %get3A_1410, %add3A_1412 : vector<16xf32>
        %add3A_1414 = arith.addf %broadcast_in_dim3A_509, %mul3A_1413 : vector<16xf32>
        %get3A_1415 = arith.index_cast %add3A_507 : i32 to index
        %get3A_1416 = arith.constant 16 : index
        %get3A_1417 = tpu.vector_load %arg9[%get3A_1415, %get3A_1416] {strides = array<i32>} : memref<16x64xf32, #tpu.memory_space<vmem>>, vector<16xf32>,
        %get3A_1418 = arith.index_cast %add3A_507 : i32 to index
        %get3A_1419 = arith.constant 16 : index
        %get3A_1420 = tpu.vector_load %arg10[%get3A_1418, %get3A_1419] {strides = array<i32>} : memref<16x64xf32, #tpu.memory_space<vmem>>, vector<16xf32>,
        %mul3A_1421 = arith.mulf %add3A_1390, %add3A_1390 : vector<16xf32>
        %sub3A_1422 = arith.subf %mul3A_1421, %add3A_1392 : vector<16xf32>
        %add3A_1423 = arith.addf %sub3A_1422, %get3A_1417 : vector<16xf32>
        %mul3A_1424 = arith.mulf %get3A_1420, %add3A_1423 : vector<16xf32>
        %add3A_1425 = arith.addf %add3A_1414, %mul3A_1424 : vector<16xf32>
        %get3A_1426 = arith.index_cast %add3A_507 : i32 to index
        %get3A_1427 = arith.constant 32 : index
        %get3A_1428 = tpu.vector_load %arg9[%get3A_1426, %get3A_1427] {strides = array<i32>} : memref<16x64xf32, #tpu.memory_space<vmem>>, vector<16xf32>,
        %get3A_1429 = arith.index_cast %add3A_507 : i32 to index
        %get3A_1430 = arith.constant 32 : index
        %get3A_1431 = tpu.vector_load %arg10[%get3A_1429, %get3A_1430] {strides = array<i32>} : memref<16x64xf32, #tpu.memory_space<vmem>>, vector<16xf32>,
        %mul3A_1432 = arith.mulf %add3A_1396, %add3A_1396 : vector<16xf32>
        %sub3A_1433 = arith.subf %mul3A_1432, %add3A_1398 : vector<16xf32>
        %add3A_1434 = arith.addf %sub3A_1433, %get3A_1428 : vector<16xf32>
        %mul3A_1435 = arith.mulf %get3A_1431, %add3A_1434 : vector<16xf32>
        %add3A_1436 = arith.addf %add3A_1425, %mul3A_1435 : vector<16xf32>
        %get3A_1437 = arith.index_cast %add3A_507 : i32 to index
        %get3A_1438 = arith.constant 48 : index
        %get3A_1439 = tpu.vector_load %arg9[%get3A_1437, %get3A_1438] {strides = array<i32>} : memref<16x64xf32, #tpu.memory_space<vmem>>, vector<16xf32>,
        %get3A_1440 = arith.index_cast %add3A_507 : i32 to index
        %get3A_1441 = arith.constant 48 : index
        %get3A_1442 = tpu.vector_load %arg10[%get3A_1440, %get3A_1441] {strides = array<i32>} : memref<16x64xf32, #tpu.memory_space<vmem>>, vector<16xf32>,
        %mul3A_1443 = arith.mulf %add3A_1402, %add3A_1402 : vector<16xf32>
        %sub3A_1444 = arith.subf %mul3A_1443, %add3A_1404 : vector<16xf32>
        %add3A_1445 = arith.addf %sub3A_1444, %get3A_1439 : vector<16xf32>
        %mul3A_1446 = arith.mulf %get3A_1442, %add3A_1445 : vector<16xf32>
        %add3A_1447 = arith.addf %add3A_1436, %mul3A_1446 : vector<16xf32>
        %mul3A_1448 = arith.constant 16 : i32
        %mul3A_1449 = arith.muli %add3A_507, %mul3A_1448 : i32
        %swap3A_1450 = arith.index_cast %mul3A_1449 : i32 to index
        %swap3A_1451 = tpu.vector_load %arg19[%swap3A_1450] {strides = array<i32>} : memref<256xf32, #tpu.memory_space<vmem>>, vector<16xf32>,
        tpu.vector_store %arg19[%swap3A_1450], %add3A_1447 {strides = array<i32>} : memref<256xf32, #tpu.memory_space<vmem>>, vector<16xf32>,
        %add3A_1452 = arith.constant 1 : i32
        %add3A_1453 = arith.addi %add3A_507, %add3A_1452 : i32
        %broadcast_in_dim3A_1454 = arith.constant 0.000000e+00 : f32
        %broadcast_in_dim3A_1455 = vector.broadcast %broadcast_in_dim3A_1454 : f32 to vector<16xf32>
        %mul3A_1456 = arith.constant 32 : i32
        %mul3A_1457 = arith.muli %add3A_1453, %mul3A_1456 : i32
        %add3A_1458 = arith.constant 0 : i32
        %add3A_1459 = arith.addi %mul3A_1457, %add3A_1458 : i32
        %get3A_1460 = arith.index_cast %add3A_1459 : i32 to index
        %get3A_1461 = arith.constant 0 : index
        %get3A_1462 = tpu.vector_load %arg8[%get3A_1460, %get3A_1461] {strides = array<i32>} : memref<512x64xf32, #tpu.memory_space<vmem>>, vector<16xf32>,
        %add3A_1463 = arith.addf %broadcast_in_dim3A_1455, %get3A_1462 : vector<16xf32>
        %mul3A_1464 = arith.mulf %get3A_1462, %get3A_1462 : vector<16xf32>
        %add3A_1465 = arith.addf %broadcast_in_dim3A_1455, %mul3A_1464 : vector<16xf32>
        %get3A_1466 = arith.index_cast %add3A_1459 : i32 to index
        %get3A_1467 = arith.constant 16 : index
        %get3A_1468 = tpu.vector_load %arg8[%get3A_1466, %get3A_1467] {strides = array<i32>} : memref<512x64xf32, #tpu.memory_space<vmem>>, vector<16xf32>,
        %add3A_1469 = arith.addf %broadcast_in_dim3A_1455, %get3A_1468 : vector<16xf32>
        %mul3A_1470 = arith.mulf %get3A_1468, %get3A_1468 : vector<16xf32>
        %add3A_1471 = arith.addf %broadcast_in_dim3A_1455, %mul3A_1470 : vector<16xf32>
        %get3A_1472 = arith.index_cast %add3A_1459 : i32 to index
        %get3A_1473 = arith.constant 32 : index
        %get3A_1474 = tpu.vector_load %arg8[%get3A_1472, %get3A_1473] {strides = array<i32>} : memref<512x64xf32, #tpu.memory_space<vmem>>, vector<16xf32>,
        %add3A_1475 = arith.addf %broadcast_in_dim3A_1455, %get3A_1474 : vector<16xf32>
        %mul3A_1476 = arith.mulf %get3A_1474, %get3A_1474 : vector<16xf32>
        %add3A_1477 = arith.addf %broadcast_in_dim3A_1455, %mul3A_1476 : vector<16xf32>
        %get3A_1478 = arith.index_cast %add3A_1459 : i32 to index
        %get3A_1479 = arith.constant 48 : index
        %get3A_1480 = tpu.vector_load %arg8[%get3A_1478, %get3A_1479] {strides = array<i32>} : memref<512x64xf32, #tpu.memory_space<vmem>>, vector<16xf32>,
        %add3A_1481 = arith.addf %broadcast_in_dim3A_1455, %get3A_1480 : vector<16xf32>
        %mul3A_1482 = arith.mulf %get3A_1480, %get3A_1480 : vector<16xf32>
        %add3A_1483 = arith.addf %broadcast_in_dim3A_1455, %mul3A_1482 : vector<16xf32>
        %mul3A_1484 = arith.constant 32 : i32
        %mul3A_1485 = arith.muli %add3A_1453, %mul3A_1484 : i32
        %add3A_1486 = arith.constant 1 : i32
        %add3A_1487 = arith.addi %mul3A_1485, %add3A_1486 : i32
        %get3A_1488 = arith.index_cast %add3A_1487 : i32 to index
        %get3A_1489 = arith.constant 0 : index
        %get3A_1490 = tpu.vector_load %arg8[%get3A_1488, %get3A_1489] {strides = array<i32>} : memref<512x64xf32, #tpu.memory_space<vmem>>, vector<16xf32>,
        %add3A_1491 = arith.addf %add3A_1463, %get3A_1490 : vector<16xf32>
        %mul3A_1492 = arith.mulf %get3A_1490, %get3A_1490 : vector<16xf32>
        %add3A_1493 = arith.addf %add3A_1465, %mul3A_1492 : vector<16xf32>
        %get3A_1494 = arith.index_cast %add3A_1487 : i32 to index
        %get3A_1495 = arith.constant 16 : index
        %get3A_1496 = tpu.vector_load %arg8[%get3A_1494, %get3A_1495] {strides = array<i32>} : memref<512x64xf32, #tpu.memory_space<vmem>>, vector<16xf32>,
        %add3A_1497 = arith.addf %add3A_1469, %get3A_1496 : vector<16xf32>
        %mul3A_1498 = arith.mulf %get3A_1496, %get3A_1496 : vector<16xf32>
        %add3A_1499 = arith.addf %add3A_1471, %mul3A_1498 : vector<16xf32>
        %get3A_1500 = arith.index_cast %add3A_1487 : i32 to index
        %get3A_1501 = arith.constant 32 : index
        %get3A_1502 = tpu.vector_load %arg8[%get3A_1500, %get3A_1501] {strides = array<i32>} : memref<512x64xf32, #tpu.memory_space<vmem>>, vector<16xf32>,
        %add3A_1503 = arith.addf %add3A_1475, %get3A_1502 : vector<16xf32>
        %mul3A_1504 = arith.mulf %get3A_1502, %get3A_1502 : vector<16xf32>
        %add3A_1505 = arith.addf %add3A_1477, %mul3A_1504 : vector<16xf32>
        %get3A_1506 = arith.index_cast %add3A_1487 : i32 to index
        %get3A_1507 = arith.constant 48 : index
        %get3A_1508 = tpu.vector_load %arg8[%get3A_1506, %get3A_1507] {strides = array<i32>} : memref<512x64xf32, #tpu.memory_space<vmem>>, vector<16xf32>,
        %add3A_1509 = arith.addf %add3A_1481, %get3A_1508 : vector<16xf32>
        %mul3A_1510 = arith.mulf %get3A_1508, %get3A_1508 : vector<16xf32>
        %add3A_1511 = arith.addf %add3A_1483, %mul3A_1510 : vector<16xf32>
        %mul3A_1512 = arith.constant 32 : i32
        %mul3A_1513 = arith.muli %add3A_1453, %mul3A_1512 : i32
        %add3A_1514 = arith.constant 2 : i32
        %add3A_1515 = arith.addi %mul3A_1513, %add3A_1514 : i32
        %get3A_1516 = arith.index_cast %add3A_1515 : i32 to index
        %get3A_1517 = arith.constant 0 : index
        %get3A_1518 = tpu.vector_load %arg8[%get3A_1516, %get3A_1517] {strides = array<i32>} : memref<512x64xf32, #tpu.memory_space<vmem>>, vector<16xf32>,
        %add3A_1519 = arith.addf %add3A_1491, %get3A_1518 : vector<16xf32>
        %mul3A_1520 = arith.mulf %get3A_1518, %get3A_1518 : vector<16xf32>
        %add3A_1521 = arith.addf %add3A_1493, %mul3A_1520 : vector<16xf32>
        %get3A_1522 = arith.index_cast %add3A_1515 : i32 to index
        %get3A_1523 = arith.constant 16 : index
        %get3A_1524 = tpu.vector_load %arg8[%get3A_1522, %get3A_1523] {strides = array<i32>} : memref<512x64xf32, #tpu.memory_space<vmem>>, vector<16xf32>,
        %add3A_1525 = arith.addf %add3A_1497, %get3A_1524 : vector<16xf32>
        %mul3A_1526 = arith.mulf %get3A_1524, %get3A_1524 : vector<16xf32>
        %add3A_1527 = arith.addf %add3A_1499, %mul3A_1526 : vector<16xf32>
        %get3A_1528 = arith.index_cast %add3A_1515 : i32 to index
        %get3A_1529 = arith.constant 32 : index
        %get3A_1530 = tpu.vector_load %arg8[%get3A_1528, %get3A_1529] {strides = array<i32>} : memref<512x64xf32, #tpu.memory_space<vmem>>, vector<16xf32>,
        %add3A_1531 = arith.addf %add3A_1503, %get3A_1530 : vector<16xf32>
        %mul3A_1532 = arith.mulf %get3A_1530, %get3A_1530 : vector<16xf32>
        %add3A_1533 = arith.addf %add3A_1505, %mul3A_1532 : vector<16xf32>
        %get3A_1534 = arith.index_cast %add3A_1515 : i32 to index
        %get3A_1535 = arith.constant 48 : index
        %get3A_1536 = tpu.vector_load %arg8[%get3A_1534, %get3A_1535] {strides = array<i32>} : memref<512x64xf32, #tpu.memory_space<vmem>>, vector<16xf32>,
        %add3A_1537 = arith.addf %add3A_1509, %get3A_1536 : vector<16xf32>
        %mul3A_1538 = arith.mulf %get3A_1536, %get3A_1536 : vector<16xf32>
        %add3A_1539 = arith.addf %add3A_1511, %mul3A_1538 : vector<16xf32>
        %mul3A_1540 = arith.constant 32 : i32
        %mul3A_1541 = arith.muli %add3A_1453, %mul3A_1540 : i32
        %add3A_1542 = arith.constant 3 : i32
        %add3A_1543 = arith.addi %mul3A_1541, %add3A_1542 : i32
        %get3A_1544 = arith.index_cast %add3A_1543 : i32 to index
        %get3A_1545 = arith.constant 0 : index
        %get3A_1546 = tpu.vector_load %arg8[%get3A_1544, %get3A_1545] {strides = array<i32>} : memref<512x64xf32, #tpu.memory_space<vmem>>, vector<16xf32>,
        %add3A_1547 = arith.addf %add3A_1519, %get3A_1546 : vector<16xf32>
        %mul3A_1548 = arith.mulf %get3A_1546, %get3A_1546 : vector<16xf32>
        %add3A_1549 = arith.addf %add3A_1521, %mul3A_1548 : vector<16xf32>
        %get3A_1550 = arith.index_cast %add3A_1543 : i32 to index
        %get3A_1551 = arith.constant 16 : index
        %get3A_1552 = tpu.vector_load %arg8[%get3A_1550, %get3A_1551] {strides = array<i32>} : memref<512x64xf32, #tpu.memory_space<vmem>>, vector<16xf32>,
        %add3A_1553 = arith.addf %add3A_1525, %get3A_1552 : vector<16xf32>
        %mul3A_1554 = arith.mulf %get3A_1552, %get3A_1552 : vector<16xf32>
        %add3A_1555 = arith.addf %add3A_1527, %mul3A_1554 : vector<16xf32>
        %get3A_1556 = arith.index_cast %add3A_1543 : i32 to index
        %get3A_1557 = arith.constant 32 : index
        %get3A_1558 = tpu.vector_load %arg8[%get3A_1556, %get3A_1557] {strides = array<i32>} : memref<512x64xf32, #tpu.memory_space<vmem>>, vector<16xf32>,
        %add3A_1559 = arith.addf %add3A_1531, %get3A_1558 : vector<16xf32>
        %mul3A_1560 = arith.mulf %get3A_1558, %get3A_1558 : vector<16xf32>
        %add3A_1561 = arith.addf %add3A_1533, %mul3A_1560 : vector<16xf32>
        %get3A_1562 = arith.index_cast %add3A_1543 : i32 to index
        %get3A_1563 = arith.constant 48 : index
        %get3A_1564 = tpu.vector_load %arg8[%get3A_1562, %get3A_1563] {strides = array<i32>} : memref<512x64xf32, #tpu.memory_space<vmem>>, vector<16xf32>,
        %add3A_1565 = arith.addf %add3A_1537, %get3A_1564 : vector<16xf32>
        %mul3A_1566 = arith.mulf %get3A_1564, %get3A_1564 : vector<16xf32>
        %add3A_1567 = arith.addf %add3A_1539, %mul3A_1566 : vector<16xf32>
        %mul3A_1568 = arith.constant 32 : i32
        %mul3A_1569 = arith.muli %add3A_1453, %mul3A_1568 : i32
        %add3A_1570 = arith.constant 4 : i32
        %add3A_1571 = arith.addi %mul3A_1569, %add3A_1570 : i32
        %get3A_1572 = arith.index_cast %add3A_1571 : i32 to index
        %get3A_1573 = arith.constant 0 : index
        %get3A_1574 = tpu.vector_load %arg8[%get3A_1572, %get3A_1573] {strides = array<i32>} : memref<512x64xf32, #tpu.memory_space<vmem>>, vector<16xf32>,
        %add3A_1575 = arith.addf %add3A_1547, %get3A_1574 : vector<16xf32>
        %mul3A_1576 = arith.mulf %get3A_1574, %get3A_1574 : vector<16xf32>
        %add3A_1577 = arith.addf %add3A_1549, %mul3A_1576 : vector<16xf32>
        %get3A_1578 = arith.index_cast %add3A_1571 : i32 to index
        %get3A_1579 = arith.constant 16 : index
        %get3A_1580 = tpu.vector_load %arg8[%get3A_1578, %get3A_1579] {strides = array<i32>} : memref<512x64xf32, #tpu.memory_space<vmem>>, vector<16xf32>,
        %add3A_1581 = arith.addf %add3A_1553, %get3A_1580 : vector<16xf32>
        %mul3A_1582 = arith.mulf %get3A_1580, %get3A_1580 : vector<16xf32>
        %add3A_1583 = arith.addf %add3A_1555, %mul3A_1582 : vector<16xf32>
        %get3A_1584 = arith.index_cast %add3A_1571 : i32 to index
        %get3A_1585 = arith.constant 32 : index
        %get3A_1586 = tpu.vector_load %arg8[%get3A_1584, %get3A_1585] {strides = array<i32>} : memref<512x64xf32, #tpu.memory_space<vmem>>, vector<16xf32>,
        %add3A_1587 = arith.addf %add3A_1559, %get3A_1586 : vector<16xf32>
        %mul3A_1588 = arith.mulf %get3A_1586, %get3A_1586 : vector<16xf32>
        %add3A_1589 = arith.addf %add3A_1561, %mul3A_1588 : vector<16xf32>
        %get3A_1590 = arith.index_cast %add3A_1571 : i32 to index
        %get3A_1591 = arith.constant 48 : index
        %get3A_1592 = tpu.vector_load %arg8[%get3A_1590, %get3A_1591] {strides = array<i32>} : memref<512x64xf32, #tpu.memory_space<vmem>>, vector<16xf32>,
        %add3A_1593 = arith.addf %add3A_1565, %get3A_1592 : vector<16xf32>
        %mul3A_1594 = arith.mulf %get3A_1592, %get3A_1592 : vector<16xf32>
        %add3A_1595 = arith.addf %add3A_1567, %mul3A_1594 : vector<16xf32>
        %mul3A_1596 = arith.constant 32 : i32
        %mul3A_1597 = arith.muli %add3A_1453, %mul3A_1596 : i32
        %add3A_1598 = arith.constant 5 : i32
        %add3A_1599 = arith.addi %mul3A_1597, %add3A_1598 : i32
        %get3A_1600 = arith.index_cast %add3A_1599 : i32 to index
        %get3A_1601 = arith.constant 0 : index
        %get3A_1602 = tpu.vector_load %arg8[%get3A_1600, %get3A_1601] {strides = array<i32>} : memref<512x64xf32, #tpu.memory_space<vmem>>, vector<16xf32>,
        %add3A_1603 = arith.addf %add3A_1575, %get3A_1602 : vector<16xf32>
        %mul3A_1604 = arith.mulf %get3A_1602, %get3A_1602 : vector<16xf32>
        %add3A_1605 = arith.addf %add3A_1577, %mul3A_1604 : vector<16xf32>
        %get3A_1606 = arith.index_cast %add3A_1599 : i32 to index
        %get3A_1607 = arith.constant 16 : index
        %get3A_1608 = tpu.vector_load %arg8[%get3A_1606, %get3A_1607] {strides = array<i32>} : memref<512x64xf32, #tpu.memory_space<vmem>>, vector<16xf32>,
        %add3A_1609 = arith.addf %add3A_1581, %get3A_1608 : vector<16xf32>
        %mul3A_1610 = arith.mulf %get3A_1608, %get3A_1608 : vector<16xf32>
        %add3A_1611 = arith.addf %add3A_1583, %mul3A_1610 : vector<16xf32>
        %get3A_1612 = arith.index_cast %add3A_1599 : i32 to index
        %get3A_1613 = arith.constant 32 : index
        %get3A_1614 = tpu.vector_load %arg8[%get3A_1612, %get3A_1613] {strides = array<i32>} : memref<512x64xf32, #tpu.memory_space<vmem>>, vector<16xf32>,
        %add3A_1615 = arith.addf %add3A_1587, %get3A_1614 : vector<16xf32>
        %mul3A_1616 = arith.mulf %get3A_1614, %get3A_1614 : vector<16xf32>
        %add3A_1617 = arith.addf %add3A_1589, %mul3A_1616 : vector<16xf32>
        %get3A_1618 = arith.index_cast %add3A_1599 : i32 to index
        %get3A_1619 = arith.constant 48 : index
        %get3A_1620 = tpu.vector_load %arg8[%get3A_1618, %get3A_1619] {strides = array<i32>} : memref<512x64xf32, #tpu.memory_space<vmem>>, vector<16xf32>,
        %add3A_1621 = arith.addf %add3A_1593, %get3A_1620 : vector<16xf32>
        %mul3A_1622 = arith.mulf %get3A_1620, %get3A_1620 : vector<16xf32>
        %add3A_1623 = arith.addf %add3A_1595, %mul3A_1622 : vector<16xf32>
        %mul3A_1624 = arith.constant 32 : i32
        %mul3A_1625 = arith.muli %add3A_1453, %mul3A_1624 : i32
        %add3A_1626 = arith.constant 6 : i32
        %add3A_1627 = arith.addi %mul3A_1625, %add3A_1626 : i32
        %get3A_1628 = arith.index_cast %add3A_1627 : i32 to index
        %get3A_1629 = arith.constant 0 : index
        %get3A_1630 = tpu.vector_load %arg8[%get3A_1628, %get3A_1629] {strides = array<i32>} : memref<512x64xf32, #tpu.memory_space<vmem>>, vector<16xf32>,
        %add3A_1631 = arith.addf %add3A_1603, %get3A_1630 : vector<16xf32>
        %mul3A_1632 = arith.mulf %get3A_1630, %get3A_1630 : vector<16xf32>
        %add3A_1633 = arith.addf %add3A_1605, %mul3A_1632 : vector<16xf32>
        %get3A_1634 = arith.index_cast %add3A_1627 : i32 to index
        %get3A_1635 = arith.constant 16 : index
        %get3A_1636 = tpu.vector_load %arg8[%get3A_1634, %get3A_1635] {strides = array<i32>} : memref<512x64xf32, #tpu.memory_space<vmem>>, vector<16xf32>,
        %add3A_1637 = arith.addf %add3A_1609, %get3A_1636 : vector<16xf32>
        %mul3A_1638 = arith.mulf %get3A_1636, %get3A_1636 : vector<16xf32>
        %add3A_1639 = arith.addf %add3A_1611, %mul3A_1638 : vector<16xf32>
        %get3A_1640 = arith.index_cast %add3A_1627 : i32 to index
        %get3A_1641 = arith.constant 32 : index
        %get3A_1642 = tpu.vector_load %arg8[%get3A_1640, %get3A_1641] {strides = array<i32>} : memref<512x64xf32, #tpu.memory_space<vmem>>, vector<16xf32>,
        %add3A_1643 = arith.addf %add3A_1615, %get3A_1642 : vector<16xf32>
        %mul3A_1644 = arith.mulf %get3A_1642, %get3A_1642 : vector<16xf32>
        %add3A_1645 = arith.addf %add3A_1617, %mul3A_1644 : vector<16xf32>
        %get3A_1646 = arith.index_cast %add3A_1627 : i32 to index
        %get3A_1647 = arith.constant 48 : index
        %get3A_1648 = tpu.vector_load %arg8[%get3A_1646, %get3A_1647] {strides = array<i32>} : memref<512x64xf32, #tpu.memory_space<vmem>>, vector<16xf32>,
        %add3A_1649 = arith.addf %add3A_1621, %get3A_1648 : vector<16xf32>
        %mul3A_1650 = arith.mulf %get3A_1648, %get3A_1648 : vector<16xf32>
        %add3A_1651 = arith.addf %add3A_1623, %mul3A_1650 : vector<16xf32>
        %mul3A_1652 = arith.constant 32 : i32
        %mul3A_1653 = arith.muli %add3A_1453, %mul3A_1652 : i32
        %add3A_1654 = arith.constant 7 : i32
        %add3A_1655 = arith.addi %mul3A_1653, %add3A_1654 : i32
        %get3A_1656 = arith.index_cast %add3A_1655 : i32 to index
        %get3A_1657 = arith.constant 0 : index
        %get3A_1658 = tpu.vector_load %arg8[%get3A_1656, %get3A_1657] {strides = array<i32>} : memref<512x64xf32, #tpu.memory_space<vmem>>, vector<16xf32>,
        %add3A_1659 = arith.addf %add3A_1631, %get3A_1658 : vector<16xf32>
        %mul3A_1660 = arith.mulf %get3A_1658, %get3A_1658 : vector<16xf32>
        %add3A_1661 = arith.addf %add3A_1633, %mul3A_1660 : vector<16xf32>
        %get3A_1662 = arith.index_cast %add3A_1655 : i32 to index
        %get3A_1663 = arith.constant 16 : index
        %get3A_1664 = tpu.vector_load %arg8[%get3A_1662, %get3A_1663] {strides = array<i32>} : memref<512x64xf32, #tpu.memory_space<vmem>>, vector<16xf32>,
        %add3A_1665 = arith.addf %add3A_1637, %get3A_1664 : vector<16xf32>
        %mul3A_1666 = arith.mulf %get3A_1664, %get3A_1664 : vector<16xf32>
        %add3A_1667 = arith.addf %add3A_1639, %mul3A_1666 : vector<16xf32>
        %get3A_1668 = arith.index_cast %add3A_1655 : i32 to index
        %get3A_1669 = arith.constant 32 : index
        %get3A_1670 = tpu.vector_load %arg8[%get3A_1668, %get3A_1669] {strides = array<i32>} : memref<512x64xf32, #tpu.memory_space<vmem>>, vector<16xf32>,
        %add3A_1671 = arith.addf %add3A_1643, %get3A_1670 : vector<16xf32>
        %mul3A_1672 = arith.mulf %get3A_1670, %get3A_1670 : vector<16xf32>
        %add3A_1673 = arith.addf %add3A_1645, %mul3A_1672 : vector<16xf32>
        %get3A_1674 = arith.index_cast %add3A_1655 : i32 to index
        %get3A_1675 = arith.constant 48 : index
        %get3A_1676 = tpu.vector_load %arg8[%get3A_1674, %get3A_1675] {strides = array<i32>} : memref<512x64xf32, #tpu.memory_space<vmem>>, vector<16xf32>,
        %add3A_1677 = arith.addf %add3A_1649, %get3A_1676 : vector<16xf32>
        %mul3A_1678 = arith.mulf %get3A_1676, %get3A_1676 : vector<16xf32>
        %add3A_1679 = arith.addf %add3A_1651, %mul3A_1678 : vector<16xf32>
        %mul3A_1680 = arith.constant 32 : i32
        %mul3A_1681 = arith.muli %add3A_1453, %mul3A_1680 : i32
        %add3A_1682 = arith.constant 8 : i32
        %add3A_1683 = arith.addi %mul3A_1681, %add3A_1682 : i32
        %get3A_1684 = arith.index_cast %add3A_1683 : i32 to index
        %get3A_1685 = arith.constant 0 : index
        %get3A_1686 = tpu.vector_load %arg8[%get3A_1684, %get3A_1685] {strides = array<i32>} : memref<512x64xf32, #tpu.memory_space<vmem>>, vector<16xf32>,
        %add3A_1687 = arith.addf %add3A_1659, %get3A_1686 : vector<16xf32>
        %mul3A_1688 = arith.mulf %get3A_1686, %get3A_1686 : vector<16xf32>
        %add3A_1689 = arith.addf %add3A_1661, %mul3A_1688 : vector<16xf32>
        %get3A_1690 = arith.index_cast %add3A_1683 : i32 to index
        %get3A_1691 = arith.constant 16 : index
        %get3A_1692 = tpu.vector_load %arg8[%get3A_1690, %get3A_1691] {strides = array<i32>} : memref<512x64xf32, #tpu.memory_space<vmem>>, vector<16xf32>,
        %add3A_1693 = arith.addf %add3A_1665, %get3A_1692 : vector<16xf32>
        %mul3A_1694 = arith.mulf %get3A_1692, %get3A_1692 : vector<16xf32>
        %add3A_1695 = arith.addf %add3A_1667, %mul3A_1694 : vector<16xf32>
        %get3A_1696 = arith.index_cast %add3A_1683 : i32 to index
        %get3A_1697 = arith.constant 32 : index
        %get3A_1698 = tpu.vector_load %arg8[%get3A_1696, %get3A_1697] {strides = array<i32>} : memref<512x64xf32, #tpu.memory_space<vmem>>, vector<16xf32>,
        %add3A_1699 = arith.addf %add3A_1671, %get3A_1698 : vector<16xf32>
        %mul3A_1700 = arith.mulf %get3A_1698, %get3A_1698 : vector<16xf32>
        %add3A_1701 = arith.addf %add3A_1673, %mul3A_1700 : vector<16xf32>
        %get3A_1702 = arith.index_cast %add3A_1683 : i32 to index
        %get3A_1703 = arith.constant 48 : index
        %get3A_1704 = tpu.vector_load %arg8[%get3A_1702, %get3A_1703] {strides = array<i32>} : memref<512x64xf32, #tpu.memory_space<vmem>>, vector<16xf32>,
        %add3A_1705 = arith.addf %add3A_1677, %get3A_1704 : vector<16xf32>
        %mul3A_1706 = arith.mulf %get3A_1704, %get3A_1704 : vector<16xf32>
        %add3A_1707 = arith.addf %add3A_1679, %mul3A_1706 : vector<16xf32>
        %mul3A_1708 = arith.constant 32 : i32
        %mul3A_1709 = arith.muli %add3A_1453, %mul3A_1708 : i32
        %add3A_1710 = arith.constant 9 : i32
        %add3A_1711 = arith.addi %mul3A_1709, %add3A_1710 : i32
        %get3A_1712 = arith.index_cast %add3A_1711 : i32 to index
        %get3A_1713 = arith.constant 0 : index
        %get3A_1714 = tpu.vector_load %arg8[%get3A_1712, %get3A_1713] {strides = array<i32>} : memref<512x64xf32, #tpu.memory_space<vmem>>, vector<16xf32>,
        %add3A_1715 = arith.addf %add3A_1687, %get3A_1714 : vector<16xf32>
        %mul3A_1716 = arith.mulf %get3A_1714, %get3A_1714 : vector<16xf32>
        %add3A_1717 = arith.addf %add3A_1689, %mul3A_1716 : vector<16xf32>
        %get3A_1718 = arith.index_cast %add3A_1711 : i32 to index
        %get3A_1719 = arith.constant 16 : index
        %get3A_1720 = tpu.vector_load %arg8[%get3A_1718, %get3A_1719] {strides = array<i32>} : memref<512x64xf32, #tpu.memory_space<vmem>>, vector<16xf32>,
        %add3A_1721 = arith.addf %add3A_1693, %get3A_1720 : vector<16xf32>
        %mul3A_1722 = arith.mulf %get3A_1720, %get3A_1720 : vector<16xf32>
        %add3A_1723 = arith.addf %add3A_1695, %mul3A_1722 : vector<16xf32>
        %get3A_1724 = arith.index_cast %add3A_1711 : i32 to index
        %get3A_1725 = arith.constant 32 : index
        %get3A_1726 = tpu.vector_load %arg8[%get3A_1724, %get3A_1725] {strides = array<i32>} : memref<512x64xf32, #tpu.memory_space<vmem>>, vector<16xf32>,
        %add3A_1727 = arith.addf %add3A_1699, %get3A_1726 : vector<16xf32>
        %mul3A_1728 = arith.mulf %get3A_1726, %get3A_1726 : vector<16xf32>
        %add3A_1729 = arith.addf %add3A_1701, %mul3A_1728 : vector<16xf32>
        %get3A_1730 = arith.index_cast %add3A_1711 : i32 to index
        %get3A_1731 = arith.constant 48 : index
        %get3A_1732 = tpu.vector_load %arg8[%get3A_1730, %get3A_1731] {strides = array<i32>} : memref<512x64xf32, #tpu.memory_space<vmem>>, vector<16xf32>,
        %add3A_1733 = arith.addf %add3A_1705, %get3A_1732 : vector<16xf32>
        %mul3A_1734 = arith.mulf %get3A_1732, %get3A_1732 : vector<16xf32>
        %add3A_1735 = arith.addf %add3A_1707, %mul3A_1734 : vector<16xf32>
        %mul3A_1736 = arith.constant 32 : i32
        %mul3A_1737 = arith.muli %add3A_1453, %mul3A_1736 : i32
        %add3A_1738 = arith.constant 10 : i32
        %add3A_1739 = arith.addi %mul3A_1737, %add3A_1738 : i32
        %get3A_1740 = arith.index_cast %add3A_1739 : i32 to index
        %get3A_1741 = arith.constant 0 : index
        %get3A_1742 = tpu.vector_load %arg8[%get3A_1740, %get3A_1741] {strides = array<i32>} : memref<512x64xf32, #tpu.memory_space<vmem>>, vector<16xf32>,
        %add3A_1743 = arith.addf %add3A_1715, %get3A_1742 : vector<16xf32>
        %mul3A_1744 = arith.mulf %get3A_1742, %get3A_1742 : vector<16xf32>
        %add3A_1745 = arith.addf %add3A_1717, %mul3A_1744 : vector<16xf32>
        %get3A_1746 = arith.index_cast %add3A_1739 : i32 to index
        %get3A_1747 = arith.constant 16 : index
        %get3A_1748 = tpu.vector_load %arg8[%get3A_1746, %get3A_1747] {strides = array<i32>} : memref<512x64xf32, #tpu.memory_space<vmem>>, vector<16xf32>,
        %add3A_1749 = arith.addf %add3A_1721, %get3A_1748 : vector<16xf32>
        %mul3A_1750 = arith.mulf %get3A_1748, %get3A_1748 : vector<16xf32>
        %add3A_1751 = arith.addf %add3A_1723, %mul3A_1750 : vector<16xf32>
        %get3A_1752 = arith.index_cast %add3A_1739 : i32 to index
        %get3A_1753 = arith.constant 32 : index
        %get3A_1754 = tpu.vector_load %arg8[%get3A_1752, %get3A_1753] {strides = array<i32>} : memref<512x64xf32, #tpu.memory_space<vmem>>, vector<16xf32>,
        %add3A_1755 = arith.addf %add3A_1727, %get3A_1754 : vector<16xf32>
        %mul3A_1756 = arith.mulf %get3A_1754, %get3A_1754 : vector<16xf32>
        %add3A_1757 = arith.addf %add3A_1729, %mul3A_1756 : vector<16xf32>
        %get3A_1758 = arith.index_cast %add3A_1739 : i32 to index
        %get3A_1759 = arith.constant 48 : index
        %get3A_1760 = tpu.vector_load %arg8[%get3A_1758, %get3A_1759] {strides = array<i32>} : memref<512x64xf32, #tpu.memory_space<vmem>>, vector<16xf32>,
        %add3A_1761 = arith.addf %add3A_1733, %get3A_1760 : vector<16xf32>
        %mul3A_1762 = arith.mulf %get3A_1760, %get3A_1760 : vector<16xf32>
        %add3A_1763 = arith.addf %add3A_1735, %mul3A_1762 : vector<16xf32>
        %mul3A_1764 = arith.constant 32 : i32
        %mul3A_1765 = arith.muli %add3A_1453, %mul3A_1764 : i32
        %add3A_1766 = arith.constant 11 : i32
        %add3A_1767 = arith.addi %mul3A_1765, %add3A_1766 : i32
        %get3A_1768 = arith.index_cast %add3A_1767 : i32 to index
        %get3A_1769 = arith.constant 0 : index
        %get3A_1770 = tpu.vector_load %arg8[%get3A_1768, %get3A_1769] {strides = array<i32>} : memref<512x64xf32, #tpu.memory_space<vmem>>, vector<16xf32>,
        %add3A_1771 = arith.addf %add3A_1743, %get3A_1770 : vector<16xf32>
        %mul3A_1772 = arith.mulf %get3A_1770, %get3A_1770 : vector<16xf32>
        %add3A_1773 = arith.addf %add3A_1745, %mul3A_1772 : vector<16xf32>
        %get3A_1774 = arith.index_cast %add3A_1767 : i32 to index
        %get3A_1775 = arith.constant 16 : index
        %get3A_1776 = tpu.vector_load %arg8[%get3A_1774, %get3A_1775] {strides = array<i32>} : memref<512x64xf32, #tpu.memory_space<vmem>>, vector<16xf32>,
        %add3A_1777 = arith.addf %add3A_1749, %get3A_1776 : vector<16xf32>
        %mul3A_1778 = arith.mulf %get3A_1776, %get3A_1776 : vector<16xf32>
        %add3A_1779 = arith.addf %add3A_1751, %mul3A_1778 : vector<16xf32>
        %get3A_1780 = arith.index_cast %add3A_1767 : i32 to index
        %get3A_1781 = arith.constant 32 : index
        %get3A_1782 = tpu.vector_load %arg8[%get3A_1780, %get3A_1781] {strides = array<i32>} : memref<512x64xf32, #tpu.memory_space<vmem>>, vector<16xf32>,
        %add3A_1783 = arith.addf %add3A_1755, %get3A_1782 : vector<16xf32>
        %mul3A_1784 = arith.mulf %get3A_1782, %get3A_1782 : vector<16xf32>
        %add3A_1785 = arith.addf %add3A_1757, %mul3A_1784 : vector<16xf32>
        %get3A_1786 = arith.index_cast %add3A_1767 : i32 to index
        %get3A_1787 = arith.constant 48 : index
        %get3A_1788 = tpu.vector_load %arg8[%get3A_1786, %get3A_1787] {strides = array<i32>} : memref<512x64xf32, #tpu.memory_space<vmem>>, vector<16xf32>,
        %add3A_1789 = arith.addf %add3A_1761, %get3A_1788 : vector<16xf32>
        %mul3A_1790 = arith.mulf %get3A_1788, %get3A_1788 : vector<16xf32>
        %add3A_1791 = arith.addf %add3A_1763, %mul3A_1790 : vector<16xf32>
        %mul3A_1792 = arith.constant 32 : i32
        %mul3A_1793 = arith.muli %add3A_1453, %mul3A_1792 : i32
        %add3A_1794 = arith.constant 12 : i32
        %add3A_1795 = arith.addi %mul3A_1793, %add3A_1794 : i32
        %get3A_1796 = arith.index_cast %add3A_1795 : i32 to index
        %get3A_1797 = arith.constant 0 : index
        %get3A_1798 = tpu.vector_load %arg8[%get3A_1796, %get3A_1797] {strides = array<i32>} : memref<512x64xf32, #tpu.memory_space<vmem>>, vector<16xf32>,
        %add3A_1799 = arith.addf %add3A_1771, %get3A_1798 : vector<16xf32>
        %mul3A_1800 = arith.mulf %get3A_1798, %get3A_1798 : vector<16xf32>
        %add3A_1801 = arith.addf %add3A_1773, %mul3A_1800 : vector<16xf32>
        %get3A_1802 = arith.index_cast %add3A_1795 : i32 to index
        %get3A_1803 = arith.constant 16 : index
        %get3A_1804 = tpu.vector_load %arg8[%get3A_1802, %get3A_1803] {strides = array<i32>} : memref<512x64xf32, #tpu.memory_space<vmem>>, vector<16xf32>,
        %add3A_1805 = arith.addf %add3A_1777, %get3A_1804 : vector<16xf32>
        %mul3A_1806 = arith.mulf %get3A_1804, %get3A_1804 : vector<16xf32>
        %add3A_1807 = arith.addf %add3A_1779, %mul3A_1806 : vector<16xf32>
        %get3A_1808 = arith.index_cast %add3A_1795 : i32 to index
        %get3A_1809 = arith.constant 32 : index
        %get3A_1810 = tpu.vector_load %arg8[%get3A_1808, %get3A_1809] {strides = array<i32>} : memref<512x64xf32, #tpu.memory_space<vmem>>, vector<16xf32>,
        %add3A_1811 = arith.addf %add3A_1783, %get3A_1810 : vector<16xf32>
        %mul3A_1812 = arith.mulf %get3A_1810, %get3A_1810 : vector<16xf32>
        %add3A_1813 = arith.addf %add3A_1785, %mul3A_1812 : vector<16xf32>
        %get3A_1814 = arith.index_cast %add3A_1795 : i32 to index
        %get3A_1815 = arith.constant 48 : index
        %get3A_1816 = tpu.vector_load %arg8[%get3A_1814, %get3A_1815] {strides = array<i32>} : memref<512x64xf32, #tpu.memory_space<vmem>>, vector<16xf32>,
        %add3A_1817 = arith.addf %add3A_1789, %get3A_1816 : vector<16xf32>
        %mul3A_1818 = arith.mulf %get3A_1816, %get3A_1816 : vector<16xf32>
        %add3A_1819 = arith.addf %add3A_1791, %mul3A_1818 : vector<16xf32>
        %mul3A_1820 = arith.constant 32 : i32
        %mul3A_1821 = arith.muli %add3A_1453, %mul3A_1820 : i32
        %add3A_1822 = arith.constant 13 : i32
        %add3A_1823 = arith.addi %mul3A_1821, %add3A_1822 : i32
        %get3A_1824 = arith.index_cast %add3A_1823 : i32 to index
        %get3A_1825 = arith.constant 0 : index
        %get3A_1826 = tpu.vector_load %arg8[%get3A_1824, %get3A_1825] {strides = array<i32>} : memref<512x64xf32, #tpu.memory_space<vmem>>, vector<16xf32>,
        %add3A_1827 = arith.addf %add3A_1799, %get3A_1826 : vector<16xf32>
        %mul3A_1828 = arith.mulf %get3A_1826, %get3A_1826 : vector<16xf32>
        %add3A_1829 = arith.addf %add3A_1801, %mul3A_1828 : vector<16xf32>
        %get3A_1830 = arith.index_cast %add3A_1823 : i32 to index
        %get3A_1831 = arith.constant 16 : index
        %get3A_1832 = tpu.vector_load %arg8[%get3A_1830, %get3A_1831] {strides = array<i32>} : memref<512x64xf32, #tpu.memory_space<vmem>>, vector<16xf32>,
        %add3A_1833 = arith.addf %add3A_1805, %get3A_1832 : vector<16xf32>
        %mul3A_1834 = arith.mulf %get3A_1832, %get3A_1832 : vector<16xf32>
        %add3A_1835 = arith.addf %add3A_1807, %mul3A_1834 : vector<16xf32>
        %get3A_1836 = arith.index_cast %add3A_1823 : i32 to index
        %get3A_1837 = arith.constant 32 : index
        %get3A_1838 = tpu.vector_load %arg8[%get3A_1836, %get3A_1837] {strides = array<i32>} : memref<512x64xf32, #tpu.memory_space<vmem>>, vector<16xf32>,
        %add3A_1839 = arith.addf %add3A_1811, %get3A_1838 : vector<16xf32>
        %mul3A_1840 = arith.mulf %get3A_1838, %get3A_1838 : vector<16xf32>
        %add3A_1841 = arith.addf %add3A_1813, %mul3A_1840 : vector<16xf32>
        %get3A_1842 = arith.index_cast %add3A_1823 : i32 to index
        %get3A_1843 = arith.constant 48 : index
        %get3A_1844 = tpu.vector_load %arg8[%get3A_1842, %get3A_1843] {strides = array<i32>} : memref<512x64xf32, #tpu.memory_space<vmem>>, vector<16xf32>,
        %add3A_1845 = arith.addf %add3A_1817, %get3A_1844 : vector<16xf32>
        %mul3A_1846 = arith.mulf %get3A_1844, %get3A_1844 : vector<16xf32>
        %add3A_1847 = arith.addf %add3A_1819, %mul3A_1846 : vector<16xf32>
        %mul3A_1848 = arith.constant 32 : i32
        %mul3A_1849 = arith.muli %add3A_1453, %mul3A_1848 : i32
        %add3A_1850 = arith.constant 14 : i32
        %add3A_1851 = arith.addi %mul3A_1849, %add3A_1850 : i32
        %get3A_1852 = arith.index_cast %add3A_1851 : i32 to index
        %get3A_1853 = arith.constant 0 : index
        %get3A_1854 = tpu.vector_load %arg8[%get3A_1852, %get3A_1853] {strides = array<i32>} : memref<512x64xf32, #tpu.memory_space<vmem>>, vector<16xf32>,
        %add3A_1855 = arith.addf %add3A_1827, %get3A_1854 : vector<16xf32>
        %mul3A_1856 = arith.mulf %get3A_1854, %get3A_1854 : vector<16xf32>
        %add3A_1857 = arith.addf %add3A_1829, %mul3A_1856 : vector<16xf32>
        %get3A_1858 = arith.index_cast %add3A_1851 : i32 to index
        %get3A_1859 = arith.constant 16 : index
        %get3A_1860 = tpu.vector_load %arg8[%get3A_1858, %get3A_1859] {strides = array<i32>} : memref<512x64xf32, #tpu.memory_space<vmem>>, vector<16xf32>,
        %add3A_1861 = arith.addf %add3A_1833, %get3A_1860 : vector<16xf32>
        %mul3A_1862 = arith.mulf %get3A_1860, %get3A_1860 : vector<16xf32>
        %add3A_1863 = arith.addf %add3A_1835, %mul3A_1862 : vector<16xf32>
        %get3A_1864 = arith.index_cast %add3A_1851 : i32 to index
        %get3A_1865 = arith.constant 32 : index
        %get3A_1866 = tpu.vector_load %arg8[%get3A_1864, %get3A_1865] {strides = array<i32>} : memref<512x64xf32, #tpu.memory_space<vmem>>, vector<16xf32>,
        %add3A_1867 = arith.addf %add3A_1839, %get3A_1866 : vector<16xf32>
        %mul3A_1868 = arith.mulf %get3A_1866, %get3A_1866 : vector<16xf32>
        %add3A_1869 = arith.addf %add3A_1841, %mul3A_1868 : vector<16xf32>
        %get3A_1870 = arith.index_cast %add3A_1851 : i32 to index
        %get3A_1871 = arith.constant 48 : index
        %get3A_1872 = tpu.vector_load %arg8[%get3A_1870, %get3A_1871] {strides = array<i32>} : memref<512x64xf32, #tpu.memory_space<vmem>>, vector<16xf32>,
        %add3A_1873 = arith.addf %add3A_1845, %get3A_1872 : vector<16xf32>
        %mul3A_1874 = arith.mulf %get3A_1872, %get3A_1872 : vector<16xf32>
        %add3A_1875 = arith.addf %add3A_1847, %mul3A_1874 : vector<16xf32>
        %mul3A_1876 = arith.constant 32 : i32
        %mul3A_1877 = arith.muli %add3A_1453, %mul3A_1876 : i32
        %add3A_1878 = arith.constant 15 : i32
        %add3A_1879 = arith.addi %mul3A_1877, %add3A_1878 : i32
        %get3A_1880 = arith.index_cast %add3A_1879 : i32 to index
        %get3A_1881 = arith.constant 0 : index
        %get3A_1882 = tpu.vector_load %arg8[%get3A_1880, %get3A_1881] {strides = array<i32>} : memref<512x64xf32, #tpu.memory_space<vmem>>, vector<16xf32>,
        %add3A_1883 = arith.addf %add3A_1855, %get3A_1882 : vector<16xf32>
        %mul3A_1884 = arith.mulf %get3A_1882, %get3A_1882 : vector<16xf32>
        %add3A_1885 = arith.addf %add3A_1857, %mul3A_1884 : vector<16xf32>
        %get3A_1886 = arith.index_cast %add3A_1879 : i32 to index
        %get3A_1887 = arith.constant 16 : index
        %get3A_1888 = tpu.vector_load %arg8[%get3A_1886, %get3A_1887] {strides = array<i32>} : memref<512x64xf32, #tpu.memory_space<vmem>>, vector<16xf32>,
        %add3A_1889 = arith.addf %add3A_1861, %get3A_1888 : vector<16xf32>
        %mul3A_1890 = arith.mulf %get3A_1888, %get3A_1888 : vector<16xf32>
        %add3A_1891 = arith.addf %add3A_1863, %mul3A_1890 : vector<16xf32>
        %get3A_1892 = arith.index_cast %add3A_1879 : i32 to index
        %get3A_1893 = arith.constant 32 : index
        %get3A_1894 = tpu.vector_load %arg8[%get3A_1892, %get3A_1893] {strides = array<i32>} : memref<512x64xf32, #tpu.memory_space<vmem>>, vector<16xf32>,
        %add3A_1895 = arith.addf %add3A_1867, %get3A_1894 : vector<16xf32>
        %mul3A_1896 = arith.mulf %get3A_1894, %get3A_1894 : vector<16xf32>
        %add3A_1897 = arith.addf %add3A_1869, %mul3A_1896 : vector<16xf32>
        %get3A_1898 = arith.index_cast %add3A_1879 : i32 to index
        %get3A_1899 = arith.constant 48 : index
        %get3A_1900 = tpu.vector_load %arg8[%get3A_1898, %get3A_1899] {strides = array<i32>} : memref<512x64xf32, #tpu.memory_space<vmem>>, vector<16xf32>,
        %add3A_1901 = arith.addf %add3A_1873, %get3A_1900 : vector<16xf32>
        %mul3A_1902 = arith.mulf %get3A_1900, %get3A_1900 : vector<16xf32>
        %add3A_1903 = arith.addf %add3A_1875, %mul3A_1902 : vector<16xf32>
        %mul3A_1904 = arith.constant 32 : i32
        %mul3A_1905 = arith.muli %add3A_1453, %mul3A_1904 : i32
        %add3A_1906 = arith.constant 16 : i32
        %add3A_1907 = arith.addi %mul3A_1905, %add3A_1906 : i32
        %get3A_1908 = arith.index_cast %add3A_1907 : i32 to index
        %get3A_1909 = arith.constant 0 : index
        %get3A_1910 = tpu.vector_load %arg8[%get3A_1908, %get3A_1909] {strides = array<i32>} : memref<512x64xf32, #tpu.memory_space<vmem>>, vector<16xf32>,
        %add3A_1911 = arith.addf %add3A_1883, %get3A_1910 : vector<16xf32>
        %mul3A_1912 = arith.mulf %get3A_1910, %get3A_1910 : vector<16xf32>
        %add3A_1913 = arith.addf %add3A_1885, %mul3A_1912 : vector<16xf32>
        %get3A_1914 = arith.index_cast %add3A_1907 : i32 to index
        %get3A_1915 = arith.constant 16 : index
        %get3A_1916 = tpu.vector_load %arg8[%get3A_1914, %get3A_1915] {strides = array<i32>} : memref<512x64xf32, #tpu.memory_space<vmem>>, vector<16xf32>,
        %add3A_1917 = arith.addf %add3A_1889, %get3A_1916 : vector<16xf32>
        %mul3A_1918 = arith.mulf %get3A_1916, %get3A_1916 : vector<16xf32>
        %add3A_1919 = arith.addf %add3A_1891, %mul3A_1918 : vector<16xf32>
        %get3A_1920 = arith.index_cast %add3A_1907 : i32 to index
        %get3A_1921 = arith.constant 32 : index
        %get3A_1922 = tpu.vector_load %arg8[%get3A_1920, %get3A_1921] {strides = array<i32>} : memref<512x64xf32, #tpu.memory_space<vmem>>, vector<16xf32>,
        %add3A_1923 = arith.addf %add3A_1895, %get3A_1922 : vector<16xf32>
        %mul3A_1924 = arith.mulf %get3A_1922, %get3A_1922 : vector<16xf32>
        %add3A_1925 = arith.addf %add3A_1897, %mul3A_1924 : vector<16xf32>
        %get3A_1926 = arith.index_cast %add3A_1907 : i32 to index
        %get3A_1927 = arith.constant 48 : index
        %get3A_1928 = tpu.vector_load %arg8[%get3A_1926, %get3A_1927] {strides = array<i32>} : memref<512x64xf32, #tpu.memory_space<vmem>>, vector<16xf32>,
        %add3A_1929 = arith.addf %add3A_1901, %get3A_1928 : vector<16xf32>
        %mul3A_1930 = arith.mulf %get3A_1928, %get3A_1928 : vector<16xf32>
        %add3A_1931 = arith.addf %add3A_1903, %mul3A_1930 : vector<16xf32>
        %mul3A_1932 = arith.constant 32 : i32
        %mul3A_1933 = arith.muli %add3A_1453, %mul3A_1932 : i32
        %add3A_1934 = arith.constant 17 : i32
        %add3A_1935 = arith.addi %mul3A_1933, %add3A_1934 : i32
        %get3A_1936 = arith.index_cast %add3A_1935 : i32 to index
        %get3A_1937 = arith.constant 0 : index
        %get3A_1938 = tpu.vector_load %arg8[%get3A_1936, %get3A_1937] {strides = array<i32>} : memref<512x64xf32, #tpu.memory_space<vmem>>, vector<16xf32>,
        %add3A_1939 = arith.addf %add3A_1911, %get3A_1938 : vector<16xf32>
        %mul3A_1940 = arith.mulf %get3A_1938, %get3A_1938 : vector<16xf32>
        %add3A_1941 = arith.addf %add3A_1913, %mul3A_1940 : vector<16xf32>
        %get3A_1942 = arith.index_cast %add3A_1935 : i32 to index
        %get3A_1943 = arith.constant 16 : index
        %get3A_1944 = tpu.vector_load %arg8[%get3A_1942, %get3A_1943] {strides = array<i32>} : memref<512x64xf32, #tpu.memory_space<vmem>>, vector<16xf32>,
        %add3A_1945 = arith.addf %add3A_1917, %get3A_1944 : vector<16xf32>
        %mul3A_1946 = arith.mulf %get3A_1944, %get3A_1944 : vector<16xf32>
        %add3A_1947 = arith.addf %add3A_1919, %mul3A_1946 : vector<16xf32>
        %get3A_1948 = arith.index_cast %add3A_1935 : i32 to index
        %get3A_1949 = arith.constant 32 : index
        %get3A_1950 = tpu.vector_load %arg8[%get3A_1948, %get3A_1949] {strides = array<i32>} : memref<512x64xf32, #tpu.memory_space<vmem>>, vector<16xf32>,
        %add3A_1951 = arith.addf %add3A_1923, %get3A_1950 : vector<16xf32>
        %mul3A_1952 = arith.mulf %get3A_1950, %get3A_1950 : vector<16xf32>
        %add3A_1953 = arith.addf %add3A_1925, %mul3A_1952 : vector<16xf32>
        %get3A_1954 = arith.index_cast %add3A_1935 : i32 to index
        %get3A_1955 = arith.constant 48 : index
        %get3A_1956 = tpu.vector_load %arg8[%get3A_1954, %get3A_1955] {strides = array<i32>} : memref<512x64xf32, #tpu.memory_space<vmem>>, vector<16xf32>,
        %add3A_1957 = arith.addf %add3A_1929, %get3A_1956 : vector<16xf32>
        %mul3A_1958 = arith.mulf %get3A_1956, %get3A_1956 : vector<16xf32>
        %add3A_1959 = arith.addf %add3A_1931, %mul3A_1958 : vector<16xf32>
        %mul3A_1960 = arith.constant 32 : i32
        %mul3A_1961 = arith.muli %add3A_1453, %mul3A_1960 : i32
        %add3A_1962 = arith.constant 18 : i32
        %add3A_1963 = arith.addi %mul3A_1961, %add3A_1962 : i32
        %get3A_1964 = arith.index_cast %add3A_1963 : i32 to index
        %get3A_1965 = arith.constant 0 : index
        %get3A_1966 = tpu.vector_load %arg8[%get3A_1964, %get3A_1965] {strides = array<i32>} : memref<512x64xf32, #tpu.memory_space<vmem>>, vector<16xf32>,
        %add3A_1967 = arith.addf %add3A_1939, %get3A_1966 : vector<16xf32>
        %mul3A_1968 = arith.mulf %get3A_1966, %get3A_1966 : vector<16xf32>
        %add3A_1969 = arith.addf %add3A_1941, %mul3A_1968 : vector<16xf32>
        %get3A_1970 = arith.index_cast %add3A_1963 : i32 to index
        %get3A_1971 = arith.constant 16 : index
        %get3A_1972 = tpu.vector_load %arg8[%get3A_1970, %get3A_1971] {strides = array<i32>} : memref<512x64xf32, #tpu.memory_space<vmem>>, vector<16xf32>,
        %add3A_1973 = arith.addf %add3A_1945, %get3A_1972 : vector<16xf32>
        %mul3A_1974 = arith.mulf %get3A_1972, %get3A_1972 : vector<16xf32>
        %add3A_1975 = arith.addf %add3A_1947, %mul3A_1974 : vector<16xf32>
        %get3A_1976 = arith.index_cast %add3A_1963 : i32 to index
        %get3A_1977 = arith.constant 32 : index
        %get3A_1978 = tpu.vector_load %arg8[%get3A_1976, %get3A_1977] {strides = array<i32>} : memref<512x64xf32, #tpu.memory_space<vmem>>, vector<16xf32>,
        %add3A_1979 = arith.addf %add3A_1951, %get3A_1978 : vector<16xf32>
        %mul3A_1980 = arith.mulf %get3A_1978, %get3A_1978 : vector<16xf32>
        %add3A_1981 = arith.addf %add3A_1953, %mul3A_1980 : vector<16xf32>
        %get3A_1982 = arith.index_cast %add3A_1963 : i32 to index
        %get3A_1983 = arith.constant 48 : index
        %get3A_1984 = tpu.vector_load %arg8[%get3A_1982, %get3A_1983] {strides = array<i32>} : memref<512x64xf32, #tpu.memory_space<vmem>>, vector<16xf32>,
        %add3A_1985 = arith.addf %add3A_1957, %get3A_1984 : vector<16xf32>
        %mul3A_1986 = arith.mulf %get3A_1984, %get3A_1984 : vector<16xf32>
        %add3A_1987 = arith.addf %add3A_1959, %mul3A_1986 : vector<16xf32>
        %mul3A_1988 = arith.constant 32 : i32
        %mul3A_1989 = arith.muli %add3A_1453, %mul3A_1988 : i32
        %add3A_1990 = arith.constant 19 : i32
        %add3A_1991 = arith.addi %mul3A_1989, %add3A_1990 : i32
        %get3A_1992 = arith.index_cast %add3A_1991 : i32 to index
        %get3A_1993 = arith.constant 0 : index
        %get3A_1994 = tpu.vector_load %arg8[%get3A_1992, %get3A_1993] {strides = array<i32>} : memref<512x64xf32, #tpu.memory_space<vmem>>, vector<16xf32>,
        %add3A_1995 = arith.addf %add3A_1967, %get3A_1994 : vector<16xf32>
        %mul3A_1996 = arith.mulf %get3A_1994, %get3A_1994 : vector<16xf32>
        %add3A_1997 = arith.addf %add3A_1969, %mul3A_1996 : vector<16xf32>
        %get3A_1998 = arith.index_cast %add3A_1991 : i32 to index
        %get3A_1999 = arith.constant 16 : index
        %get3A_2000 = tpu.vector_load %arg8[%get3A_1998, %get3A_1999] {strides = array<i32>} : memref<512x64xf32, #tpu.memory_space<vmem>>, vector<16xf32>,
        %add3A_2001 = arith.addf %add3A_1973, %get3A_2000 : vector<16xf32>
        %mul3A_2002 = arith.mulf %get3A_2000, %get3A_2000 : vector<16xf32>
        %add3A_2003 = arith.addf %add3A_1975, %mul3A_2002 : vector<16xf32>
        %get3A_2004 = arith.index_cast %add3A_1991 : i32 to index
        %get3A_2005 = arith.constant 32 : index
        %get3A_2006 = tpu.vector_load %arg8[%get3A_2004, %get3A_2005] {strides = array<i32>} : memref<512x64xf32, #tpu.memory_space<vmem>>, vector<16xf32>,
        %add3A_2007 = arith.addf %add3A_1979, %get3A_2006 : vector<16xf32>
        %mul3A_2008 = arith.mulf %get3A_2006, %get3A_2006 : vector<16xf32>
        %add3A_2009 = arith.addf %add3A_1981, %mul3A_2008 : vector<16xf32>
        %get3A_2010 = arith.index_cast %add3A_1991 : i32 to index
        %get3A_2011 = arith.constant 48 : index
        %get3A_2012 = tpu.vector_load %arg8[%get3A_2010, %get3A_2011] {strides = array<i32>} : memref<512x64xf32, #tpu.memory_space<vmem>>, vector<16xf32>,
        %add3A_2013 = arith.addf %add3A_1985, %get3A_2012 : vector<16xf32>
        %mul3A_2014 = arith.mulf %get3A_2012, %get3A_2012 : vector<16xf32>
        %add3A_2015 = arith.addf %add3A_1987, %mul3A_2014 : vector<16xf32>
        %mul3A_2016 = arith.constant 32 : i32
        %mul3A_2017 = arith.muli %add3A_1453, %mul3A_2016 : i32
        %add3A_2018 = arith.constant 20 : i32
        %add3A_2019 = arith.addi %mul3A_2017, %add3A_2018 : i32
        %get3A_2020 = arith.index_cast %add3A_2019 : i32 to index
        %get3A_2021 = arith.constant 0 : index
        %get3A_2022 = tpu.vector_load %arg8[%get3A_2020, %get3A_2021] {strides = array<i32>} : memref<512x64xf32, #tpu.memory_space<vmem>>, vector<16xf32>,
        %add3A_2023 = arith.addf %add3A_1995, %get3A_2022 : vector<16xf32>
        %mul3A_2024 = arith.mulf %get3A_2022, %get3A_2022 : vector<16xf32>
        %add3A_2025 = arith.addf %add3A_1997, %mul3A_2024 : vector<16xf32>
        %get3A_2026 = arith.index_cast %add3A_2019 : i32 to index
        %get3A_2027 = arith.constant 16 : index
        %get3A_2028 = tpu.vector_load %arg8[%get3A_2026, %get3A_2027] {strides = array<i32>} : memref<512x64xf32, #tpu.memory_space<vmem>>, vector<16xf32>,
        %add3A_2029 = arith.addf %add3A_2001, %get3A_2028 : vector<16xf32>
        %mul3A_2030 = arith.mulf %get3A_2028, %get3A_2028 : vector<16xf32>
        %add3A_2031 = arith.addf %add3A_2003, %mul3A_2030 : vector<16xf32>
        %get3A_2032 = arith.index_cast %add3A_2019 : i32 to index
        %get3A_2033 = arith.constant 32 : index
        %get3A_2034 = tpu.vector_load %arg8[%get3A_2032, %get3A_2033] {strides = array<i32>} : memref<512x64xf32, #tpu.memory_space<vmem>>, vector<16xf32>,
        %add3A_2035 = arith.addf %add3A_2007, %get3A_2034 : vector<16xf32>
        %mul3A_2036 = arith.mulf %get3A_2034, %get3A_2034 : vector<16xf32>
        %add3A_2037 = arith.addf %add3A_2009, %mul3A_2036 : vector<16xf32>
        %get3A_2038 = arith.index_cast %add3A_2019 : i32 to index
        %get3A_2039 = arith.constant 48 : index
        %get3A_2040 = tpu.vector_load %arg8[%get3A_2038, %get3A_2039] {strides = array<i32>} : memref<512x64xf32, #tpu.memory_space<vmem>>, vector<16xf32>,
        %add3A_2041 = arith.addf %add3A_2013, %get3A_2040 : vector<16xf32>
        %mul3A_2042 = arith.mulf %get3A_2040, %get3A_2040 : vector<16xf32>
        %add3A_2043 = arith.addf %add3A_2015, %mul3A_2042 : vector<16xf32>
        %mul3A_2044 = arith.constant 32 : i32
        %mul3A_2045 = arith.muli %add3A_1453, %mul3A_2044 : i32
        %add3A_2046 = arith.constant 21 : i32
        %add3A_2047 = arith.addi %mul3A_2045, %add3A_2046 : i32
        %get3A_2048 = arith.index_cast %add3A_2047 : i32 to index
        %get3A_2049 = arith.constant 0 : index
        %get3A_2050 = tpu.vector_load %arg8[%get3A_2048, %get3A_2049] {strides = array<i32>} : memref<512x64xf32, #tpu.memory_space<vmem>>, vector<16xf32>,
        %add3A_2051 = arith.addf %add3A_2023, %get3A_2050 : vector<16xf32>
        %mul3A_2052 = arith.mulf %get3A_2050, %get3A_2050 : vector<16xf32>
        %add3A_2053 = arith.addf %add3A_2025, %mul3A_2052 : vector<16xf32>
        %get3A_2054 = arith.index_cast %add3A_2047 : i32 to index
        %get3A_2055 = arith.constant 16 : index
        %get3A_2056 = tpu.vector_load %arg8[%get3A_2054, %get3A_2055] {strides = array<i32>} : memref<512x64xf32, #tpu.memory_space<vmem>>, vector<16xf32>,
        %add3A_2057 = arith.addf %add3A_2029, %get3A_2056 : vector<16xf32>
        %mul3A_2058 = arith.mulf %get3A_2056, %get3A_2056 : vector<16xf32>
        %add3A_2059 = arith.addf %add3A_2031, %mul3A_2058 : vector<16xf32>
        %get3A_2060 = arith.index_cast %add3A_2047 : i32 to index
        %get3A_2061 = arith.constant 32 : index
        %get3A_2062 = tpu.vector_load %arg8[%get3A_2060, %get3A_2061] {strides = array<i32>} : memref<512x64xf32, #tpu.memory_space<vmem>>, vector<16xf32>,
        %add3A_2063 = arith.addf %add3A_2035, %get3A_2062 : vector<16xf32>
        %mul3A_2064 = arith.mulf %get3A_2062, %get3A_2062 : vector<16xf32>
        %add3A_2065 = arith.addf %add3A_2037, %mul3A_2064 : vector<16xf32>
        %get3A_2066 = arith.index_cast %add3A_2047 : i32 to index
        %get3A_2067 = arith.constant 48 : index
        %get3A_2068 = tpu.vector_load %arg8[%get3A_2066, %get3A_2067] {strides = array<i32>} : memref<512x64xf32, #tpu.memory_space<vmem>>, vector<16xf32>,
        %add3A_2069 = arith.addf %add3A_2041, %get3A_2068 : vector<16xf32>
        %mul3A_2070 = arith.mulf %get3A_2068, %get3A_2068 : vector<16xf32>
        %add3A_2071 = arith.addf %add3A_2043, %mul3A_2070 : vector<16xf32>
        %mul3A_2072 = arith.constant 32 : i32
        %mul3A_2073 = arith.muli %add3A_1453, %mul3A_2072 : i32
        %add3A_2074 = arith.constant 22 : i32
        %add3A_2075 = arith.addi %mul3A_2073, %add3A_2074 : i32
        %get3A_2076 = arith.index_cast %add3A_2075 : i32 to index
        %get3A_2077 = arith.constant 0 : index
        %get3A_2078 = tpu.vector_load %arg8[%get3A_2076, %get3A_2077] {strides = array<i32>} : memref<512x64xf32, #tpu.memory_space<vmem>>, vector<16xf32>,
        %add3A_2079 = arith.addf %add3A_2051, %get3A_2078 : vector<16xf32>
        %mul3A_2080 = arith.mulf %get3A_2078, %get3A_2078 : vector<16xf32>
        %add3A_2081 = arith.addf %add3A_2053, %mul3A_2080 : vector<16xf32>
        %get3A_2082 = arith.index_cast %add3A_2075 : i32 to index
        %get3A_2083 = arith.constant 16 : index
        %get3A_2084 = tpu.vector_load %arg8[%get3A_2082, %get3A_2083] {strides = array<i32>} : memref<512x64xf32, #tpu.memory_space<vmem>>, vector<16xf32>,
        %add3A_2085 = arith.addf %add3A_2057, %get3A_2084 : vector<16xf32>
        %mul3A_2086 = arith.mulf %get3A_2084, %get3A_2084 : vector<16xf32>
        %add3A_2087 = arith.addf %add3A_2059, %mul3A_2086 : vector<16xf32>
        %get3A_2088 = arith.index_cast %add3A_2075 : i32 to index
        %get3A_2089 = arith.constant 32 : index
        %get3A_2090 = tpu.vector_load %arg8[%get3A_2088, %get3A_2089] {strides = array<i32>} : memref<512x64xf32, #tpu.memory_space<vmem>>, vector<16xf32>,
        %add3A_2091 = arith.addf %add3A_2063, %get3A_2090 : vector<16xf32>
        %mul3A_2092 = arith.mulf %get3A_2090, %get3A_2090 : vector<16xf32>
        %add3A_2093 = arith.addf %add3A_2065, %mul3A_2092 : vector<16xf32>
        %get3A_2094 = arith.index_cast %add3A_2075 : i32 to index
        %get3A_2095 = arith.constant 48 : index
        %get3A_2096 = tpu.vector_load %arg8[%get3A_2094, %get3A_2095] {strides = array<i32>} : memref<512x64xf32, #tpu.memory_space<vmem>>, vector<16xf32>,
        %add3A_2097 = arith.addf %add3A_2069, %get3A_2096 : vector<16xf32>
        %mul3A_2098 = arith.mulf %get3A_2096, %get3A_2096 : vector<16xf32>
        %add3A_2099 = arith.addf %add3A_2071, %mul3A_2098 : vector<16xf32>
        %mul3A_2100 = arith.constant 32 : i32
        %mul3A_2101 = arith.muli %add3A_1453, %mul3A_2100 : i32
        %add3A_2102 = arith.constant 23 : i32
        %add3A_2103 = arith.addi %mul3A_2101, %add3A_2102 : i32
        %get3A_2104 = arith.index_cast %add3A_2103 : i32 to index
        %get3A_2105 = arith.constant 0 : index
        %get3A_2106 = tpu.vector_load %arg8[%get3A_2104, %get3A_2105] {strides = array<i32>} : memref<512x64xf32, #tpu.memory_space<vmem>>, vector<16xf32>,
        %add3A_2107 = arith.addf %add3A_2079, %get3A_2106 : vector<16xf32>
        %mul3A_2108 = arith.mulf %get3A_2106, %get3A_2106 : vector<16xf32>
        %add3A_2109 = arith.addf %add3A_2081, %mul3A_2108 : vector<16xf32>
        %get3A_2110 = arith.index_cast %add3A_2103 : i32 to index
        %get3A_2111 = arith.constant 16 : index
        %get3A_2112 = tpu.vector_load %arg8[%get3A_2110, %get3A_2111] {strides = array<i32>} : memref<512x64xf32, #tpu.memory_space<vmem>>, vector<16xf32>,
        %add3A_2113 = arith.addf %add3A_2085, %get3A_2112 : vector<16xf32>
        %mul3A_2114 = arith.mulf %get3A_2112, %get3A_2112 : vector<16xf32>
        %add3A_2115 = arith.addf %add3A_2087, %mul3A_2114 : vector<16xf32>
        %get3A_2116 = arith.index_cast %add3A_2103 : i32 to index
        %get3A_2117 = arith.constant 32 : index
        %get3A_2118 = tpu.vector_load %arg8[%get3A_2116, %get3A_2117] {strides = array<i32>} : memref<512x64xf32, #tpu.memory_space<vmem>>, vector<16xf32>,
        %add3A_2119 = arith.addf %add3A_2091, %get3A_2118 : vector<16xf32>
        %mul3A_2120 = arith.mulf %get3A_2118, %get3A_2118 : vector<16xf32>
        %add3A_2121 = arith.addf %add3A_2093, %mul3A_2120 : vector<16xf32>
        %get3A_2122 = arith.index_cast %add3A_2103 : i32 to index
        %get3A_2123 = arith.constant 48 : index
        %get3A_2124 = tpu.vector_load %arg8[%get3A_2122, %get3A_2123] {strides = array<i32>} : memref<512x64xf32, #tpu.memory_space<vmem>>, vector<16xf32>,
        %add3A_2125 = arith.addf %add3A_2097, %get3A_2124 : vector<16xf32>
        %mul3A_2126 = arith.mulf %get3A_2124, %get3A_2124 : vector<16xf32>
        %add3A_2127 = arith.addf %add3A_2099, %mul3A_2126 : vector<16xf32>
        %mul3A_2128 = arith.constant 32 : i32
        %mul3A_2129 = arith.muli %add3A_1453, %mul3A_2128 : i32
        %add3A_2130 = arith.constant 24 : i32
        %add3A_2131 = arith.addi %mul3A_2129, %add3A_2130 : i32
        %get3A_2132 = arith.index_cast %add3A_2131 : i32 to index
        %get3A_2133 = arith.constant 0 : index
        %get3A_2134 = tpu.vector_load %arg8[%get3A_2132, %get3A_2133] {strides = array<i32>} : memref<512x64xf32, #tpu.memory_space<vmem>>, vector<16xf32>,
        %add3A_2135 = arith.addf %add3A_2107, %get3A_2134 : vector<16xf32>
        %mul3A_2136 = arith.mulf %get3A_2134, %get3A_2134 : vector<16xf32>
        %add3A_2137 = arith.addf %add3A_2109, %mul3A_2136 : vector<16xf32>
        %get3A_2138 = arith.index_cast %add3A_2131 : i32 to index
        %get3A_2139 = arith.constant 16 : index
        %get3A_2140 = tpu.vector_load %arg8[%get3A_2138, %get3A_2139] {strides = array<i32>} : memref<512x64xf32, #tpu.memory_space<vmem>>, vector<16xf32>,
        %add3A_2141 = arith.addf %add3A_2113, %get3A_2140 : vector<16xf32>
        %mul3A_2142 = arith.mulf %get3A_2140, %get3A_2140 : vector<16xf32>
        %add3A_2143 = arith.addf %add3A_2115, %mul3A_2142 : vector<16xf32>
        %get3A_2144 = arith.index_cast %add3A_2131 : i32 to index
        %get3A_2145 = arith.constant 32 : index
        %get3A_2146 = tpu.vector_load %arg8[%get3A_2144, %get3A_2145] {strides = array<i32>} : memref<512x64xf32, #tpu.memory_space<vmem>>, vector<16xf32>,
        %add3A_2147 = arith.addf %add3A_2119, %get3A_2146 : vector<16xf32>
        %mul3A_2148 = arith.mulf %get3A_2146, %get3A_2146 : vector<16xf32>
        %add3A_2149 = arith.addf %add3A_2121, %mul3A_2148 : vector<16xf32>
        %get3A_2150 = arith.index_cast %add3A_2131 : i32 to index
        %get3A_2151 = arith.constant 48 : index
        %get3A_2152 = tpu.vector_load %arg8[%get3A_2150, %get3A_2151] {strides = array<i32>} : memref<512x64xf32, #tpu.memory_space<vmem>>, vector<16xf32>,
        %add3A_2153 = arith.addf %add3A_2125, %get3A_2152 : vector<16xf32>
        %mul3A_2154 = arith.mulf %get3A_2152, %get3A_2152 : vector<16xf32>
        %add3A_2155 = arith.addf %add3A_2127, %mul3A_2154 : vector<16xf32>
        %mul3A_2156 = arith.constant 32 : i32
        %mul3A_2157 = arith.muli %add3A_1453, %mul3A_2156 : i32
        %add3A_2158 = arith.constant 25 : i32
        %add3A_2159 = arith.addi %mul3A_2157, %add3A_2158 : i32
        %get3A_2160 = arith.index_cast %add3A_2159 : i32 to index
        %get3A_2161 = arith.constant 0 : index
        %get3A_2162 = tpu.vector_load %arg8[%get3A_2160, %get3A_2161] {strides = array<i32>} : memref<512x64xf32, #tpu.memory_space<vmem>>, vector<16xf32>,
        %add3A_2163 = arith.addf %add3A_2135, %get3A_2162 : vector<16xf32>
        %mul3A_2164 = arith.mulf %get3A_2162, %get3A_2162 : vector<16xf32>
        %add3A_2165 = arith.addf %add3A_2137, %mul3A_2164 : vector<16xf32>
        %get3A_2166 = arith.index_cast %add3A_2159 : i32 to index
        %get3A_2167 = arith.constant 16 : index
        %get3A_2168 = tpu.vector_load %arg8[%get3A_2166, %get3A_2167] {strides = array<i32>} : memref<512x64xf32, #tpu.memory_space<vmem>>, vector<16xf32>,
        %add3A_2169 = arith.addf %add3A_2141, %get3A_2168 : vector<16xf32>
        %mul3A_2170 = arith.mulf %get3A_2168, %get3A_2168 : vector<16xf32>
        %add3A_2171 = arith.addf %add3A_2143, %mul3A_2170 : vector<16xf32>
        %get3A_2172 = arith.index_cast %add3A_2159 : i32 to index
        %get3A_2173 = arith.constant 32 : index
        %get3A_2174 = tpu.vector_load %arg8[%get3A_2172, %get3A_2173] {strides = array<i32>} : memref<512x64xf32, #tpu.memory_space<vmem>>, vector<16xf32>,
        %add3A_2175 = arith.addf %add3A_2147, %get3A_2174 : vector<16xf32>
        %mul3A_2176 = arith.mulf %get3A_2174, %get3A_2174 : vector<16xf32>
        %add3A_2177 = arith.addf %add3A_2149, %mul3A_2176 : vector<16xf32>
        %get3A_2178 = arith.index_cast %add3A_2159 : i32 to index
        %get3A_2179 = arith.constant 48 : index
        %get3A_2180 = tpu.vector_load %arg8[%get3A_2178, %get3A_2179] {strides = array<i32>} : memref<512x64xf32, #tpu.memory_space<vmem>>, vector<16xf32>,
        %add3A_2181 = arith.addf %add3A_2153, %get3A_2180 : vector<16xf32>
        %mul3A_2182 = arith.mulf %get3A_2180, %get3A_2180 : vector<16xf32>
        %add3A_2183 = arith.addf %add3A_2155, %mul3A_2182 : vector<16xf32>
        %mul3A_2184 = arith.constant 32 : i32
        %mul3A_2185 = arith.muli %add3A_1453, %mul3A_2184 : i32
        %add3A_2186 = arith.constant 26 : i32
        %add3A_2187 = arith.addi %mul3A_2185, %add3A_2186 : i32
        %get3A_2188 = arith.index_cast %add3A_2187 : i32 to index
        %get3A_2189 = arith.constant 0 : index
        %get3A_2190 = tpu.vector_load %arg8[%get3A_2188, %get3A_2189] {strides = array<i32>} : memref<512x64xf32, #tpu.memory_space<vmem>>, vector<16xf32>,
        %add3A_2191 = arith.addf %add3A_2163, %get3A_2190 : vector<16xf32>
        %mul3A_2192 = arith.mulf %get3A_2190, %get3A_2190 : vector<16xf32>
        %add3A_2193 = arith.addf %add3A_2165, %mul3A_2192 : vector<16xf32>
        %get3A_2194 = arith.index_cast %add3A_2187 : i32 to index
        %get3A_2195 = arith.constant 16 : index
        %get3A_2196 = tpu.vector_load %arg8[%get3A_2194, %get3A_2195] {strides = array<i32>} : memref<512x64xf32, #tpu.memory_space<vmem>>, vector<16xf32>,
        %add3A_2197 = arith.addf %add3A_2169, %get3A_2196 : vector<16xf32>
        %mul3A_2198 = arith.mulf %get3A_2196, %get3A_2196 : vector<16xf32>
        %add3A_2199 = arith.addf %add3A_2171, %mul3A_2198 : vector<16xf32>
        %get3A_2200 = arith.index_cast %add3A_2187 : i32 to index
        %get3A_2201 = arith.constant 32 : index
        %get3A_2202 = tpu.vector_load %arg8[%get3A_2200, %get3A_2201] {strides = array<i32>} : memref<512x64xf32, #tpu.memory_space<vmem>>, vector<16xf32>,
        %add3A_2203 = arith.addf %add3A_2175, %get3A_2202 : vector<16xf32>
        %mul3A_2204 = arith.mulf %get3A_2202, %get3A_2202 : vector<16xf32>
        %add3A_2205 = arith.addf %add3A_2177, %mul3A_2204 : vector<16xf32>
        %get3A_2206 = arith.index_cast %add3A_2187 : i32 to index
        %get3A_2207 = arith.constant 48 : index
        %get3A_2208 = tpu.vector_load %arg8[%get3A_2206, %get3A_2207] {strides = array<i32>} : memref<512x64xf32, #tpu.memory_space<vmem>>, vector<16xf32>,
        %add3A_2209 = arith.addf %add3A_2181, %get3A_2208 : vector<16xf32>
        %mul3A_2210 = arith.mulf %get3A_2208, %get3A_2208 : vector<16xf32>
        %add3A_2211 = arith.addf %add3A_2183, %mul3A_2210 : vector<16xf32>
        %mul3A_2212 = arith.constant 32 : i32
        %mul3A_2213 = arith.muli %add3A_1453, %mul3A_2212 : i32
        %add3A_2214 = arith.constant 27 : i32
        %add3A_2215 = arith.addi %mul3A_2213, %add3A_2214 : i32
        %get3A_2216 = arith.index_cast %add3A_2215 : i32 to index
        %get3A_2217 = arith.constant 0 : index
        %get3A_2218 = tpu.vector_load %arg8[%get3A_2216, %get3A_2217] {strides = array<i32>} : memref<512x64xf32, #tpu.memory_space<vmem>>, vector<16xf32>,
        %add3A_2219 = arith.addf %add3A_2191, %get3A_2218 : vector<16xf32>
        %mul3A_2220 = arith.mulf %get3A_2218, %get3A_2218 : vector<16xf32>
        %add3A_2221 = arith.addf %add3A_2193, %mul3A_2220 : vector<16xf32>
        %get3A_2222 = arith.index_cast %add3A_2215 : i32 to index
        %get3A_2223 = arith.constant 16 : index
        %get3A_2224 = tpu.vector_load %arg8[%get3A_2222, %get3A_2223] {strides = array<i32>} : memref<512x64xf32, #tpu.memory_space<vmem>>, vector<16xf32>,
        %add3A_2225 = arith.addf %add3A_2197, %get3A_2224 : vector<16xf32>
        %mul3A_2226 = arith.mulf %get3A_2224, %get3A_2224 : vector<16xf32>
        %add3A_2227 = arith.addf %add3A_2199, %mul3A_2226 : vector<16xf32>
        %get3A_2228 = arith.index_cast %add3A_2215 : i32 to index
        %get3A_2229 = arith.constant 32 : index
        %get3A_2230 = tpu.vector_load %arg8[%get3A_2228, %get3A_2229] {strides = array<i32>} : memref<512x64xf32, #tpu.memory_space<vmem>>, vector<16xf32>,
        %add3A_2231 = arith.addf %add3A_2203, %get3A_2230 : vector<16xf32>
        %mul3A_2232 = arith.mulf %get3A_2230, %get3A_2230 : vector<16xf32>
        %add3A_2233 = arith.addf %add3A_2205, %mul3A_2232 : vector<16xf32>
        %get3A_2234 = arith.index_cast %add3A_2215 : i32 to index
        %get3A_2235 = arith.constant 48 : index
        %get3A_2236 = tpu.vector_load %arg8[%get3A_2234, %get3A_2235] {strides = array<i32>} : memref<512x64xf32, #tpu.memory_space<vmem>>, vector<16xf32>,
        %add3A_2237 = arith.addf %add3A_2209, %get3A_2236 : vector<16xf32>
        %mul3A_2238 = arith.mulf %get3A_2236, %get3A_2236 : vector<16xf32>
        %add3A_2239 = arith.addf %add3A_2211, %mul3A_2238 : vector<16xf32>
        %mul3A_2240 = arith.constant 32 : i32
        %mul3A_2241 = arith.muli %add3A_1453, %mul3A_2240 : i32
        %add3A_2242 = arith.constant 28 : i32
        %add3A_2243 = arith.addi %mul3A_2241, %add3A_2242 : i32
        %get3A_2244 = arith.index_cast %add3A_2243 : i32 to index
        %get3A_2245 = arith.constant 0 : index
        %get3A_2246 = tpu.vector_load %arg8[%get3A_2244, %get3A_2245] {strides = array<i32>} : memref<512x64xf32, #tpu.memory_space<vmem>>, vector<16xf32>,
        %add3A_2247 = arith.addf %add3A_2219, %get3A_2246 : vector<16xf32>
        %mul3A_2248 = arith.mulf %get3A_2246, %get3A_2246 : vector<16xf32>
        %add3A_2249 = arith.addf %add3A_2221, %mul3A_2248 : vector<16xf32>
        %get3A_2250 = arith.index_cast %add3A_2243 : i32 to index
        %get3A_2251 = arith.constant 16 : index
        %get3A_2252 = tpu.vector_load %arg8[%get3A_2250, %get3A_2251] {strides = array<i32>} : memref<512x64xf32, #tpu.memory_space<vmem>>, vector<16xf32>,
        %add3A_2253 = arith.addf %add3A_2225, %get3A_2252 : vector<16xf32>
        %mul3A_2254 = arith.mulf %get3A_2252, %get3A_2252 : vector<16xf32>
        %add3A_2255 = arith.addf %add3A_2227, %mul3A_2254 : vector<16xf32>
        %get3A_2256 = arith.index_cast %add3A_2243 : i32 to index
        %get3A_2257 = arith.constant 32 : index
        %get3A_2258 = tpu.vector_load %arg8[%get3A_2256, %get3A_2257] {strides = array<i32>} : memref<512x64xf32, #tpu.memory_space<vmem>>, vector<16xf32>,
        %add3A_2259 = arith.addf %add3A_2231, %get3A_2258 : vector<16xf32>
        %mul3A_2260 = arith.mulf %get3A_2258, %get3A_2258 : vector<16xf32>
        %add3A_2261 = arith.addf %add3A_2233, %mul3A_2260 : vector<16xf32>
        %get3A_2262 = arith.index_cast %add3A_2243 : i32 to index
        %get3A_2263 = arith.constant 48 : index
        %get3A_2264 = tpu.vector_load %arg8[%get3A_2262, %get3A_2263] {strides = array<i32>} : memref<512x64xf32, #tpu.memory_space<vmem>>, vector<16xf32>,
        %add3A_2265 = arith.addf %add3A_2237, %get3A_2264 : vector<16xf32>
        %mul3A_2266 = arith.mulf %get3A_2264, %get3A_2264 : vector<16xf32>
        %add3A_2267 = arith.addf %add3A_2239, %mul3A_2266 : vector<16xf32>
        %mul3A_2268 = arith.constant 32 : i32
        %mul3A_2269 = arith.muli %add3A_1453, %mul3A_2268 : i32
        %add3A_2270 = arith.constant 29 : i32
        %add3A_2271 = arith.addi %mul3A_2269, %add3A_2270 : i32
        %get3A_2272 = arith.index_cast %add3A_2271 : i32 to index
        %get3A_2273 = arith.constant 0 : index
        %get3A_2274 = tpu.vector_load %arg8[%get3A_2272, %get3A_2273] {strides = array<i32>} : memref<512x64xf32, #tpu.memory_space<vmem>>, vector<16xf32>,
        %add3A_2275 = arith.addf %add3A_2247, %get3A_2274 : vector<16xf32>
        %mul3A_2276 = arith.mulf %get3A_2274, %get3A_2274 : vector<16xf32>
        %add3A_2277 = arith.addf %add3A_2249, %mul3A_2276 : vector<16xf32>
        %get3A_2278 = arith.index_cast %add3A_2271 : i32 to index
        %get3A_2279 = arith.constant 16 : index
        %get3A_2280 = tpu.vector_load %arg8[%get3A_2278, %get3A_2279] {strides = array<i32>} : memref<512x64xf32, #tpu.memory_space<vmem>>, vector<16xf32>,
        %add3A_2281 = arith.addf %add3A_2253, %get3A_2280 : vector<16xf32>
        %mul3A_2282 = arith.mulf %get3A_2280, %get3A_2280 : vector<16xf32>
        %add3A_2283 = arith.addf %add3A_2255, %mul3A_2282 : vector<16xf32>
        %get3A_2284 = arith.index_cast %add3A_2271 : i32 to index
        %get3A_2285 = arith.constant 32 : index
        %get3A_2286 = tpu.vector_load %arg8[%get3A_2284, %get3A_2285] {strides = array<i32>} : memref<512x64xf32, #tpu.memory_space<vmem>>, vector<16xf32>,
        %add3A_2287 = arith.addf %add3A_2259, %get3A_2286 : vector<16xf32>
        %mul3A_2288 = arith.mulf %get3A_2286, %get3A_2286 : vector<16xf32>
        %add3A_2289 = arith.addf %add3A_2261, %mul3A_2288 : vector<16xf32>
        %get3A_2290 = arith.index_cast %add3A_2271 : i32 to index
        %get3A_2291 = arith.constant 48 : index
        %get3A_2292 = tpu.vector_load %arg8[%get3A_2290, %get3A_2291] {strides = array<i32>} : memref<512x64xf32, #tpu.memory_space<vmem>>, vector<16xf32>,
        %add3A_2293 = arith.addf %add3A_2265, %get3A_2292 : vector<16xf32>
        %mul3A_2294 = arith.mulf %get3A_2292, %get3A_2292 : vector<16xf32>
        %add3A_2295 = arith.addf %add3A_2267, %mul3A_2294 : vector<16xf32>
        %mul3A_2296 = arith.constant 32 : i32
        %mul3A_2297 = arith.muli %add3A_1453, %mul3A_2296 : i32
        %add3A_2298 = arith.constant 30 : i32
        %add3A_2299 = arith.addi %mul3A_2297, %add3A_2298 : i32
        %get3A_2300 = arith.index_cast %add3A_2299 : i32 to index
        %get3A_2301 = arith.constant 0 : index
        %get3A_2302 = tpu.vector_load %arg8[%get3A_2300, %get3A_2301] {strides = array<i32>} : memref<512x64xf32, #tpu.memory_space<vmem>>, vector<16xf32>,
        %add3A_2303 = arith.addf %add3A_2275, %get3A_2302 : vector<16xf32>
        %mul3A_2304 = arith.mulf %get3A_2302, %get3A_2302 : vector<16xf32>
        %add3A_2305 = arith.addf %add3A_2277, %mul3A_2304 : vector<16xf32>
        %get3A_2306 = arith.index_cast %add3A_2299 : i32 to index
        %get3A_2307 = arith.constant 16 : index
        %get3A_2308 = tpu.vector_load %arg8[%get3A_2306, %get3A_2307] {strides = array<i32>} : memref<512x64xf32, #tpu.memory_space<vmem>>, vector<16xf32>,
        %add3A_2309 = arith.addf %add3A_2281, %get3A_2308 : vector<16xf32>
        %mul3A_2310 = arith.mulf %get3A_2308, %get3A_2308 : vector<16xf32>
        %add3A_2311 = arith.addf %add3A_2283, %mul3A_2310 : vector<16xf32>
        %get3A_2312 = arith.index_cast %add3A_2299 : i32 to index
        %get3A_2313 = arith.constant 32 : index
        %get3A_2314 = tpu.vector_load %arg8[%get3A_2312, %get3A_2313] {strides = array<i32>} : memref<512x64xf32, #tpu.memory_space<vmem>>, vector<16xf32>,
        %add3A_2315 = arith.addf %add3A_2287, %get3A_2314 : vector<16xf32>
        %mul3A_2316 = arith.mulf %get3A_2314, %get3A_2314 : vector<16xf32>
        %add3A_2317 = arith.addf %add3A_2289, %mul3A_2316 : vector<16xf32>
        %get3A_2318 = arith.index_cast %add3A_2299 : i32 to index
        %get3A_2319 = arith.constant 48 : index
        %get3A_2320 = tpu.vector_load %arg8[%get3A_2318, %get3A_2319] {strides = array<i32>} : memref<512x64xf32, #tpu.memory_space<vmem>>, vector<16xf32>,
        %add3A_2321 = arith.addf %add3A_2293, %get3A_2320 : vector<16xf32>
        %mul3A_2322 = arith.mulf %get3A_2320, %get3A_2320 : vector<16xf32>
        %add3A_2323 = arith.addf %add3A_2295, %mul3A_2322 : vector<16xf32>
        %mul3A_2324 = arith.constant 32 : i32
        %mul3A_2325 = arith.muli %add3A_1453, %mul3A_2324 : i32
        %add3A_2326 = arith.constant 31 : i32
        %add3A_2327 = arith.addi %mul3A_2325, %add3A_2326 : i32
        %get3A_2328 = arith.index_cast %add3A_2327 : i32 to index
        %get3A_2329 = arith.constant 0 : index
        %get3A_2330 = tpu.vector_load %arg8[%get3A_2328, %get3A_2329] {strides = array<i32>} : memref<512x64xf32, #tpu.memory_space<vmem>>, vector<16xf32>,
        %add3A_2331 = arith.addf %add3A_2303, %get3A_2330 : vector<16xf32>
        %mul3A_2332 = arith.mulf %get3A_2330, %get3A_2330 : vector<16xf32>
        %add3A_2333 = arith.addf %add3A_2305, %mul3A_2332 : vector<16xf32>
        %get3A_2334 = arith.index_cast %add3A_2327 : i32 to index
        %get3A_2335 = arith.constant 16 : index
        %get3A_2336 = tpu.vector_load %arg8[%get3A_2334, %get3A_2335] {strides = array<i32>} : memref<512x64xf32, #tpu.memory_space<vmem>>, vector<16xf32>,
        %add3A_2337 = arith.addf %add3A_2309, %get3A_2336 : vector<16xf32>
        %mul3A_2338 = arith.mulf %get3A_2336, %get3A_2336 : vector<16xf32>
        %add3A_2339 = arith.addf %add3A_2311, %mul3A_2338 : vector<16xf32>
        %get3A_2340 = arith.index_cast %add3A_2327 : i32 to index
        %get3A_2341 = arith.constant 32 : index
        %get3A_2342 = tpu.vector_load %arg8[%get3A_2340, %get3A_2341] {strides = array<i32>} : memref<512x64xf32, #tpu.memory_space<vmem>>, vector<16xf32>,
        %add3A_2343 = arith.addf %add3A_2315, %get3A_2342 : vector<16xf32>
        %mul3A_2344 = arith.mulf %get3A_2342, %get3A_2342 : vector<16xf32>
        %add3A_2345 = arith.addf %add3A_2317, %mul3A_2344 : vector<16xf32>
        %get3A_2346 = arith.index_cast %add3A_2327 : i32 to index
        %get3A_2347 = arith.constant 48 : index
        %get3A_2348 = tpu.vector_load %arg8[%get3A_2346, %get3A_2347] {strides = array<i32>} : memref<512x64xf32, #tpu.memory_space<vmem>>, vector<16xf32>,
        %add3A_2349 = arith.addf %add3A_2321, %get3A_2348 : vector<16xf32>
        %mul3A_2350 = arith.mulf %get3A_2348, %get3A_2348 : vector<16xf32>
        %add3A_2351 = arith.addf %add3A_2323, %mul3A_2350 : vector<16xf32>
        %get3A_2352 = arith.index_cast %add3A_1453 : i32 to index
        %get3A_2353 = arith.constant 0 : index
        %get3A_2354 = tpu.vector_load %arg9[%get3A_2352, %get3A_2353] {strides = array<i32>} : memref<16x64xf32, #tpu.memory_space<vmem>>, vector<16xf32>,
        %get3A_2355 = arith.index_cast %add3A_1453 : i32 to index
        %get3A_2356 = arith.constant 0 : index
        %get3A_2357 = tpu.vector_load %arg10[%get3A_2355, %get3A_2356] {strides = array<i32>} : memref<16x64xf32, #tpu.memory_space<vmem>>, vector<16xf32>,
        %mul3A_2358 = arith.mulf %add3A_2331, %add3A_2331 : vector<16xf32>
        %sub3A_2359 = arith.subf %mul3A_2358, %add3A_2333 : vector<16xf32>
        %add3A_2360 = arith.addf %sub3A_2359, %get3A_2354 : vector<16xf32>
        %mul3A_2361 = arith.mulf %get3A_2357, %add3A_2360 : vector<16xf32>
        %add3A_2362 = arith.addf %broadcast_in_dim3A_1455, %mul3A_2361 : vector<16xf32>
        %get3A_2363 = arith.index_cast %add3A_1453 : i32 to index
        %get3A_2364 = arith.constant 16 : index
        %get3A_2365 = tpu.vector_load %arg9[%get3A_2363, %get3A_2364] {strides = array<i32>} : memref<16x64xf32, #tpu.memory_space<vmem>>, vector<16xf32>,
        %get3A_2366 = arith.index_cast %add3A_1453 : i32 to index
        %get3A_2367 = arith.constant 16 : index
        %get3A_2368 = tpu.vector_load %arg10[%get3A_2366, %get3A_2367] {strides = array<i32>} : memref<16x64xf32, #tpu.memory_space<vmem>>, vector<16xf32>,
        %mul3A_2369 = arith.mulf %add3A_2337, %add3A_2337 : vector<16xf32>
        %sub3A_2370 = arith.subf %mul3A_2369, %add3A_2339 : vector<16xf32>
        %add3A_2371 = arith.addf %sub3A_2370, %get3A_2365 : vector<16xf32>
        %mul3A_2372 = arith.mulf %get3A_2368, %add3A_2371 : vector<16xf32>
        %add3A_2373 = arith.addf %add3A_2362, %mul3A_2372 : vector<16xf32>
        %get3A_2374 = arith.index_cast %add3A_1453 : i32 to index
        %get3A_2375 = arith.constant 32 : index
        %get3A_2376 = tpu.vector_load %arg9[%get3A_2374, %get3A_2375] {strides = array<i32>} : memref<16x64xf32, #tpu.memory_space<vmem>>, vector<16xf32>,
        %get3A_2377 = arith.index_cast %add3A_1453 : i32 to index
        %get3A_2378 = arith.constant 32 : index
        %get3A_2379 = tpu.vector_load %arg10[%get3A_2377, %get3A_2378] {strides = array<i32>} : memref<16x64xf32, #tpu.memory_space<vmem>>, vector<16xf32>,
        %mul3A_2380 = arith.mulf %add3A_2343, %add3A_2343 : vector<16xf32>
        %sub3A_2381 = arith.subf %mul3A_2380, %add3A_2345 : vector<16xf32>
        %add3A_2382 = arith.addf %sub3A_2381, %get3A_2376 : vector<16xf32>
        %mul3A_2383 = arith.mulf %get3A_2379, %add3A_2382 : vector<16xf32>
        %add3A_2384 = arith.addf %add3A_2373, %mul3A_2383 : vector<16xf32>
        %get3A_2385 = arith.index_cast %add3A_1453 : i32 to index
        %get3A_2386 = arith.constant 48 : index
        %get3A_2387 = tpu.vector_load %arg9[%get3A_2385, %get3A_2386] {strides = array<i32>} : memref<16x64xf32, #tpu.memory_space<vmem>>, vector<16xf32>,
        %get3A_2388 = arith.index_cast %add3A_1453 : i32 to index
        %get3A_2389 = arith.constant 48 : index
        %get3A_2390 = tpu.vector_load %arg10[%get3A_2388, %get3A_2389] {strides = array<i32>} : memref<16x64xf32, #tpu.memory_space<vmem>>, vector<16xf32>,
        %mul3A_2391 = arith.mulf %add3A_2349, %add3A_2349 : vector<16xf32>
        %sub3A_2392 = arith.subf %mul3A_2391, %add3A_2351 : vector<16xf32>
        %add3A_2393 = arith.addf %sub3A_2392, %get3A_2387 : vector<16xf32>
        %mul3A_2394 = arith.mulf %get3A_2390, %add3A_2393 : vector<16xf32>
        %add3A_2395 = arith.addf %add3A_2384, %mul3A_2394 : vector<16xf32>
        %mul3A_2396 = arith.constant 16 : i32
        %mul3A_2397 = arith.muli %add3A_1453, %mul3A_2396 : i32
        %swap3A_2398 = arith.index_cast %mul3A_2397 : i32 to index
        %swap3A_2399 = tpu.vector_load %arg19[%swap3A_2398] {strides = array<i32>} : memref<256xf32, #tpu.memory_space<vmem>>, vector<16xf32>,
        tpu.vector_store %arg19[%swap3A_2398], %add3A_2395 {strides = array<i32>} : memref<256xf32, #tpu.memory_space<vmem>>, vector<16xf32>,
      }
      %scan3A_135 = arith.constant 8 : i32
      %broadcast_in_dim3A = arith.constant 0.000000e+00 : f32
      %broadcast_in_dim3A_136 = vector.broadcast %broadcast_in_dim3A : f32 to vector<16xf32>
      %mul3A_137 = arith.constant 16 : i32
      %mul3A_138 = vector.broadcast %mul3A_137 : i32 to vector<16xi32>
      %mul3A_139 = arith.muli %iota3A, %mul3A_138 : vector<16xi32>
      %add3A_140 = arith.constant 0 : i32
      %add3A_141 = vector.broadcast %add3A_140 : i32 to vector<16xi32>
      %add3A_142 = arith.addi %mul3A_139, %add3A_141 : vector<16xi32>
      %gather3A = tpu.vector_load_idx %arg19[%add3A_142] : memref<256xf32, #tpu.memory_space<vmem>>[vector<16xi32>], vector<16xf32>,
      %add3A_143 = arith.addf %broadcast_in_dim3A_136, %gather3A : vector<16xf32>
      %mul3A_144 = arith.constant 16 : i32
      %mul3A_145 = vector.broadcast %mul3A_144 : i32 to vector<16xi32>
      %mul3A_146 = arith.muli %iota3A, %mul3A_145 : vector<16xi32>
      %add3A_147 = arith.constant 1 : i32
      %add3A_148 = vector.broadcast %add3A_147 : i32 to vector<16xi32>
      %add3A_149 = arith.addi %mul3A_146, %add3A_148 : vector<16xi32>
      %gather3A_150 = tpu.vector_load_idx %arg19[%add3A_149] : memref<256xf32, #tpu.memory_space<vmem>>[vector<16xi32>], vector<16xf32>,
      %add3A_151 = arith.addf %add3A_143, %gather3A_150 : vector<16xf32>
      %mul3A_152 = arith.constant 16 : i32
      %mul3A_153 = vector.broadcast %mul3A_152 : i32 to vector<16xi32>
      %mul3A_154 = arith.muli %iota3A, %mul3A_153 : vector<16xi32>
      %add3A_155 = arith.constant 2 : i32
      %add3A_156 = vector.broadcast %add3A_155 : i32 to vector<16xi32>
      %add3A_157 = arith.addi %mul3A_154, %add3A_156 : vector<16xi32>
      %gather3A_158 = tpu.vector_load_idx %arg19[%add3A_157] : memref<256xf32, #tpu.memory_space<vmem>>[vector<16xi32>], vector<16xf32>,
      %add3A_159 = arith.addf %add3A_151, %gather3A_158 : vector<16xf32>
      %mul3A_160 = arith.constant 16 : i32
      %mul3A_161 = vector.broadcast %mul3A_160 : i32 to vector<16xi32>
      %mul3A_162 = arith.muli %iota3A, %mul3A_161 : vector<16xi32>
      %add3A_163 = arith.constant 3 : i32
      %add3A_164 = vector.broadcast %add3A_163 : i32 to vector<16xi32>
      %add3A_165 = arith.addi %mul3A_162, %add3A_164 : vector<16xi32>
      %gather3A_166 = tpu.vector_load_idx %arg19[%add3A_165] : memref<256xf32, #tpu.memory_space<vmem>>[vector<16xi32>], vector<16xf32>,
      %add3A_167 = arith.addf %add3A_159, %gather3A_166 : vector<16xf32>
      %mul3A_168 = arith.constant 16 : i32
      %mul3A_169 = vector.broadcast %mul3A_168 : i32 to vector<16xi32>
      %mul3A_170 = arith.muli %iota3A, %mul3A_169 : vector<16xi32>
      %add3A_171 = arith.constant 4 : i32
      %add3A_172 = vector.broadcast %add3A_171 : i32 to vector<16xi32>
      %add3A_173 = arith.addi %mul3A_170, %add3A_172 : vector<16xi32>
      %gather3A_174 = tpu.vector_load_idx %arg19[%add3A_173] : memref<256xf32, #tpu.memory_space<vmem>>[vector<16xi32>], vector<16xf32>,
      %add3A_175 = arith.addf %add3A_167, %gather3A_174 : vector<16xf32>
      %mul3A_176 = arith.constant 16 : i32
      %mul3A_177 = vector.broadcast %mul3A_176 : i32 to vector<16xi32>
      %mul3A_178 = arith.muli %iota3A, %mul3A_177 : vector<16xi32>
      %add3A_179 = arith.constant 5 : i32
      %add3A_180 = vector.broadcast %add3A_179 : i32 to vector<16xi32>
      %add3A_181 = arith.addi %mul3A_178, %add3A_180 : vector<16xi32>
      %gather3A_182 = tpu.vector_load_idx %arg19[%add3A_181] : memref<256xf32, #tpu.memory_space<vmem>>[vector<16xi32>], vector<16xf32>,
      %add3A_183 = arith.addf %add3A_175, %gather3A_182 : vector<16xf32>
      %mul3A_184 = arith.constant 16 : i32
      %mul3A_185 = vector.broadcast %mul3A_184 : i32 to vector<16xi32>
      %mul3A_186 = arith.muli %iota3A, %mul3A_185 : vector<16xi32>
      %add3A_187 = arith.constant 6 : i32
      %add3A_188 = vector.broadcast %add3A_187 : i32 to vector<16xi32>
      %add3A_189 = arith.addi %mul3A_186, %add3A_188 : vector<16xi32>
      %gather3A_190 = tpu.vector_load_idx %arg19[%add3A_189] : memref<256xf32, #tpu.memory_space<vmem>>[vector<16xi32>], vector<16xf32>,
      %add3A_191 = arith.addf %add3A_183, %gather3A_190 : vector<16xf32>
      %mul3A_192 = arith.constant 16 : i32
      %mul3A_193 = vector.broadcast %mul3A_192 : i32 to vector<16xi32>
      %mul3A_194 = arith.muli %iota3A, %mul3A_193 : vector<16xi32>
      %add3A_195 = arith.constant 7 : i32
      %add3A_196 = vector.broadcast %add3A_195 : i32 to vector<16xi32>
      %add3A_197 = arith.addi %mul3A_194, %add3A_196 : vector<16xi32>
      %gather3A_198 = tpu.vector_load_idx %arg19[%add3A_197] : memref<256xf32, #tpu.memory_space<vmem>>[vector<16xi32>], vector<16xf32>,
      %add3A_199 = arith.addf %add3A_191, %gather3A_198 : vector<16xf32>
      %mul3A_200 = arith.constant 16 : i32
      %mul3A_201 = vector.broadcast %mul3A_200 : i32 to vector<16xi32>
      %mul3A_202 = arith.muli %iota3A, %mul3A_201 : vector<16xi32>
      %add3A_203 = arith.constant 8 : i32
      %add3A_204 = vector.broadcast %add3A_203 : i32 to vector<16xi32>
      %add3A_205 = arith.addi %mul3A_202, %add3A_204 : vector<16xi32>
      %gather3A_206 = tpu.vector_load_idx %arg19[%add3A_205] : memref<256xf32, #tpu.memory_space<vmem>>[vector<16xi32>], vector<16xf32>,
      %add3A_207 = arith.addf %add3A_199, %gather3A_206 : vector<16xf32>
      %mul3A_208 = arith.constant 16 : i32
      %mul3A_209 = vector.broadcast %mul3A_208 : i32 to vector<16xi32>
      %mul3A_210 = arith.muli %iota3A, %mul3A_209 : vector<16xi32>
      %add3A_211 = arith.constant 9 : i32
      %add3A_212 = vector.broadcast %add3A_211 : i32 to vector<16xi32>
      %add3A_213 = arith.addi %mul3A_210, %add3A_212 : vector<16xi32>
      %gather3A_214 = tpu.vector_load_idx %arg19[%add3A_213] : memref<256xf32, #tpu.memory_space<vmem>>[vector<16xi32>], vector<16xf32>,
      %add3A_215 = arith.addf %add3A_207, %gather3A_214 : vector<16xf32>
      %mul3A_216 = arith.constant 16 : i32
      %mul3A_217 = vector.broadcast %mul3A_216 : i32 to vector<16xi32>
      %mul3A_218 = arith.muli %iota3A, %mul3A_217 : vector<16xi32>
      %add3A_219 = arith.constant 10 : i32
      %add3A_220 = vector.broadcast %add3A_219 : i32 to vector<16xi32>
      %add3A_221 = arith.addi %mul3A_218, %add3A_220 : vector<16xi32>
      %gather3A_222 = tpu.vector_load_idx %arg19[%add3A_221] : memref<256xf32, #tpu.memory_space<vmem>>[vector<16xi32>], vector<16xf32>,
      %add3A_223 = arith.addf %add3A_215, %gather3A_222 : vector<16xf32>
      %mul3A_224 = arith.constant 16 : i32
      %mul3A_225 = vector.broadcast %mul3A_224 : i32 to vector<16xi32>
      %mul3A_226 = arith.muli %iota3A, %mul3A_225 : vector<16xi32>
      %add3A_227 = arith.constant 11 : i32
      %add3A_228 = vector.broadcast %add3A_227 : i32 to vector<16xi32>
      %add3A_229 = arith.addi %mul3A_226, %add3A_228 : vector<16xi32>
      %gather3A_230 = tpu.vector_load_idx %arg19[%add3A_229] : memref<256xf32, #tpu.memory_space<vmem>>[vector<16xi32>], vector<16xf32>,
      %add3A_231 = arith.addf %add3A_223, %gather3A_230 : vector<16xf32>
      %mul3A_232 = arith.constant 16 : i32
      %mul3A_233 = vector.broadcast %mul3A_232 : i32 to vector<16xi32>
      %mul3A_234 = arith.muli %iota3A, %mul3A_233 : vector<16xi32>
      %add3A_235 = arith.constant 12 : i32
      %add3A_236 = vector.broadcast %add3A_235 : i32 to vector<16xi32>
      %add3A_237 = arith.addi %mul3A_234, %add3A_236 : vector<16xi32>
      %gather3A_238 = tpu.vector_load_idx %arg19[%add3A_237] : memref<256xf32, #tpu.memory_space<vmem>>[vector<16xi32>], vector<16xf32>,
      %add3A_239 = arith.addf %add3A_231, %gather3A_238 : vector<16xf32>
      %mul3A_240 = arith.constant 16 : i32
      %mul3A_241 = vector.broadcast %mul3A_240 : i32 to vector<16xi32>
      %mul3A_242 = arith.muli %iota3A, %mul3A_241 : vector<16xi32>
      %add3A_243 = arith.constant 13 : i32
      %add3A_244 = vector.broadcast %add3A_243 : i32 to vector<16xi32>
      %add3A_245 = arith.addi %mul3A_242, %add3A_244 : vector<16xi32>
      %gather3A_246 = tpu.vector_load_idx %arg19[%add3A_245] : memref<256xf32, #tpu.memory_space<vmem>>[vector<16xi32>], vector<16xf32>,
      %add3A_247 = arith.addf %add3A_239, %gather3A_246 : vector<16xf32>
      %mul3A_248 = arith.constant 16 : i32
      %mul3A_249 = vector.broadcast %mul3A_248 : i32 to vector<16xi32>
      %mul3A_250 = arith.muli %iota3A, %mul3A_249 : vector<16xi32>
      %add3A_251 = arith.constant 14 : i32
      %add3A_252 = vector.broadcast %add3A_251 : i32 to vector<16xi32>
      %add3A_253 = arith.addi %mul3A_250, %add3A_252 : vector<16xi32>
      %gather3A_254 = tpu.vector_load_idx %arg19[%add3A_253] : memref<256xf32, #tpu.memory_space<vmem>>[vector<16xi32>], vector<16xf32>,
      %add3A_255 = arith.addf %add3A_247, %gather3A_254 : vector<16xf32>
      %mul3A_256 = arith.constant 16 : i32
      %mul3A_257 = vector.broadcast %mul3A_256 : i32 to vector<16xi32>
      %mul3A_258 = arith.muli %iota3A, %mul3A_257 : vector<16xi32>
      %add3A_259 = arith.constant 15 : i32
      %add3A_260 = vector.broadcast %add3A_259 : i32 to vector<16xi32>
      %add3A_261 = arith.addi %mul3A_258, %add3A_260 : vector<16xi32>
      %gather3A_262 = tpu.vector_load_idx %arg19[%add3A_261] : memref<256xf32, #tpu.memory_space<vmem>>[vector<16xi32>], vector<16xf32>,
      %add3A_263 = arith.addf %add3A_255, %gather3A_262 : vector<16xf32>
      %neg3A = arith.constant 0.000000e+00 : f32
      %neg3A_264 = vector.broadcast %neg3A : f32 to vector<16xf32>
      %neg3A_265 = arith.subf %neg3A_264, %add3A_263 : vector<16xf32>
      %exp3A = math.exp %neg3A_265 : vector<16xf32>
      %add3A_266 = arith.constant 1.000000e+00 : f32
      %add3A_267 = vector.broadcast %add3A_266 : f32 to vector<16xf32>
      %add3A_268 = arith.addf %add3A_267, %exp3A : vector<16xf32>
      %div3A = arith.constant 1.000000e+00 : f32
      %div3A_269 = vector.broadcast %div3A : f32 to vector<16xf32>
      %div3A_270 = arith.divf %div3A_269, %add3A_268 : vector<16xf32>
      %mul3A_271 = arith.constant 16 : i32
      %mul3A_272 = arith.muli %add3A_58, %mul3A_271 : i32
      %swap3A = arith.index_cast %mul3A_272 : i32 to index
      %swap3A_273 = tpu.vector_load %arg20[%swap3A] {strides = array<i32>} : memref<512xf32, #tpu.memory_space<vmem>>, vector<16xf32>,
      tpu.vector_store %arg20[%swap3A], %div3A_270 {strides = array<i32>} : memref<512xf32, #tpu.memory_space<vmem>>, vector<16xf32>,
      %mul3A_274 = arith.constant 2 : i32
      %mul3A_275 = arith.muli %add3A_54, %mul3A_274 : i32
      %add3A_276 = arith.constant 1 : i32
      %add3A_277 = arith.addi %mul3A_275, %add3A_276 : i32
      %add3A_278 = arith.constant 1 : i32
      %add3A_279 = arith.addi %add3A_277, %add3A_278 : i32
      %lt3A_280 = arith.constant 32 : i32
      %lt3A_281 = arith.cmpi slt, %add3A_279, %lt3A_280 : i32
      %convert_element_type3A_282 = arith.extui %lt3A_281 : i1 to i32
      %cond3A_283 = arith.constant 0 : i32
      %cond3A_284 = arith.cmpi ne, %convert_element_type3A_282, %cond3A_283 : i32
      scf.if %cond3A_284 {
        %mul3A_503 = arith.constant 16 : i32
        %mul3A_504 = arith.muli %add3A_279, %mul3A_503 : i32
        %mul3A_505 = arith.constant 32 : i32
        %mul3A_506 = arith.muli %mul3A_504, %mul3A_505 : i32
        %add3A_507 = arith.constant 0 : i32
        %add3A_508 = arith.addi %mul3A_506, %add3A_507 : i32
        %mul3A_509 = arith.constant 16 : i32
        %mul3A_510 = arith.muli %add3A_279, %mul3A_509 : i32
        %mul3A_511 = arith.constant 32 : i32
        %mul3A_512 = arith.muli %mul3A_510, %mul3A_511 : i32
        %add3A_513 = arith.constant 128 : i32
        %add3A_514 = arith.addi %mul3A_512, %add3A_513 : i32
        %mul3A_515 = arith.constant 16 : i32
        %mul3A_516 = arith.muli %add3A_279, %mul3A_515 : i32
        %mul3A_517 = arith.constant 32 : i32
        %mul3A_518 = arith.muli %mul3A_516, %mul3A_517 : i32
        %add3A_519 = arith.constant 256 : i32
        %add3A_520 = arith.addi %mul3A_518, %add3A_519 : i32
        %mul3A_521 = arith.constant 16 : i32
        %mul3A_522 = arith.muli %add3A_279, %mul3A_521 : i32
        %mul3A_523 = arith.constant 32 : i32
        %mul3A_524 = arith.muli %mul3A_522, %mul3A_523 : i32
        %add3A_525 = arith.constant 384 : i32
        %add3A_526 = arith.addi %mul3A_524, %add3A_525 : i32
        %mul3A_527 = arith.constant 16 : i32
        %mul3A_528 = arith.muli %add3A_279, %mul3A_527 : i32
        %mul3A_529 = arith.constant 16 : i32
        %mul3A_530 = arith.muli %add3A_279, %mul3A_529 : i32
        %dma_start3A_531 = arith.constant 0 : i32
        %dma_start3A_532 = arith.constant 0 : i32
        %dma_start3A_533 = tpu.memref_slice %arg8[%dma_start3A_531, %dma_start3A_532] : memref<512x64xf32, #tpu.memory_space<vmem>> -> memref<128x64xf32, #tpu.memory_space<vmem>>
        %dma_start3A_534 = tpu.memref_slice %arg16[%add3A_508] : memref<16384xi32, #tpu.memory_space<vmem>> -> memref<128xi32, #tpu.memory_space<vmem>>
        %dma_start3A_535 = arith.constant 0 : i32
        %dma_start3A_536 = arith.constant 0 : i32
        %dma_start3A_537 = tpu.memref_slice %arg5[%dma_start3A_535, %dma_start3A_536] : memref<106496x64xf32, #tpu.memory_space<hbm>> -> memref<106496x64xf32, #tpu.memory_space<hbm>>
        tpu.enqueue_indirect_dma source(%dma_start3A_537 : memref<106496x64xf32, #tpu.memory_space<hbm>>) target(%dma_start3A_533 : memref<128x64xf32, #tpu.memory_space<vmem>>) offsets(%dma_start3A_534 : memref<128xi32, #tpu.memory_space<vmem>>) semaphore(%arg11 : memref<!tpu.dma_semaphore, #tpu.memory_space<semaphore_mem>>)
        %dma_start3A_538 = arith.constant 128 : i32
        %dma_start3A_539 = arith.constant 0 : i32
        %dma_start3A_540 = tpu.memref_slice %arg8[%dma_start3A_538, %dma_start3A_539] : memref<512x64xf32, #tpu.memory_space<vmem>> -> memref<128x64xf32, #tpu.memory_space<vmem>>
        %dma_start3A_541 = tpu.memref_slice %arg16[%add3A_514] : memref<16384xi32, #tpu.memory_space<vmem>> -> memref<128xi32, #tpu.memory_space<vmem>>
        %dma_start3A_542 = arith.constant 0 : i32
        %dma_start3A_543 = arith.constant 0 : i32
        %dma_start3A_544 = tpu.memref_slice %arg5[%dma_start3A_542, %dma_start3A_543] : memref<106496x64xf32, #tpu.memory_space<hbm>> -> memref<106496x64xf32, #tpu.memory_space<hbm>>
        tpu.enqueue_indirect_dma source(%dma_start3A_544 : memref<106496x64xf32, #tpu.memory_space<hbm>>) target(%dma_start3A_540 : memref<128x64xf32, #tpu.memory_space<vmem>>) offsets(%dma_start3A_541 : memref<128xi32, #tpu.memory_space<vmem>>) semaphore(%arg11 : memref<!tpu.dma_semaphore, #tpu.memory_space<semaphore_mem>>)
        %dma_start3A_545 = arith.constant 256 : i32
        %dma_start3A_546 = arith.constant 0 : i32
        %dma_start3A_547 = tpu.memref_slice %arg8[%dma_start3A_545, %dma_start3A_546] : memref<512x64xf32, #tpu.memory_space<vmem>> -> memref<128x64xf32, #tpu.memory_space<vmem>>
        %dma_start3A_548 = tpu.memref_slice %arg16[%add3A_520] : memref<16384xi32, #tpu.memory_space<vmem>> -> memref<128xi32, #tpu.memory_space<vmem>>
        %dma_start3A_549 = arith.constant 0 : i32
        %dma_start3A_550 = arith.constant 0 : i32
        %dma_start3A_551 = tpu.memref_slice %arg5[%dma_start3A_549, %dma_start3A_550] : memref<106496x64xf32, #tpu.memory_space<hbm>> -> memref<106496x64xf32, #tpu.memory_space<hbm>>
        tpu.enqueue_indirect_dma source(%dma_start3A_551 : memref<106496x64xf32, #tpu.memory_space<hbm>>) target(%dma_start3A_547 : memref<128x64xf32, #tpu.memory_space<vmem>>) offsets(%dma_start3A_548 : memref<128xi32, #tpu.memory_space<vmem>>) semaphore(%arg11 : memref<!tpu.dma_semaphore, #tpu.memory_space<semaphore_mem>>)
        %dma_start3A_552 = arith.constant 384 : i32
        %dma_start3A_553 = arith.constant 0 : i32
        %dma_start3A_554 = tpu.memref_slice %arg8[%dma_start3A_552, %dma_start3A_553] : memref<512x64xf32, #tpu.memory_space<vmem>> -> memref<128x64xf32, #tpu.memory_space<vmem>>
        %dma_start3A_555 = tpu.memref_slice %arg16[%add3A_526] : memref<16384xi32, #tpu.memory_space<vmem>> -> memref<128xi32, #tpu.memory_space<vmem>>
        %dma_start3A_556 = arith.constant 0 : i32
        %dma_start3A_557 = arith.constant 0 : i32
        %dma_start3A_558 = tpu.memref_slice %arg5[%dma_start3A_556, %dma_start3A_557] : memref<106496x64xf32, #tpu.memory_space<hbm>> -> memref<106496x64xf32, #tpu.memory_space<hbm>>
        tpu.enqueue_indirect_dma source(%dma_start3A_558 : memref<106496x64xf32, #tpu.memory_space<hbm>>) target(%dma_start3A_554 : memref<128x64xf32, #tpu.memory_space<vmem>>) offsets(%dma_start3A_555 : memref<128xi32, #tpu.memory_space<vmem>>) semaphore(%arg11 : memref<!tpu.dma_semaphore, #tpu.memory_space<semaphore_mem>>)
        %dma_start3A_559 = tpu.memref_slice %arg17[%mul3A_528] : memref<512xi32, #tpu.memory_space<vmem>> -> memref<16xi32, #tpu.memory_space<vmem>>
        %dma_start3A_560 = arith.constant 0 : i32
        %dma_start3A_561 = arith.constant 0 : i32
        %dma_start3A_562 = tpu.memref_slice %arg5[%dma_start3A_560, %dma_start3A_561] : memref<106496x64xf32, #tpu.memory_space<hbm>> -> memref<106496x64xf32, #tpu.memory_space<hbm>>
        tpu.enqueue_indirect_dma source(%dma_start3A_562 : memref<106496x64xf32, #tpu.memory_space<hbm>>) target(%arg9 : memref<16x64xf32, #tpu.memory_space<vmem>>) offsets(%dma_start3A_559 : memref<16xi32, #tpu.memory_space<vmem>>) semaphore(%arg11 : memref<!tpu.dma_semaphore, #tpu.memory_space<semaphore_mem>>)
        %dma_start3A_563 = tpu.memref_slice %arg18[%mul3A_530] : memref<512xi32, #tpu.memory_space<vmem>> -> memref<16xi32, #tpu.memory_space<vmem>>
        %dma_start3A_564 = arith.constant 0 : i32
        %dma_start3A_565 = arith.constant 0 : i32
        %dma_start3A_566 = tpu.memref_slice %arg6[%dma_start3A_564, %dma_start3A_565] : memref<106496x64xf32, #tpu.memory_space<hbm>> -> memref<106496x64xf32, #tpu.memory_space<hbm>>
        tpu.enqueue_indirect_dma source(%dma_start3A_566 : memref<106496x64xf32, #tpu.memory_space<hbm>>) target(%arg10 : memref<16x64xf32, #tpu.memory_space<vmem>>) offsets(%dma_start3A_563 : memref<16xi32, #tpu.memory_space<vmem>>) semaphore(%arg11 : memref<!tpu.dma_semaphore, #tpu.memory_space<semaphore_mem>>)
      } else {
      }
      %mul3A_285 = arith.constant 512 : i32
      %mul3A_286 = arith.muli %add3A, %mul3A_285 : i32
      %mul3A_287 = arith.constant 16 : i32
      %mul3A_288 = arith.muli %add3A_277, %mul3A_287 : i32
      %add3A_289 = arith.addi %mul3A_286, %mul3A_288 : i32
      %mul3A_290 = arith.constant 16 : i32
      %mul3A_291 = arith.muli %add3A_277, %mul3A_290 : i32
      %mul3A_292 = arith.constant 32 : i32
      %mul3A_293 = arith.muli %mul3A_291, %mul3A_292 : i32
      %add3A_294 = arith.constant 0 : i32
      %add3A_295 = arith.addi %mul3A_293, %add3A_294 : i32
      %mul3A_296 = arith.constant 16 : i32
      %mul3A_297 = arith.muli %add3A_277, %mul3A_296 : i32
      %mul3A_298 = arith.constant 32 : i32
      %mul3A_299 = arith.muli %mul3A_297, %mul3A_298 : i32
      %add3A_300 = arith.constant 128 : i32
      %add3A_301 = arith.addi %mul3A_299, %add3A_300 : i32
      %mul3A_302 = arith.constant 16 : i32
      %mul3A_303 = arith.muli %add3A_277, %mul3A_302 : i32
      %mul3A_304 = arith.constant 32 : i32
      %mul3A_305 = arith.muli %mul3A_303, %mul3A_304 : i32
      %add3A_306 = arith.constant 256 : i32
      %add3A_307 = arith.addi %mul3A_305, %add3A_306 : i32
      %mul3A_308 = arith.constant 16 : i32
      %mul3A_309 = arith.muli %add3A_277, %mul3A_308 : i32
      %mul3A_310 = arith.constant 32 : i32
      %mul3A_311 = arith.muli %mul3A_309, %mul3A_310 : i32
      %add3A_312 = arith.constant 384 : i32
      %add3A_313 = arith.addi %mul3A_311, %add3A_312 : i32
      %mul3A_314 = arith.constant 16 : i32
      %mul3A_315 = arith.muli %add3A_277, %mul3A_314 : i32
      %mul3A_316 = arith.constant 16 : i32
      %mul3A_317 = arith.muli %add3A_277, %mul3A_316 : i32
      %dma_wait3A_318 = arith.constant 0 : i32
      %dma_wait3A_319 = arith.constant 0 : i32
      %dma_wait3A_320 = tpu.memref_slice %arg12[%dma_wait3A_318, %dma_wait3A_319] : memref<512x64xf32, #tpu.memory_space<vmem>> -> memref<128x64xf32, #tpu.memory_space<vmem>>
      %dma_wait3A_321 = tpu.memref_slice %arg16[%add3A_295] : memref<16384xi32, #tpu.memory_space<vmem>> -> memref<128xi32, #tpu.memory_space<vmem>>
      %dma_wait3A_322 = arith.constant 0 : i32
      %dma_wait3A_323 = arith.constant 0 : i32
      %dma_wait3A_324 = tpu.memref_slice %arg5[%dma_wait3A_322, %dma_wait3A_323] : memref<106496x64xf32, #tpu.memory_space<hbm>> -> memref<106496x64xf32, #tpu.memory_space<hbm>>
      tpu.wait_indirect_dma semaphore(%arg15 : memref<!tpu.dma_semaphore, #tpu.memory_space<semaphore_mem>>) src(%dma_wait3A_324 : memref<106496x64xf32, #tpu.memory_space<hbm>>) dst(%dma_wait3A_320 : memref<128x64xf32, #tpu.memory_space<vmem>>)
      %dma_wait3A_325 = arith.constant 128 : i32
      %dma_wait3A_326 = arith.constant 0 : i32
      %dma_wait3A_327 = tpu.memref_slice %arg12[%dma_wait3A_325, %dma_wait3A_326] : memref<512x64xf32, #tpu.memory_space<vmem>> -> memref<128x64xf32, #tpu.memory_space<vmem>>
      %dma_wait3A_328 = tpu.memref_slice %arg16[%add3A_301] : memref<16384xi32, #tpu.memory_space<vmem>> -> memref<128xi32, #tpu.memory_space<vmem>>
      %dma_wait3A_329 = arith.constant 0 : i32
      %dma_wait3A_330 = arith.constant 0 : i32
      %dma_wait3A_331 = tpu.memref_slice %arg5[%dma_wait3A_329, %dma_wait3A_330] : memref<106496x64xf32, #tpu.memory_space<hbm>> -> memref<106496x64xf32, #tpu.memory_space<hbm>>
      tpu.wait_indirect_dma semaphore(%arg15 : memref<!tpu.dma_semaphore, #tpu.memory_space<semaphore_mem>>) src(%dma_wait3A_331 : memref<106496x64xf32, #tpu.memory_space<hbm>>) dst(%dma_wait3A_327 : memref<128x64xf32, #tpu.memory_space<vmem>>)
      %dma_wait3A_332 = arith.constant 256 : i32
      %dma_wait3A_333 = arith.constant 0 : i32
      %dma_wait3A_334 = tpu.memref_slice %arg12[%dma_wait3A_332, %dma_wait3A_333] : memref<512x64xf32, #tpu.memory_space<vmem>> -> memref<128x64xf32, #tpu.memory_space<vmem>>
      %dma_wait3A_335 = tpu.memref_slice %arg16[%add3A_307] : memref<16384xi32, #tpu.memory_space<vmem>> -> memref<128xi32, #tpu.memory_space<vmem>>
      %dma_wait3A_336 = arith.constant 0 : i32
      %dma_wait3A_337 = arith.constant 0 : i32
      %dma_wait3A_338 = tpu.memref_slice %arg5[%dma_wait3A_336, %dma_wait3A_337] : memref<106496x64xf32, #tpu.memory_space<hbm>> -> memref<106496x64xf32, #tpu.memory_space<hbm>>
      tpu.wait_indirect_dma semaphore(%arg15 : memref<!tpu.dma_semaphore, #tpu.memory_space<semaphore_mem>>) src(%dma_wait3A_338 : memref<106496x64xf32, #tpu.memory_space<hbm>>) dst(%dma_wait3A_334 : memref<128x64xf32, #tpu.memory_space<vmem>>)
      %dma_wait3A_339 = arith.constant 384 : i32
      %dma_wait3A_340 = arith.constant 0 : i32
      %dma_wait3A_341 = tpu.memref_slice %arg12[%dma_wait3A_339, %dma_wait3A_340] : memref<512x64xf32, #tpu.memory_space<vmem>> -> memref<128x64xf32, #tpu.memory_space<vmem>>
      %dma_wait3A_342 = tpu.memref_slice %arg16[%add3A_313] : memref<16384xi32, #tpu.memory_space<vmem>> -> memref<128xi32, #tpu.memory_space<vmem>>
      %dma_wait3A_343 = arith.constant 0 : i32
      %dma_wait3A_344 = arith.constant 0 : i32
      %dma_wait3A_345 = tpu.memref_slice %arg5[%dma_wait3A_343, %dma_wait3A_344] : memref<106496x64xf32, #tpu.memory_space<hbm>> -> memref<106496x64xf32, #tpu.memory_space<hbm>>
      tpu.wait_indirect_dma semaphore(%arg15 : memref<!tpu.dma_semaphore, #tpu.memory_space<semaphore_mem>>) src(%dma_wait3A_345 : memref<106496x64xf32, #tpu.memory_space<hbm>>) dst(%dma_wait3A_341 : memref<128x64xf32, #tpu.memory_space<vmem>>)
      %dma_wait3A_346 = tpu.memref_slice %arg17[%mul3A_315] : memref<512xi32, #tpu.memory_space<vmem>> -> memref<16xi32, #tpu.memory_space<vmem>>
      %dma_wait3A_347 = arith.constant 0 : i32
      %dma_wait3A_348 = arith.constant 0 : i32
      %dma_wait3A_349 = tpu.memref_slice %arg5[%dma_wait3A_347, %dma_wait3A_348] : memref<106496x64xf32, #tpu.memory_space<hbm>> -> memref<106496x64xf32, #tpu.memory_space<hbm>>
      tpu.wait_indirect_dma semaphore(%arg15 : memref<!tpu.dma_semaphore, #tpu.memory_space<semaphore_mem>>) src(%dma_wait3A_349 : memref<106496x64xf32, #tpu.memory_space<hbm>>) dst(%arg13 : memref<16x64xf32, #tpu.memory_space<vmem>>)
      %dma_wait3A_350 = tpu.memref_slice %arg18[%mul3A_317] : memref<512xi32, #tpu.memory_space<vmem>> -> memref<16xi32, #tpu.memory_space<vmem>>
      %dma_wait3A_351 = arith.constant 0 : i32
      %dma_wait3A_352 = arith.constant 0 : i32
      %dma_wait3A_353 = tpu.memref_slice %arg6[%dma_wait3A_351, %dma_wait3A_352] : memref<106496x64xf32, #tpu.memory_space<hbm>> -> memref<106496x64xf32, #tpu.memory_space<hbm>>
      tpu.wait_indirect_dma semaphore(%arg15 : memref<!tpu.dma_semaphore, #tpu.memory_space<semaphore_mem>>) src(%dma_wait3A_353 : memref<106496x64xf32, #tpu.memory_space<hbm>>) dst(%arg14 : memref<16x64xf32, #tpu.memory_space<vmem>>)
      %scan3A_354 = arith.constant 0 : i32
      %scan3A_355 = arith.constant 8 : i32
      %scan3A_356 = arith.addi %scan3A_354, %scan3A_355 : i32
      %scan3A_357 = arith.constant 1 : i32
      scf.for %scan3A_503 = %scan3A_354 to %scan3A_356 step %scan3A_357  : i32 {
        %mul3A_504 = arith.constant 2 : i32
        %mul3A_505 = arith.muli %scan3A_503, %mul3A_504 : i32
        %add3A_506 = arith.constant 0 : i32
        %add3A_507 = arith.addi %add3A_506, %mul3A_505 : i32
        %broadcast_in_dim3A_508 = arith.constant 0.000000e+00 : f32
        %broadcast_in_dim3A_509 = vector.broadcast %broadcast_in_dim3A_508 : f32 to vector<16xf32>
        %mul3A_510 = arith.constant 32 : i32
        %mul3A_511 = arith.muli %add3A_507, %mul3A_510 : i32
        %add3A_512 = arith.constant 0 : i32
        %add3A_513 = arith.addi %mul3A_511, %add3A_512 : i32
        %get3A = arith.index_cast %add3A_513 : i32 to index
        %get3A_514 = arith.constant 0 : index
        %get3A_515 = tpu.vector_load %arg12[%get3A, %get3A_514] {strides = array<i32>} : memref<512x64xf32, #tpu.memory_space<vmem>>, vector<16xf32>,
        %add3A_516 = arith.addf %broadcast_in_dim3A_509, %get3A_515 : vector<16xf32>
        %mul3A_517 = arith.mulf %get3A_515, %get3A_515 : vector<16xf32>
        %add3A_518 = arith.addf %broadcast_in_dim3A_509, %mul3A_517 : vector<16xf32>
        %get3A_519 = arith.index_cast %add3A_513 : i32 to index
        %get3A_520 = arith.constant 16 : index
        %get3A_521 = tpu.vector_load %arg12[%get3A_519, %get3A_520] {strides = array<i32>} : memref<512x64xf32, #tpu.memory_space<vmem>>, vector<16xf32>,
        %add3A_522 = arith.addf %broadcast_in_dim3A_509, %get3A_521 : vector<16xf32>
        %mul3A_523 = arith.mulf %get3A_521, %get3A_521 : vector<16xf32>
        %add3A_524 = arith.addf %broadcast_in_dim3A_509, %mul3A_523 : vector<16xf32>
        %get3A_525 = arith.index_cast %add3A_513 : i32 to index
        %get3A_526 = arith.constant 32 : index
        %get3A_527 = tpu.vector_load %arg12[%get3A_525, %get3A_526] {strides = array<i32>} : memref<512x64xf32, #tpu.memory_space<vmem>>, vector<16xf32>,
        %add3A_528 = arith.addf %broadcast_in_dim3A_509, %get3A_527 : vector<16xf32>
        %mul3A_529 = arith.mulf %get3A_527, %get3A_527 : vector<16xf32>
        %add3A_530 = arith.addf %broadcast_in_dim3A_509, %mul3A_529 : vector<16xf32>
        %get3A_531 = arith.index_cast %add3A_513 : i32 to index
        %get3A_532 = arith.constant 48 : index
        %get3A_533 = tpu.vector_load %arg12[%get3A_531, %get3A_532] {strides = array<i32>} : memref<512x64xf32, #tpu.memory_space<vmem>>, vector<16xf32>,
        %add3A_534 = arith.addf %broadcast_in_dim3A_509, %get3A_533 : vector<16xf32>
        %mul3A_535 = arith.mulf %get3A_533, %get3A_533 : vector<16xf32>
        %add3A_536 = arith.addf %broadcast_in_dim3A_509, %mul3A_535 : vector<16xf32>
        %mul3A_537 = arith.constant 32 : i32
        %mul3A_538 = arith.muli %add3A_507, %mul3A_537 : i32
        %add3A_539 = arith.constant 1 : i32
        %add3A_540 = arith.addi %mul3A_538, %add3A_539 : i32
        %get3A_541 = arith.index_cast %add3A_540 : i32 to index
        %get3A_542 = arith.constant 0 : index
        %get3A_543 = tpu.vector_load %arg12[%get3A_541, %get3A_542] {strides = array<i32>} : memref<512x64xf32, #tpu.memory_space<vmem>>, vector<16xf32>,
        %add3A_544 = arith.addf %add3A_516, %get3A_543 : vector<16xf32>
        %mul3A_545 = arith.mulf %get3A_543, %get3A_543 : vector<16xf32>
        %add3A_546 = arith.addf %add3A_518, %mul3A_545 : vector<16xf32>
        %get3A_547 = arith.index_cast %add3A_540 : i32 to index
        %get3A_548 = arith.constant 16 : index
        %get3A_549 = tpu.vector_load %arg12[%get3A_547, %get3A_548] {strides = array<i32>} : memref<512x64xf32, #tpu.memory_space<vmem>>, vector<16xf32>,
        %add3A_550 = arith.addf %add3A_522, %get3A_549 : vector<16xf32>
        %mul3A_551 = arith.mulf %get3A_549, %get3A_549 : vector<16xf32>
        %add3A_552 = arith.addf %add3A_524, %mul3A_551 : vector<16xf32>
        %get3A_553 = arith.index_cast %add3A_540 : i32 to index
        %get3A_554 = arith.constant 32 : index
        %get3A_555 = tpu.vector_load %arg12[%get3A_553, %get3A_554] {strides = array<i32>} : memref<512x64xf32, #tpu.memory_space<vmem>>, vector<16xf32>,
        %add3A_556 = arith.addf %add3A_528, %get3A_555 : vector<16xf32>
        %mul3A_557 = arith.mulf %get3A_555, %get3A_555 : vector<16xf32>
        %add3A_558 = arith.addf %add3A_530, %mul3A_557 : vector<16xf32>
        %get3A_559 = arith.index_cast %add3A_540 : i32 to index
        %get3A_560 = arith.constant 48 : index
        %get3A_561 = tpu.vector_load %arg12[%get3A_559, %get3A_560] {strides = array<i32>} : memref<512x64xf32, #tpu.memory_space<vmem>>, vector<16xf32>,
        %add3A_562 = arith.addf %add3A_534, %get3A_561 : vector<16xf32>
        %mul3A_563 = arith.mulf %get3A_561, %get3A_561 : vector<16xf32>
        %add3A_564 = arith.addf %add3A_536, %mul3A_563 : vector<16xf32>
        %mul3A_565 = arith.constant 32 : i32
        %mul3A_566 = arith.muli %add3A_507, %mul3A_565 : i32
        %add3A_567 = arith.constant 2 : i32
        %add3A_568 = arith.addi %mul3A_566, %add3A_567 : i32
        %get3A_569 = arith.index_cast %add3A_568 : i32 to index
        %get3A_570 = arith.constant 0 : index
        %get3A_571 = tpu.vector_load %arg12[%get3A_569, %get3A_570] {strides = array<i32>} : memref<512x64xf32, #tpu.memory_space<vmem>>, vector<16xf32>,
        %add3A_572 = arith.addf %add3A_544, %get3A_571 : vector<16xf32>
        %mul3A_573 = arith.mulf %get3A_571, %get3A_571 : vector<16xf32>
        %add3A_574 = arith.addf %add3A_546, %mul3A_573 : vector<16xf32>
        %get3A_575 = arith.index_cast %add3A_568 : i32 to index
        %get3A_576 = arith.constant 16 : index
        %get3A_577 = tpu.vector_load %arg12[%get3A_575, %get3A_576] {strides = array<i32>} : memref<512x64xf32, #tpu.memory_space<vmem>>, vector<16xf32>,
        %add3A_578 = arith.addf %add3A_550, %get3A_577 : vector<16xf32>
        %mul3A_579 = arith.mulf %get3A_577, %get3A_577 : vector<16xf32>
        %add3A_580 = arith.addf %add3A_552, %mul3A_579 : vector<16xf32>
        %get3A_581 = arith.index_cast %add3A_568 : i32 to index
        %get3A_582 = arith.constant 32 : index
        %get3A_583 = tpu.vector_load %arg12[%get3A_581, %get3A_582] {strides = array<i32>} : memref<512x64xf32, #tpu.memory_space<vmem>>, vector<16xf32>,
        %add3A_584 = arith.addf %add3A_556, %get3A_583 : vector<16xf32>
        %mul3A_585 = arith.mulf %get3A_583, %get3A_583 : vector<16xf32>
        %add3A_586 = arith.addf %add3A_558, %mul3A_585 : vector<16xf32>
        %get3A_587 = arith.index_cast %add3A_568 : i32 to index
        %get3A_588 = arith.constant 48 : index
        %get3A_589 = tpu.vector_load %arg12[%get3A_587, %get3A_588] {strides = array<i32>} : memref<512x64xf32, #tpu.memory_space<vmem>>, vector<16xf32>,
        %add3A_590 = arith.addf %add3A_562, %get3A_589 : vector<16xf32>
        %mul3A_591 = arith.mulf %get3A_589, %get3A_589 : vector<16xf32>
        %add3A_592 = arith.addf %add3A_564, %mul3A_591 : vector<16xf32>
        %mul3A_593 = arith.constant 32 : i32
        %mul3A_594 = arith.muli %add3A_507, %mul3A_593 : i32
        %add3A_595 = arith.constant 3 : i32
        %add3A_596 = arith.addi %mul3A_594, %add3A_595 : i32
        %get3A_597 = arith.index_cast %add3A_596 : i32 to index
        %get3A_598 = arith.constant 0 : index
        %get3A_599 = tpu.vector_load %arg12[%get3A_597, %get3A_598] {strides = array<i32>} : memref<512x64xf32, #tpu.memory_space<vmem>>, vector<16xf32>,
        %add3A_600 = arith.addf %add3A_572, %get3A_599 : vector<16xf32>
        %mul3A_601 = arith.mulf %get3A_599, %get3A_599 : vector<16xf32>
        %add3A_602 = arith.addf %add3A_574, %mul3A_601 : vector<16xf32>
        %get3A_603 = arith.index_cast %add3A_596 : i32 to index
        %get3A_604 = arith.constant 16 : index
        %get3A_605 = tpu.vector_load %arg12[%get3A_603, %get3A_604] {strides = array<i32>} : memref<512x64xf32, #tpu.memory_space<vmem>>, vector<16xf32>,
        %add3A_606 = arith.addf %add3A_578, %get3A_605 : vector<16xf32>
        %mul3A_607 = arith.mulf %get3A_605, %get3A_605 : vector<16xf32>
        %add3A_608 = arith.addf %add3A_580, %mul3A_607 : vector<16xf32>
        %get3A_609 = arith.index_cast %add3A_596 : i32 to index
        %get3A_610 = arith.constant 32 : index
        %get3A_611 = tpu.vector_load %arg12[%get3A_609, %get3A_610] {strides = array<i32>} : memref<512x64xf32, #tpu.memory_space<vmem>>, vector<16xf32>,
        %add3A_612 = arith.addf %add3A_584, %get3A_611 : vector<16xf32>
        %mul3A_613 = arith.mulf %get3A_611, %get3A_611 : vector<16xf32>
        %add3A_614 = arith.addf %add3A_586, %mul3A_613 : vector<16xf32>
        %get3A_615 = arith.index_cast %add3A_596 : i32 to index
        %get3A_616 = arith.constant 48 : index
        %get3A_617 = tpu.vector_load %arg12[%get3A_615, %get3A_616] {strides = array<i32>} : memref<512x64xf32, #tpu.memory_space<vmem>>, vector<16xf32>,
        %add3A_618 = arith.addf %add3A_590, %get3A_617 : vector<16xf32>
        %mul3A_619 = arith.mulf %get3A_617, %get3A_617 : vector<16xf32>
        %add3A_620 = arith.addf %add3A_592, %mul3A_619 : vector<16xf32>
        %mul3A_621 = arith.constant 32 : i32
        %mul3A_622 = arith.muli %add3A_507, %mul3A_621 : i32
        %add3A_623 = arith.constant 4 : i32
        %add3A_624 = arith.addi %mul3A_622, %add3A_623 : i32
        %get3A_625 = arith.index_cast %add3A_624 : i32 to index
        %get3A_626 = arith.constant 0 : index
        %get3A_627 = tpu.vector_load %arg12[%get3A_625, %get3A_626] {strides = array<i32>} : memref<512x64xf32, #tpu.memory_space<vmem>>, vector<16xf32>,
        %add3A_628 = arith.addf %add3A_600, %get3A_627 : vector<16xf32>
        %mul3A_629 = arith.mulf %get3A_627, %get3A_627 : vector<16xf32>
        %add3A_630 = arith.addf %add3A_602, %mul3A_629 : vector<16xf32>
        %get3A_631 = arith.index_cast %add3A_624 : i32 to index
        %get3A_632 = arith.constant 16 : index
        %get3A_633 = tpu.vector_load %arg12[%get3A_631, %get3A_632] {strides = array<i32>} : memref<512x64xf32, #tpu.memory_space<vmem>>, vector<16xf32>,
        %add3A_634 = arith.addf %add3A_606, %get3A_633 : vector<16xf32>
        %mul3A_635 = arith.mulf %get3A_633, %get3A_633 : vector<16xf32>
        %add3A_636 = arith.addf %add3A_608, %mul3A_635 : vector<16xf32>
        %get3A_637 = arith.index_cast %add3A_624 : i32 to index
        %get3A_638 = arith.constant 32 : index
        %get3A_639 = tpu.vector_load %arg12[%get3A_637, %get3A_638] {strides = array<i32>} : memref<512x64xf32, #tpu.memory_space<vmem>>, vector<16xf32>,
        %add3A_640 = arith.addf %add3A_612, %get3A_639 : vector<16xf32>
        %mul3A_641 = arith.mulf %get3A_639, %get3A_639 : vector<16xf32>
        %add3A_642 = arith.addf %add3A_614, %mul3A_641 : vector<16xf32>
        %get3A_643 = arith.index_cast %add3A_624 : i32 to index
        %get3A_644 = arith.constant 48 : index
        %get3A_645 = tpu.vector_load %arg12[%get3A_643, %get3A_644] {strides = array<i32>} : memref<512x64xf32, #tpu.memory_space<vmem>>, vector<16xf32>,
        %add3A_646 = arith.addf %add3A_618, %get3A_645 : vector<16xf32>
        %mul3A_647 = arith.mulf %get3A_645, %get3A_645 : vector<16xf32>
        %add3A_648 = arith.addf %add3A_620, %mul3A_647 : vector<16xf32>
        %mul3A_649 = arith.constant 32 : i32
        %mul3A_650 = arith.muli %add3A_507, %mul3A_649 : i32
        %add3A_651 = arith.constant 5 : i32
        %add3A_652 = arith.addi %mul3A_650, %add3A_651 : i32
        %get3A_653 = arith.index_cast %add3A_652 : i32 to index
        %get3A_654 = arith.constant 0 : index
        %get3A_655 = tpu.vector_load %arg12[%get3A_653, %get3A_654] {strides = array<i32>} : memref<512x64xf32, #tpu.memory_space<vmem>>, vector<16xf32>,
        %add3A_656 = arith.addf %add3A_628, %get3A_655 : vector<16xf32>
        %mul3A_657 = arith.mulf %get3A_655, %get3A_655 : vector<16xf32>
        %add3A_658 = arith.addf %add3A_630, %mul3A_657 : vector<16xf32>
        %get3A_659 = arith.index_cast %add3A_652 : i32 to index
        %get3A_660 = arith.constant 16 : index
        %get3A_661 = tpu.vector_load %arg12[%get3A_659, %get3A_660] {strides = array<i32>} : memref<512x64xf32, #tpu.memory_space<vmem>>, vector<16xf32>,
        %add3A_662 = arith.addf %add3A_634, %get3A_661 : vector<16xf32>
        %mul3A_663 = arith.mulf %get3A_661, %get3A_661 : vector<16xf32>
        %add3A_664 = arith.addf %add3A_636, %mul3A_663 : vector<16xf32>
        %get3A_665 = arith.index_cast %add3A_652 : i32 to index
        %get3A_666 = arith.constant 32 : index
        %get3A_667 = tpu.vector_load %arg12[%get3A_665, %get3A_666] {strides = array<i32>} : memref<512x64xf32, #tpu.memory_space<vmem>>, vector<16xf32>,
        %add3A_668 = arith.addf %add3A_640, %get3A_667 : vector<16xf32>
        %mul3A_669 = arith.mulf %get3A_667, %get3A_667 : vector<16xf32>
        %add3A_670 = arith.addf %add3A_642, %mul3A_669 : vector<16xf32>
        %get3A_671 = arith.index_cast %add3A_652 : i32 to index
        %get3A_672 = arith.constant 48 : index
        %get3A_673 = tpu.vector_load %arg12[%get3A_671, %get3A_672] {strides = array<i32>} : memref<512x64xf32, #tpu.memory_space<vmem>>, vector<16xf32>,
        %add3A_674 = arith.addf %add3A_646, %get3A_673 : vector<16xf32>
        %mul3A_675 = arith.mulf %get3A_673, %get3A_673 : vector<16xf32>
        %add3A_676 = arith.addf %add3A_648, %mul3A_675 : vector<16xf32>
        %mul3A_677 = arith.constant 32 : i32
        %mul3A_678 = arith.muli %add3A_507, %mul3A_677 : i32
        %add3A_679 = arith.constant 6 : i32
        %add3A_680 = arith.addi %mul3A_678, %add3A_679 : i32
        %get3A_681 = arith.index_cast %add3A_680 : i32 to index
        %get3A_682 = arith.constant 0 : index
        %get3A_683 = tpu.vector_load %arg12[%get3A_681, %get3A_682] {strides = array<i32>} : memref<512x64xf32, #tpu.memory_space<vmem>>, vector<16xf32>,
        %add3A_684 = arith.addf %add3A_656, %get3A_683 : vector<16xf32>
        %mul3A_685 = arith.mulf %get3A_683, %get3A_683 : vector<16xf32>
        %add3A_686 = arith.addf %add3A_658, %mul3A_685 : vector<16xf32>
        %get3A_687 = arith.index_cast %add3A_680 : i32 to index
        %get3A_688 = arith.constant 16 : index
        %get3A_689 = tpu.vector_load %arg12[%get3A_687, %get3A_688] {strides = array<i32>} : memref<512x64xf32, #tpu.memory_space<vmem>>, vector<16xf32>,
        %add3A_690 = arith.addf %add3A_662, %get3A_689 : vector<16xf32>
        %mul3A_691 = arith.mulf %get3A_689, %get3A_689 : vector<16xf32>
        %add3A_692 = arith.addf %add3A_664, %mul3A_691 : vector<16xf32>
        %get3A_693 = arith.index_cast %add3A_680 : i32 to index
        %get3A_694 = arith.constant 32 : index
        %get3A_695 = tpu.vector_load %arg12[%get3A_693, %get3A_694] {strides = array<i32>} : memref<512x64xf32, #tpu.memory_space<vmem>>, vector<16xf32>,
        %add3A_696 = arith.addf %add3A_668, %get3A_695 : vector<16xf32>
        %mul3A_697 = arith.mulf %get3A_695, %get3A_695 : vector<16xf32>
        %add3A_698 = arith.addf %add3A_670, %mul3A_697 : vector<16xf32>
        %get3A_699 = arith.index_cast %add3A_680 : i32 to index
        %get3A_700 = arith.constant 48 : index
        %get3A_701 = tpu.vector_load %arg12[%get3A_699, %get3A_700] {strides = array<i32>} : memref<512x64xf32, #tpu.memory_space<vmem>>, vector<16xf32>,
        %add3A_702 = arith.addf %add3A_674, %get3A_701 : vector<16xf32>
        %mul3A_703 = arith.mulf %get3A_701, %get3A_701 : vector<16xf32>
        %add3A_704 = arith.addf %add3A_676, %mul3A_703 : vector<16xf32>
        %mul3A_705 = arith.constant 32 : i32
        %mul3A_706 = arith.muli %add3A_507, %mul3A_705 : i32
        %add3A_707 = arith.constant 7 : i32
        %add3A_708 = arith.addi %mul3A_706, %add3A_707 : i32
        %get3A_709 = arith.index_cast %add3A_708 : i32 to index
        %get3A_710 = arith.constant 0 : index
        %get3A_711 = tpu.vector_load %arg12[%get3A_709, %get3A_710] {strides = array<i32>} : memref<512x64xf32, #tpu.memory_space<vmem>>, vector<16xf32>,
        %add3A_712 = arith.addf %add3A_684, %get3A_711 : vector<16xf32>
        %mul3A_713 = arith.mulf %get3A_711, %get3A_711 : vector<16xf32>
        %add3A_714 = arith.addf %add3A_686, %mul3A_713 : vector<16xf32>
        %get3A_715 = arith.index_cast %add3A_708 : i32 to index
        %get3A_716 = arith.constant 16 : index
        %get3A_717 = tpu.vector_load %arg12[%get3A_715, %get3A_716] {strides = array<i32>} : memref<512x64xf32, #tpu.memory_space<vmem>>, vector<16xf32>,
        %add3A_718 = arith.addf %add3A_690, %get3A_717 : vector<16xf32>
        %mul3A_719 = arith.mulf %get3A_717, %get3A_717 : vector<16xf32>
        %add3A_720 = arith.addf %add3A_692, %mul3A_719 : vector<16xf32>
        %get3A_721 = arith.index_cast %add3A_708 : i32 to index
        %get3A_722 = arith.constant 32 : index
        %get3A_723 = tpu.vector_load %arg12[%get3A_721, %get3A_722] {strides = array<i32>} : memref<512x64xf32, #tpu.memory_space<vmem>>, vector<16xf32>,
        %add3A_724 = arith.addf %add3A_696, %get3A_723 : vector<16xf32>
        %mul3A_725 = arith.mulf %get3A_723, %get3A_723 : vector<16xf32>
        %add3A_726 = arith.addf %add3A_698, %mul3A_725 : vector<16xf32>
        %get3A_727 = arith.index_cast %add3A_708 : i32 to index
        %get3A_728 = arith.constant 48 : index
        %get3A_729 = tpu.vector_load %arg12[%get3A_727, %get3A_728] {strides = array<i32>} : memref<512x64xf32, #tpu.memory_space<vmem>>, vector<16xf32>,
        %add3A_730 = arith.addf %add3A_702, %get3A_729 : vector<16xf32>
        %mul3A_731 = arith.mulf %get3A_729, %get3A_729 : vector<16xf32>
        %add3A_732 = arith.addf %add3A_704, %mul3A_731 : vector<16xf32>
        %mul3A_733 = arith.constant 32 : i32
        %mul3A_734 = arith.muli %add3A_507, %mul3A_733 : i32
        %add3A_735 = arith.constant 8 : i32
        %add3A_736 = arith.addi %mul3A_734, %add3A_735 : i32
        %get3A_737 = arith.index_cast %add3A_736 : i32 to index
        %get3A_738 = arith.constant 0 : index
        %get3A_739 = tpu.vector_load %arg12[%get3A_737, %get3A_738] {strides = array<i32>} : memref<512x64xf32, #tpu.memory_space<vmem>>, vector<16xf32>,
        %add3A_740 = arith.addf %add3A_712, %get3A_739 : vector<16xf32>
        %mul3A_741 = arith.mulf %get3A_739, %get3A_739 : vector<16xf32>
        %add3A_742 = arith.addf %add3A_714, %mul3A_741 : vector<16xf32>
        %get3A_743 = arith.index_cast %add3A_736 : i32 to index
        %get3A_744 = arith.constant 16 : index
        %get3A_745 = tpu.vector_load %arg12[%get3A_743, %get3A_744] {strides = array<i32>} : memref<512x64xf32, #tpu.memory_space<vmem>>, vector<16xf32>,
        %add3A_746 = arith.addf %add3A_718, %get3A_745 : vector<16xf32>
        %mul3A_747 = arith.mulf %get3A_745, %get3A_745 : vector<16xf32>
        %add3A_748 = arith.addf %add3A_720, %mul3A_747 : vector<16xf32>
        %get3A_749 = arith.index_cast %add3A_736 : i32 to index
        %get3A_750 = arith.constant 32 : index
        %get3A_751 = tpu.vector_load %arg12[%get3A_749, %get3A_750] {strides = array<i32>} : memref<512x64xf32, #tpu.memory_space<vmem>>, vector<16xf32>,
        %add3A_752 = arith.addf %add3A_724, %get3A_751 : vector<16xf32>
        %mul3A_753 = arith.mulf %get3A_751, %get3A_751 : vector<16xf32>
        %add3A_754 = arith.addf %add3A_726, %mul3A_753 : vector<16xf32>
        %get3A_755 = arith.index_cast %add3A_736 : i32 to index
        %get3A_756 = arith.constant 48 : index
        %get3A_757 = tpu.vector_load %arg12[%get3A_755, %get3A_756] {strides = array<i32>} : memref<512x64xf32, #tpu.memory_space<vmem>>, vector<16xf32>,
        %add3A_758 = arith.addf %add3A_730, %get3A_757 : vector<16xf32>
        %mul3A_759 = arith.mulf %get3A_757, %get3A_757 : vector<16xf32>
        %add3A_760 = arith.addf %add3A_732, %mul3A_759 : vector<16xf32>
        %mul3A_761 = arith.constant 32 : i32
        %mul3A_762 = arith.muli %add3A_507, %mul3A_761 : i32
        %add3A_763 = arith.constant 9 : i32
        %add3A_764 = arith.addi %mul3A_762, %add3A_763 : i32
        %get3A_765 = arith.index_cast %add3A_764 : i32 to index
        %get3A_766 = arith.constant 0 : index
        %get3A_767 = tpu.vector_load %arg12[%get3A_765, %get3A_766] {strides = array<i32>} : memref<512x64xf32, #tpu.memory_space<vmem>>, vector<16xf32>,
        %add3A_768 = arith.addf %add3A_740, %get3A_767 : vector<16xf32>
        %mul3A_769 = arith.mulf %get3A_767, %get3A_767 : vector<16xf32>
        %add3A_770 = arith.addf %add3A_742, %mul3A_769 : vector<16xf32>
        %get3A_771 = arith.index_cast %add3A_764 : i32 to index
        %get3A_772 = arith.constant 16 : index
        %get3A_773 = tpu.vector_load %arg12[%get3A_771, %get3A_772] {strides = array<i32>} : memref<512x64xf32, #tpu.memory_space<vmem>>, vector<16xf32>,
        %add3A_774 = arith.addf %add3A_746, %get3A_773 : vector<16xf32>
        %mul3A_775 = arith.mulf %get3A_773, %get3A_773 : vector<16xf32>
        %add3A_776 = arith.addf %add3A_748, %mul3A_775 : vector<16xf32>
        %get3A_777 = arith.index_cast %add3A_764 : i32 to index
        %get3A_778 = arith.constant 32 : index
        %get3A_779 = tpu.vector_load %arg12[%get3A_777, %get3A_778] {strides = array<i32>} : memref<512x64xf32, #tpu.memory_space<vmem>>, vector<16xf32>,
        %add3A_780 = arith.addf %add3A_752, %get3A_779 : vector<16xf32>
        %mul3A_781 = arith.mulf %get3A_779, %get3A_779 : vector<16xf32>
        %add3A_782 = arith.addf %add3A_754, %mul3A_781 : vector<16xf32>
        %get3A_783 = arith.index_cast %add3A_764 : i32 to index
        %get3A_784 = arith.constant 48 : index
        %get3A_785 = tpu.vector_load %arg12[%get3A_783, %get3A_784] {strides = array<i32>} : memref<512x64xf32, #tpu.memory_space<vmem>>, vector<16xf32>,
        %add3A_786 = arith.addf %add3A_758, %get3A_785 : vector<16xf32>
        %mul3A_787 = arith.mulf %get3A_785, %get3A_785 : vector<16xf32>
        %add3A_788 = arith.addf %add3A_760, %mul3A_787 : vector<16xf32>
        %mul3A_789 = arith.constant 32 : i32
        %mul3A_790 = arith.muli %add3A_507, %mul3A_789 : i32
        %add3A_791 = arith.constant 10 : i32
        %add3A_792 = arith.addi %mul3A_790, %add3A_791 : i32
        %get3A_793 = arith.index_cast %add3A_792 : i32 to index
        %get3A_794 = arith.constant 0 : index
        %get3A_795 = tpu.vector_load %arg12[%get3A_793, %get3A_794] {strides = array<i32>} : memref<512x64xf32, #tpu.memory_space<vmem>>, vector<16xf32>,
        %add3A_796 = arith.addf %add3A_768, %get3A_795 : vector<16xf32>
        %mul3A_797 = arith.mulf %get3A_795, %get3A_795 : vector<16xf32>
        %add3A_798 = arith.addf %add3A_770, %mul3A_797 : vector<16xf32>
        %get3A_799 = arith.index_cast %add3A_792 : i32 to index
        %get3A_800 = arith.constant 16 : index
        %get3A_801 = tpu.vector_load %arg12[%get3A_799, %get3A_800] {strides = array<i32>} : memref<512x64xf32, #tpu.memory_space<vmem>>, vector<16xf32>,
        %add3A_802 = arith.addf %add3A_774, %get3A_801 : vector<16xf32>
        %mul3A_803 = arith.mulf %get3A_801, %get3A_801 : vector<16xf32>
        %add3A_804 = arith.addf %add3A_776, %mul3A_803 : vector<16xf32>
        %get3A_805 = arith.index_cast %add3A_792 : i32 to index
        %get3A_806 = arith.constant 32 : index
        %get3A_807 = tpu.vector_load %arg12[%get3A_805, %get3A_806] {strides = array<i32>} : memref<512x64xf32, #tpu.memory_space<vmem>>, vector<16xf32>,
        %add3A_808 = arith.addf %add3A_780, %get3A_807 : vector<16xf32>
        %mul3A_809 = arith.mulf %get3A_807, %get3A_807 : vector<16xf32>
        %add3A_810 = arith.addf %add3A_782, %mul3A_809 : vector<16xf32>
        %get3A_811 = arith.index_cast %add3A_792 : i32 to index
        %get3A_812 = arith.constant 48 : index
        %get3A_813 = tpu.vector_load %arg12[%get3A_811, %get3A_812] {strides = array<i32>} : memref<512x64xf32, #tpu.memory_space<vmem>>, vector<16xf32>,
        %add3A_814 = arith.addf %add3A_786, %get3A_813 : vector<16xf32>
        %mul3A_815 = arith.mulf %get3A_813, %get3A_813 : vector<16xf32>
        %add3A_816 = arith.addf %add3A_788, %mul3A_815 : vector<16xf32>
        %mul3A_817 = arith.constant 32 : i32
        %mul3A_818 = arith.muli %add3A_507, %mul3A_817 : i32
        %add3A_819 = arith.constant 11 : i32
        %add3A_820 = arith.addi %mul3A_818, %add3A_819 : i32
        %get3A_821 = arith.index_cast %add3A_820 : i32 to index
        %get3A_822 = arith.constant 0 : index
        %get3A_823 = tpu.vector_load %arg12[%get3A_821, %get3A_822] {strides = array<i32>} : memref<512x64xf32, #tpu.memory_space<vmem>>, vector<16xf32>,
        %add3A_824 = arith.addf %add3A_796, %get3A_823 : vector<16xf32>
        %mul3A_825 = arith.mulf %get3A_823, %get3A_823 : vector<16xf32>
        %add3A_826 = arith.addf %add3A_798, %mul3A_825 : vector<16xf32>
        %get3A_827 = arith.index_cast %add3A_820 : i32 to index
        %get3A_828 = arith.constant 16 : index
        %get3A_829 = tpu.vector_load %arg12[%get3A_827, %get3A_828] {strides = array<i32>} : memref<512x64xf32, #tpu.memory_space<vmem>>, vector<16xf32>,
        %add3A_830 = arith.addf %add3A_802, %get3A_829 : vector<16xf32>
        %mul3A_831 = arith.mulf %get3A_829, %get3A_829 : vector<16xf32>
        %add3A_832 = arith.addf %add3A_804, %mul3A_831 : vector<16xf32>
        %get3A_833 = arith.index_cast %add3A_820 : i32 to index
        %get3A_834 = arith.constant 32 : index
        %get3A_835 = tpu.vector_load %arg12[%get3A_833, %get3A_834] {strides = array<i32>} : memref<512x64xf32, #tpu.memory_space<vmem>>, vector<16xf32>,
        %add3A_836 = arith.addf %add3A_808, %get3A_835 : vector<16xf32>
        %mul3A_837 = arith.mulf %get3A_835, %get3A_835 : vector<16xf32>
        %add3A_838 = arith.addf %add3A_810, %mul3A_837 : vector<16xf32>
        %get3A_839 = arith.index_cast %add3A_820 : i32 to index
        %get3A_840 = arith.constant 48 : index
        %get3A_841 = tpu.vector_load %arg12[%get3A_839, %get3A_840] {strides = array<i32>} : memref<512x64xf32, #tpu.memory_space<vmem>>, vector<16xf32>,
        %add3A_842 = arith.addf %add3A_814, %get3A_841 : vector<16xf32>
        %mul3A_843 = arith.mulf %get3A_841, %get3A_841 : vector<16xf32>
        %add3A_844 = arith.addf %add3A_816, %mul3A_843 : vector<16xf32>
        %mul3A_845 = arith.constant 32 : i32
        %mul3A_846 = arith.muli %add3A_507, %mul3A_845 : i32
        %add3A_847 = arith.constant 12 : i32
        %add3A_848 = arith.addi %mul3A_846, %add3A_847 : i32
        %get3A_849 = arith.index_cast %add3A_848 : i32 to index
        %get3A_850 = arith.constant 0 : index
        %get3A_851 = tpu.vector_load %arg12[%get3A_849, %get3A_850] {strides = array<i32>} : memref<512x64xf32, #tpu.memory_space<vmem>>, vector<16xf32>,
        %add3A_852 = arith.addf %add3A_824, %get3A_851 : vector<16xf32>
        %mul3A_853 = arith.mulf %get3A_851, %get3A_851 : vector<16xf32>
        %add3A_854 = arith.addf %add3A_826, %mul3A_853 : vector<16xf32>
        %get3A_855 = arith.index_cast %add3A_848 : i32 to index
        %get3A_856 = arith.constant 16 : index
        %get3A_857 = tpu.vector_load %arg12[%get3A_855, %get3A_856] {strides = array<i32>} : memref<512x64xf32, #tpu.memory_space<vmem>>, vector<16xf32>,
        %add3A_858 = arith.addf %add3A_830, %get3A_857 : vector<16xf32>
        %mul3A_859 = arith.mulf %get3A_857, %get3A_857 : vector<16xf32>
        %add3A_860 = arith.addf %add3A_832, %mul3A_859 : vector<16xf32>
        %get3A_861 = arith.index_cast %add3A_848 : i32 to index
        %get3A_862 = arith.constant 32 : index
        %get3A_863 = tpu.vector_load %arg12[%get3A_861, %get3A_862] {strides = array<i32>} : memref<512x64xf32, #tpu.memory_space<vmem>>, vector<16xf32>,
        %add3A_864 = arith.addf %add3A_836, %get3A_863 : vector<16xf32>
        %mul3A_865 = arith.mulf %get3A_863, %get3A_863 : vector<16xf32>
        %add3A_866 = arith.addf %add3A_838, %mul3A_865 : vector<16xf32>
        %get3A_867 = arith.index_cast %add3A_848 : i32 to index
        %get3A_868 = arith.constant 48 : index
        %get3A_869 = tpu.vector_load %arg12[%get3A_867, %get3A_868] {strides = array<i32>} : memref<512x64xf32, #tpu.memory_space<vmem>>, vector<16xf32>,
        %add3A_870 = arith.addf %add3A_842, %get3A_869 : vector<16xf32>
        %mul3A_871 = arith.mulf %get3A_869, %get3A_869 : vector<16xf32>
        %add3A_872 = arith.addf %add3A_844, %mul3A_871 : vector<16xf32>
        %mul3A_873 = arith.constant 32 : i32
        %mul3A_874 = arith.muli %add3A_507, %mul3A_873 : i32
        %add3A_875 = arith.constant 13 : i32
        %add3A_876 = arith.addi %mul3A_874, %add3A_875 : i32
        %get3A_877 = arith.index_cast %add3A_876 : i32 to index
        %get3A_878 = arith.constant 0 : index
        %get3A_879 = tpu.vector_load %arg12[%get3A_877, %get3A_878] {strides = array<i32>} : memref<512x64xf32, #tpu.memory_space<vmem>>, vector<16xf32>,
        %add3A_880 = arith.addf %add3A_852, %get3A_879 : vector<16xf32>
        %mul3A_881 = arith.mulf %get3A_879, %get3A_879 : vector<16xf32>
        %add3A_882 = arith.addf %add3A_854, %mul3A_881 : vector<16xf32>
        %get3A_883 = arith.index_cast %add3A_876 : i32 to index
        %get3A_884 = arith.constant 16 : index
        %get3A_885 = tpu.vector_load %arg12[%get3A_883, %get3A_884] {strides = array<i32>} : memref<512x64xf32, #tpu.memory_space<vmem>>, vector<16xf32>,
        %add3A_886 = arith.addf %add3A_858, %get3A_885 : vector<16xf32>
        %mul3A_887 = arith.mulf %get3A_885, %get3A_885 : vector<16xf32>
        %add3A_888 = arith.addf %add3A_860, %mul3A_887 : vector<16xf32>
        %get3A_889 = arith.index_cast %add3A_876 : i32 to index
        %get3A_890 = arith.constant 32 : index
        %get3A_891 = tpu.vector_load %arg12[%get3A_889, %get3A_890] {strides = array<i32>} : memref<512x64xf32, #tpu.memory_space<vmem>>, vector<16xf32>,
        %add3A_892 = arith.addf %add3A_864, %get3A_891 : vector<16xf32>
        %mul3A_893 = arith.mulf %get3A_891, %get3A_891 : vector<16xf32>
        %add3A_894 = arith.addf %add3A_866, %mul3A_893 : vector<16xf32>
        %get3A_895 = arith.index_cast %add3A_876 : i32 to index
        %get3A_896 = arith.constant 48 : index
        %get3A_897 = tpu.vector_load %arg12[%get3A_895, %get3A_896] {strides = array<i32>} : memref<512x64xf32, #tpu.memory_space<vmem>>, vector<16xf32>,
        %add3A_898 = arith.addf %add3A_870, %get3A_897 : vector<16xf32>
        %mul3A_899 = arith.mulf %get3A_897, %get3A_897 : vector<16xf32>
        %add3A_900 = arith.addf %add3A_872, %mul3A_899 : vector<16xf32>
        %mul3A_901 = arith.constant 32 : i32
        %mul3A_902 = arith.muli %add3A_507, %mul3A_901 : i32
        %add3A_903 = arith.constant 14 : i32
        %add3A_904 = arith.addi %mul3A_902, %add3A_903 : i32
        %get3A_905 = arith.index_cast %add3A_904 : i32 to index
        %get3A_906 = arith.constant 0 : index
        %get3A_907 = tpu.vector_load %arg12[%get3A_905, %get3A_906] {strides = array<i32>} : memref<512x64xf32, #tpu.memory_space<vmem>>, vector<16xf32>,
        %add3A_908 = arith.addf %add3A_880, %get3A_907 : vector<16xf32>
        %mul3A_909 = arith.mulf %get3A_907, %get3A_907 : vector<16xf32>
        %add3A_910 = arith.addf %add3A_882, %mul3A_909 : vector<16xf32>
        %get3A_911 = arith.index_cast %add3A_904 : i32 to index
        %get3A_912 = arith.constant 16 : index
        %get3A_913 = tpu.vector_load %arg12[%get3A_911, %get3A_912] {strides = array<i32>} : memref<512x64xf32, #tpu.memory_space<vmem>>, vector<16xf32>,
        %add3A_914 = arith.addf %add3A_886, %get3A_913 : vector<16xf32>
        %mul3A_915 = arith.mulf %get3A_913, %get3A_913 : vector<16xf32>
        %add3A_916 = arith.addf %add3A_888, %mul3A_915 : vector<16xf32>
        %get3A_917 = arith.index_cast %add3A_904 : i32 to index
        %get3A_918 = arith.constant 32 : index
        %get3A_919 = tpu.vector_load %arg12[%get3A_917, %get3A_918] {strides = array<i32>} : memref<512x64xf32, #tpu.memory_space<vmem>>, vector<16xf32>,
        %add3A_920 = arith.addf %add3A_892, %get3A_919 : vector<16xf32>
        %mul3A_921 = arith.mulf %get3A_919, %get3A_919 : vector<16xf32>
        %add3A_922 = arith.addf %add3A_894, %mul3A_921 : vector<16xf32>
        %get3A_923 = arith.index_cast %add3A_904 : i32 to index
        %get3A_924 = arith.constant 48 : index
        %get3A_925 = tpu.vector_load %arg12[%get3A_923, %get3A_924] {strides = array<i32>} : memref<512x64xf32, #tpu.memory_space<vmem>>, vector<16xf32>,
        %add3A_926 = arith.addf %add3A_898, %get3A_925 : vector<16xf32>
        %mul3A_927 = arith.mulf %get3A_925, %get3A_925 : vector<16xf32>
        %add3A_928 = arith.addf %add3A_900, %mul3A_927 : vector<16xf32>
        %mul3A_929 = arith.constant 32 : i32
        %mul3A_930 = arith.muli %add3A_507, %mul3A_929 : i32
        %add3A_931 = arith.constant 15 : i32
        %add3A_932 = arith.addi %mul3A_930, %add3A_931 : i32
        %get3A_933 = arith.index_cast %add3A_932 : i32 to index
        %get3A_934 = arith.constant 0 : index
        %get3A_935 = tpu.vector_load %arg12[%get3A_933, %get3A_934] {strides = array<i32>} : memref<512x64xf32, #tpu.memory_space<vmem>>, vector<16xf32>,
        %add3A_936 = arith.addf %add3A_908, %get3A_935 : vector<16xf32>
        %mul3A_937 = arith.mulf %get3A_935, %get3A_935 : vector<16xf32>
        %add3A_938 = arith.addf %add3A_910, %mul3A_937 : vector<16xf32>
        %get3A_939 = arith.index_cast %add3A_932 : i32 to index
        %get3A_940 = arith.constant 16 : index
        %get3A_941 = tpu.vector_load %arg12[%get3A_939, %get3A_940] {strides = array<i32>} : memref<512x64xf32, #tpu.memory_space<vmem>>, vector<16xf32>,
        %add3A_942 = arith.addf %add3A_914, %get3A_941 : vector<16xf32>
        %mul3A_943 = arith.mulf %get3A_941, %get3A_941 : vector<16xf32>
        %add3A_944 = arith.addf %add3A_916, %mul3A_943 : vector<16xf32>
        %get3A_945 = arith.index_cast %add3A_932 : i32 to index
        %get3A_946 = arith.constant 32 : index
        %get3A_947 = tpu.vector_load %arg12[%get3A_945, %get3A_946] {strides = array<i32>} : memref<512x64xf32, #tpu.memory_space<vmem>>, vector<16xf32>,
        %add3A_948 = arith.addf %add3A_920, %get3A_947 : vector<16xf32>
        %mul3A_949 = arith.mulf %get3A_947, %get3A_947 : vector<16xf32>
        %add3A_950 = arith.addf %add3A_922, %mul3A_949 : vector<16xf32>
        %get3A_951 = arith.index_cast %add3A_932 : i32 to index
        %get3A_952 = arith.constant 48 : index
        %get3A_953 = tpu.vector_load %arg12[%get3A_951, %get3A_952] {strides = array<i32>} : memref<512x64xf32, #tpu.memory_space<vmem>>, vector<16xf32>,
        %add3A_954 = arith.addf %add3A_926, %get3A_953 : vector<16xf32>
        %mul3A_955 = arith.mulf %get3A_953, %get3A_953 : vector<16xf32>
        %add3A_956 = arith.addf %add3A_928, %mul3A_955 : vector<16xf32>
        %mul3A_957 = arith.constant 32 : i32
        %mul3A_958 = arith.muli %add3A_507, %mul3A_957 : i32
        %add3A_959 = arith.constant 16 : i32
        %add3A_960 = arith.addi %mul3A_958, %add3A_959 : i32
        %get3A_961 = arith.index_cast %add3A_960 : i32 to index
        %get3A_962 = arith.constant 0 : index
        %get3A_963 = tpu.vector_load %arg12[%get3A_961, %get3A_962] {strides = array<i32>} : memref<512x64xf32, #tpu.memory_space<vmem>>, vector<16xf32>,
        %add3A_964 = arith.addf %add3A_936, %get3A_963 : vector<16xf32>
        %mul3A_965 = arith.mulf %get3A_963, %get3A_963 : vector<16xf32>
        %add3A_966 = arith.addf %add3A_938, %mul3A_965 : vector<16xf32>
        %get3A_967 = arith.index_cast %add3A_960 : i32 to index
        %get3A_968 = arith.constant 16 : index
        %get3A_969 = tpu.vector_load %arg12[%get3A_967, %get3A_968] {strides = array<i32>} : memref<512x64xf32, #tpu.memory_space<vmem>>, vector<16xf32>,
        %add3A_970 = arith.addf %add3A_942, %get3A_969 : vector<16xf32>
        %mul3A_971 = arith.mulf %get3A_969, %get3A_969 : vector<16xf32>
        %add3A_972 = arith.addf %add3A_944, %mul3A_971 : vector<16xf32>
        %get3A_973 = arith.index_cast %add3A_960 : i32 to index
        %get3A_974 = arith.constant 32 : index
        %get3A_975 = tpu.vector_load %arg12[%get3A_973, %get3A_974] {strides = array<i32>} : memref<512x64xf32, #tpu.memory_space<vmem>>, vector<16xf32>,
        %add3A_976 = arith.addf %add3A_948, %get3A_975 : vector<16xf32>
        %mul3A_977 = arith.mulf %get3A_975, %get3A_975 : vector<16xf32>
        %add3A_978 = arith.addf %add3A_950, %mul3A_977 : vector<16xf32>
        %get3A_979 = arith.index_cast %add3A_960 : i32 to index
        %get3A_980 = arith.constant 48 : index
        %get3A_981 = tpu.vector_load %arg12[%get3A_979, %get3A_980] {strides = array<i32>} : memref<512x64xf32, #tpu.memory_space<vmem>>, vector<16xf32>,
        %add3A_982 = arith.addf %add3A_954, %get3A_981 : vector<16xf32>
        %mul3A_983 = arith.mulf %get3A_981, %get3A_981 : vector<16xf32>
        %add3A_984 = arith.addf %add3A_956, %mul3A_983 : vector<16xf32>
        %mul3A_985 = arith.constant 32 : i32
        %mul3A_986 = arith.muli %add3A_507, %mul3A_985 : i32
        %add3A_987 = arith.constant 17 : i32
        %add3A_988 = arith.addi %mul3A_986, %add3A_987 : i32
        %get3A_989 = arith.index_cast %add3A_988 : i32 to index
        %get3A_990 = arith.constant 0 : index
        %get3A_991 = tpu.vector_load %arg12[%get3A_989, %get3A_990] {strides = array<i32>} : memref<512x64xf32, #tpu.memory_space<vmem>>, vector<16xf32>,
        %add3A_992 = arith.addf %add3A_964, %get3A_991 : vector<16xf32>
        %mul3A_993 = arith.mulf %get3A_991, %get3A_991 : vector<16xf32>
        %add3A_994 = arith.addf %add3A_966, %mul3A_993 : vector<16xf32>
        %get3A_995 = arith.index_cast %add3A_988 : i32 to index
        %get3A_996 = arith.constant 16 : index
        %get3A_997 = tpu.vector_load %arg12[%get3A_995, %get3A_996] {strides = array<i32>} : memref<512x64xf32, #tpu.memory_space<vmem>>, vector<16xf32>,
        %add3A_998 = arith.addf %add3A_970, %get3A_997 : vector<16xf32>
        %mul3A_999 = arith.mulf %get3A_997, %get3A_997 : vector<16xf32>
        %add3A_1000 = arith.addf %add3A_972, %mul3A_999 : vector<16xf32>
        %get3A_1001 = arith.index_cast %add3A_988 : i32 to index
        %get3A_1002 = arith.constant 32 : index
        %get3A_1003 = tpu.vector_load %arg12[%get3A_1001, %get3A_1002] {strides = array<i32>} : memref<512x64xf32, #tpu.memory_space<vmem>>, vector<16xf32>,
        %add3A_1004 = arith.addf %add3A_976, %get3A_1003 : vector<16xf32>
        %mul3A_1005 = arith.mulf %get3A_1003, %get3A_1003 : vector<16xf32>
        %add3A_1006 = arith.addf %add3A_978, %mul3A_1005 : vector<16xf32>
        %get3A_1007 = arith.index_cast %add3A_988 : i32 to index
        %get3A_1008 = arith.constant 48 : index
        %get3A_1009 = tpu.vector_load %arg12[%get3A_1007, %get3A_1008] {strides = array<i32>} : memref<512x64xf32, #tpu.memory_space<vmem>>, vector<16xf32>,
        %add3A_1010 = arith.addf %add3A_982, %get3A_1009 : vector<16xf32>
        %mul3A_1011 = arith.mulf %get3A_1009, %get3A_1009 : vector<16xf32>
        %add3A_1012 = arith.addf %add3A_984, %mul3A_1011 : vector<16xf32>
        %mul3A_1013 = arith.constant 32 : i32
        %mul3A_1014 = arith.muli %add3A_507, %mul3A_1013 : i32
        %add3A_1015 = arith.constant 18 : i32
        %add3A_1016 = arith.addi %mul3A_1014, %add3A_1015 : i32
        %get3A_1017 = arith.index_cast %add3A_1016 : i32 to index
        %get3A_1018 = arith.constant 0 : index
        %get3A_1019 = tpu.vector_load %arg12[%get3A_1017, %get3A_1018] {strides = array<i32>} : memref<512x64xf32, #tpu.memory_space<vmem>>, vector<16xf32>,
        %add3A_1020 = arith.addf %add3A_992, %get3A_1019 : vector<16xf32>
        %mul3A_1021 = arith.mulf %get3A_1019, %get3A_1019 : vector<16xf32>
        %add3A_1022 = arith.addf %add3A_994, %mul3A_1021 : vector<16xf32>
        %get3A_1023 = arith.index_cast %add3A_1016 : i32 to index
        %get3A_1024 = arith.constant 16 : index
        %get3A_1025 = tpu.vector_load %arg12[%get3A_1023, %get3A_1024] {strides = array<i32>} : memref<512x64xf32, #tpu.memory_space<vmem>>, vector<16xf32>,
        %add3A_1026 = arith.addf %add3A_998, %get3A_1025 : vector<16xf32>
        %mul3A_1027 = arith.mulf %get3A_1025, %get3A_1025 : vector<16xf32>
        %add3A_1028 = arith.addf %add3A_1000, %mul3A_1027 : vector<16xf32>
        %get3A_1029 = arith.index_cast %add3A_1016 : i32 to index
        %get3A_1030 = arith.constant 32 : index
        %get3A_1031 = tpu.vector_load %arg12[%get3A_1029, %get3A_1030] {strides = array<i32>} : memref<512x64xf32, #tpu.memory_space<vmem>>, vector<16xf32>,
        %add3A_1032 = arith.addf %add3A_1004, %get3A_1031 : vector<16xf32>
        %mul3A_1033 = arith.mulf %get3A_1031, %get3A_1031 : vector<16xf32>
        %add3A_1034 = arith.addf %add3A_1006, %mul3A_1033 : vector<16xf32>
        %get3A_1035 = arith.index_cast %add3A_1016 : i32 to index
        %get3A_1036 = arith.constant 48 : index
        %get3A_1037 = tpu.vector_load %arg12[%get3A_1035, %get3A_1036] {strides = array<i32>} : memref<512x64xf32, #tpu.memory_space<vmem>>, vector<16xf32>,
        %add3A_1038 = arith.addf %add3A_1010, %get3A_1037 : vector<16xf32>
        %mul3A_1039 = arith.mulf %get3A_1037, %get3A_1037 : vector<16xf32>
        %add3A_1040 = arith.addf %add3A_1012, %mul3A_1039 : vector<16xf32>
        %mul3A_1041 = arith.constant 32 : i32
        %mul3A_1042 = arith.muli %add3A_507, %mul3A_1041 : i32
        %add3A_1043 = arith.constant 19 : i32
        %add3A_1044 = arith.addi %mul3A_1042, %add3A_1043 : i32
        %get3A_1045 = arith.index_cast %add3A_1044 : i32 to index
        %get3A_1046 = arith.constant 0 : index
        %get3A_1047 = tpu.vector_load %arg12[%get3A_1045, %get3A_1046] {strides = array<i32>} : memref<512x64xf32, #tpu.memory_space<vmem>>, vector<16xf32>,
        %add3A_1048 = arith.addf %add3A_1020, %get3A_1047 : vector<16xf32>
        %mul3A_1049 = arith.mulf %get3A_1047, %get3A_1047 : vector<16xf32>
        %add3A_1050 = arith.addf %add3A_1022, %mul3A_1049 : vector<16xf32>
        %get3A_1051 = arith.index_cast %add3A_1044 : i32 to index
        %get3A_1052 = arith.constant 16 : index
        %get3A_1053 = tpu.vector_load %arg12[%get3A_1051, %get3A_1052] {strides = array<i32>} : memref<512x64xf32, #tpu.memory_space<vmem>>, vector<16xf32>,
        %add3A_1054 = arith.addf %add3A_1026, %get3A_1053 : vector<16xf32>
        %mul3A_1055 = arith.mulf %get3A_1053, %get3A_1053 : vector<16xf32>
        %add3A_1056 = arith.addf %add3A_1028, %mul3A_1055 : vector<16xf32>
        %get3A_1057 = arith.index_cast %add3A_1044 : i32 to index
        %get3A_1058 = arith.constant 32 : index
        %get3A_1059 = tpu.vector_load %arg12[%get3A_1057, %get3A_1058] {strides = array<i32>} : memref<512x64xf32, #tpu.memory_space<vmem>>, vector<16xf32>,
        %add3A_1060 = arith.addf %add3A_1032, %get3A_1059 : vector<16xf32>
        %mul3A_1061 = arith.mulf %get3A_1059, %get3A_1059 : vector<16xf32>
        %add3A_1062 = arith.addf %add3A_1034, %mul3A_1061 : vector<16xf32>
        %get3A_1063 = arith.index_cast %add3A_1044 : i32 to index
        %get3A_1064 = arith.constant 48 : index
        %get3A_1065 = tpu.vector_load %arg12[%get3A_1063, %get3A_1064] {strides = array<i32>} : memref<512x64xf32, #tpu.memory_space<vmem>>, vector<16xf32>,
        %add3A_1066 = arith.addf %add3A_1038, %get3A_1065 : vector<16xf32>
        %mul3A_1067 = arith.mulf %get3A_1065, %get3A_1065 : vector<16xf32>
        %add3A_1068 = arith.addf %add3A_1040, %mul3A_1067 : vector<16xf32>
        %mul3A_1069 = arith.constant 32 : i32
        %mul3A_1070 = arith.muli %add3A_507, %mul3A_1069 : i32
        %add3A_1071 = arith.constant 20 : i32
        %add3A_1072 = arith.addi %mul3A_1070, %add3A_1071 : i32
        %get3A_1073 = arith.index_cast %add3A_1072 : i32 to index
        %get3A_1074 = arith.constant 0 : index
        %get3A_1075 = tpu.vector_load %arg12[%get3A_1073, %get3A_1074] {strides = array<i32>} : memref<512x64xf32, #tpu.memory_space<vmem>>, vector<16xf32>,
        %add3A_1076 = arith.addf %add3A_1048, %get3A_1075 : vector<16xf32>
        %mul3A_1077 = arith.mulf %get3A_1075, %get3A_1075 : vector<16xf32>
        %add3A_1078 = arith.addf %add3A_1050, %mul3A_1077 : vector<16xf32>
        %get3A_1079 = arith.index_cast %add3A_1072 : i32 to index
        %get3A_1080 = arith.constant 16 : index
        %get3A_1081 = tpu.vector_load %arg12[%get3A_1079, %get3A_1080] {strides = array<i32>} : memref<512x64xf32, #tpu.memory_space<vmem>>, vector<16xf32>,
        %add3A_1082 = arith.addf %add3A_1054, %get3A_1081 : vector<16xf32>
        %mul3A_1083 = arith.mulf %get3A_1081, %get3A_1081 : vector<16xf32>
        %add3A_1084 = arith.addf %add3A_1056, %mul3A_1083 : vector<16xf32>
        %get3A_1085 = arith.index_cast %add3A_1072 : i32 to index
        %get3A_1086 = arith.constant 32 : index
        %get3A_1087 = tpu.vector_load %arg12[%get3A_1085, %get3A_1086] {strides = array<i32>} : memref<512x64xf32, #tpu.memory_space<vmem>>, vector<16xf32>,
        %add3A_1088 = arith.addf %add3A_1060, %get3A_1087 : vector<16xf32>
        %mul3A_1089 = arith.mulf %get3A_1087, %get3A_1087 : vector<16xf32>
        %add3A_1090 = arith.addf %add3A_1062, %mul3A_1089 : vector<16xf32>
        %get3A_1091 = arith.index_cast %add3A_1072 : i32 to index
        %get3A_1092 = arith.constant 48 : index
        %get3A_1093 = tpu.vector_load %arg12[%get3A_1091, %get3A_1092] {strides = array<i32>} : memref<512x64xf32, #tpu.memory_space<vmem>>, vector<16xf32>,
        %add3A_1094 = arith.addf %add3A_1066, %get3A_1093 : vector<16xf32>
        %mul3A_1095 = arith.mulf %get3A_1093, %get3A_1093 : vector<16xf32>
        %add3A_1096 = arith.addf %add3A_1068, %mul3A_1095 : vector<16xf32>
        %mul3A_1097 = arith.constant 32 : i32
        %mul3A_1098 = arith.muli %add3A_507, %mul3A_1097 : i32
        %add3A_1099 = arith.constant 21 : i32
        %add3A_1100 = arith.addi %mul3A_1098, %add3A_1099 : i32
        %get3A_1101 = arith.index_cast %add3A_1100 : i32 to index
        %get3A_1102 = arith.constant 0 : index
        %get3A_1103 = tpu.vector_load %arg12[%get3A_1101, %get3A_1102] {strides = array<i32>} : memref<512x64xf32, #tpu.memory_space<vmem>>, vector<16xf32>,
        %add3A_1104 = arith.addf %add3A_1076, %get3A_1103 : vector<16xf32>
        %mul3A_1105 = arith.mulf %get3A_1103, %get3A_1103 : vector<16xf32>
        %add3A_1106 = arith.addf %add3A_1078, %mul3A_1105 : vector<16xf32>
        %get3A_1107 = arith.index_cast %add3A_1100 : i32 to index
        %get3A_1108 = arith.constant 16 : index
        %get3A_1109 = tpu.vector_load %arg12[%get3A_1107, %get3A_1108] {strides = array<i32>} : memref<512x64xf32, #tpu.memory_space<vmem>>, vector<16xf32>,
        %add3A_1110 = arith.addf %add3A_1082, %get3A_1109 : vector<16xf32>
        %mul3A_1111 = arith.mulf %get3A_1109, %get3A_1109 : vector<16xf32>
        %add3A_1112 = arith.addf %add3A_1084, %mul3A_1111 : vector<16xf32>
        %get3A_1113 = arith.index_cast %add3A_1100 : i32 to index
        %get3A_1114 = arith.constant 32 : index
        %get3A_1115 = tpu.vector_load %arg12[%get3A_1113, %get3A_1114] {strides = array<i32>} : memref<512x64xf32, #tpu.memory_space<vmem>>, vector<16xf32>,
        %add3A_1116 = arith.addf %add3A_1088, %get3A_1115 : vector<16xf32>
        %mul3A_1117 = arith.mulf %get3A_1115, %get3A_1115 : vector<16xf32>
        %add3A_1118 = arith.addf %add3A_1090, %mul3A_1117 : vector<16xf32>
        %get3A_1119 = arith.index_cast %add3A_1100 : i32 to index
        %get3A_1120 = arith.constant 48 : index
        %get3A_1121 = tpu.vector_load %arg12[%get3A_1119, %get3A_1120] {strides = array<i32>} : memref<512x64xf32, #tpu.memory_space<vmem>>, vector<16xf32>,
        %add3A_1122 = arith.addf %add3A_1094, %get3A_1121 : vector<16xf32>
        %mul3A_1123 = arith.mulf %get3A_1121, %get3A_1121 : vector<16xf32>
        %add3A_1124 = arith.addf %add3A_1096, %mul3A_1123 : vector<16xf32>
        %mul3A_1125 = arith.constant 32 : i32
        %mul3A_1126 = arith.muli %add3A_507, %mul3A_1125 : i32
        %add3A_1127 = arith.constant 22 : i32
        %add3A_1128 = arith.addi %mul3A_1126, %add3A_1127 : i32
        %get3A_1129 = arith.index_cast %add3A_1128 : i32 to index
        %get3A_1130 = arith.constant 0 : index
        %get3A_1131 = tpu.vector_load %arg12[%get3A_1129, %get3A_1130] {strides = array<i32>} : memref<512x64xf32, #tpu.memory_space<vmem>>, vector<16xf32>,
        %add3A_1132 = arith.addf %add3A_1104, %get3A_1131 : vector<16xf32>
        %mul3A_1133 = arith.mulf %get3A_1131, %get3A_1131 : vector<16xf32>
        %add3A_1134 = arith.addf %add3A_1106, %mul3A_1133 : vector<16xf32>
        %get3A_1135 = arith.index_cast %add3A_1128 : i32 to index
        %get3A_1136 = arith.constant 16 : index
        %get3A_1137 = tpu.vector_load %arg12[%get3A_1135, %get3A_1136] {strides = array<i32>} : memref<512x64xf32, #tpu.memory_space<vmem>>, vector<16xf32>,
        %add3A_1138 = arith.addf %add3A_1110, %get3A_1137 : vector<16xf32>
        %mul3A_1139 = arith.mulf %get3A_1137, %get3A_1137 : vector<16xf32>
        %add3A_1140 = arith.addf %add3A_1112, %mul3A_1139 : vector<16xf32>
        %get3A_1141 = arith.index_cast %add3A_1128 : i32 to index
        %get3A_1142 = arith.constant 32 : index
        %get3A_1143 = tpu.vector_load %arg12[%get3A_1141, %get3A_1142] {strides = array<i32>} : memref<512x64xf32, #tpu.memory_space<vmem>>, vector<16xf32>,
        %add3A_1144 = arith.addf %add3A_1116, %get3A_1143 : vector<16xf32>
        %mul3A_1145 = arith.mulf %get3A_1143, %get3A_1143 : vector<16xf32>
        %add3A_1146 = arith.addf %add3A_1118, %mul3A_1145 : vector<16xf32>
        %get3A_1147 = arith.index_cast %add3A_1128 : i32 to index
        %get3A_1148 = arith.constant 48 : index
        %get3A_1149 = tpu.vector_load %arg12[%get3A_1147, %get3A_1148] {strides = array<i32>} : memref<512x64xf32, #tpu.memory_space<vmem>>, vector<16xf32>,
        %add3A_1150 = arith.addf %add3A_1122, %get3A_1149 : vector<16xf32>
        %mul3A_1151 = arith.mulf %get3A_1149, %get3A_1149 : vector<16xf32>
        %add3A_1152 = arith.addf %add3A_1124, %mul3A_1151 : vector<16xf32>
        %mul3A_1153 = arith.constant 32 : i32
        %mul3A_1154 = arith.muli %add3A_507, %mul3A_1153 : i32
        %add3A_1155 = arith.constant 23 : i32
        %add3A_1156 = arith.addi %mul3A_1154, %add3A_1155 : i32
        %get3A_1157 = arith.index_cast %add3A_1156 : i32 to index
        %get3A_1158 = arith.constant 0 : index
        %get3A_1159 = tpu.vector_load %arg12[%get3A_1157, %get3A_1158] {strides = array<i32>} : memref<512x64xf32, #tpu.memory_space<vmem>>, vector<16xf32>,
        %add3A_1160 = arith.addf %add3A_1132, %get3A_1159 : vector<16xf32>
        %mul3A_1161 = arith.mulf %get3A_1159, %get3A_1159 : vector<16xf32>
        %add3A_1162 = arith.addf %add3A_1134, %mul3A_1161 : vector<16xf32>
        %get3A_1163 = arith.index_cast %add3A_1156 : i32 to index
        %get3A_1164 = arith.constant 16 : index
        %get3A_1165 = tpu.vector_load %arg12[%get3A_1163, %get3A_1164] {strides = array<i32>} : memref<512x64xf32, #tpu.memory_space<vmem>>, vector<16xf32>,
        %add3A_1166 = arith.addf %add3A_1138, %get3A_1165 : vector<16xf32>
        %mul3A_1167 = arith.mulf %get3A_1165, %get3A_1165 : vector<16xf32>
        %add3A_1168 = arith.addf %add3A_1140, %mul3A_1167 : vector<16xf32>
        %get3A_1169 = arith.index_cast %add3A_1156 : i32 to index
        %get3A_1170 = arith.constant 32 : index
        %get3A_1171 = tpu.vector_load %arg12[%get3A_1169, %get3A_1170] {strides = array<i32>} : memref<512x64xf32, #tpu.memory_space<vmem>>, vector<16xf32>,
        %add3A_1172 = arith.addf %add3A_1144, %get3A_1171 : vector<16xf32>
        %mul3A_1173 = arith.mulf %get3A_1171, %get3A_1171 : vector<16xf32>
        %add3A_1174 = arith.addf %add3A_1146, %mul3A_1173 : vector<16xf32>
        %get3A_1175 = arith.index_cast %add3A_1156 : i32 to index
        %get3A_1176 = arith.constant 48 : index
        %get3A_1177 = tpu.vector_load %arg12[%get3A_1175, %get3A_1176] {strides = array<i32>} : memref<512x64xf32, #tpu.memory_space<vmem>>, vector<16xf32>,
        %add3A_1178 = arith.addf %add3A_1150, %get3A_1177 : vector<16xf32>
        %mul3A_1179 = arith.mulf %get3A_1177, %get3A_1177 : vector<16xf32>
        %add3A_1180 = arith.addf %add3A_1152, %mul3A_1179 : vector<16xf32>
        %mul3A_1181 = arith.constant 32 : i32
        %mul3A_1182 = arith.muli %add3A_507, %mul3A_1181 : i32
        %add3A_1183 = arith.constant 24 : i32
        %add3A_1184 = arith.addi %mul3A_1182, %add3A_1183 : i32
        %get3A_1185 = arith.index_cast %add3A_1184 : i32 to index
        %get3A_1186 = arith.constant 0 : index
        %get3A_1187 = tpu.vector_load %arg12[%get3A_1185, %get3A_1186] {strides = array<i32>} : memref<512x64xf32, #tpu.memory_space<vmem>>, vector<16xf32>,
        %add3A_1188 = arith.addf %add3A_1160, %get3A_1187 : vector<16xf32>
        %mul3A_1189 = arith.mulf %get3A_1187, %get3A_1187 : vector<16xf32>
        %add3A_1190 = arith.addf %add3A_1162, %mul3A_1189 : vector<16xf32>
        %get3A_1191 = arith.index_cast %add3A_1184 : i32 to index
        %get3A_1192 = arith.constant 16 : index
        %get3A_1193 = tpu.vector_load %arg12[%get3A_1191, %get3A_1192] {strides = array<i32>} : memref<512x64xf32, #tpu.memory_space<vmem>>, vector<16xf32>,
        %add3A_1194 = arith.addf %add3A_1166, %get3A_1193 : vector<16xf32>
        %mul3A_1195 = arith.mulf %get3A_1193, %get3A_1193 : vector<16xf32>
        %add3A_1196 = arith.addf %add3A_1168, %mul3A_1195 : vector<16xf32>
        %get3A_1197 = arith.index_cast %add3A_1184 : i32 to index
        %get3A_1198 = arith.constant 32 : index
        %get3A_1199 = tpu.vector_load %arg12[%get3A_1197, %get3A_1198] {strides = array<i32>} : memref<512x64xf32, #tpu.memory_space<vmem>>, vector<16xf32>,
        %add3A_1200 = arith.addf %add3A_1172, %get3A_1199 : vector<16xf32>
        %mul3A_1201 = arith.mulf %get3A_1199, %get3A_1199 : vector<16xf32>
        %add3A_1202 = arith.addf %add3A_1174, %mul3A_1201 : vector<16xf32>
        %get3A_1203 = arith.index_cast %add3A_1184 : i32 to index
        %get3A_1204 = arith.constant 48 : index
        %get3A_1205 = tpu.vector_load %arg12[%get3A_1203, %get3A_1204] {strides = array<i32>} : memref<512x64xf32, #tpu.memory_space<vmem>>, vector<16xf32>,
        %add3A_1206 = arith.addf %add3A_1178, %get3A_1205 : vector<16xf32>
        %mul3A_1207 = arith.mulf %get3A_1205, %get3A_1205 : vector<16xf32>
        %add3A_1208 = arith.addf %add3A_1180, %mul3A_1207 : vector<16xf32>
        %mul3A_1209 = arith.constant 32 : i32
        %mul3A_1210 = arith.muli %add3A_507, %mul3A_1209 : i32
        %add3A_1211 = arith.constant 25 : i32
        %add3A_1212 = arith.addi %mul3A_1210, %add3A_1211 : i32
        %get3A_1213 = arith.index_cast %add3A_1212 : i32 to index
        %get3A_1214 = arith.constant 0 : index
        %get3A_1215 = tpu.vector_load %arg12[%get3A_1213, %get3A_1214] {strides = array<i32>} : memref<512x64xf32, #tpu.memory_space<vmem>>, vector<16xf32>,
        %add3A_1216 = arith.addf %add3A_1188, %get3A_1215 : vector<16xf32>
        %mul3A_1217 = arith.mulf %get3A_1215, %get3A_1215 : vector<16xf32>
        %add3A_1218 = arith.addf %add3A_1190, %mul3A_1217 : vector<16xf32>
        %get3A_1219 = arith.index_cast %add3A_1212 : i32 to index
        %get3A_1220 = arith.constant 16 : index
        %get3A_1221 = tpu.vector_load %arg12[%get3A_1219, %get3A_1220] {strides = array<i32>} : memref<512x64xf32, #tpu.memory_space<vmem>>, vector<16xf32>,
        %add3A_1222 = arith.addf %add3A_1194, %get3A_1221 : vector<16xf32>
        %mul3A_1223 = arith.mulf %get3A_1221, %get3A_1221 : vector<16xf32>
        %add3A_1224 = arith.addf %add3A_1196, %mul3A_1223 : vector<16xf32>
        %get3A_1225 = arith.index_cast %add3A_1212 : i32 to index
        %get3A_1226 = arith.constant 32 : index
        %get3A_1227 = tpu.vector_load %arg12[%get3A_1225, %get3A_1226] {strides = array<i32>} : memref<512x64xf32, #tpu.memory_space<vmem>>, vector<16xf32>,
        %add3A_1228 = arith.addf %add3A_1200, %get3A_1227 : vector<16xf32>
        %mul3A_1229 = arith.mulf %get3A_1227, %get3A_1227 : vector<16xf32>
        %add3A_1230 = arith.addf %add3A_1202, %mul3A_1229 : vector<16xf32>
        %get3A_1231 = arith.index_cast %add3A_1212 : i32 to index
        %get3A_1232 = arith.constant 48 : index
        %get3A_1233 = tpu.vector_load %arg12[%get3A_1231, %get3A_1232] {strides = array<i32>} : memref<512x64xf32, #tpu.memory_space<vmem>>, vector<16xf32>,
        %add3A_1234 = arith.addf %add3A_1206, %get3A_1233 : vector<16xf32>
        %mul3A_1235 = arith.mulf %get3A_1233, %get3A_1233 : vector<16xf32>
        %add3A_1236 = arith.addf %add3A_1208, %mul3A_1235 : vector<16xf32>
        %mul3A_1237 = arith.constant 32 : i32
        %mul3A_1238 = arith.muli %add3A_507, %mul3A_1237 : i32
        %add3A_1239 = arith.constant 26 : i32
        %add3A_1240 = arith.addi %mul3A_1238, %add3A_1239 : i32
        %get3A_1241 = arith.index_cast %add3A_1240 : i32 to index
        %get3A_1242 = arith.constant 0 : index
        %get3A_1243 = tpu.vector_load %arg12[%get3A_1241, %get3A_1242] {strides = array<i32>} : memref<512x64xf32, #tpu.memory_space<vmem>>, vector<16xf32>,
        %add3A_1244 = arith.addf %add3A_1216, %get3A_1243 : vector<16xf32>
        %mul3A_1245 = arith.mulf %get3A_1243, %get3A_1243 : vector<16xf32>
        %add3A_1246 = arith.addf %add3A_1218, %mul3A_1245 : vector<16xf32>
        %get3A_1247 = arith.index_cast %add3A_1240 : i32 to index
        %get3A_1248 = arith.constant 16 : index
        %get3A_1249 = tpu.vector_load %arg12[%get3A_1247, %get3A_1248] {strides = array<i32>} : memref<512x64xf32, #tpu.memory_space<vmem>>, vector<16xf32>,
        %add3A_1250 = arith.addf %add3A_1222, %get3A_1249 : vector<16xf32>
        %mul3A_1251 = arith.mulf %get3A_1249, %get3A_1249 : vector<16xf32>
        %add3A_1252 = arith.addf %add3A_1224, %mul3A_1251 : vector<16xf32>
        %get3A_1253 = arith.index_cast %add3A_1240 : i32 to index
        %get3A_1254 = arith.constant 32 : index
        %get3A_1255 = tpu.vector_load %arg12[%get3A_1253, %get3A_1254] {strides = array<i32>} : memref<512x64xf32, #tpu.memory_space<vmem>>, vector<16xf32>,
        %add3A_1256 = arith.addf %add3A_1228, %get3A_1255 : vector<16xf32>
        %mul3A_1257 = arith.mulf %get3A_1255, %get3A_1255 : vector<16xf32>
        %add3A_1258 = arith.addf %add3A_1230, %mul3A_1257 : vector<16xf32>
        %get3A_1259 = arith.index_cast %add3A_1240 : i32 to index
        %get3A_1260 = arith.constant 48 : index
        %get3A_1261 = tpu.vector_load %arg12[%get3A_1259, %get3A_1260] {strides = array<i32>} : memref<512x64xf32, #tpu.memory_space<vmem>>, vector<16xf32>,
        %add3A_1262 = arith.addf %add3A_1234, %get3A_1261 : vector<16xf32>
        %mul3A_1263 = arith.mulf %get3A_1261, %get3A_1261 : vector<16xf32>
        %add3A_1264 = arith.addf %add3A_1236, %mul3A_1263 : vector<16xf32>
        %mul3A_1265 = arith.constant 32 : i32
        %mul3A_1266 = arith.muli %add3A_507, %mul3A_1265 : i32
        %add3A_1267 = arith.constant 27 : i32
        %add3A_1268 = arith.addi %mul3A_1266, %add3A_1267 : i32
        %get3A_1269 = arith.index_cast %add3A_1268 : i32 to index
        %get3A_1270 = arith.constant 0 : index
        %get3A_1271 = tpu.vector_load %arg12[%get3A_1269, %get3A_1270] {strides = array<i32>} : memref<512x64xf32, #tpu.memory_space<vmem>>, vector<16xf32>,
        %add3A_1272 = arith.addf %add3A_1244, %get3A_1271 : vector<16xf32>
        %mul3A_1273 = arith.mulf %get3A_1271, %get3A_1271 : vector<16xf32>
        %add3A_1274 = arith.addf %add3A_1246, %mul3A_1273 : vector<16xf32>
        %get3A_1275 = arith.index_cast %add3A_1268 : i32 to index
        %get3A_1276 = arith.constant 16 : index
        %get3A_1277 = tpu.vector_load %arg12[%get3A_1275, %get3A_1276] {strides = array<i32>} : memref<512x64xf32, #tpu.memory_space<vmem>>, vector<16xf32>,
        %add3A_1278 = arith.addf %add3A_1250, %get3A_1277 : vector<16xf32>
        %mul3A_1279 = arith.mulf %get3A_1277, %get3A_1277 : vector<16xf32>
        %add3A_1280 = arith.addf %add3A_1252, %mul3A_1279 : vector<16xf32>
        %get3A_1281 = arith.index_cast %add3A_1268 : i32 to index
        %get3A_1282 = arith.constant 32 : index
        %get3A_1283 = tpu.vector_load %arg12[%get3A_1281, %get3A_1282] {strides = array<i32>} : memref<512x64xf32, #tpu.memory_space<vmem>>, vector<16xf32>,
        %add3A_1284 = arith.addf %add3A_1256, %get3A_1283 : vector<16xf32>
        %mul3A_1285 = arith.mulf %get3A_1283, %get3A_1283 : vector<16xf32>
        %add3A_1286 = arith.addf %add3A_1258, %mul3A_1285 : vector<16xf32>
        %get3A_1287 = arith.index_cast %add3A_1268 : i32 to index
        %get3A_1288 = arith.constant 48 : index
        %get3A_1289 = tpu.vector_load %arg12[%get3A_1287, %get3A_1288] {strides = array<i32>} : memref<512x64xf32, #tpu.memory_space<vmem>>, vector<16xf32>,
        %add3A_1290 = arith.addf %add3A_1262, %get3A_1289 : vector<16xf32>
        %mul3A_1291 = arith.mulf %get3A_1289, %get3A_1289 : vector<16xf32>
        %add3A_1292 = arith.addf %add3A_1264, %mul3A_1291 : vector<16xf32>
        %mul3A_1293 = arith.constant 32 : i32
        %mul3A_1294 = arith.muli %add3A_507, %mul3A_1293 : i32
        %add3A_1295 = arith.constant 28 : i32
        %add3A_1296 = arith.addi %mul3A_1294, %add3A_1295 : i32
        %get3A_1297 = arith.index_cast %add3A_1296 : i32 to index
        %get3A_1298 = arith.constant 0 : index
        %get3A_1299 = tpu.vector_load %arg12[%get3A_1297, %get3A_1298] {strides = array<i32>} : memref<512x64xf32, #tpu.memory_space<vmem>>, vector<16xf32>,
        %add3A_1300 = arith.addf %add3A_1272, %get3A_1299 : vector<16xf32>
        %mul3A_1301 = arith.mulf %get3A_1299, %get3A_1299 : vector<16xf32>
        %add3A_1302 = arith.addf %add3A_1274, %mul3A_1301 : vector<16xf32>
        %get3A_1303 = arith.index_cast %add3A_1296 : i32 to index
        %get3A_1304 = arith.constant 16 : index
        %get3A_1305 = tpu.vector_load %arg12[%get3A_1303, %get3A_1304] {strides = array<i32>} : memref<512x64xf32, #tpu.memory_space<vmem>>, vector<16xf32>,
        %add3A_1306 = arith.addf %add3A_1278, %get3A_1305 : vector<16xf32>
        %mul3A_1307 = arith.mulf %get3A_1305, %get3A_1305 : vector<16xf32>
        %add3A_1308 = arith.addf %add3A_1280, %mul3A_1307 : vector<16xf32>
        %get3A_1309 = arith.index_cast %add3A_1296 : i32 to index
        %get3A_1310 = arith.constant 32 : index
        %get3A_1311 = tpu.vector_load %arg12[%get3A_1309, %get3A_1310] {strides = array<i32>} : memref<512x64xf32, #tpu.memory_space<vmem>>, vector<16xf32>,
        %add3A_1312 = arith.addf %add3A_1284, %get3A_1311 : vector<16xf32>
        %mul3A_1313 = arith.mulf %get3A_1311, %get3A_1311 : vector<16xf32>
        %add3A_1314 = arith.addf %add3A_1286, %mul3A_1313 : vector<16xf32>
        %get3A_1315 = arith.index_cast %add3A_1296 : i32 to index
        %get3A_1316 = arith.constant 48 : index
        %get3A_1317 = tpu.vector_load %arg12[%get3A_1315, %get3A_1316] {strides = array<i32>} : memref<512x64xf32, #tpu.memory_space<vmem>>, vector<16xf32>,
        %add3A_1318 = arith.addf %add3A_1290, %get3A_1317 : vector<16xf32>
        %mul3A_1319 = arith.mulf %get3A_1317, %get3A_1317 : vector<16xf32>
        %add3A_1320 = arith.addf %add3A_1292, %mul3A_1319 : vector<16xf32>
        %mul3A_1321 = arith.constant 32 : i32
        %mul3A_1322 = arith.muli %add3A_507, %mul3A_1321 : i32
        %add3A_1323 = arith.constant 29 : i32
        %add3A_1324 = arith.addi %mul3A_1322, %add3A_1323 : i32
        %get3A_1325 = arith.index_cast %add3A_1324 : i32 to index
        %get3A_1326 = arith.constant 0 : index
        %get3A_1327 = tpu.vector_load %arg12[%get3A_1325, %get3A_1326] {strides = array<i32>} : memref<512x64xf32, #tpu.memory_space<vmem>>, vector<16xf32>,
        %add3A_1328 = arith.addf %add3A_1300, %get3A_1327 : vector<16xf32>
        %mul3A_1329 = arith.mulf %get3A_1327, %get3A_1327 : vector<16xf32>
        %add3A_1330 = arith.addf %add3A_1302, %mul3A_1329 : vector<16xf32>
        %get3A_1331 = arith.index_cast %add3A_1324 : i32 to index
        %get3A_1332 = arith.constant 16 : index
        %get3A_1333 = tpu.vector_load %arg12[%get3A_1331, %get3A_1332] {strides = array<i32>} : memref<512x64xf32, #tpu.memory_space<vmem>>, vector<16xf32>,
        %add3A_1334 = arith.addf %add3A_1306, %get3A_1333 : vector<16xf32>
        %mul3A_1335 = arith.mulf %get3A_1333, %get3A_1333 : vector<16xf32>
        %add3A_1336 = arith.addf %add3A_1308, %mul3A_1335 : vector<16xf32>
        %get3A_1337 = arith.index_cast %add3A_1324 : i32 to index
        %get3A_1338 = arith.constant 32 : index
        %get3A_1339 = tpu.vector_load %arg12[%get3A_1337, %get3A_1338] {strides = array<i32>} : memref<512x64xf32, #tpu.memory_space<vmem>>, vector<16xf32>,
        %add3A_1340 = arith.addf %add3A_1312, %get3A_1339 : vector<16xf32>
        %mul3A_1341 = arith.mulf %get3A_1339, %get3A_1339 : vector<16xf32>
        %add3A_1342 = arith.addf %add3A_1314, %mul3A_1341 : vector<16xf32>
        %get3A_1343 = arith.index_cast %add3A_1324 : i32 to index
        %get3A_1344 = arith.constant 48 : index
        %get3A_1345 = tpu.vector_load %arg12[%get3A_1343, %get3A_1344] {strides = array<i32>} : memref<512x64xf32, #tpu.memory_space<vmem>>, vector<16xf32>,
        %add3A_1346 = arith.addf %add3A_1318, %get3A_1345 : vector<16xf32>
        %mul3A_1347 = arith.mulf %get3A_1345, %get3A_1345 : vector<16xf32>
        %add3A_1348 = arith.addf %add3A_1320, %mul3A_1347 : vector<16xf32>
        %mul3A_1349 = arith.constant 32 : i32
        %mul3A_1350 = arith.muli %add3A_507, %mul3A_1349 : i32
        %add3A_1351 = arith.constant 30 : i32
        %add3A_1352 = arith.addi %mul3A_1350, %add3A_1351 : i32
        %get3A_1353 = arith.index_cast %add3A_1352 : i32 to index
        %get3A_1354 = arith.constant 0 : index
        %get3A_1355 = tpu.vector_load %arg12[%get3A_1353, %get3A_1354] {strides = array<i32>} : memref<512x64xf32, #tpu.memory_space<vmem>>, vector<16xf32>,
        %add3A_1356 = arith.addf %add3A_1328, %get3A_1355 : vector<16xf32>
        %mul3A_1357 = arith.mulf %get3A_1355, %get3A_1355 : vector<16xf32>
        %add3A_1358 = arith.addf %add3A_1330, %mul3A_1357 : vector<16xf32>
        %get3A_1359 = arith.index_cast %add3A_1352 : i32 to index
        %get3A_1360 = arith.constant 16 : index
        %get3A_1361 = tpu.vector_load %arg12[%get3A_1359, %get3A_1360] {strides = array<i32>} : memref<512x64xf32, #tpu.memory_space<vmem>>, vector<16xf32>,
        %add3A_1362 = arith.addf %add3A_1334, %get3A_1361 : vector<16xf32>
        %mul3A_1363 = arith.mulf %get3A_1361, %get3A_1361 : vector<16xf32>
        %add3A_1364 = arith.addf %add3A_1336, %mul3A_1363 : vector<16xf32>
        %get3A_1365 = arith.index_cast %add3A_1352 : i32 to index
        %get3A_1366 = arith.constant 32 : index
        %get3A_1367 = tpu.vector_load %arg12[%get3A_1365, %get3A_1366] {strides = array<i32>} : memref<512x64xf32, #tpu.memory_space<vmem>>, vector<16xf32>,
        %add3A_1368 = arith.addf %add3A_1340, %get3A_1367 : vector<16xf32>
        %mul3A_1369 = arith.mulf %get3A_1367, %get3A_1367 : vector<16xf32>
        %add3A_1370 = arith.addf %add3A_1342, %mul3A_1369 : vector<16xf32>
        %get3A_1371 = arith.index_cast %add3A_1352 : i32 to index
        %get3A_1372 = arith.constant 48 : index
        %get3A_1373 = tpu.vector_load %arg12[%get3A_1371, %get3A_1372] {strides = array<i32>} : memref<512x64xf32, #tpu.memory_space<vmem>>, vector<16xf32>,
        %add3A_1374 = arith.addf %add3A_1346, %get3A_1373 : vector<16xf32>
        %mul3A_1375 = arith.mulf %get3A_1373, %get3A_1373 : vector<16xf32>
        %add3A_1376 = arith.addf %add3A_1348, %mul3A_1375 : vector<16xf32>
        %mul3A_1377 = arith.constant 32 : i32
        %mul3A_1378 = arith.muli %add3A_507, %mul3A_1377 : i32
        %add3A_1379 = arith.constant 31 : i32
        %add3A_1380 = arith.addi %mul3A_1378, %add3A_1379 : i32
        %get3A_1381 = arith.index_cast %add3A_1380 : i32 to index
        %get3A_1382 = arith.constant 0 : index
        %get3A_1383 = tpu.vector_load %arg12[%get3A_1381, %get3A_1382] {strides = array<i32>} : memref<512x64xf32, #tpu.memory_space<vmem>>, vector<16xf32>,
        %add3A_1384 = arith.addf %add3A_1356, %get3A_1383 : vector<16xf32>
        %mul3A_1385 = arith.mulf %get3A_1383, %get3A_1383 : vector<16xf32>
        %add3A_1386 = arith.addf %add3A_1358, %mul3A_1385 : vector<16xf32>
        %get3A_1387 = arith.index_cast %add3A_1380 : i32 to index
        %get3A_1388 = arith.constant 16 : index
        %get3A_1389 = tpu.vector_load %arg12[%get3A_1387, %get3A_1388] {strides = array<i32>} : memref<512x64xf32, #tpu.memory_space<vmem>>, vector<16xf32>,
        %add3A_1390 = arith.addf %add3A_1362, %get3A_1389 : vector<16xf32>
        %mul3A_1391 = arith.mulf %get3A_1389, %get3A_1389 : vector<16xf32>
        %add3A_1392 = arith.addf %add3A_1364, %mul3A_1391 : vector<16xf32>
        %get3A_1393 = arith.index_cast %add3A_1380 : i32 to index
        %get3A_1394 = arith.constant 32 : index
        %get3A_1395 = tpu.vector_load %arg12[%get3A_1393, %get3A_1394] {strides = array<i32>} : memref<512x64xf32, #tpu.memory_space<vmem>>, vector<16xf32>,
        %add3A_1396 = arith.addf %add3A_1368, %get3A_1395 : vector<16xf32>
        %mul3A_1397 = arith.mulf %get3A_1395, %get3A_1395 : vector<16xf32>
        %add3A_1398 = arith.addf %add3A_1370, %mul3A_1397 : vector<16xf32>
        %get3A_1399 = arith.index_cast %add3A_1380 : i32 to index
        %get3A_1400 = arith.constant 48 : index
        %get3A_1401 = tpu.vector_load %arg12[%get3A_1399, %get3A_1400] {strides = array<i32>} : memref<512x64xf32, #tpu.memory_space<vmem>>, vector<16xf32>,
        %add3A_1402 = arith.addf %add3A_1374, %get3A_1401 : vector<16xf32>
        %mul3A_1403 = arith.mulf %get3A_1401, %get3A_1401 : vector<16xf32>
        %add3A_1404 = arith.addf %add3A_1376, %mul3A_1403 : vector<16xf32>
        %get3A_1405 = arith.index_cast %add3A_507 : i32 to index
        %get3A_1406 = arith.constant 0 : index
        %get3A_1407 = tpu.vector_load %arg13[%get3A_1405, %get3A_1406] {strides = array<i32>} : memref<16x64xf32, #tpu.memory_space<vmem>>, vector<16xf32>,
        %get3A_1408 = arith.index_cast %add3A_507 : i32 to index
        %get3A_1409 = arith.constant 0 : index
        %get3A_1410 = tpu.vector_load %arg14[%get3A_1408, %get3A_1409] {strides = array<i32>} : memref<16x64xf32, #tpu.memory_space<vmem>>, vector<16xf32>,
        %mul3A_1411 = arith.mulf %add3A_1384, %add3A_1384 : vector<16xf32>
        %sub3A = arith.subf %mul3A_1411, %add3A_1386 : vector<16xf32>
        %add3A_1412 = arith.addf %sub3A, %get3A_1407 : vector<16xf32>
        %mul3A_1413 = arith.mulf %get3A_1410, %add3A_1412 : vector<16xf32>
        %add3A_1414 = arith.addf %broadcast_in_dim3A_509, %mul3A_1413 : vector<16xf32>
        %get3A_1415 = arith.index_cast %add3A_507 : i32 to index
        %get3A_1416 = arith.constant 16 : index
        %get3A_1417 = tpu.vector_load %arg13[%get3A_1415, %get3A_1416] {strides = array<i32>} : memref<16x64xf32, #tpu.memory_space<vmem>>, vector<16xf32>,
        %get3A_1418 = arith.index_cast %add3A_507 : i32 to index
        %get3A_1419 = arith.constant 16 : index
        %get3A_1420 = tpu.vector_load %arg14[%get3A_1418, %get3A_1419] {strides = array<i32>} : memref<16x64xf32, #tpu.memory_space<vmem>>, vector<16xf32>,
        %mul3A_1421 = arith.mulf %add3A_1390, %add3A_1390 : vector<16xf32>
        %sub3A_1422 = arith.subf %mul3A_1421, %add3A_1392 : vector<16xf32>
        %add3A_1423 = arith.addf %sub3A_1422, %get3A_1417 : vector<16xf32>
        %mul3A_1424 = arith.mulf %get3A_1420, %add3A_1423 : vector<16xf32>
        %add3A_1425 = arith.addf %add3A_1414, %mul3A_1424 : vector<16xf32>
        %get3A_1426 = arith.index_cast %add3A_507 : i32 to index
        %get3A_1427 = arith.constant 32 : index
        %get3A_1428 = tpu.vector_load %arg13[%get3A_1426, %get3A_1427] {strides = array<i32>} : memref<16x64xf32, #tpu.memory_space<vmem>>, vector<16xf32>,
        %get3A_1429 = arith.index_cast %add3A_507 : i32 to index
        %get3A_1430 = arith.constant 32 : index
        %get3A_1431 = tpu.vector_load %arg14[%get3A_1429, %get3A_1430] {strides = array<i32>} : memref<16x64xf32, #tpu.memory_space<vmem>>, vector<16xf32>,
        %mul3A_1432 = arith.mulf %add3A_1396, %add3A_1396 : vector<16xf32>
        %sub3A_1433 = arith.subf %mul3A_1432, %add3A_1398 : vector<16xf32>
        %add3A_1434 = arith.addf %sub3A_1433, %get3A_1428 : vector<16xf32>
        %mul3A_1435 = arith.mulf %get3A_1431, %add3A_1434 : vector<16xf32>
        %add3A_1436 = arith.addf %add3A_1425, %mul3A_1435 : vector<16xf32>
        %get3A_1437 = arith.index_cast %add3A_507 : i32 to index
        %get3A_1438 = arith.constant 48 : index
        %get3A_1439 = tpu.vector_load %arg13[%get3A_1437, %get3A_1438] {strides = array<i32>} : memref<16x64xf32, #tpu.memory_space<vmem>>, vector<16xf32>,
        %get3A_1440 = arith.index_cast %add3A_507 : i32 to index
        %get3A_1441 = arith.constant 48 : index
        %get3A_1442 = tpu.vector_load %arg14[%get3A_1440, %get3A_1441] {strides = array<i32>} : memref<16x64xf32, #tpu.memory_space<vmem>>, vector<16xf32>,
        %mul3A_1443 = arith.mulf %add3A_1402, %add3A_1402 : vector<16xf32>
        %sub3A_1444 = arith.subf %mul3A_1443, %add3A_1404 : vector<16xf32>
        %add3A_1445 = arith.addf %sub3A_1444, %get3A_1439 : vector<16xf32>
        %mul3A_1446 = arith.mulf %get3A_1442, %add3A_1445 : vector<16xf32>
        %add3A_1447 = arith.addf %add3A_1436, %mul3A_1446 : vector<16xf32>
        %mul3A_1448 = arith.constant 16 : i32
        %mul3A_1449 = arith.muli %add3A_507, %mul3A_1448 : i32
        %swap3A_1450 = arith.index_cast %mul3A_1449 : i32 to index
        %swap3A_1451 = tpu.vector_load %arg19[%swap3A_1450] {strides = array<i32>} : memref<256xf32, #tpu.memory_space<vmem>>, vector<16xf32>,
        tpu.vector_store %arg19[%swap3A_1450], %add3A_1447 {strides = array<i32>} : memref<256xf32, #tpu.memory_space<vmem>>, vector<16xf32>,
        %add3A_1452 = arith.constant 1 : i32
        %add3A_1453 = arith.addi %add3A_507, %add3A_1452 : i32
        %broadcast_in_dim3A_1454 = arith.constant 0.000000e+00 : f32
        %broadcast_in_dim3A_1455 = vector.broadcast %broadcast_in_dim3A_1454 : f32 to vector<16xf32>
        %mul3A_1456 = arith.constant 32 : i32
        %mul3A_1457 = arith.muli %add3A_1453, %mul3A_1456 : i32
        %add3A_1458 = arith.constant 0 : i32
        %add3A_1459 = arith.addi %mul3A_1457, %add3A_1458 : i32
        %get3A_1460 = arith.index_cast %add3A_1459 : i32 to index
        %get3A_1461 = arith.constant 0 : index
        %get3A_1462 = tpu.vector_load %arg12[%get3A_1460, %get3A_1461] {strides = array<i32>} : memref<512x64xf32, #tpu.memory_space<vmem>>, vector<16xf32>,
        %add3A_1463 = arith.addf %broadcast_in_dim3A_1455, %get3A_1462 : vector<16xf32>
        %mul3A_1464 = arith.mulf %get3A_1462, %get3A_1462 : vector<16xf32>
        %add3A_1465 = arith.addf %broadcast_in_dim3A_1455, %mul3A_1464 : vector<16xf32>
        %get3A_1466 = arith.index_cast %add3A_1459 : i32 to index
        %get3A_1467 = arith.constant 16 : index
        %get3A_1468 = tpu.vector_load %arg12[%get3A_1466, %get3A_1467] {strides = array<i32>} : memref<512x64xf32, #tpu.memory_space<vmem>>, vector<16xf32>,
        %add3A_1469 = arith.addf %broadcast_in_dim3A_1455, %get3A_1468 : vector<16xf32>
        %mul3A_1470 = arith.mulf %get3A_1468, %get3A_1468 : vector<16xf32>
        %add3A_1471 = arith.addf %broadcast_in_dim3A_1455, %mul3A_1470 : vector<16xf32>
        %get3A_1472 = arith.index_cast %add3A_1459 : i32 to index
        %get3A_1473 = arith.constant 32 : index
        %get3A_1474 = tpu.vector_load %arg12[%get3A_1472, %get3A_1473] {strides = array<i32>} : memref<512x64xf32, #tpu.memory_space<vmem>>, vector<16xf32>,
        %add3A_1475 = arith.addf %broadcast_in_dim3A_1455, %get3A_1474 : vector<16xf32>
        %mul3A_1476 = arith.mulf %get3A_1474, %get3A_1474 : vector<16xf32>
        %add3A_1477 = arith.addf %broadcast_in_dim3A_1455, %mul3A_1476 : vector<16xf32>
        %get3A_1478 = arith.index_cast %add3A_1459 : i32 to index
        %get3A_1479 = arith.constant 48 : index
        %get3A_1480 = tpu.vector_load %arg12[%get3A_1478, %get3A_1479] {strides = array<i32>} : memref<512x64xf32, #tpu.memory_space<vmem>>, vector<16xf32>,
        %add3A_1481 = arith.addf %broadcast_in_dim3A_1455, %get3A_1480 : vector<16xf32>
        %mul3A_1482 = arith.mulf %get3A_1480, %get3A_1480 : vector<16xf32>
        %add3A_1483 = arith.addf %broadcast_in_dim3A_1455, %mul3A_1482 : vector<16xf32>
        %mul3A_1484 = arith.constant 32 : i32
        %mul3A_1485 = arith.muli %add3A_1453, %mul3A_1484 : i32
        %add3A_1486 = arith.constant 1 : i32
        %add3A_1487 = arith.addi %mul3A_1485, %add3A_1486 : i32
        %get3A_1488 = arith.index_cast %add3A_1487 : i32 to index
        %get3A_1489 = arith.constant 0 : index
        %get3A_1490 = tpu.vector_load %arg12[%get3A_1488, %get3A_1489] {strides = array<i32>} : memref<512x64xf32, #tpu.memory_space<vmem>>, vector<16xf32>,
        %add3A_1491 = arith.addf %add3A_1463, %get3A_1490 : vector<16xf32>
        %mul3A_1492 = arith.mulf %get3A_1490, %get3A_1490 : vector<16xf32>
        %add3A_1493 = arith.addf %add3A_1465, %mul3A_1492 : vector<16xf32>
        %get3A_1494 = arith.index_cast %add3A_1487 : i32 to index
        %get3A_1495 = arith.constant 16 : index
        %get3A_1496 = tpu.vector_load %arg12[%get3A_1494, %get3A_1495] {strides = array<i32>} : memref<512x64xf32, #tpu.memory_space<vmem>>, vector<16xf32>,
        %add3A_1497 = arith.addf %add3A_1469, %get3A_1496 : vector<16xf32>
        %mul3A_1498 = arith.mulf %get3A_1496, %get3A_1496 : vector<16xf32>
        %add3A_1499 = arith.addf %add3A_1471, %mul3A_1498 : vector<16xf32>
        %get3A_1500 = arith.index_cast %add3A_1487 : i32 to index
        %get3A_1501 = arith.constant 32 : index
        %get3A_1502 = tpu.vector_load %arg12[%get3A_1500, %get3A_1501] {strides = array<i32>} : memref<512x64xf32, #tpu.memory_space<vmem>>, vector<16xf32>,
        %add3A_1503 = arith.addf %add3A_1475, %get3A_1502 : vector<16xf32>
        %mul3A_1504 = arith.mulf %get3A_1502, %get3A_1502 : vector<16xf32>
        %add3A_1505 = arith.addf %add3A_1477, %mul3A_1504 : vector<16xf32>
        %get3A_1506 = arith.index_cast %add3A_1487 : i32 to index
        %get3A_1507 = arith.constant 48 : index
        %get3A_1508 = tpu.vector_load %arg12[%get3A_1506, %get3A_1507] {strides = array<i32>} : memref<512x64xf32, #tpu.memory_space<vmem>>, vector<16xf32>,
        %add3A_1509 = arith.addf %add3A_1481, %get3A_1508 : vector<16xf32>
        %mul3A_1510 = arith.mulf %get3A_1508, %get3A_1508 : vector<16xf32>
        %add3A_1511 = arith.addf %add3A_1483, %mul3A_1510 : vector<16xf32>
        %mul3A_1512 = arith.constant 32 : i32
        %mul3A_1513 = arith.muli %add3A_1453, %mul3A_1512 : i32
        %add3A_1514 = arith.constant 2 : i32
        %add3A_1515 = arith.addi %mul3A_1513, %add3A_1514 : i32
        %get3A_1516 = arith.index_cast %add3A_1515 : i32 to index
        %get3A_1517 = arith.constant 0 : index
        %get3A_1518 = tpu.vector_load %arg12[%get3A_1516, %get3A_1517] {strides = array<i32>} : memref<512x64xf32, #tpu.memory_space<vmem>>, vector<16xf32>,
        %add3A_1519 = arith.addf %add3A_1491, %get3A_1518 : vector<16xf32>
        %mul3A_1520 = arith.mulf %get3A_1518, %get3A_1518 : vector<16xf32>
        %add3A_1521 = arith.addf %add3A_1493, %mul3A_1520 : vector<16xf32>
        %get3A_1522 = arith.index_cast %add3A_1515 : i32 to index
        %get3A_1523 = arith.constant 16 : index
        %get3A_1524 = tpu.vector_load %arg12[%get3A_1522, %get3A_1523] {strides = array<i32>} : memref<512x64xf32, #tpu.memory_space<vmem>>, vector<16xf32>,
        %add3A_1525 = arith.addf %add3A_1497, %get3A_1524 : vector<16xf32>
        %mul3A_1526 = arith.mulf %get3A_1524, %get3A_1524 : vector<16xf32>
        %add3A_1527 = arith.addf %add3A_1499, %mul3A_1526 : vector<16xf32>
        %get3A_1528 = arith.index_cast %add3A_1515 : i32 to index
        %get3A_1529 = arith.constant 32 : index
        %get3A_1530 = tpu.vector_load %arg12[%get3A_1528, %get3A_1529] {strides = array<i32>} : memref<512x64xf32, #tpu.memory_space<vmem>>, vector<16xf32>,
        %add3A_1531 = arith.addf %add3A_1503, %get3A_1530 : vector<16xf32>
        %mul3A_1532 = arith.mulf %get3A_1530, %get3A_1530 : vector<16xf32>
        %add3A_1533 = arith.addf %add3A_1505, %mul3A_1532 : vector<16xf32>
        %get3A_1534 = arith.index_cast %add3A_1515 : i32 to index
        %get3A_1535 = arith.constant 48 : index
        %get3A_1536 = tpu.vector_load %arg12[%get3A_1534, %get3A_1535] {strides = array<i32>} : memref<512x64xf32, #tpu.memory_space<vmem>>, vector<16xf32>,
        %add3A_1537 = arith.addf %add3A_1509, %get3A_1536 : vector<16xf32>
        %mul3A_1538 = arith.mulf %get3A_1536, %get3A_1536 : vector<16xf32>
        %add3A_1539 = arith.addf %add3A_1511, %mul3A_1538 : vector<16xf32>
        %mul3A_1540 = arith.constant 32 : i32
        %mul3A_1541 = arith.muli %add3A_1453, %mul3A_1540 : i32
        %add3A_1542 = arith.constant 3 : i32
        %add3A_1543 = arith.addi %mul3A_1541, %add3A_1542 : i32
        %get3A_1544 = arith.index_cast %add3A_1543 : i32 to index
        %get3A_1545 = arith.constant 0 : index
        %get3A_1546 = tpu.vector_load %arg12[%get3A_1544, %get3A_1545] {strides = array<i32>} : memref<512x64xf32, #tpu.memory_space<vmem>>, vector<16xf32>,
        %add3A_1547 = arith.addf %add3A_1519, %get3A_1546 : vector<16xf32>
        %mul3A_1548 = arith.mulf %get3A_1546, %get3A_1546 : vector<16xf32>
        %add3A_1549 = arith.addf %add3A_1521, %mul3A_1548 : vector<16xf32>
        %get3A_1550 = arith.index_cast %add3A_1543 : i32 to index
        %get3A_1551 = arith.constant 16 : index
        %get3A_1552 = tpu.vector_load %arg12[%get3A_1550, %get3A_1551] {strides = array<i32>} : memref<512x64xf32, #tpu.memory_space<vmem>>, vector<16xf32>,
        %add3A_1553 = arith.addf %add3A_1525, %get3A_1552 : vector<16xf32>
        %mul3A_1554 = arith.mulf %get3A_1552, %get3A_1552 : vector<16xf32>
        %add3A_1555 = arith.addf %add3A_1527, %mul3A_1554 : vector<16xf32>
        %get3A_1556 = arith.index_cast %add3A_1543 : i32 to index
        %get3A_1557 = arith.constant 32 : index
        %get3A_1558 = tpu.vector_load %arg12[%get3A_1556, %get3A_1557] {strides = array<i32>} : memref<512x64xf32, #tpu.memory_space<vmem>>, vector<16xf32>,
        %add3A_1559 = arith.addf %add3A_1531, %get3A_1558 : vector<16xf32>
        %mul3A_1560 = arith.mulf %get3A_1558, %get3A_1558 : vector<16xf32>
        %add3A_1561 = arith.addf %add3A_1533, %mul3A_1560 : vector<16xf32>
        %get3A_1562 = arith.index_cast %add3A_1543 : i32 to index
        %get3A_1563 = arith.constant 48 : index
        %get3A_1564 = tpu.vector_load %arg12[%get3A_1562, %get3A_1563] {strides = array<i32>} : memref<512x64xf32, #tpu.memory_space<vmem>>, vector<16xf32>,
        %add3A_1565 = arith.addf %add3A_1537, %get3A_1564 : vector<16xf32>
        %mul3A_1566 = arith.mulf %get3A_1564, %get3A_1564 : vector<16xf32>
        %add3A_1567 = arith.addf %add3A_1539, %mul3A_1566 : vector<16xf32>
        %mul3A_1568 = arith.constant 32 : i32
        %mul3A_1569 = arith.muli %add3A_1453, %mul3A_1568 : i32
        %add3A_1570 = arith.constant 4 : i32
        %add3A_1571 = arith.addi %mul3A_1569, %add3A_1570 : i32
        %get3A_1572 = arith.index_cast %add3A_1571 : i32 to index
        %get3A_1573 = arith.constant 0 : index
        %get3A_1574 = tpu.vector_load %arg12[%get3A_1572, %get3A_1573] {strides = array<i32>} : memref<512x64xf32, #tpu.memory_space<vmem>>, vector<16xf32>,
        %add3A_1575 = arith.addf %add3A_1547, %get3A_1574 : vector<16xf32>
        %mul3A_1576 = arith.mulf %get3A_1574, %get3A_1574 : vector<16xf32>
        %add3A_1577 = arith.addf %add3A_1549, %mul3A_1576 : vector<16xf32>
        %get3A_1578 = arith.index_cast %add3A_1571 : i32 to index
        %get3A_1579 = arith.constant 16 : index
        %get3A_1580 = tpu.vector_load %arg12[%get3A_1578, %get3A_1579] {strides = array<i32>} : memref<512x64xf32, #tpu.memory_space<vmem>>, vector<16xf32>,
        %add3A_1581 = arith.addf %add3A_1553, %get3A_1580 : vector<16xf32>
        %mul3A_1582 = arith.mulf %get3A_1580, %get3A_1580 : vector<16xf32>
        %add3A_1583 = arith.addf %add3A_1555, %mul3A_1582 : vector<16xf32>
        %get3A_1584 = arith.index_cast %add3A_1571 : i32 to index
        %get3A_1585 = arith.constant 32 : index
        %get3A_1586 = tpu.vector_load %arg12[%get3A_1584, %get3A_1585] {strides = array<i32>} : memref<512x64xf32, #tpu.memory_space<vmem>>, vector<16xf32>,
        %add3A_1587 = arith.addf %add3A_1559, %get3A_1586 : vector<16xf32>
        %mul3A_1588 = arith.mulf %get3A_1586, %get3A_1586 : vector<16xf32>
        %add3A_1589 = arith.addf %add3A_1561, %mul3A_1588 : vector<16xf32>
        %get3A_1590 = arith.index_cast %add3A_1571 : i32 to index
        %get3A_1591 = arith.constant 48 : index
        %get3A_1592 = tpu.vector_load %arg12[%get3A_1590, %get3A_1591] {strides = array<i32>} : memref<512x64xf32, #tpu.memory_space<vmem>>, vector<16xf32>,
        %add3A_1593 = arith.addf %add3A_1565, %get3A_1592 : vector<16xf32>
        %mul3A_1594 = arith.mulf %get3A_1592, %get3A_1592 : vector<16xf32>
        %add3A_1595 = arith.addf %add3A_1567, %mul3A_1594 : vector<16xf32>
        %mul3A_1596 = arith.constant 32 : i32
        %mul3A_1597 = arith.muli %add3A_1453, %mul3A_1596 : i32
        %add3A_1598 = arith.constant 5 : i32
        %add3A_1599 = arith.addi %mul3A_1597, %add3A_1598 : i32
        %get3A_1600 = arith.index_cast %add3A_1599 : i32 to index
        %get3A_1601 = arith.constant 0 : index
        %get3A_1602 = tpu.vector_load %arg12[%get3A_1600, %get3A_1601] {strides = array<i32>} : memref<512x64xf32, #tpu.memory_space<vmem>>, vector<16xf32>,
        %add3A_1603 = arith.addf %add3A_1575, %get3A_1602 : vector<16xf32>
        %mul3A_1604 = arith.mulf %get3A_1602, %get3A_1602 : vector<16xf32>
        %add3A_1605 = arith.addf %add3A_1577, %mul3A_1604 : vector<16xf32>
        %get3A_1606 = arith.index_cast %add3A_1599 : i32 to index
        %get3A_1607 = arith.constant 16 : index
        %get3A_1608 = tpu.vector_load %arg12[%get3A_1606, %get3A_1607] {strides = array<i32>} : memref<512x64xf32, #tpu.memory_space<vmem>>, vector<16xf32>,
        %add3A_1609 = arith.addf %add3A_1581, %get3A_1608 : vector<16xf32>
        %mul3A_1610 = arith.mulf %get3A_1608, %get3A_1608 : vector<16xf32>
        %add3A_1611 = arith.addf %add3A_1583, %mul3A_1610 : vector<16xf32>
        %get3A_1612 = arith.index_cast %add3A_1599 : i32 to index
        %get3A_1613 = arith.constant 32 : index
        %get3A_1614 = tpu.vector_load %arg12[%get3A_1612, %get3A_1613] {strides = array<i32>} : memref<512x64xf32, #tpu.memory_space<vmem>>, vector<16xf32>,
        %add3A_1615 = arith.addf %add3A_1587, %get3A_1614 : vector<16xf32>
        %mul3A_1616 = arith.mulf %get3A_1614, %get3A_1614 : vector<16xf32>
        %add3A_1617 = arith.addf %add3A_1589, %mul3A_1616 : vector<16xf32>
        %get3A_1618 = arith.index_cast %add3A_1599 : i32 to index
        %get3A_1619 = arith.constant 48 : index
        %get3A_1620 = tpu.vector_load %arg12[%get3A_1618, %get3A_1619] {strides = array<i32>} : memref<512x64xf32, #tpu.memory_space<vmem>>, vector<16xf32>,
        %add3A_1621 = arith.addf %add3A_1593, %get3A_1620 : vector<16xf32>
        %mul3A_1622 = arith.mulf %get3A_1620, %get3A_1620 : vector<16xf32>
        %add3A_1623 = arith.addf %add3A_1595, %mul3A_1622 : vector<16xf32>
        %mul3A_1624 = arith.constant 32 : i32
        %mul3A_1625 = arith.muli %add3A_1453, %mul3A_1624 : i32
        %add3A_1626 = arith.constant 6 : i32
        %add3A_1627 = arith.addi %mul3A_1625, %add3A_1626 : i32
        %get3A_1628 = arith.index_cast %add3A_1627 : i32 to index
        %get3A_1629 = arith.constant 0 : index
        %get3A_1630 = tpu.vector_load %arg12[%get3A_1628, %get3A_1629] {strides = array<i32>} : memref<512x64xf32, #tpu.memory_space<vmem>>, vector<16xf32>,
        %add3A_1631 = arith.addf %add3A_1603, %get3A_1630 : vector<16xf32>
        %mul3A_1632 = arith.mulf %get3A_1630, %get3A_1630 : vector<16xf32>
        %add3A_1633 = arith.addf %add3A_1605, %mul3A_1632 : vector<16xf32>
        %get3A_1634 = arith.index_cast %add3A_1627 : i32 to index
        %get3A_1635 = arith.constant 16 : index
        %get3A_1636 = tpu.vector_load %arg12[%get3A_1634, %get3A_1635] {strides = array<i32>} : memref<512x64xf32, #tpu.memory_space<vmem>>, vector<16xf32>,
        %add3A_1637 = arith.addf %add3A_1609, %get3A_1636 : vector<16xf32>
        %mul3A_1638 = arith.mulf %get3A_1636, %get3A_1636 : vector<16xf32>
        %add3A_1639 = arith.addf %add3A_1611, %mul3A_1638 : vector<16xf32>
        %get3A_1640 = arith.index_cast %add3A_1627 : i32 to index
        %get3A_1641 = arith.constant 32 : index
        %get3A_1642 = tpu.vector_load %arg12[%get3A_1640, %get3A_1641] {strides = array<i32>} : memref<512x64xf32, #tpu.memory_space<vmem>>, vector<16xf32>,
        %add3A_1643 = arith.addf %add3A_1615, %get3A_1642 : vector<16xf32>
        %mul3A_1644 = arith.mulf %get3A_1642, %get3A_1642 : vector<16xf32>
        %add3A_1645 = arith.addf %add3A_1617, %mul3A_1644 : vector<16xf32>
        %get3A_1646 = arith.index_cast %add3A_1627 : i32 to index
        %get3A_1647 = arith.constant 48 : index
        %get3A_1648 = tpu.vector_load %arg12[%get3A_1646, %get3A_1647] {strides = array<i32>} : memref<512x64xf32, #tpu.memory_space<vmem>>, vector<16xf32>,
        %add3A_1649 = arith.addf %add3A_1621, %get3A_1648 : vector<16xf32>
        %mul3A_1650 = arith.mulf %get3A_1648, %get3A_1648 : vector<16xf32>
        %add3A_1651 = arith.addf %add3A_1623, %mul3A_1650 : vector<16xf32>
        %mul3A_1652 = arith.constant 32 : i32
        %mul3A_1653 = arith.muli %add3A_1453, %mul3A_1652 : i32
        %add3A_1654 = arith.constant 7 : i32
        %add3A_1655 = arith.addi %mul3A_1653, %add3A_1654 : i32
        %get3A_1656 = arith.index_cast %add3A_1655 : i32 to index
        %get3A_1657 = arith.constant 0 : index
        %get3A_1658 = tpu.vector_load %arg12[%get3A_1656, %get3A_1657] {strides = array<i32>} : memref<512x64xf32, #tpu.memory_space<vmem>>, vector<16xf32>,
        %add3A_1659 = arith.addf %add3A_1631, %get3A_1658 : vector<16xf32>
        %mul3A_1660 = arith.mulf %get3A_1658, %get3A_1658 : vector<16xf32>
        %add3A_1661 = arith.addf %add3A_1633, %mul3A_1660 : vector<16xf32>
        %get3A_1662 = arith.index_cast %add3A_1655 : i32 to index
        %get3A_1663 = arith.constant 16 : index
        %get3A_1664 = tpu.vector_load %arg12[%get3A_1662, %get3A_1663] {strides = array<i32>} : memref<512x64xf32, #tpu.memory_space<vmem>>, vector<16xf32>,
        %add3A_1665 = arith.addf %add3A_1637, %get3A_1664 : vector<16xf32>
        %mul3A_1666 = arith.mulf %get3A_1664, %get3A_1664 : vector<16xf32>
        %add3A_1667 = arith.addf %add3A_1639, %mul3A_1666 : vector<16xf32>
        %get3A_1668 = arith.index_cast %add3A_1655 : i32 to index
        %get3A_1669 = arith.constant 32 : index
        %get3A_1670 = tpu.vector_load %arg12[%get3A_1668, %get3A_1669] {strides = array<i32>} : memref<512x64xf32, #tpu.memory_space<vmem>>, vector<16xf32>,
        %add3A_1671 = arith.addf %add3A_1643, %get3A_1670 : vector<16xf32>
        %mul3A_1672 = arith.mulf %get3A_1670, %get3A_1670 : vector<16xf32>
        %add3A_1673 = arith.addf %add3A_1645, %mul3A_1672 : vector<16xf32>
        %get3A_1674 = arith.index_cast %add3A_1655 : i32 to index
        %get3A_1675 = arith.constant 48 : index
        %get3A_1676 = tpu.vector_load %arg12[%get3A_1674, %get3A_1675] {strides = array<i32>} : memref<512x64xf32, #tpu.memory_space<vmem>>, vector<16xf32>,
        %add3A_1677 = arith.addf %add3A_1649, %get3A_1676 : vector<16xf32>
        %mul3A_1678 = arith.mulf %get3A_1676, %get3A_1676 : vector<16xf32>
        %add3A_1679 = arith.addf %add3A_1651, %mul3A_1678 : vector<16xf32>
        %mul3A_1680 = arith.constant 32 : i32
        %mul3A_1681 = arith.muli %add3A_1453, %mul3A_1680 : i32
        %add3A_1682 = arith.constant 8 : i32
        %add3A_1683 = arith.addi %mul3A_1681, %add3A_1682 : i32
        %get3A_1684 = arith.index_cast %add3A_1683 : i32 to index
        %get3A_1685 = arith.constant 0 : index
        %get3A_1686 = tpu.vector_load %arg12[%get3A_1684, %get3A_1685] {strides = array<i32>} : memref<512x64xf32, #tpu.memory_space<vmem>>, vector<16xf32>,
        %add3A_1687 = arith.addf %add3A_1659, %get3A_1686 : vector<16xf32>
        %mul3A_1688 = arith.mulf %get3A_1686, %get3A_1686 : vector<16xf32>
        %add3A_1689 = arith.addf %add3A_1661, %mul3A_1688 : vector<16xf32>
        %get3A_1690 = arith.index_cast %add3A_1683 : i32 to index
        %get3A_1691 = arith.constant 16 : index
        %get3A_1692 = tpu.vector_load %arg12[%get3A_1690, %get3A_1691] {strides = array<i32>} : memref<512x64xf32, #tpu.memory_space<vmem>>, vector<16xf32>,
        %add3A_1693 = arith.addf %add3A_1665, %get3A_1692 : vector<16xf32>
        %mul3A_1694 = arith.mulf %get3A_1692, %get3A_1692 : vector<16xf32>
        %add3A_1695 = arith.addf %add3A_1667, %mul3A_1694 : vector<16xf32>
        %get3A_1696 = arith.index_cast %add3A_1683 : i32 to index
        %get3A_1697 = arith.constant 32 : index
        %get3A_1698 = tpu.vector_load %arg12[%get3A_1696, %get3A_1697] {strides = array<i32>} : memref<512x64xf32, #tpu.memory_space<vmem>>, vector<16xf32>,
        %add3A_1699 = arith.addf %add3A_1671, %get3A_1698 : vector<16xf32>
        %mul3A_1700 = arith.mulf %get3A_1698, %get3A_1698 : vector<16xf32>
        %add3A_1701 = arith.addf %add3A_1673, %mul3A_1700 : vector<16xf32>
        %get3A_1702 = arith.index_cast %add3A_1683 : i32 to index
        %get3A_1703 = arith.constant 48 : index
        %get3A_1704 = tpu.vector_load %arg12[%get3A_1702, %get3A_1703] {strides = array<i32>} : memref<512x64xf32, #tpu.memory_space<vmem>>, vector<16xf32>,
        %add3A_1705 = arith.addf %add3A_1677, %get3A_1704 : vector<16xf32>
        %mul3A_1706 = arith.mulf %get3A_1704, %get3A_1704 : vector<16xf32>
        %add3A_1707 = arith.addf %add3A_1679, %mul3A_1706 : vector<16xf32>
        %mul3A_1708 = arith.constant 32 : i32
        %mul3A_1709 = arith.muli %add3A_1453, %mul3A_1708 : i32
        %add3A_1710 = arith.constant 9 : i32
        %add3A_1711 = arith.addi %mul3A_1709, %add3A_1710 : i32
        %get3A_1712 = arith.index_cast %add3A_1711 : i32 to index
        %get3A_1713 = arith.constant 0 : index
        %get3A_1714 = tpu.vector_load %arg12[%get3A_1712, %get3A_1713] {strides = array<i32>} : memref<512x64xf32, #tpu.memory_space<vmem>>, vector<16xf32>,
        %add3A_1715 = arith.addf %add3A_1687, %get3A_1714 : vector<16xf32>
        %mul3A_1716 = arith.mulf %get3A_1714, %get3A_1714 : vector<16xf32>
        %add3A_1717 = arith.addf %add3A_1689, %mul3A_1716 : vector<16xf32>
        %get3A_1718 = arith.index_cast %add3A_1711 : i32 to index
        %get3A_1719 = arith.constant 16 : index
        %get3A_1720 = tpu.vector_load %arg12[%get3A_1718, %get3A_1719] {strides = array<i32>} : memref<512x64xf32, #tpu.memory_space<vmem>>, vector<16xf32>,
        %add3A_1721 = arith.addf %add3A_1693, %get3A_1720 : vector<16xf32>
        %mul3A_1722 = arith.mulf %get3A_1720, %get3A_1720 : vector<16xf32>
        %add3A_1723 = arith.addf %add3A_1695, %mul3A_1722 : vector<16xf32>
        %get3A_1724 = arith.index_cast %add3A_1711 : i32 to index
        %get3A_1725 = arith.constant 32 : index
        %get3A_1726 = tpu.vector_load %arg12[%get3A_1724, %get3A_1725] {strides = array<i32>} : memref<512x64xf32, #tpu.memory_space<vmem>>, vector<16xf32>,
        %add3A_1727 = arith.addf %add3A_1699, %get3A_1726 : vector<16xf32>
        %mul3A_1728 = arith.mulf %get3A_1726, %get3A_1726 : vector<16xf32>
        %add3A_1729 = arith.addf %add3A_1701, %mul3A_1728 : vector<16xf32>
        %get3A_1730 = arith.index_cast %add3A_1711 : i32 to index
        %get3A_1731 = arith.constant 48 : index
        %get3A_1732 = tpu.vector_load %arg12[%get3A_1730, %get3A_1731] {strides = array<i32>} : memref<512x64xf32, #tpu.memory_space<vmem>>, vector<16xf32>,
        %add3A_1733 = arith.addf %add3A_1705, %get3A_1732 : vector<16xf32>
        %mul3A_1734 = arith.mulf %get3A_1732, %get3A_1732 : vector<16xf32>
        %add3A_1735 = arith.addf %add3A_1707, %mul3A_1734 : vector<16xf32>
        %mul3A_1736 = arith.constant 32 : i32
        %mul3A_1737 = arith.muli %add3A_1453, %mul3A_1736 : i32
        %add3A_1738 = arith.constant 10 : i32
        %add3A_1739 = arith.addi %mul3A_1737, %add3A_1738 : i32
        %get3A_1740 = arith.index_cast %add3A_1739 : i32 to index
        %get3A_1741 = arith.constant 0 : index
        %get3A_1742 = tpu.vector_load %arg12[%get3A_1740, %get3A_1741] {strides = array<i32>} : memref<512x64xf32, #tpu.memory_space<vmem>>, vector<16xf32>,
        %add3A_1743 = arith.addf %add3A_1715, %get3A_1742 : vector<16xf32>
        %mul3A_1744 = arith.mulf %get3A_1742, %get3A_1742 : vector<16xf32>
        %add3A_1745 = arith.addf %add3A_1717, %mul3A_1744 : vector<16xf32>
        %get3A_1746 = arith.index_cast %add3A_1739 : i32 to index
        %get3A_1747 = arith.constant 16 : index
        %get3A_1748 = tpu.vector_load %arg12[%get3A_1746, %get3A_1747] {strides = array<i32>} : memref<512x64xf32, #tpu.memory_space<vmem>>, vector<16xf32>,
        %add3A_1749 = arith.addf %add3A_1721, %get3A_1748 : vector<16xf32>
        %mul3A_1750 = arith.mulf %get3A_1748, %get3A_1748 : vector<16xf32>
        %add3A_1751 = arith.addf %add3A_1723, %mul3A_1750 : vector<16xf32>
        %get3A_1752 = arith.index_cast %add3A_1739 : i32 to index
        %get3A_1753 = arith.constant 32 : index
        %get3A_1754 = tpu.vector_load %arg12[%get3A_1752, %get3A_1753] {strides = array<i32>} : memref<512x64xf32, #tpu.memory_space<vmem>>, vector<16xf32>,
        %add3A_1755 = arith.addf %add3A_1727, %get3A_1754 : vector<16xf32>
        %mul3A_1756 = arith.mulf %get3A_1754, %get3A_1754 : vector<16xf32>
        %add3A_1757 = arith.addf %add3A_1729, %mul3A_1756 : vector<16xf32>
        %get3A_1758 = arith.index_cast %add3A_1739 : i32 to index
        %get3A_1759 = arith.constant 48 : index
        %get3A_1760 = tpu.vector_load %arg12[%get3A_1758, %get3A_1759] {strides = array<i32>} : memref<512x64xf32, #tpu.memory_space<vmem>>, vector<16xf32>,
        %add3A_1761 = arith.addf %add3A_1733, %get3A_1760 : vector<16xf32>
        %mul3A_1762 = arith.mulf %get3A_1760, %get3A_1760 : vector<16xf32>
        %add3A_1763 = arith.addf %add3A_1735, %mul3A_1762 : vector<16xf32>
        %mul3A_1764 = arith.constant 32 : i32
        %mul3A_1765 = arith.muli %add3A_1453, %mul3A_1764 : i32
        %add3A_1766 = arith.constant 11 : i32
        %add3A_1767 = arith.addi %mul3A_1765, %add3A_1766 : i32
        %get3A_1768 = arith.index_cast %add3A_1767 : i32 to index
        %get3A_1769 = arith.constant 0 : index
        %get3A_1770 = tpu.vector_load %arg12[%get3A_1768, %get3A_1769] {strides = array<i32>} : memref<512x64xf32, #tpu.memory_space<vmem>>, vector<16xf32>,
        %add3A_1771 = arith.addf %add3A_1743, %get3A_1770 : vector<16xf32>
        %mul3A_1772 = arith.mulf %get3A_1770, %get3A_1770 : vector<16xf32>
        %add3A_1773 = arith.addf %add3A_1745, %mul3A_1772 : vector<16xf32>
        %get3A_1774 = arith.index_cast %add3A_1767 : i32 to index
        %get3A_1775 = arith.constant 16 : index
        %get3A_1776 = tpu.vector_load %arg12[%get3A_1774, %get3A_1775] {strides = array<i32>} : memref<512x64xf32, #tpu.memory_space<vmem>>, vector<16xf32>,
        %add3A_1777 = arith.addf %add3A_1749, %get3A_1776 : vector<16xf32>
        %mul3A_1778 = arith.mulf %get3A_1776, %get3A_1776 : vector<16xf32>
        %add3A_1779 = arith.addf %add3A_1751, %mul3A_1778 : vector<16xf32>
        %get3A_1780 = arith.index_cast %add3A_1767 : i32 to index
        %get3A_1781 = arith.constant 32 : index
        %get3A_1782 = tpu.vector_load %arg12[%get3A_1780, %get3A_1781] {strides = array<i32>} : memref<512x64xf32, #tpu.memory_space<vmem>>, vector<16xf32>,
        %add3A_1783 = arith.addf %add3A_1755, %get3A_1782 : vector<16xf32>
        %mul3A_1784 = arith.mulf %get3A_1782, %get3A_1782 : vector<16xf32>
        %add3A_1785 = arith.addf %add3A_1757, %mul3A_1784 : vector<16xf32>
        %get3A_1786 = arith.index_cast %add3A_1767 : i32 to index
        %get3A_1787 = arith.constant 48 : index
        %get3A_1788 = tpu.vector_load %arg12[%get3A_1786, %get3A_1787] {strides = array<i32>} : memref<512x64xf32, #tpu.memory_space<vmem>>, vector<16xf32>,
        %add3A_1789 = arith.addf %add3A_1761, %get3A_1788 : vector<16xf32>
        %mul3A_1790 = arith.mulf %get3A_1788, %get3A_1788 : vector<16xf32>
        %add3A_1791 = arith.addf %add3A_1763, %mul3A_1790 : vector<16xf32>
        %mul3A_1792 = arith.constant 32 : i32
        %mul3A_1793 = arith.muli %add3A_1453, %mul3A_1792 : i32
        %add3A_1794 = arith.constant 12 : i32
        %add3A_1795 = arith.addi %mul3A_1793, %add3A_1794 : i32
        %get3A_1796 = arith.index_cast %add3A_1795 : i32 to index
        %get3A_1797 = arith.constant 0 : index
        %get3A_1798 = tpu.vector_load %arg12[%get3A_1796, %get3A_1797] {strides = array<i32>} : memref<512x64xf32, #tpu.memory_space<vmem>>, vector<16xf32>,
        %add3A_1799 = arith.addf %add3A_1771, %get3A_1798 : vector<16xf32>
        %mul3A_1800 = arith.mulf %get3A_1798, %get3A_1798 : vector<16xf32>
        %add3A_1801 = arith.addf %add3A_1773, %mul3A_1800 : vector<16xf32>
        %get3A_1802 = arith.index_cast %add3A_1795 : i32 to index
        %get3A_1803 = arith.constant 16 : index
        %get3A_1804 = tpu.vector_load %arg12[%get3A_1802, %get3A_1803] {strides = array<i32>} : memref<512x64xf32, #tpu.memory_space<vmem>>, vector<16xf32>,
        %add3A_1805 = arith.addf %add3A_1777, %get3A_1804 : vector<16xf32>
        %mul3A_1806 = arith.mulf %get3A_1804, %get3A_1804 : vector<16xf32>
        %add3A_1807 = arith.addf %add3A_1779, %mul3A_1806 : vector<16xf32>
        %get3A_1808 = arith.index_cast %add3A_1795 : i32 to index
        %get3A_1809 = arith.constant 32 : index
        %get3A_1810 = tpu.vector_load %arg12[%get3A_1808, %get3A_1809] {strides = array<i32>} : memref<512x64xf32, #tpu.memory_space<vmem>>, vector<16xf32>,
        %add3A_1811 = arith.addf %add3A_1783, %get3A_1810 : vector<16xf32>
        %mul3A_1812 = arith.mulf %get3A_1810, %get3A_1810 : vector<16xf32>
        %add3A_1813 = arith.addf %add3A_1785, %mul3A_1812 : vector<16xf32>
        %get3A_1814 = arith.index_cast %add3A_1795 : i32 to index
        %get3A_1815 = arith.constant 48 : index
        %get3A_1816 = tpu.vector_load %arg12[%get3A_1814, %get3A_1815] {strides = array<i32>} : memref<512x64xf32, #tpu.memory_space<vmem>>, vector<16xf32>,
        %add3A_1817 = arith.addf %add3A_1789, %get3A_1816 : vector<16xf32>
        %mul3A_1818 = arith.mulf %get3A_1816, %get3A_1816 : vector<16xf32>
        %add3A_1819 = arith.addf %add3A_1791, %mul3A_1818 : vector<16xf32>
        %mul3A_1820 = arith.constant 32 : i32
        %mul3A_1821 = arith.muli %add3A_1453, %mul3A_1820 : i32
        %add3A_1822 = arith.constant 13 : i32
        %add3A_1823 = arith.addi %mul3A_1821, %add3A_1822 : i32
        %get3A_1824 = arith.index_cast %add3A_1823 : i32 to index
        %get3A_1825 = arith.constant 0 : index
        %get3A_1826 = tpu.vector_load %arg12[%get3A_1824, %get3A_1825] {strides = array<i32>} : memref<512x64xf32, #tpu.memory_space<vmem>>, vector<16xf32>,
        %add3A_1827 = arith.addf %add3A_1799, %get3A_1826 : vector<16xf32>
        %mul3A_1828 = arith.mulf %get3A_1826, %get3A_1826 : vector<16xf32>
        %add3A_1829 = arith.addf %add3A_1801, %mul3A_1828 : vector<16xf32>
        %get3A_1830 = arith.index_cast %add3A_1823 : i32 to index
        %get3A_1831 = arith.constant 16 : index
        %get3A_1832 = tpu.vector_load %arg12[%get3A_1830, %get3A_1831] {strides = array<i32>} : memref<512x64xf32, #tpu.memory_space<vmem>>, vector<16xf32>,
        %add3A_1833 = arith.addf %add3A_1805, %get3A_1832 : vector<16xf32>
        %mul3A_1834 = arith.mulf %get3A_1832, %get3A_1832 : vector<16xf32>
        %add3A_1835 = arith.addf %add3A_1807, %mul3A_1834 : vector<16xf32>
        %get3A_1836 = arith.index_cast %add3A_1823 : i32 to index
        %get3A_1837 = arith.constant 32 : index
        %get3A_1838 = tpu.vector_load %arg12[%get3A_1836, %get3A_1837] {strides = array<i32>} : memref<512x64xf32, #tpu.memory_space<vmem>>, vector<16xf32>,
        %add3A_1839 = arith.addf %add3A_1811, %get3A_1838 : vector<16xf32>
        %mul3A_1840 = arith.mulf %get3A_1838, %get3A_1838 : vector<16xf32>
        %add3A_1841 = arith.addf %add3A_1813, %mul3A_1840 : vector<16xf32>
        %get3A_1842 = arith.index_cast %add3A_1823 : i32 to index
        %get3A_1843 = arith.constant 48 : index
        %get3A_1844 = tpu.vector_load %arg12[%get3A_1842, %get3A_1843] {strides = array<i32>} : memref<512x64xf32, #tpu.memory_space<vmem>>, vector<16xf32>,
        %add3A_1845 = arith.addf %add3A_1817, %get3A_1844 : vector<16xf32>
        %mul3A_1846 = arith.mulf %get3A_1844, %get3A_1844 : vector<16xf32>
        %add3A_1847 = arith.addf %add3A_1819, %mul3A_1846 : vector<16xf32>
        %mul3A_1848 = arith.constant 32 : i32
        %mul3A_1849 = arith.muli %add3A_1453, %mul3A_1848 : i32
        %add3A_1850 = arith.constant 14 : i32
        %add3A_1851 = arith.addi %mul3A_1849, %add3A_1850 : i32
        %get3A_1852 = arith.index_cast %add3A_1851 : i32 to index
        %get3A_1853 = arith.constant 0 : index
        %get3A_1854 = tpu.vector_load %arg12[%get3A_1852, %get3A_1853] {strides = array<i32>} : memref<512x64xf32, #tpu.memory_space<vmem>>, vector<16xf32>,
        %add3A_1855 = arith.addf %add3A_1827, %get3A_1854 : vector<16xf32>
        %mul3A_1856 = arith.mulf %get3A_1854, %get3A_1854 : vector<16xf32>
        %add3A_1857 = arith.addf %add3A_1829, %mul3A_1856 : vector<16xf32>
        %get3A_1858 = arith.index_cast %add3A_1851 : i32 to index
        %get3A_1859 = arith.constant 16 : index
        %get3A_1860 = tpu.vector_load %arg12[%get3A_1858, %get3A_1859] {strides = array<i32>} : memref<512x64xf32, #tpu.memory_space<vmem>>, vector<16xf32>,
        %add3A_1861 = arith.addf %add3A_1833, %get3A_1860 : vector<16xf32>
        %mul3A_1862 = arith.mulf %get3A_1860, %get3A_1860 : vector<16xf32>
        %add3A_1863 = arith.addf %add3A_1835, %mul3A_1862 : vector<16xf32>
        %get3A_1864 = arith.index_cast %add3A_1851 : i32 to index
        %get3A_1865 = arith.constant 32 : index
        %get3A_1866 = tpu.vector_load %arg12[%get3A_1864, %get3A_1865] {strides = array<i32>} : memref<512x64xf32, #tpu.memory_space<vmem>>, vector<16xf32>,
        %add3A_1867 = arith.addf %add3A_1839, %get3A_1866 : vector<16xf32>
        %mul3A_1868 = arith.mulf %get3A_1866, %get3A_1866 : vector<16xf32>
        %add3A_1869 = arith.addf %add3A_1841, %mul3A_1868 : vector<16xf32>
        %get3A_1870 = arith.index_cast %add3A_1851 : i32 to index
        %get3A_1871 = arith.constant 48 : index
        %get3A_1872 = tpu.vector_load %arg12[%get3A_1870, %get3A_1871] {strides = array<i32>} : memref<512x64xf32, #tpu.memory_space<vmem>>, vector<16xf32>,
        %add3A_1873 = arith.addf %add3A_1845, %get3A_1872 : vector<16xf32>
        %mul3A_1874 = arith.mulf %get3A_1872, %get3A_1872 : vector<16xf32>
        %add3A_1875 = arith.addf %add3A_1847, %mul3A_1874 : vector<16xf32>
        %mul3A_1876 = arith.constant 32 : i32
        %mul3A_1877 = arith.muli %add3A_1453, %mul3A_1876 : i32
        %add3A_1878 = arith.constant 15 : i32
        %add3A_1879 = arith.addi %mul3A_1877, %add3A_1878 : i32
        %get3A_1880 = arith.index_cast %add3A_1879 : i32 to index
        %get3A_1881 = arith.constant 0 : index
        %get3A_1882 = tpu.vector_load %arg12[%get3A_1880, %get3A_1881] {strides = array<i32>} : memref<512x64xf32, #tpu.memory_space<vmem>>, vector<16xf32>,
        %add3A_1883 = arith.addf %add3A_1855, %get3A_1882 : vector<16xf32>
        %mul3A_1884 = arith.mulf %get3A_1882, %get3A_1882 : vector<16xf32>
        %add3A_1885 = arith.addf %add3A_1857, %mul3A_1884 : vector<16xf32>
        %get3A_1886 = arith.index_cast %add3A_1879 : i32 to index
        %get3A_1887 = arith.constant 16 : index
        %get3A_1888 = tpu.vector_load %arg12[%get3A_1886, %get3A_1887] {strides = array<i32>} : memref<512x64xf32, #tpu.memory_space<vmem>>, vector<16xf32>,
        %add3A_1889 = arith.addf %add3A_1861, %get3A_1888 : vector<16xf32>
        %mul3A_1890 = arith.mulf %get3A_1888, %get3A_1888 : vector<16xf32>
        %add3A_1891 = arith.addf %add3A_1863, %mul3A_1890 : vector<16xf32>
        %get3A_1892 = arith.index_cast %add3A_1879 : i32 to index
        %get3A_1893 = arith.constant 32 : index
        %get3A_1894 = tpu.vector_load %arg12[%get3A_1892, %get3A_1893] {strides = array<i32>} : memref<512x64xf32, #tpu.memory_space<vmem>>, vector<16xf32>,
        %add3A_1895 = arith.addf %add3A_1867, %get3A_1894 : vector<16xf32>
        %mul3A_1896 = arith.mulf %get3A_1894, %get3A_1894 : vector<16xf32>
        %add3A_1897 = arith.addf %add3A_1869, %mul3A_1896 : vector<16xf32>
        %get3A_1898 = arith.index_cast %add3A_1879 : i32 to index
        %get3A_1899 = arith.constant 48 : index
        %get3A_1900 = tpu.vector_load %arg12[%get3A_1898, %get3A_1899] {strides = array<i32>} : memref<512x64xf32, #tpu.memory_space<vmem>>, vector<16xf32>,
        %add3A_1901 = arith.addf %add3A_1873, %get3A_1900 : vector<16xf32>
        %mul3A_1902 = arith.mulf %get3A_1900, %get3A_1900 : vector<16xf32>
        %add3A_1903 = arith.addf %add3A_1875, %mul3A_1902 : vector<16xf32>
        %mul3A_1904 = arith.constant 32 : i32
        %mul3A_1905 = arith.muli %add3A_1453, %mul3A_1904 : i32
        %add3A_1906 = arith.constant 16 : i32
        %add3A_1907 = arith.addi %mul3A_1905, %add3A_1906 : i32
        %get3A_1908 = arith.index_cast %add3A_1907 : i32 to index
        %get3A_1909 = arith.constant 0 : index
        %get3A_1910 = tpu.vector_load %arg12[%get3A_1908, %get3A_1909] {strides = array<i32>} : memref<512x64xf32, #tpu.memory_space<vmem>>, vector<16xf32>,
        %add3A_1911 = arith.addf %add3A_1883, %get3A_1910 : vector<16xf32>
        %mul3A_1912 = arith.mulf %get3A_1910, %get3A_1910 : vector<16xf32>
        %add3A_1913 = arith.addf %add3A_1885, %mul3A_1912 : vector<16xf32>
        %get3A_1914 = arith.index_cast %add3A_1907 : i32 to index
        %get3A_1915 = arith.constant 16 : index
        %get3A_1916 = tpu.vector_load %arg12[%get3A_1914, %get3A_1915] {strides = array<i32>} : memref<512x64xf32, #tpu.memory_space<vmem>>, vector<16xf32>,
        %add3A_1917 = arith.addf %add3A_1889, %get3A_1916 : vector<16xf32>
        %mul3A_1918 = arith.mulf %get3A_1916, %get3A_1916 : vector<16xf32>
        %add3A_1919 = arith.addf %add3A_1891, %mul3A_1918 : vector<16xf32>
        %get3A_1920 = arith.index_cast %add3A_1907 : i32 to index
        %get3A_1921 = arith.constant 32 : index
        %get3A_1922 = tpu.vector_load %arg12[%get3A_1920, %get3A_1921] {strides = array<i32>} : memref<512x64xf32, #tpu.memory_space<vmem>>, vector<16xf32>,
        %add3A_1923 = arith.addf %add3A_1895, %get3A_1922 : vector<16xf32>
        %mul3A_1924 = arith.mulf %get3A_1922, %get3A_1922 : vector<16xf32>
        %add3A_1925 = arith.addf %add3A_1897, %mul3A_1924 : vector<16xf32>
        %get3A_1926 = arith.index_cast %add3A_1907 : i32 to index
        %get3A_1927 = arith.constant 48 : index
        %get3A_1928 = tpu.vector_load %arg12[%get3A_1926, %get3A_1927] {strides = array<i32>} : memref<512x64xf32, #tpu.memory_space<vmem>>, vector<16xf32>,
        %add3A_1929 = arith.addf %add3A_1901, %get3A_1928 : vector<16xf32>
        %mul3A_1930 = arith.mulf %get3A_1928, %get3A_1928 : vector<16xf32>
        %add3A_1931 = arith.addf %add3A_1903, %mul3A_1930 : vector<16xf32>
        %mul3A_1932 = arith.constant 32 : i32
        %mul3A_1933 = arith.muli %add3A_1453, %mul3A_1932 : i32
        %add3A_1934 = arith.constant 17 : i32
        %add3A_1935 = arith.addi %mul3A_1933, %add3A_1934 : i32
        %get3A_1936 = arith.index_cast %add3A_1935 : i32 to index
        %get3A_1937 = arith.constant 0 : index
        %get3A_1938 = tpu.vector_load %arg12[%get3A_1936, %get3A_1937] {strides = array<i32>} : memref<512x64xf32, #tpu.memory_space<vmem>>, vector<16xf32>,
        %add3A_1939 = arith.addf %add3A_1911, %get3A_1938 : vector<16xf32>
        %mul3A_1940 = arith.mulf %get3A_1938, %get3A_1938 : vector<16xf32>
        %add3A_1941 = arith.addf %add3A_1913, %mul3A_1940 : vector<16xf32>
        %get3A_1942 = arith.index_cast %add3A_1935 : i32 to index
        %get3A_1943 = arith.constant 16 : index
        %get3A_1944 = tpu.vector_load %arg12[%get3A_1942, %get3A_1943] {strides = array<i32>} : memref<512x64xf32, #tpu.memory_space<vmem>>, vector<16xf32>,
        %add3A_1945 = arith.addf %add3A_1917, %get3A_1944 : vector<16xf32>
        %mul3A_1946 = arith.mulf %get3A_1944, %get3A_1944 : vector<16xf32>
        %add3A_1947 = arith.addf %add3A_1919, %mul3A_1946 : vector<16xf32>
        %get3A_1948 = arith.index_cast %add3A_1935 : i32 to index
        %get3A_1949 = arith.constant 32 : index
        %get3A_1950 = tpu.vector_load %arg12[%get3A_1948, %get3A_1949] {strides = array<i32>} : memref<512x64xf32, #tpu.memory_space<vmem>>, vector<16xf32>,
        %add3A_1951 = arith.addf %add3A_1923, %get3A_1950 : vector<16xf32>
        %mul3A_1952 = arith.mulf %get3A_1950, %get3A_1950 : vector<16xf32>
        %add3A_1953 = arith.addf %add3A_1925, %mul3A_1952 : vector<16xf32>
        %get3A_1954 = arith.index_cast %add3A_1935 : i32 to index
        %get3A_1955 = arith.constant 48 : index
        %get3A_1956 = tpu.vector_load %arg12[%get3A_1954, %get3A_1955] {strides = array<i32>} : memref<512x64xf32, #tpu.memory_space<vmem>>, vector<16xf32>,
        %add3A_1957 = arith.addf %add3A_1929, %get3A_1956 : vector<16xf32>
        %mul3A_1958 = arith.mulf %get3A_1956, %get3A_1956 : vector<16xf32>
        %add3A_1959 = arith.addf %add3A_1931, %mul3A_1958 : vector<16xf32>
        %mul3A_1960 = arith.constant 32 : i32
        %mul3A_1961 = arith.muli %add3A_1453, %mul3A_1960 : i32
        %add3A_1962 = arith.constant 18 : i32
        %add3A_1963 = arith.addi %mul3A_1961, %add3A_1962 : i32
        %get3A_1964 = arith.index_cast %add3A_1963 : i32 to index
        %get3A_1965 = arith.constant 0 : index
        %get3A_1966 = tpu.vector_load %arg12[%get3A_1964, %get3A_1965] {strides = array<i32>} : memref<512x64xf32, #tpu.memory_space<vmem>>, vector<16xf32>,
        %add3A_1967 = arith.addf %add3A_1939, %get3A_1966 : vector<16xf32>
        %mul3A_1968 = arith.mulf %get3A_1966, %get3A_1966 : vector<16xf32>
        %add3A_1969 = arith.addf %add3A_1941, %mul3A_1968 : vector<16xf32>
        %get3A_1970 = arith.index_cast %add3A_1963 : i32 to index
        %get3A_1971 = arith.constant 16 : index
        %get3A_1972 = tpu.vector_load %arg12[%get3A_1970, %get3A_1971] {strides = array<i32>} : memref<512x64xf32, #tpu.memory_space<vmem>>, vector<16xf32>,
        %add3A_1973 = arith.addf %add3A_1945, %get3A_1972 : vector<16xf32>
        %mul3A_1974 = arith.mulf %get3A_1972, %get3A_1972 : vector<16xf32>
        %add3A_1975 = arith.addf %add3A_1947, %mul3A_1974 : vector<16xf32>
        %get3A_1976 = arith.index_cast %add3A_1963 : i32 to index
        %get3A_1977 = arith.constant 32 : index
        %get3A_1978 = tpu.vector_load %arg12[%get3A_1976, %get3A_1977] {strides = array<i32>} : memref<512x64xf32, #tpu.memory_space<vmem>>, vector<16xf32>,
        %add3A_1979 = arith.addf %add3A_1951, %get3A_1978 : vector<16xf32>
        %mul3A_1980 = arith.mulf %get3A_1978, %get3A_1978 : vector<16xf32>
        %add3A_1981 = arith.addf %add3A_1953, %mul3A_1980 : vector<16xf32>
        %get3A_1982 = arith.index_cast %add3A_1963 : i32 to index
        %get3A_1983 = arith.constant 48 : index
        %get3A_1984 = tpu.vector_load %arg12[%get3A_1982, %get3A_1983] {strides = array<i32>} : memref<512x64xf32, #tpu.memory_space<vmem>>, vector<16xf32>,
        %add3A_1985 = arith.addf %add3A_1957, %get3A_1984 : vector<16xf32>
        %mul3A_1986 = arith.mulf %get3A_1984, %get3A_1984 : vector<16xf32>
        %add3A_1987 = arith.addf %add3A_1959, %mul3A_1986 : vector<16xf32>
        %mul3A_1988 = arith.constant 32 : i32
        %mul3A_1989 = arith.muli %add3A_1453, %mul3A_1988 : i32
        %add3A_1990 = arith.constant 19 : i32
        %add3A_1991 = arith.addi %mul3A_1989, %add3A_1990 : i32
        %get3A_1992 = arith.index_cast %add3A_1991 : i32 to index
        %get3A_1993 = arith.constant 0 : index
        %get3A_1994 = tpu.vector_load %arg12[%get3A_1992, %get3A_1993] {strides = array<i32>} : memref<512x64xf32, #tpu.memory_space<vmem>>, vector<16xf32>,
        %add3A_1995 = arith.addf %add3A_1967, %get3A_1994 : vector<16xf32>
        %mul3A_1996 = arith.mulf %get3A_1994, %get3A_1994 : vector<16xf32>
        %add3A_1997 = arith.addf %add3A_1969, %mul3A_1996 : vector<16xf32>
        %get3A_1998 = arith.index_cast %add3A_1991 : i32 to index
        %get3A_1999 = arith.constant 16 : index
        %get3A_2000 = tpu.vector_load %arg12[%get3A_1998, %get3A_1999] {strides = array<i32>} : memref<512x64xf32, #tpu.memory_space<vmem>>, vector<16xf32>,
        %add3A_2001 = arith.addf %add3A_1973, %get3A_2000 : vector<16xf32>
        %mul3A_2002 = arith.mulf %get3A_2000, %get3A_2000 : vector<16xf32>
        %add3A_2003 = arith.addf %add3A_1975, %mul3A_2002 : vector<16xf32>
        %get3A_2004 = arith.index_cast %add3A_1991 : i32 to index
        %get3A_2005 = arith.constant 32 : index
        %get3A_2006 = tpu.vector_load %arg12[%get3A_2004, %get3A_2005] {strides = array<i32>} : memref<512x64xf32, #tpu.memory_space<vmem>>, vector<16xf32>,
        %add3A_2007 = arith.addf %add3A_1979, %get3A_2006 : vector<16xf32>
        %mul3A_2008 = arith.mulf %get3A_2006, %get3A_2006 : vector<16xf32>
        %add3A_2009 = arith.addf %add3A_1981, %mul3A_2008 : vector<16xf32>
        %get3A_2010 = arith.index_cast %add3A_1991 : i32 to index
        %get3A_2011 = arith.constant 48 : index
        %get3A_2012 = tpu.vector_load %arg12[%get3A_2010, %get3A_2011] {strides = array<i32>} : memref<512x64xf32, #tpu.memory_space<vmem>>, vector<16xf32>,
        %add3A_2013 = arith.addf %add3A_1985, %get3A_2012 : vector<16xf32>
        %mul3A_2014 = arith.mulf %get3A_2012, %get3A_2012 : vector<16xf32>
        %add3A_2015 = arith.addf %add3A_1987, %mul3A_2014 : vector<16xf32>
        %mul3A_2016 = arith.constant 32 : i32
        %mul3A_2017 = arith.muli %add3A_1453, %mul3A_2016 : i32
        %add3A_2018 = arith.constant 20 : i32
        %add3A_2019 = arith.addi %mul3A_2017, %add3A_2018 : i32
        %get3A_2020 = arith.index_cast %add3A_2019 : i32 to index
        %get3A_2021 = arith.constant 0 : index
        %get3A_2022 = tpu.vector_load %arg12[%get3A_2020, %get3A_2021] {strides = array<i32>} : memref<512x64xf32, #tpu.memory_space<vmem>>, vector<16xf32>,
        %add3A_2023 = arith.addf %add3A_1995, %get3A_2022 : vector<16xf32>
        %mul3A_2024 = arith.mulf %get3A_2022, %get3A_2022 : vector<16xf32>
        %add3A_2025 = arith.addf %add3A_1997, %mul3A_2024 : vector<16xf32>
        %get3A_2026 = arith.index_cast %add3A_2019 : i32 to index
        %get3A_2027 = arith.constant 16 : index
        %get3A_2028 = tpu.vector_load %arg12[%get3A_2026, %get3A_2027] {strides = array<i32>} : memref<512x64xf32, #tpu.memory_space<vmem>>, vector<16xf32>,
        %add3A_2029 = arith.addf %add3A_2001, %get3A_2028 : vector<16xf32>
        %mul3A_2030 = arith.mulf %get3A_2028, %get3A_2028 : vector<16xf32>
        %add3A_2031 = arith.addf %add3A_2003, %mul3A_2030 : vector<16xf32>
        %get3A_2032 = arith.index_cast %add3A_2019 : i32 to index
        %get3A_2033 = arith.constant 32 : index
        %get3A_2034 = tpu.vector_load %arg12[%get3A_2032, %get3A_2033] {strides = array<i32>} : memref<512x64xf32, #tpu.memory_space<vmem>>, vector<16xf32>,
        %add3A_2035 = arith.addf %add3A_2007, %get3A_2034 : vector<16xf32>
        %mul3A_2036 = arith.mulf %get3A_2034, %get3A_2034 : vector<16xf32>
        %add3A_2037 = arith.addf %add3A_2009, %mul3A_2036 : vector<16xf32>
        %get3A_2038 = arith.index_cast %add3A_2019 : i32 to index
        %get3A_2039 = arith.constant 48 : index
        %get3A_2040 = tpu.vector_load %arg12[%get3A_2038, %get3A_2039] {strides = array<i32>} : memref<512x64xf32, #tpu.memory_space<vmem>>, vector<16xf32>,
        %add3A_2041 = arith.addf %add3A_2013, %get3A_2040 : vector<16xf32>
        %mul3A_2042 = arith.mulf %get3A_2040, %get3A_2040 : vector<16xf32>
        %add3A_2043 = arith.addf %add3A_2015, %mul3A_2042 : vector<16xf32>
        %mul3A_2044 = arith.constant 32 : i32
        %mul3A_2045 = arith.muli %add3A_1453, %mul3A_2044 : i32
        %add3A_2046 = arith.constant 21 : i32
        %add3A_2047 = arith.addi %mul3A_2045, %add3A_2046 : i32
        %get3A_2048 = arith.index_cast %add3A_2047 : i32 to index
        %get3A_2049 = arith.constant 0 : index
        %get3A_2050 = tpu.vector_load %arg12[%get3A_2048, %get3A_2049] {strides = array<i32>} : memref<512x64xf32, #tpu.memory_space<vmem>>, vector<16xf32>,
        %add3A_2051 = arith.addf %add3A_2023, %get3A_2050 : vector<16xf32>
        %mul3A_2052 = arith.mulf %get3A_2050, %get3A_2050 : vector<16xf32>
        %add3A_2053 = arith.addf %add3A_2025, %mul3A_2052 : vector<16xf32>
        %get3A_2054 = arith.index_cast %add3A_2047 : i32 to index
        %get3A_2055 = arith.constant 16 : index
        %get3A_2056 = tpu.vector_load %arg12[%get3A_2054, %get3A_2055] {strides = array<i32>} : memref<512x64xf32, #tpu.memory_space<vmem>>, vector<16xf32>,
        %add3A_2057 = arith.addf %add3A_2029, %get3A_2056 : vector<16xf32>
        %mul3A_2058 = arith.mulf %get3A_2056, %get3A_2056 : vector<16xf32>
        %add3A_2059 = arith.addf %add3A_2031, %mul3A_2058 : vector<16xf32>
        %get3A_2060 = arith.index_cast %add3A_2047 : i32 to index
        %get3A_2061 = arith.constant 32 : index
        %get3A_2062 = tpu.vector_load %arg12[%get3A_2060, %get3A_2061] {strides = array<i32>} : memref<512x64xf32, #tpu.memory_space<vmem>>, vector<16xf32>,
        %add3A_2063 = arith.addf %add3A_2035, %get3A_2062 : vector<16xf32>
        %mul3A_2064 = arith.mulf %get3A_2062, %get3A_2062 : vector<16xf32>
        %add3A_2065 = arith.addf %add3A_2037, %mul3A_2064 : vector<16xf32>
        %get3A_2066 = arith.index_cast %add3A_2047 : i32 to index
        %get3A_2067 = arith.constant 48 : index
        %get3A_2068 = tpu.vector_load %arg12[%get3A_2066, %get3A_2067] {strides = array<i32>} : memref<512x64xf32, #tpu.memory_space<vmem>>, vector<16xf32>,
        %add3A_2069 = arith.addf %add3A_2041, %get3A_2068 : vector<16xf32>
        %mul3A_2070 = arith.mulf %get3A_2068, %get3A_2068 : vector<16xf32>
        %add3A_2071 = arith.addf %add3A_2043, %mul3A_2070 : vector<16xf32>
        %mul3A_2072 = arith.constant 32 : i32
        %mul3A_2073 = arith.muli %add3A_1453, %mul3A_2072 : i32
        %add3A_2074 = arith.constant 22 : i32
        %add3A_2075 = arith.addi %mul3A_2073, %add3A_2074 : i32
        %get3A_2076 = arith.index_cast %add3A_2075 : i32 to index
        %get3A_2077 = arith.constant 0 : index
        %get3A_2078 = tpu.vector_load %arg12[%get3A_2076, %get3A_2077] {strides = array<i32>} : memref<512x64xf32, #tpu.memory_space<vmem>>, vector<16xf32>,
        %add3A_2079 = arith.addf %add3A_2051, %get3A_2078 : vector<16xf32>
        %mul3A_2080 = arith.mulf %get3A_2078, %get3A_2078 : vector<16xf32>
        %add3A_2081 = arith.addf %add3A_2053, %mul3A_2080 : vector<16xf32>
        %get3A_2082 = arith.index_cast %add3A_2075 : i32 to index
        %get3A_2083 = arith.constant 16 : index
        %get3A_2084 = tpu.vector_load %arg12[%get3A_2082, %get3A_2083] {strides = array<i32>} : memref<512x64xf32, #tpu.memory_space<vmem>>, vector<16xf32>,
        %add3A_2085 = arith.addf %add3A_2057, %get3A_2084 : vector<16xf32>
        %mul3A_2086 = arith.mulf %get3A_2084, %get3A_2084 : vector<16xf32>
        %add3A_2087 = arith.addf %add3A_2059, %mul3A_2086 : vector<16xf32>
        %get3A_2088 = arith.index_cast %add3A_2075 : i32 to index
        %get3A_2089 = arith.constant 32 : index
        %get3A_2090 = tpu.vector_load %arg12[%get3A_2088, %get3A_2089] {strides = array<i32>} : memref<512x64xf32, #tpu.memory_space<vmem>>, vector<16xf32>,
        %add3A_2091 = arith.addf %add3A_2063, %get3A_2090 : vector<16xf32>
        %mul3A_2092 = arith.mulf %get3A_2090, %get3A_2090 : vector<16xf32>
        %add3A_2093 = arith.addf %add3A_2065, %mul3A_2092 : vector<16xf32>
        %get3A_2094 = arith.index_cast %add3A_2075 : i32 to index
        %get3A_2095 = arith.constant 48 : index
        %get3A_2096 = tpu.vector_load %arg12[%get3A_2094, %get3A_2095] {strides = array<i32>} : memref<512x64xf32, #tpu.memory_space<vmem>>, vector<16xf32>,
        %add3A_2097 = arith.addf %add3A_2069, %get3A_2096 : vector<16xf32>
        %mul3A_2098 = arith.mulf %get3A_2096, %get3A_2096 : vector<16xf32>
        %add3A_2099 = arith.addf %add3A_2071, %mul3A_2098 : vector<16xf32>
        %mul3A_2100 = arith.constant 32 : i32
        %mul3A_2101 = arith.muli %add3A_1453, %mul3A_2100 : i32
        %add3A_2102 = arith.constant 23 : i32
        %add3A_2103 = arith.addi %mul3A_2101, %add3A_2102 : i32
        %get3A_2104 = arith.index_cast %add3A_2103 : i32 to index
        %get3A_2105 = arith.constant 0 : index
        %get3A_2106 = tpu.vector_load %arg12[%get3A_2104, %get3A_2105] {strides = array<i32>} : memref<512x64xf32, #tpu.memory_space<vmem>>, vector<16xf32>,
        %add3A_2107 = arith.addf %add3A_2079, %get3A_2106 : vector<16xf32>
        %mul3A_2108 = arith.mulf %get3A_2106, %get3A_2106 : vector<16xf32>
        %add3A_2109 = arith.addf %add3A_2081, %mul3A_2108 : vector<16xf32>
        %get3A_2110 = arith.index_cast %add3A_2103 : i32 to index
        %get3A_2111 = arith.constant 16 : index
        %get3A_2112 = tpu.vector_load %arg12[%get3A_2110, %get3A_2111] {strides = array<i32>} : memref<512x64xf32, #tpu.memory_space<vmem>>, vector<16xf32>,
        %add3A_2113 = arith.addf %add3A_2085, %get3A_2112 : vector<16xf32>
        %mul3A_2114 = arith.mulf %get3A_2112, %get3A_2112 : vector<16xf32>
        %add3A_2115 = arith.addf %add3A_2087, %mul3A_2114 : vector<16xf32>
        %get3A_2116 = arith.index_cast %add3A_2103 : i32 to index
        %get3A_2117 = arith.constant 32 : index
        %get3A_2118 = tpu.vector_load %arg12[%get3A_2116, %get3A_2117] {strides = array<i32>} : memref<512x64xf32, #tpu.memory_space<vmem>>, vector<16xf32>,
        %add3A_2119 = arith.addf %add3A_2091, %get3A_2118 : vector<16xf32>
        %mul3A_2120 = arith.mulf %get3A_2118, %get3A_2118 : vector<16xf32>
        %add3A_2121 = arith.addf %add3A_2093, %mul3A_2120 : vector<16xf32>
        %get3A_2122 = arith.index_cast %add3A_2103 : i32 to index
        %get3A_2123 = arith.constant 48 : index
        %get3A_2124 = tpu.vector_load %arg12[%get3A_2122, %get3A_2123] {strides = array<i32>} : memref<512x64xf32, #tpu.memory_space<vmem>>, vector<16xf32>,
        %add3A_2125 = arith.addf %add3A_2097, %get3A_2124 : vector<16xf32>
        %mul3A_2126 = arith.mulf %get3A_2124, %get3A_2124 : vector<16xf32>
        %add3A_2127 = arith.addf %add3A_2099, %mul3A_2126 : vector<16xf32>
        %mul3A_2128 = arith.constant 32 : i32
        %mul3A_2129 = arith.muli %add3A_1453, %mul3A_2128 : i32
        %add3A_2130 = arith.constant 24 : i32
        %add3A_2131 = arith.addi %mul3A_2129, %add3A_2130 : i32
        %get3A_2132 = arith.index_cast %add3A_2131 : i32 to index
        %get3A_2133 = arith.constant 0 : index
        %get3A_2134 = tpu.vector_load %arg12[%get3A_2132, %get3A_2133] {strides = array<i32>} : memref<512x64xf32, #tpu.memory_space<vmem>>, vector<16xf32>,
        %add3A_2135 = arith.addf %add3A_2107, %get3A_2134 : vector<16xf32>
        %mul3A_2136 = arith.mulf %get3A_2134, %get3A_2134 : vector<16xf32>
        %add3A_2137 = arith.addf %add3A_2109, %mul3A_2136 : vector<16xf32>
        %get3A_2138 = arith.index_cast %add3A_2131 : i32 to index
        %get3A_2139 = arith.constant 16 : index
        %get3A_2140 = tpu.vector_load %arg12[%get3A_2138, %get3A_2139] {strides = array<i32>} : memref<512x64xf32, #tpu.memory_space<vmem>>, vector<16xf32>,
        %add3A_2141 = arith.addf %add3A_2113, %get3A_2140 : vector<16xf32>
        %mul3A_2142 = arith.mulf %get3A_2140, %get3A_2140 : vector<16xf32>
        %add3A_2143 = arith.addf %add3A_2115, %mul3A_2142 : vector<16xf32>
        %get3A_2144 = arith.index_cast %add3A_2131 : i32 to index
        %get3A_2145 = arith.constant 32 : index
        %get3A_2146 = tpu.vector_load %arg12[%get3A_2144, %get3A_2145] {strides = array<i32>} : memref<512x64xf32, #tpu.memory_space<vmem>>, vector<16xf32>,
        %add3A_2147 = arith.addf %add3A_2119, %get3A_2146 : vector<16xf32>
        %mul3A_2148 = arith.mulf %get3A_2146, %get3A_2146 : vector<16xf32>
        %add3A_2149 = arith.addf %add3A_2121, %mul3A_2148 : vector<16xf32>
        %get3A_2150 = arith.index_cast %add3A_2131 : i32 to index
        %get3A_2151 = arith.constant 48 : index
        %get3A_2152 = tpu.vector_load %arg12[%get3A_2150, %get3A_2151] {strides = array<i32>} : memref<512x64xf32, #tpu.memory_space<vmem>>, vector<16xf32>,
        %add3A_2153 = arith.addf %add3A_2125, %get3A_2152 : vector<16xf32>
        %mul3A_2154 = arith.mulf %get3A_2152, %get3A_2152 : vector<16xf32>
        %add3A_2155 = arith.addf %add3A_2127, %mul3A_2154 : vector<16xf32>
        %mul3A_2156 = arith.constant 32 : i32
        %mul3A_2157 = arith.muli %add3A_1453, %mul3A_2156 : i32
        %add3A_2158 = arith.constant 25 : i32
        %add3A_2159 = arith.addi %mul3A_2157, %add3A_2158 : i32
        %get3A_2160 = arith.index_cast %add3A_2159 : i32 to index
        %get3A_2161 = arith.constant 0 : index
        %get3A_2162 = tpu.vector_load %arg12[%get3A_2160, %get3A_2161] {strides = array<i32>} : memref<512x64xf32, #tpu.memory_space<vmem>>, vector<16xf32>,
        %add3A_2163 = arith.addf %add3A_2135, %get3A_2162 : vector<16xf32>
        %mul3A_2164 = arith.mulf %get3A_2162, %get3A_2162 : vector<16xf32>
        %add3A_2165 = arith.addf %add3A_2137, %mul3A_2164 : vector<16xf32>
        %get3A_2166 = arith.index_cast %add3A_2159 : i32 to index
        %get3A_2167 = arith.constant 16 : index
        %get3A_2168 = tpu.vector_load %arg12[%get3A_2166, %get3A_2167] {strides = array<i32>} : memref<512x64xf32, #tpu.memory_space<vmem>>, vector<16xf32>,
        %add3A_2169 = arith.addf %add3A_2141, %get3A_2168 : vector<16xf32>
        %mul3A_2170 = arith.mulf %get3A_2168, %get3A_2168 : vector<16xf32>
        %add3A_2171 = arith.addf %add3A_2143, %mul3A_2170 : vector<16xf32>
        %get3A_2172 = arith.index_cast %add3A_2159 : i32 to index
        %get3A_2173 = arith.constant 32 : index
        %get3A_2174 = tpu.vector_load %arg12[%get3A_2172, %get3A_2173] {strides = array<i32>} : memref<512x64xf32, #tpu.memory_space<vmem>>, vector<16xf32>,
        %add3A_2175 = arith.addf %add3A_2147, %get3A_2174 : vector<16xf32>
        %mul3A_2176 = arith.mulf %get3A_2174, %get3A_2174 : vector<16xf32>
        %add3A_2177 = arith.addf %add3A_2149, %mul3A_2176 : vector<16xf32>
        %get3A_2178 = arith.index_cast %add3A_2159 : i32 to index
        %get3A_2179 = arith.constant 48 : index
        %get3A_2180 = tpu.vector_load %arg12[%get3A_2178, %get3A_2179] {strides = array<i32>} : memref<512x64xf32, #tpu.memory_space<vmem>>, vector<16xf32>,
        %add3A_2181 = arith.addf %add3A_2153, %get3A_2180 : vector<16xf32>
        %mul3A_2182 = arith.mulf %get3A_2180, %get3A_2180 : vector<16xf32>
        %add3A_2183 = arith.addf %add3A_2155, %mul3A_2182 : vector<16xf32>
        %mul3A_2184 = arith.constant 32 : i32
        %mul3A_2185 = arith.muli %add3A_1453, %mul3A_2184 : i32
        %add3A_2186 = arith.constant 26 : i32
        %add3A_2187 = arith.addi %mul3A_2185, %add3A_2186 : i32
        %get3A_2188 = arith.index_cast %add3A_2187 : i32 to index
        %get3A_2189 = arith.constant 0 : index
        %get3A_2190 = tpu.vector_load %arg12[%get3A_2188, %get3A_2189] {strides = array<i32>} : memref<512x64xf32, #tpu.memory_space<vmem>>, vector<16xf32>,
        %add3A_2191 = arith.addf %add3A_2163, %get3A_2190 : vector<16xf32>
        %mul3A_2192 = arith.mulf %get3A_2190, %get3A_2190 : vector<16xf32>
        %add3A_2193 = arith.addf %add3A_2165, %mul3A_2192 : vector<16xf32>
        %get3A_2194 = arith.index_cast %add3A_2187 : i32 to index
        %get3A_2195 = arith.constant 16 : index
        %get3A_2196 = tpu.vector_load %arg12[%get3A_2194, %get3A_2195] {strides = array<i32>} : memref<512x64xf32, #tpu.memory_space<vmem>>, vector<16xf32>,
        %add3A_2197 = arith.addf %add3A_2169, %get3A_2196 : vector<16xf32>
        %mul3A_2198 = arith.mulf %get3A_2196, %get3A_2196 : vector<16xf32>
        %add3A_2199 = arith.addf %add3A_2171, %mul3A_2198 : vector<16xf32>
        %get3A_2200 = arith.index_cast %add3A_2187 : i32 to index
        %get3A_2201 = arith.constant 32 : index
        %get3A_2202 = tpu.vector_load %arg12[%get3A_2200, %get3A_2201] {strides = array<i32>} : memref<512x64xf32, #tpu.memory_space<vmem>>, vector<16xf32>,
        %add3A_2203 = arith.addf %add3A_2175, %get3A_2202 : vector<16xf32>
        %mul3A_2204 = arith.mulf %get3A_2202, %get3A_2202 : vector<16xf32>
        %add3A_2205 = arith.addf %add3A_2177, %mul3A_2204 : vector<16xf32>
        %get3A_2206 = arith.index_cast %add3A_2187 : i32 to index
        %get3A_2207 = arith.constant 48 : index
        %get3A_2208 = tpu.vector_load %arg12[%get3A_2206, %get3A_2207] {strides = array<i32>} : memref<512x64xf32, #tpu.memory_space<vmem>>, vector<16xf32>,
        %add3A_2209 = arith.addf %add3A_2181, %get3A_2208 : vector<16xf32>
        %mul3A_2210 = arith.mulf %get3A_2208, %get3A_2208 : vector<16xf32>
        %add3A_2211 = arith.addf %add3A_2183, %mul3A_2210 : vector<16xf32>
        %mul3A_2212 = arith.constant 32 : i32
        %mul3A_2213 = arith.muli %add3A_1453, %mul3A_2212 : i32
        %add3A_2214 = arith.constant 27 : i32
        %add3A_2215 = arith.addi %mul3A_2213, %add3A_2214 : i32
        %get3A_2216 = arith.index_cast %add3A_2215 : i32 to index
        %get3A_2217 = arith.constant 0 : index
        %get3A_2218 = tpu.vector_load %arg12[%get3A_2216, %get3A_2217] {strides = array<i32>} : memref<512x64xf32, #tpu.memory_space<vmem>>, vector<16xf32>,
        %add3A_2219 = arith.addf %add3A_2191, %get3A_2218 : vector<16xf32>
        %mul3A_2220 = arith.mulf %get3A_2218, %get3A_2218 : vector<16xf32>
        %add3A_2221 = arith.addf %add3A_2193, %mul3A_2220 : vector<16xf32>
        %get3A_2222 = arith.index_cast %add3A_2215 : i32 to index
        %get3A_2223 = arith.constant 16 : index
        %get3A_2224 = tpu.vector_load %arg12[%get3A_2222, %get3A_2223] {strides = array<i32>} : memref<512x64xf32, #tpu.memory_space<vmem>>, vector<16xf32>,
        %add3A_2225 = arith.addf %add3A_2197, %get3A_2224 : vector<16xf32>
        %mul3A_2226 = arith.mulf %get3A_2224, %get3A_2224 : vector<16xf32>
        %add3A_2227 = arith.addf %add3A_2199, %mul3A_2226 : vector<16xf32>
        %get3A_2228 = arith.index_cast %add3A_2215 : i32 to index
        %get3A_2229 = arith.constant 32 : index
        %get3A_2230 = tpu.vector_load %arg12[%get3A_2228, %get3A_2229] {strides = array<i32>} : memref<512x64xf32, #tpu.memory_space<vmem>>, vector<16xf32>,
        %add3A_2231 = arith.addf %add3A_2203, %get3A_2230 : vector<16xf32>
        %mul3A_2232 = arith.mulf %get3A_2230, %get3A_2230 : vector<16xf32>
        %add3A_2233 = arith.addf %add3A_2205, %mul3A_2232 : vector<16xf32>
        %get3A_2234 = arith.index_cast %add3A_2215 : i32 to index
        %get3A_2235 = arith.constant 48 : index
        %get3A_2236 = tpu.vector_load %arg12[%get3A_2234, %get3A_2235] {strides = array<i32>} : memref<512x64xf32, #tpu.memory_space<vmem>>, vector<16xf32>,
        %add3A_2237 = arith.addf %add3A_2209, %get3A_2236 : vector<16xf32>
        %mul3A_2238 = arith.mulf %get3A_2236, %get3A_2236 : vector<16xf32>
        %add3A_2239 = arith.addf %add3A_2211, %mul3A_2238 : vector<16xf32>
        %mul3A_2240 = arith.constant 32 : i32
        %mul3A_2241 = arith.muli %add3A_1453, %mul3A_2240 : i32
        %add3A_2242 = arith.constant 28 : i32
        %add3A_2243 = arith.addi %mul3A_2241, %add3A_2242 : i32
        %get3A_2244 = arith.index_cast %add3A_2243 : i32 to index
        %get3A_2245 = arith.constant 0 : index
        %get3A_2246 = tpu.vector_load %arg12[%get3A_2244, %get3A_2245] {strides = array<i32>} : memref<512x64xf32, #tpu.memory_space<vmem>>, vector<16xf32>,
        %add3A_2247 = arith.addf %add3A_2219, %get3A_2246 : vector<16xf32>
        %mul3A_2248 = arith.mulf %get3A_2246, %get3A_2246 : vector<16xf32>
        %add3A_2249 = arith.addf %add3A_2221, %mul3A_2248 : vector<16xf32>
        %get3A_2250 = arith.index_cast %add3A_2243 : i32 to index
        %get3A_2251 = arith.constant 16 : index
        %get3A_2252 = tpu.vector_load %arg12[%get3A_2250, %get3A_2251] {strides = array<i32>} : memref<512x64xf32, #tpu.memory_space<vmem>>, vector<16xf32>,
        %add3A_2253 = arith.addf %add3A_2225, %get3A_2252 : vector<16xf32>
        %mul3A_2254 = arith.mulf %get3A_2252, %get3A_2252 : vector<16xf32>
        %add3A_2255 = arith.addf %add3A_2227, %mul3A_2254 : vector<16xf32>
        %get3A_2256 = arith.index_cast %add3A_2243 : i32 to index
        %get3A_2257 = arith.constant 32 : index
        %get3A_2258 = tpu.vector_load %arg12[%get3A_2256, %get3A_2257] {strides = array<i32>} : memref<512x64xf32, #tpu.memory_space<vmem>>, vector<16xf32>,
        %add3A_2259 = arith.addf %add3A_2231, %get3A_2258 : vector<16xf32>
        %mul3A_2260 = arith.mulf %get3A_2258, %get3A_2258 : vector<16xf32>
        %add3A_2261 = arith.addf %add3A_2233, %mul3A_2260 : vector<16xf32>
        %get3A_2262 = arith.index_cast %add3A_2243 : i32 to index
        %get3A_2263 = arith.constant 48 : index
        %get3A_2264 = tpu.vector_load %arg12[%get3A_2262, %get3A_2263] {strides = array<i32>} : memref<512x64xf32, #tpu.memory_space<vmem>>, vector<16xf32>,
        %add3A_2265 = arith.addf %add3A_2237, %get3A_2264 : vector<16xf32>
        %mul3A_2266 = arith.mulf %get3A_2264, %get3A_2264 : vector<16xf32>
        %add3A_2267 = arith.addf %add3A_2239, %mul3A_2266 : vector<16xf32>
        %mul3A_2268 = arith.constant 32 : i32
        %mul3A_2269 = arith.muli %add3A_1453, %mul3A_2268 : i32
        %add3A_2270 = arith.constant 29 : i32
        %add3A_2271 = arith.addi %mul3A_2269, %add3A_2270 : i32
        %get3A_2272 = arith.index_cast %add3A_2271 : i32 to index
        %get3A_2273 = arith.constant 0 : index
        %get3A_2274 = tpu.vector_load %arg12[%get3A_2272, %get3A_2273] {strides = array<i32>} : memref<512x64xf32, #tpu.memory_space<vmem>>, vector<16xf32>,
        %add3A_2275 = arith.addf %add3A_2247, %get3A_2274 : vector<16xf32>
        %mul3A_2276 = arith.mulf %get3A_2274, %get3A_2274 : vector<16xf32>
        %add3A_2277 = arith.addf %add3A_2249, %mul3A_2276 : vector<16xf32>
        %get3A_2278 = arith.index_cast %add3A_2271 : i32 to index
        %get3A_2279 = arith.constant 16 : index
        %get3A_2280 = tpu.vector_load %arg12[%get3A_2278, %get3A_2279] {strides = array<i32>} : memref<512x64xf32, #tpu.memory_space<vmem>>, vector<16xf32>,
        %add3A_2281 = arith.addf %add3A_2253, %get3A_2280 : vector<16xf32>
        %mul3A_2282 = arith.mulf %get3A_2280, %get3A_2280 : vector<16xf32>
        %add3A_2283 = arith.addf %add3A_2255, %mul3A_2282 : vector<16xf32>
        %get3A_2284 = arith.index_cast %add3A_2271 : i32 to index
        %get3A_2285 = arith.constant 32 : index
        %get3A_2286 = tpu.vector_load %arg12[%get3A_2284, %get3A_2285] {strides = array<i32>} : memref<512x64xf32, #tpu.memory_space<vmem>>, vector<16xf32>,
        %add3A_2287 = arith.addf %add3A_2259, %get3A_2286 : vector<16xf32>
        %mul3A_2288 = arith.mulf %get3A_2286, %get3A_2286 : vector<16xf32>
        %add3A_2289 = arith.addf %add3A_2261, %mul3A_2288 : vector<16xf32>
        %get3A_2290 = arith.index_cast %add3A_2271 : i32 to index
        %get3A_2291 = arith.constant 48 : index
        %get3A_2292 = tpu.vector_load %arg12[%get3A_2290, %get3A_2291] {strides = array<i32>} : memref<512x64xf32, #tpu.memory_space<vmem>>, vector<16xf32>,
        %add3A_2293 = arith.addf %add3A_2265, %get3A_2292 : vector<16xf32>
        %mul3A_2294 = arith.mulf %get3A_2292, %get3A_2292 : vector<16xf32>
        %add3A_2295 = arith.addf %add3A_2267, %mul3A_2294 : vector<16xf32>
        %mul3A_2296 = arith.constant 32 : i32
        %mul3A_2297 = arith.muli %add3A_1453, %mul3A_2296 : i32
        %add3A_2298 = arith.constant 30 : i32
        %add3A_2299 = arith.addi %mul3A_2297, %add3A_2298 : i32
        %get3A_2300 = arith.index_cast %add3A_2299 : i32 to index
        %get3A_2301 = arith.constant 0 : index
        %get3A_2302 = tpu.vector_load %arg12[%get3A_2300, %get3A_2301] {strides = array<i32>} : memref<512x64xf32, #tpu.memory_space<vmem>>, vector<16xf32>,
        %add3A_2303 = arith.addf %add3A_2275, %get3A_2302 : vector<16xf32>
        %mul3A_2304 = arith.mulf %get3A_2302, %get3A_2302 : vector<16xf32>
        %add3A_2305 = arith.addf %add3A_2277, %mul3A_2304 : vector<16xf32>
        %get3A_2306 = arith.index_cast %add3A_2299 : i32 to index
        %get3A_2307 = arith.constant 16 : index
        %get3A_2308 = tpu.vector_load %arg12[%get3A_2306, %get3A_2307] {strides = array<i32>} : memref<512x64xf32, #tpu.memory_space<vmem>>, vector<16xf32>,
        %add3A_2309 = arith.addf %add3A_2281, %get3A_2308 : vector<16xf32>
        %mul3A_2310 = arith.mulf %get3A_2308, %get3A_2308 : vector<16xf32>
        %add3A_2311 = arith.addf %add3A_2283, %mul3A_2310 : vector<16xf32>
        %get3A_2312 = arith.index_cast %add3A_2299 : i32 to index
        %get3A_2313 = arith.constant 32 : index
        %get3A_2314 = tpu.vector_load %arg12[%get3A_2312, %get3A_2313] {strides = array<i32>} : memref<512x64xf32, #tpu.memory_space<vmem>>, vector<16xf32>,
        %add3A_2315 = arith.addf %add3A_2287, %get3A_2314 : vector<16xf32>
        %mul3A_2316 = arith.mulf %get3A_2314, %get3A_2314 : vector<16xf32>
        %add3A_2317 = arith.addf %add3A_2289, %mul3A_2316 : vector<16xf32>
        %get3A_2318 = arith.index_cast %add3A_2299 : i32 to index
        %get3A_2319 = arith.constant 48 : index
        %get3A_2320 = tpu.vector_load %arg12[%get3A_2318, %get3A_2319] {strides = array<i32>} : memref<512x64xf32, #tpu.memory_space<vmem>>, vector<16xf32>,
        %add3A_2321 = arith.addf %add3A_2293, %get3A_2320 : vector<16xf32>
        %mul3A_2322 = arith.mulf %get3A_2320, %get3A_2320 : vector<16xf32>
        %add3A_2323 = arith.addf %add3A_2295, %mul3A_2322 : vector<16xf32>
        %mul3A_2324 = arith.constant 32 : i32
        %mul3A_2325 = arith.muli %add3A_1453, %mul3A_2324 : i32
        %add3A_2326 = arith.constant 31 : i32
        %add3A_2327 = arith.addi %mul3A_2325, %add3A_2326 : i32
        %get3A_2328 = arith.index_cast %add3A_2327 : i32 to index
        %get3A_2329 = arith.constant 0 : index
        %get3A_2330 = tpu.vector_load %arg12[%get3A_2328, %get3A_2329] {strides = array<i32>} : memref<512x64xf32, #tpu.memory_space<vmem>>, vector<16xf32>,
        %add3A_2331 = arith.addf %add3A_2303, %get3A_2330 : vector<16xf32>
        %mul3A_2332 = arith.mulf %get3A_2330, %get3A_2330 : vector<16xf32>
        %add3A_2333 = arith.addf %add3A_2305, %mul3A_2332 : vector<16xf32>
        %get3A_2334 = arith.index_cast %add3A_2327 : i32 to index
        %get3A_2335 = arith.constant 16 : index
        %get3A_2336 = tpu.vector_load %arg12[%get3A_2334, %get3A_2335] {strides = array<i32>} : memref<512x64xf32, #tpu.memory_space<vmem>>, vector<16xf32>,
        %add3A_2337 = arith.addf %add3A_2309, %get3A_2336 : vector<16xf32>
        %mul3A_2338 = arith.mulf %get3A_2336, %get3A_2336 : vector<16xf32>
        %add3A_2339 = arith.addf %add3A_2311, %mul3A_2338 : vector<16xf32>
        %get3A_2340 = arith.index_cast %add3A_2327 : i32 to index
        %get3A_2341 = arith.constant 32 : index
        %get3A_2342 = tpu.vector_load %arg12[%get3A_2340, %get3A_2341] {strides = array<i32>} : memref<512x64xf32, #tpu.memory_space<vmem>>, vector<16xf32>,
        %add3A_2343 = arith.addf %add3A_2315, %get3A_2342 : vector<16xf32>
        %mul3A_2344 = arith.mulf %get3A_2342, %get3A_2342 : vector<16xf32>
        %add3A_2345 = arith.addf %add3A_2317, %mul3A_2344 : vector<16xf32>
        %get3A_2346 = arith.index_cast %add3A_2327 : i32 to index
        %get3A_2347 = arith.constant 48 : index
        %get3A_2348 = tpu.vector_load %arg12[%get3A_2346, %get3A_2347] {strides = array<i32>} : memref<512x64xf32, #tpu.memory_space<vmem>>, vector<16xf32>,
        %add3A_2349 = arith.addf %add3A_2321, %get3A_2348 : vector<16xf32>
        %mul3A_2350 = arith.mulf %get3A_2348, %get3A_2348 : vector<16xf32>
        %add3A_2351 = arith.addf %add3A_2323, %mul3A_2350 : vector<16xf32>
        %get3A_2352 = arith.index_cast %add3A_1453 : i32 to index
        %get3A_2353 = arith.constant 0 : index
        %get3A_2354 = tpu.vector_load %arg13[%get3A_2352, %get3A_2353] {strides = array<i32>} : memref<16x64xf32, #tpu.memory_space<vmem>>, vector<16xf32>,
        %get3A_2355 = arith.index_cast %add3A_1453 : i32 to index
        %get3A_2356 = arith.constant 0 : index
        %get3A_2357 = tpu.vector_load %arg14[%get3A_2355, %get3A_2356] {strides = array<i32>} : memref<16x64xf32, #tpu.memory_space<vmem>>, vector<16xf32>,
        %mul3A_2358 = arith.mulf %add3A_2331, %add3A_2331 : vector<16xf32>
        %sub3A_2359 = arith.subf %mul3A_2358, %add3A_2333 : vector<16xf32>
        %add3A_2360 = arith.addf %sub3A_2359, %get3A_2354 : vector<16xf32>
        %mul3A_2361 = arith.mulf %get3A_2357, %add3A_2360 : vector<16xf32>
        %add3A_2362 = arith.addf %broadcast_in_dim3A_1455, %mul3A_2361 : vector<16xf32>
        %get3A_2363 = arith.index_cast %add3A_1453 : i32 to index
        %get3A_2364 = arith.constant 16 : index
        %get3A_2365 = tpu.vector_load %arg13[%get3A_2363, %get3A_2364] {strides = array<i32>} : memref<16x64xf32, #tpu.memory_space<vmem>>, vector<16xf32>,
        %get3A_2366 = arith.index_cast %add3A_1453 : i32 to index
        %get3A_2367 = arith.constant 16 : index
        %get3A_2368 = tpu.vector_load %arg14[%get3A_2366, %get3A_2367] {strides = array<i32>} : memref<16x64xf32, #tpu.memory_space<vmem>>, vector<16xf32>,
        %mul3A_2369 = arith.mulf %add3A_2337, %add3A_2337 : vector<16xf32>
        %sub3A_2370 = arith.subf %mul3A_2369, %add3A_2339 : vector<16xf32>
        %add3A_2371 = arith.addf %sub3A_2370, %get3A_2365 : vector<16xf32>
        %mul3A_2372 = arith.mulf %get3A_2368, %add3A_2371 : vector<16xf32>
        %add3A_2373 = arith.addf %add3A_2362, %mul3A_2372 : vector<16xf32>
        %get3A_2374 = arith.index_cast %add3A_1453 : i32 to index
        %get3A_2375 = arith.constant 32 : index
        %get3A_2376 = tpu.vector_load %arg13[%get3A_2374, %get3A_2375] {strides = array<i32>} : memref<16x64xf32, #tpu.memory_space<vmem>>, vector<16xf32>,
        %get3A_2377 = arith.index_cast %add3A_1453 : i32 to index
        %get3A_2378 = arith.constant 32 : index
        %get3A_2379 = tpu.vector_load %arg14[%get3A_2377, %get3A_2378] {strides = array<i32>} : memref<16x64xf32, #tpu.memory_space<vmem>>, vector<16xf32>,
        %mul3A_2380 = arith.mulf %add3A_2343, %add3A_2343 : vector<16xf32>
        %sub3A_2381 = arith.subf %mul3A_2380, %add3A_2345 : vector<16xf32>
        %add3A_2382 = arith.addf %sub3A_2381, %get3A_2376 : vector<16xf32>
        %mul3A_2383 = arith.mulf %get3A_2379, %add3A_2382 : vector<16xf32>
        %add3A_2384 = arith.addf %add3A_2373, %mul3A_2383 : vector<16xf32>
        %get3A_2385 = arith.index_cast %add3A_1453 : i32 to index
        %get3A_2386 = arith.constant 48 : index
        %get3A_2387 = tpu.vector_load %arg13[%get3A_2385, %get3A_2386] {strides = array<i32>} : memref<16x64xf32, #tpu.memory_space<vmem>>, vector<16xf32>,
        %get3A_2388 = arith.index_cast %add3A_1453 : i32 to index
        %get3A_2389 = arith.constant 48 : index
        %get3A_2390 = tpu.vector_load %arg14[%get3A_2388, %get3A_2389] {strides = array<i32>} : memref<16x64xf32, #tpu.memory_space<vmem>>, vector<16xf32>,
        %mul3A_2391 = arith.mulf %add3A_2349, %add3A_2349 : vector<16xf32>
        %sub3A_2392 = arith.subf %mul3A_2391, %add3A_2351 : vector<16xf32>
        %add3A_2393 = arith.addf %sub3A_2392, %get3A_2387 : vector<16xf32>
        %mul3A_2394 = arith.mulf %get3A_2390, %add3A_2393 : vector<16xf32>
        %add3A_2395 = arith.addf %add3A_2384, %mul3A_2394 : vector<16xf32>
        %mul3A_2396 = arith.constant 16 : i32
        %mul3A_2397 = arith.muli %add3A_1453, %mul3A_2396 : i32
        %swap3A_2398 = arith.index_cast %mul3A_2397 : i32 to index
        %swap3A_2399 = tpu.vector_load %arg19[%swap3A_2398] {strides = array<i32>} : memref<256xf32, #tpu.memory_space<vmem>>, vector<16xf32>,
        tpu.vector_store %arg19[%swap3A_2398], %add3A_2395 {strides = array<i32>} : memref<256xf32, #tpu.memory_space<vmem>>, vector<16xf32>,
      }
      %scan3A_358 = arith.constant 8 : i32
      %broadcast_in_dim3A_359 = arith.constant 0.000000e+00 : f32
      %broadcast_in_dim3A_360 = vector.broadcast %broadcast_in_dim3A_359 : f32 to vector<16xf32>
      %mul3A_361 = arith.constant 16 : i32
      %mul3A_362 = vector.broadcast %mul3A_361 : i32 to vector<16xi32>
      %mul3A_363 = arith.muli %iota3A, %mul3A_362 : vector<16xi32>
      %add3A_364 = arith.constant 0 : i32
      %add3A_365 = vector.broadcast %add3A_364 : i32 to vector<16xi32>
      %add3A_366 = arith.addi %mul3A_363, %add3A_365 : vector<16xi32>
      %gather3A_367 = tpu.vector_load_idx %arg19[%add3A_366] : memref<256xf32, #tpu.memory_space<vmem>>[vector<16xi32>], vector<16xf32>,
      %add3A_368 = arith.addf %broadcast_in_dim3A_360, %gather3A_367 : vector<16xf32>
      %mul3A_369 = arith.constant 16 : i32
      %mul3A_370 = vector.broadcast %mul3A_369 : i32 to vector<16xi32>
      %mul3A_371 = arith.muli %iota3A, %mul3A_370 : vector<16xi32>
      %add3A_372 = arith.constant 1 : i32
      %add3A_373 = vector.broadcast %add3A_372 : i32 to vector<16xi32>
      %add3A_374 = arith.addi %mul3A_371, %add3A_373 : vector<16xi32>
      %gather3A_375 = tpu.vector_load_idx %arg19[%add3A_374] : memref<256xf32, #tpu.memory_space<vmem>>[vector<16xi32>], vector<16xf32>,
      %add3A_376 = arith.addf %add3A_368, %gather3A_375 : vector<16xf32>
      %mul3A_377 = arith.constant 16 : i32
      %mul3A_378 = vector.broadcast %mul3A_377 : i32 to vector<16xi32>
      %mul3A_379 = arith.muli %iota3A, %mul3A_378 : vector<16xi32>
      %add3A_380 = arith.constant 2 : i32
      %add3A_381 = vector.broadcast %add3A_380 : i32 to vector<16xi32>
      %add3A_382 = arith.addi %mul3A_379, %add3A_381 : vector<16xi32>
      %gather3A_383 = tpu.vector_load_idx %arg19[%add3A_382] : memref<256xf32, #tpu.memory_space<vmem>>[vector<16xi32>], vector<16xf32>,
      %add3A_384 = arith.addf %add3A_376, %gather3A_383 : vector<16xf32>
      %mul3A_385 = arith.constant 16 : i32
      %mul3A_386 = vector.broadcast %mul3A_385 : i32 to vector<16xi32>
      %mul3A_387 = arith.muli %iota3A, %mul3A_386 : vector<16xi32>
      %add3A_388 = arith.constant 3 : i32
      %add3A_389 = vector.broadcast %add3A_388 : i32 to vector<16xi32>
      %add3A_390 = arith.addi %mul3A_387, %add3A_389 : vector<16xi32>
      %gather3A_391 = tpu.vector_load_idx %arg19[%add3A_390] : memref<256xf32, #tpu.memory_space<vmem>>[vector<16xi32>], vector<16xf32>,
      %add3A_392 = arith.addf %add3A_384, %gather3A_391 : vector<16xf32>
      %mul3A_393 = arith.constant 16 : i32
      %mul3A_394 = vector.broadcast %mul3A_393 : i32 to vector<16xi32>
      %mul3A_395 = arith.muli %iota3A, %mul3A_394 : vector<16xi32>
      %add3A_396 = arith.constant 4 : i32
      %add3A_397 = vector.broadcast %add3A_396 : i32 to vector<16xi32>
      %add3A_398 = arith.addi %mul3A_395, %add3A_397 : vector<16xi32>
      %gather3A_399 = tpu.vector_load_idx %arg19[%add3A_398] : memref<256xf32, #tpu.memory_space<vmem>>[vector<16xi32>], vector<16xf32>,
      %add3A_400 = arith.addf %add3A_392, %gather3A_399 : vector<16xf32>
      %mul3A_401 = arith.constant 16 : i32
      %mul3A_402 = vector.broadcast %mul3A_401 : i32 to vector<16xi32>
      %mul3A_403 = arith.muli %iota3A, %mul3A_402 : vector<16xi32>
      %add3A_404 = arith.constant 5 : i32
      %add3A_405 = vector.broadcast %add3A_404 : i32 to vector<16xi32>
      %add3A_406 = arith.addi %mul3A_403, %add3A_405 : vector<16xi32>
      %gather3A_407 = tpu.vector_load_idx %arg19[%add3A_406] : memref<256xf32, #tpu.memory_space<vmem>>[vector<16xi32>], vector<16xf32>,
      %add3A_408 = arith.addf %add3A_400, %gather3A_407 : vector<16xf32>
      %mul3A_409 = arith.constant 16 : i32
      %mul3A_410 = vector.broadcast %mul3A_409 : i32 to vector<16xi32>
      %mul3A_411 = arith.muli %iota3A, %mul3A_410 : vector<16xi32>
      %add3A_412 = arith.constant 6 : i32
      %add3A_413 = vector.broadcast %add3A_412 : i32 to vector<16xi32>
      %add3A_414 = arith.addi %mul3A_411, %add3A_413 : vector<16xi32>
      %gather3A_415 = tpu.vector_load_idx %arg19[%add3A_414] : memref<256xf32, #tpu.memory_space<vmem>>[vector<16xi32>], vector<16xf32>,
      %add3A_416 = arith.addf %add3A_408, %gather3A_415 : vector<16xf32>
      %mul3A_417 = arith.constant 16 : i32
      %mul3A_418 = vector.broadcast %mul3A_417 : i32 to vector<16xi32>
      %mul3A_419 = arith.muli %iota3A, %mul3A_418 : vector<16xi32>
      %add3A_420 = arith.constant 7 : i32
      %add3A_421 = vector.broadcast %add3A_420 : i32 to vector<16xi32>
      %add3A_422 = arith.addi %mul3A_419, %add3A_421 : vector<16xi32>
      %gather3A_423 = tpu.vector_load_idx %arg19[%add3A_422] : memref<256xf32, #tpu.memory_space<vmem>>[vector<16xi32>], vector<16xf32>,
      %add3A_424 = arith.addf %add3A_416, %gather3A_423 : vector<16xf32>
      %mul3A_425 = arith.constant 16 : i32
      %mul3A_426 = vector.broadcast %mul3A_425 : i32 to vector<16xi32>
      %mul3A_427 = arith.muli %iota3A, %mul3A_426 : vector<16xi32>
      %add3A_428 = arith.constant 8 : i32
      %add3A_429 = vector.broadcast %add3A_428 : i32 to vector<16xi32>
      %add3A_430 = arith.addi %mul3A_427, %add3A_429 : vector<16xi32>
      %gather3A_431 = tpu.vector_load_idx %arg19[%add3A_430] : memref<256xf32, #tpu.memory_space<vmem>>[vector<16xi32>], vector<16xf32>,
      %add3A_432 = arith.addf %add3A_424, %gather3A_431 : vector<16xf32>
      %mul3A_433 = arith.constant 16 : i32
      %mul3A_434 = vector.broadcast %mul3A_433 : i32 to vector<16xi32>
      %mul3A_435 = arith.muli %iota3A, %mul3A_434 : vector<16xi32>
      %add3A_436 = arith.constant 9 : i32
      %add3A_437 = vector.broadcast %add3A_436 : i32 to vector<16xi32>
      %add3A_438 = arith.addi %mul3A_435, %add3A_437 : vector<16xi32>
      %gather3A_439 = tpu.vector_load_idx %arg19[%add3A_438] : memref<256xf32, #tpu.memory_space<vmem>>[vector<16xi32>], vector<16xf32>,
      %add3A_440 = arith.addf %add3A_432, %gather3A_439 : vector<16xf32>
      %mul3A_441 = arith.constant 16 : i32
      %mul3A_442 = vector.broadcast %mul3A_441 : i32 to vector<16xi32>
      %mul3A_443 = arith.muli %iota3A, %mul3A_442 : vector<16xi32>
      %add3A_444 = arith.constant 10 : i32
      %add3A_445 = vector.broadcast %add3A_444 : i32 to vector<16xi32>
      %add3A_446 = arith.addi %mul3A_443, %add3A_445 : vector<16xi32>
      %gather3A_447 = tpu.vector_load_idx %arg19[%add3A_446] : memref<256xf32, #tpu.memory_space<vmem>>[vector<16xi32>], vector<16xf32>,
      %add3A_448 = arith.addf %add3A_440, %gather3A_447 : vector<16xf32>
      %mul3A_449 = arith.constant 16 : i32
      %mul3A_450 = vector.broadcast %mul3A_449 : i32 to vector<16xi32>
      %mul3A_451 = arith.muli %iota3A, %mul3A_450 : vector<16xi32>
      %add3A_452 = arith.constant 11 : i32
      %add3A_453 = vector.broadcast %add3A_452 : i32 to vector<16xi32>
      %add3A_454 = arith.addi %mul3A_451, %add3A_453 : vector<16xi32>
      %gather3A_455 = tpu.vector_load_idx %arg19[%add3A_454] : memref<256xf32, #tpu.memory_space<vmem>>[vector<16xi32>], vector<16xf32>,
      %add3A_456 = arith.addf %add3A_448, %gather3A_455 : vector<16xf32>
      %mul3A_457 = arith.constant 16 : i32
      %mul3A_458 = vector.broadcast %mul3A_457 : i32 to vector<16xi32>
      %mul3A_459 = arith.muli %iota3A, %mul3A_458 : vector<16xi32>
      %add3A_460 = arith.constant 12 : i32
      %add3A_461 = vector.broadcast %add3A_460 : i32 to vector<16xi32>
      %add3A_462 = arith.addi %mul3A_459, %add3A_461 : vector<16xi32>
      %gather3A_463 = tpu.vector_load_idx %arg19[%add3A_462] : memref<256xf32, #tpu.memory_space<vmem>>[vector<16xi32>], vector<16xf32>,
      %add3A_464 = arith.addf %add3A_456, %gather3A_463 : vector<16xf32>
      %mul3A_465 = arith.constant 16 : i32
      %mul3A_466 = vector.broadcast %mul3A_465 : i32 to vector<16xi32>
      %mul3A_467 = arith.muli %iota3A, %mul3A_466 : vector<16xi32>
      %add3A_468 = arith.constant 13 : i32
      %add3A_469 = vector.broadcast %add3A_468 : i32 to vector<16xi32>
      %add3A_470 = arith.addi %mul3A_467, %add3A_469 : vector<16xi32>
      %gather3A_471 = tpu.vector_load_idx %arg19[%add3A_470] : memref<256xf32, #tpu.memory_space<vmem>>[vector<16xi32>], vector<16xf32>,
      %add3A_472 = arith.addf %add3A_464, %gather3A_471 : vector<16xf32>
      %mul3A_473 = arith.constant 16 : i32
      %mul3A_474 = vector.broadcast %mul3A_473 : i32 to vector<16xi32>
      %mul3A_475 = arith.muli %iota3A, %mul3A_474 : vector<16xi32>
      %add3A_476 = arith.constant 14 : i32
      %add3A_477 = vector.broadcast %add3A_476 : i32 to vector<16xi32>
      %add3A_478 = arith.addi %mul3A_475, %add3A_477 : vector<16xi32>
      %gather3A_479 = tpu.vector_load_idx %arg19[%add3A_478] : memref<256xf32, #tpu.memory_space<vmem>>[vector<16xi32>], vector<16xf32>,
      %add3A_480 = arith.addf %add3A_472, %gather3A_479 : vector<16xf32>
      %mul3A_481 = arith.constant 16 : i32
      %mul3A_482 = vector.broadcast %mul3A_481 : i32 to vector<16xi32>
      %mul3A_483 = arith.muli %iota3A, %mul3A_482 : vector<16xi32>
      %add3A_484 = arith.constant 15 : i32
      %add3A_485 = vector.broadcast %add3A_484 : i32 to vector<16xi32>
      %add3A_486 = arith.addi %mul3A_483, %add3A_485 : vector<16xi32>
      %gather3A_487 = tpu.vector_load_idx %arg19[%add3A_486] : memref<256xf32, #tpu.memory_space<vmem>>[vector<16xi32>], vector<16xf32>,
      %add3A_488 = arith.addf %add3A_480, %gather3A_487 : vector<16xf32>
      %neg3A_489 = arith.constant 0.000000e+00 : f32
      %neg3A_490 = vector.broadcast %neg3A_489 : f32 to vector<16xf32>
      %neg3A_491 = arith.subf %neg3A_490, %add3A_488 : vector<16xf32>
      %exp3A_492 = math.exp %neg3A_491 : vector<16xf32>
      %add3A_493 = arith.constant 1.000000e+00 : f32
      %add3A_494 = vector.broadcast %add3A_493 : f32 to vector<16xf32>
      %add3A_495 = arith.addf %add3A_494, %exp3A_492 : vector<16xf32>
      %div3A_496 = arith.constant 1.000000e+00 : f32
      %div3A_497 = vector.broadcast %div3A_496 : f32 to vector<16xf32>
      %div3A_498 = arith.divf %div3A_497, %add3A_495 : vector<16xf32>
      %mul3A_499 = arith.constant 16 : i32
      %mul3A_500 = arith.muli %add3A_277, %mul3A_499 : i32
      %swap3A_501 = arith.index_cast %mul3A_500 : i32 to index
      %swap3A_502 = tpu.vector_load %arg20[%swap3A_501] {strides = array<i32>} : memref<512xf32, #tpu.memory_space<vmem>>, vector<16xf32>,
      tpu.vector_store %arg20[%swap3A_501], %div3A_498 {strides = array<i32>} : memref<512xf32, #tpu.memory_space<vmem>>, vector<16xf32>,
    }
    %scan3A_49 = arith.constant 16 : i32
    "tpu.region"() ({
      %run_scoped3A = tpu.sem_alloc : memref<!tpu.dma_semaphore, #tpu.memory_space<semaphore_mem>>
      %dma_start3A_50 = tpu.memref_slice %arg7[%mul3A_2] : memref<16384xf32, #tpu.memory_space<hbm>> -> memref<512xf32, #tpu.memory_space<hbm>>
      %dma_start3A_51 = tpu.memref_slice %arg7[%mul3A_2] : memref<16384xf32, #tpu.memory_space<hbm>> -> memref<512xf32, #tpu.memory_space<hbm>>
      tpu.enqueue_dma source(%arg20 : memref<512xf32, #tpu.memory_space<vmem>>) target(%dma_start3A_51 : memref<512xf32, #tpu.memory_space<hbm>>) target_semaphore(%run_scoped3A : memref<!tpu.dma_semaphore, #tpu.memory_space<semaphore_mem>>)
      %dma_wait3A = tpu.memref_slice %arg7[%mul3A_2] : memref<16384xf32, #tpu.memory_space<hbm>> -> memref<512xf32, #tpu.memory_space<hbm>>
      %dma_wait3A_52 = tpu.memref_slice %arg7[%mul3A_2] : memref<16384xf32, #tpu.memory_space<hbm>> -> memref<512xf32, #tpu.memory_space<hbm>>
      tpu.wait_dma2 semaphore(%run_scoped3A : memref<!tpu.dma_semaphore, #tpu.memory_space<semaphore_mem>>) src(%arg20 : memref<512xf32, #tpu.memory_space<vmem>>) dst(%dma_wait3A_52 : memref<512xf32, #tpu.memory_space<hbm>>)
      tpu.yield
    }) : () -> ()
    return
  }
}

module attributes {stable_mosaic.version = 14 : i64} {
  func.func @body(%arg0: i32, %arg1: memref<64x4096xf32, #tpu.memory_space<vmem>>, %arg2: memref<64x4096xf32, #tpu.memory_space<vmem>>, %arg3: memref<64x4096xf32, #tpu.memory_space<vmem>>, %arg4: memref<64x4096xf32, #tpu.memory_space<vmem>>, %arg5: memref<4096x128xf32, #tpu.memory_space<vmem>>, %arg6: memref<4096x128xf32, #tpu.memory_space<vmem>>) attributes {dimension_semantics = [#tpu.dimension_semantics<arbitrary>], iteration_bounds = array<i64: 13>, scalar_prefetch = 0 : i64, scratch_operands = 0 : i64, tpu.core_type = #tpu.core_type<tc>, window_params = [{transform_indices = @transform_0, window_bounds = array<i64: 64, 4096>}, {transform_indices = @transform_1, window_bounds = array<i64: 64, 4096>}, {transform_indices = @transform_2, window_bounds = array<i64: 64, 4096>}, {transform_indices = @transform_3, window_bounds = array<i64: 64, 4096>}, {transform_indices = @transform_4, window_bounds = array<i64: 4096, 128>}, {transform_indices = @transform_5, window_bounds = array<i64: 4096, 128>}]} {
    %get3A = arith.constant 0 : index
    %get3A_0 = arith.constant 0 : index
    %get3A_1 = vector.load %arg1[%get3A, %get3A_0] : memref<64x4096xf32, #tpu.memory_space<vmem>>, vector<64x4096xf32>
    %mul3A = arith.mulf %get3A_1, %get3A_1 : vector<64x4096xf32>
    %reduce_sum3A = arith.constant dense<0.000000e+00> : vector<4096xf32>
    %reduce_sum3A_2 = vector.multi_reduction <add>, %mul3A, %reduce_sum3A [0] : vector<64x4096xf32> to vector<4096xf32>
    %broadcast_in_dim3A = vector.shape_cast %reduce_sum3A_2 : vector<4096xf32> to vector<1x4096xf32>
    %sqrt3A = math.sqrt %broadcast_in_dim3A : vector<1x4096xf32>
    %add3A = arith.constant 1.000000e-07 : f32
    %add3A_3 = vector.broadcast %add3A : f32 to vector<1x4096xf32>
    %add3A_4 = arith.addf %sqrt3A, %add3A_3 : vector<1x4096xf32>
    %div3A = arith.constant 1.000000e+00 : f32
    %div3A_5 = vector.broadcast %div3A : f32 to vector<1x4096xf32>
    %div3A_6 = arith.divf %div3A_5, %add3A_4 : vector<1x4096xf32>
    %min3A = arith.constant 1.000000e+00 : f32
    %min3A_7 = vector.broadcast %min3A : f32 to vector<1x4096xf32>
    %min3A_8 = arith.minimumf %min3A_7, %div3A_6 : vector<1x4096xf32>
    %mul3A_9 = vector.broadcast %min3A_8 : vector<1x4096xf32> to vector<64x4096xf32>
    %mul3A_10 = arith.mulf %get3A_1, %mul3A_9 : vector<64x4096xf32>
    %transpose3A = tpu.transpose %mul3A_10, [1, 0] : vector<64x4096xf32> -> vector<4096x64xf32>
    %get3A_11 = arith.constant 0 : index
    %get3A_12 = arith.constant 0 : index
    %get3A_13 = vector.load %arg2[%get3A_11, %get3A_12] : memref<64x4096xf32, #tpu.memory_space<vmem>>, vector<64x4096xf32>
    %mul3A_14 = arith.mulf %get3A_13, %get3A_13 : vector<64x4096xf32>
    %reduce_sum3A_15 = arith.constant dense<0.000000e+00> : vector<4096xf32>
    %reduce_sum3A_16 = vector.multi_reduction <add>, %mul3A_14, %reduce_sum3A_15 [0] : vector<64x4096xf32> to vector<4096xf32>
    %broadcast_in_dim3A_17 = vector.shape_cast %reduce_sum3A_16 : vector<4096xf32> to vector<1x4096xf32>
    %sqrt3A_18 = math.sqrt %broadcast_in_dim3A_17 : vector<1x4096xf32>
    %add3A_19 = arith.constant 1.000000e-07 : f32
    %add3A_20 = vector.broadcast %add3A_19 : f32 to vector<1x4096xf32>
    %add3A_21 = arith.addf %sqrt3A_18, %add3A_20 : vector<1x4096xf32>
    %div3A_22 = arith.constant 1.000000e+00 : f32
    %div3A_23 = vector.broadcast %div3A_22 : f32 to vector<1x4096xf32>
    %div3A_24 = arith.divf %div3A_23, %add3A_21 : vector<1x4096xf32>
    %min3A_25 = arith.constant 1.000000e+00 : f32
    %min3A_26 = vector.broadcast %min3A_25 : f32 to vector<1x4096xf32>
    %min3A_27 = arith.minimumf %min3A_26, %div3A_24 : vector<1x4096xf32>
    %mul3A_28 = vector.broadcast %min3A_27 : vector<1x4096xf32> to vector<64x4096xf32>
    %mul3A_29 = arith.mulf %get3A_13, %mul3A_28 : vector<64x4096xf32>
    %transpose3A_30 = tpu.transpose %mul3A_29, [1, 0] : vector<64x4096xf32> -> vector<4096x64xf32>
    %concatenate3A = tpu.concatenate %transpose3A, %transpose3A_30 in 1 : vector<4096x64xf32>, vector<4096x64xf32> -> vector<4096x128xf32>
    %swap3A = arith.constant 0 : index
    %swap3A_31 = arith.constant 0 : index
    %swap3A_32 = vector.load %arg5[%swap3A, %swap3A_31] : memref<4096x128xf32, #tpu.memory_space<vmem>>, vector<4096x128xf32>
    tpu.vector_store %arg5[%swap3A, %swap3A_31], %concatenate3A {strides = array<i32>} : memref<4096x128xf32, #tpu.memory_space<vmem>>, vector<4096x128xf32>,
    %get3A_33 = arith.constant 0 : index
    %get3A_34 = arith.constant 0 : index
    %get3A_35 = vector.load %arg3[%get3A_33, %get3A_34] : memref<64x4096xf32, #tpu.memory_space<vmem>>, vector<64x4096xf32>
    %mul3A_36 = arith.mulf %get3A_35, %get3A_35 : vector<64x4096xf32>
    %reduce_sum3A_37 = arith.constant dense<0.000000e+00> : vector<4096xf32>
    %reduce_sum3A_38 = vector.multi_reduction <add>, %mul3A_36, %reduce_sum3A_37 [0] : vector<64x4096xf32> to vector<4096xf32>
    %broadcast_in_dim3A_39 = vector.shape_cast %reduce_sum3A_38 : vector<4096xf32> to vector<1x4096xf32>
    %sqrt3A_40 = math.sqrt %broadcast_in_dim3A_39 : vector<1x4096xf32>
    %add3A_41 = arith.constant 1.000000e-07 : f32
    %add3A_42 = vector.broadcast %add3A_41 : f32 to vector<1x4096xf32>
    %add3A_43 = arith.addf %sqrt3A_40, %add3A_42 : vector<1x4096xf32>
    %div3A_44 = arith.constant 1.000000e+00 : f32
    %div3A_45 = vector.broadcast %div3A_44 : f32 to vector<1x4096xf32>
    %div3A_46 = arith.divf %div3A_45, %add3A_43 : vector<1x4096xf32>
    %min3A_47 = arith.constant 1.000000e+00 : f32
    %min3A_48 = vector.broadcast %min3A_47 : f32 to vector<1x4096xf32>
    %min3A_49 = arith.minimumf %min3A_48, %div3A_46 : vector<1x4096xf32>
    %mul3A_50 = vector.broadcast %min3A_49 : vector<1x4096xf32> to vector<64x4096xf32>
    %mul3A_51 = arith.mulf %get3A_35, %mul3A_50 : vector<64x4096xf32>
    %transpose3A_52 = tpu.transpose %mul3A_51, [1, 0] : vector<64x4096xf32> -> vector<4096x64xf32>
    %get3A_53 = arith.constant 0 : index
    %get3A_54 = arith.constant 0 : index
    %get3A_55 = vector.load %arg4[%get3A_53, %get3A_54] : memref<64x4096xf32, #tpu.memory_space<vmem>>, vector<64x4096xf32>
    %mul3A_56 = arith.mulf %get3A_55, %get3A_55 : vector<64x4096xf32>
    %reduce_sum3A_57 = arith.constant dense<0.000000e+00> : vector<4096xf32>
    %reduce_sum3A_58 = vector.multi_reduction <add>, %mul3A_56, %reduce_sum3A_57 [0] : vector<64x4096xf32> to vector<4096xf32>
    %broadcast_in_dim3A_59 = vector.shape_cast %reduce_sum3A_58 : vector<4096xf32> to vector<1x4096xf32>
    %sqrt3A_60 = math.sqrt %broadcast_in_dim3A_59 : vector<1x4096xf32>
    %add3A_61 = arith.constant 1.000000e-07 : f32
    %add3A_62 = vector.broadcast %add3A_61 : f32 to vector<1x4096xf32>
    %add3A_63 = arith.addf %sqrt3A_60, %add3A_62 : vector<1x4096xf32>
    %div3A_64 = arith.constant 1.000000e+00 : f32
    %div3A_65 = vector.broadcast %div3A_64 : f32 to vector<1x4096xf32>
    %div3A_66 = arith.divf %div3A_65, %add3A_63 : vector<1x4096xf32>
    %min3A_67 = arith.constant 1.000000e+00 : f32
    %min3A_68 = vector.broadcast %min3A_67 : f32 to vector<1x4096xf32>
    %min3A_69 = arith.minimumf %min3A_68, %div3A_66 : vector<1x4096xf32>
    %mul3A_70 = vector.broadcast %min3A_69 : vector<1x4096xf32> to vector<64x4096xf32>
    %mul3A_71 = arith.mulf %get3A_55, %mul3A_70 : vector<64x4096xf32>
    %transpose3A_72 = tpu.transpose %mul3A_71, [1, 0] : vector<64x4096xf32> -> vector<4096x64xf32>
    %concatenate3A_73 = tpu.concatenate %transpose3A_52, %transpose3A_72 in 1 : vector<4096x64xf32>, vector<4096x64xf32> -> vector<4096x128xf32>
    %swap3A_74 = arith.constant 0 : index
    %swap3A_75 = arith.constant 0 : index
    %swap3A_76 = vector.load %arg6[%swap3A_74, %swap3A_75] : memref<4096x128xf32, #tpu.memory_space<vmem>>, vector<4096x128xf32>
    tpu.vector_store %arg6[%swap3A_74, %swap3A_75], %concatenate3A_73 {strides = array<i32>} : memref<4096x128xf32, #tpu.memory_space<vmem>>, vector<4096x128xf32>,
    return
  }
  func.func @transform_0(%arg0: i32) -> (i32, i32) {
    %mul3A = arith.constant 2 : i32
    %mul3A_0 = arith.muli %mul3A, %arg0 : i32
    %c0_i32 = arith.constant 0 : i32
    %c0_i32_1 = arith.constant 0 : i32
    return %c0_i32, %mul3A_0 : i32, i32
  }
  func.func @transform_1(%arg0: i32) -> (i32, i32) {
    %mul3A = arith.constant 2 : i32
    %mul3A_0 = arith.muli %mul3A, %arg0 : i32
    %add3A = arith.constant 1 : i32
    %add3A_1 = arith.addi %mul3A_0, %add3A : i32
    %min3A = arith.constant 24 : i32
    %min3A_2 = arith.minsi %add3A_1, %min3A : i32
    %c0_i32 = arith.constant 0 : i32
    %c0_i32_3 = arith.constant 0 : i32
    return %c0_i32, %min3A_2 : i32, i32
  }
  func.func @transform_2(%arg0: i32) -> (i32, i32) {
    %mul3A = arith.constant 2 : i32
    %mul3A_0 = arith.muli %mul3A, %arg0 : i32
    %c0_i32 = arith.constant 0 : i32
    %c0_i32_1 = arith.constant 0 : i32
    return %c0_i32, %mul3A_0 : i32, i32
  }
  func.func @transform_3(%arg0: i32) -> (i32, i32) {
    %mul3A = arith.constant 2 : i32
    %mul3A_0 = arith.muli %mul3A, %arg0 : i32
    %add3A = arith.constant 1 : i32
    %add3A_1 = arith.addi %mul3A_0, %add3A : i32
    %min3A = arith.constant 24 : i32
    %min3A_2 = arith.minsi %add3A_1, %min3A : i32
    %c0_i32 = arith.constant 0 : i32
    %c0_i32_3 = arith.constant 0 : i32
    return %c0_i32, %min3A_2 : i32, i32
  }
  func.func @transform_4(%arg0: i32) -> (i32, i32) {
    %c0_i32 = arith.constant 0 : i32
    %c0_i32_0 = arith.constant 0 : i32
    return %arg0, %c0_i32 : i32, i32
  }
  func.func @transform_5(%arg0: i32) -> (i32, i32) {
    %c0_i32 = arith.constant 0 : i32
    %c0_i32_0 = arith.constant 0 : i32
    return %arg0, %c0_i32 : i32, i32
  }
}

</mosaic_0001>

<sc_bundles>
// kernel: kernel.4.cloned.1.call-start
scs
__scs_entry_jumppad:
0x0: {  	(pc) =	sbr.rel $0x88, $3  }
0x1: {  	(tag) =	ssettag $0x0;
	lr =	simm.s32 $0x1  }
0x2: {  	[smem:$0x3F9C] =	sst lr;
	_ =	strace $0xD0000000  }
0x3: {  	_ = 	snop  }
0x4: {  	_ = 	snop  }
0x5: {  	_ = 	snop  }
0x6: {  	_ = 	snop  }
0x7: {  	_ = 	snop  }
__scs_overlays_trampoline_lowered:
0x8: {  	[smem:$0x3FAB] =	sst s0  }
0x9: {  	[smem:$0x3FAC] =	sst s1  }
0xa: {  	[smem:$0x3FAD] =	sst s2  }
0xb: {  	[smem:$0x3FAE] =	sst s3  }
0xc: {  	[smem:$0x3FAF] =	sst s4  }
0xd: {  	[smem:$0x3FB0] =	sst s5  }
0xe: {  	[smem:$0x3FB1] =	sst s6  }
0xf: {  	[smem:$0x3FB2] =	sst s7  }
0x10: {  	[smem:$0x3FB3] =	sst s8  }
0x11: {  	[smem:$0x3FB4] =	sst s9;
	s0 =	simm.s32 @!p0 $0x0  }
0x12: {  	s1 =	sld [smem:$0x3F9A];
	s0 =	simm.s32 @p0 $0x1  }
0x13: {  	[smem:$0x3FB5] =	sst s0;
	s0 =	simm.s32 @!p1 $0x0  }
0x14: {  	s2 =	sld [smem:$0x3F99];
	s0 =	simm.s32 @p1 $0x1  }
0x15: {  	[smem:$0x3FB6] =	sst s0;
	s0 =	simm.s32 @!p2 $0x0  }
0x16: {  	s3 =	sld [smem:$0x3FDB];
	s0 =	simm.s32 @p2 $0x1  }
0x17: {  	s4 =	simm.s32 $0x1BF5;
	[smem:$0x3FB8] =	sst s0  }
0x18: {  	s0 =	sld [smem:$0x3F9B];
	_ =	swait.ge [sflag:s4], $0x0  }
0x19: {  	s7 =	sld [smem:$0x3F9C]  }
0x1a: {  	s8 =	sadd.s32 $0xFFFFE003, lr  }
0x1b: {  	s9 =	sadd.s32 $0xFFFFFEF7, lr;
	s5 =	simm.s32 $0xFFFFFFFF;
	p2 =	slt.u32 s8, $0xFFFFF086  }
0x1c: {  	p1 =	slt.u32 s9, $0xF7A;
	s5 =	simm.s32 @!p2 $0x0  }
0x1d: {  	s5 =	simm.s32 @p1 $0x1;
	p0 =	seq.s32 s7, s2  }
0x1e: {  	s7 =	smul.u32 @!p0 $0xF7A, s2;
	p2 =	seq.s32 @!p0 s5, $0x0  }
0x1f: {  	s9 =	smul.u32 $0xF7A, s1;
	s8 =	simm.s32 @!p0 $0x1BF5;
	p2 =	por !p2, p0  }
0x20: {  	[sflag:s8] =	ssyncset.s32 @!p0 $0xFFFFF086;
	s6 =	sadd.s32 @!p0 s3, s7;
	s7 =	simm.s32 @!p0 $0x108  }
0x21: {  	s3 =	sadd.s32 s3, s9;
	s6 =	sadd.s32 @!p0 $0x88, s6;
	s7 =	simm.s32 @p2 $0x1082  }
0x22: {  	[simem:s7], [sflag:s8] =	dma.local @!p0 [hbm:s6], $0xF7A  }
0x23: {  	s9 =	sor.u32 $0xD0000000, s2;
	s6 =	simm.s32 $0x108;
	_ =	swait.ge @!p0 [sflag:s8], $0x0  }
0x24: {  	s3 =	sadd.s32 $0x88, s3;
	s6 =	simm.s32 @!p1 $0x1082;
	[sflag:s4] =	ssyncset.s32 $0xFFFFF086  }
0x25: {  	[simem:s6], [sflag:s4] =	dma.local [hbm:s3], $0xF7A  }
0x26: {  	[smem:$0x3F9C] =	sst s1;
	(tag) =	ssettag s2;
	_ =	strace s9  }
0x27: {  	s1 =	sld [smem:$0x3FAC]  }
0x28: {  	s2 =	sld [smem:$0x3FAD]  }
0x29: {  	s4 =	sld [smem:$0x3FAF]  }
0x2a: {  	p0 =	seq.s32 s5, $0x0;
	s5 =	sld [smem:$0x3FB0]  }
0x2b: {  	s6 =	sld [smem:$0x3FB1]  }
0x2c: {  	s7 =	sld [smem:$0x3FB2]  }
0x2d: {  	s3 =	simm.s32 $0x108;
	s8 =	sld [smem:$0x3FB3]  }
0x2e: {  	s3 =	simm.s32 @!p0 $0x1082;
	s9 =	sld [smem:$0x3FB4]  }
0x2f: {  	lr =	sadd.s32 s0, s3;
	s0 =	sld [smem:$0x3FAB]  }
0x30: {  	s3 =	sld [smem:$0x3FAE]  }
0x31: {  	[smem:$0x3FB7] =	sst s10  }
0x32: {  	s10 =	sld [smem:$0x3FB5];
	_ =	sdelay $0x3  }
0x33: {  	p0 =	seq.s32 s10, $0x1;
	s10 =	sld [smem:$0x3FB7];
	_ =	sdelay $0x3  }
0x34: {  	[smem:$0x3FB7] =	sst s10  }
0x35: {  	s10 =	sld [smem:$0x3FB6];
	_ =	sdelay $0x3  }
0x36: {  	p1 =	seq.s32 s10, $0x1;
	s10 =	sld [smem:$0x3FB7];
	_ =	sdelay $0x3  }
0x37: {  	[smem:$0x3FB7] =	sst s10  }
0x38: {  	s10 =	sld [smem:$0x3FB8]  }
0x39: {  	_ = 	snop;
	(pc) =	sbr.ind lr, $3  }
0x3a: {  	_ = 	snop  }
0x3b: {  	_ = 	snop  }
0x3c: {  	p2 =	seq.s32 s10, $0x1;
	s10 =	sld [smem:$0x3FB7]  }
0x3d: {  	_ =	shalt  }
0x3e: {  	_ =	shalt  }
0x3f: {  	_ =	shalt  }
0x40: {  	_ =	shalt  }
0x41: {  	_ =	shalt  }
0x42: {  	_ =	shalt  }
0x43: {  	_ =	shalt  }
0x44: {  	_ =	shalt  }
0x45: {  	_ =	shalt  }
0x46: {  	_ =	shalt  }
0x47: {  	_ =	shalt  }
0x48: {  	_ =	shalt  }
0x49: {  	_ =	shalt  }
0x4a: {  	_ =	shalt  }
0x4b: {  	_ =	shalt  }
0x4c: {  	_ =	shalt  }
0x4d: {  	_ =	shalt  }
0x4e: {  	_ =	shalt  }
0x4f: {  	_ =	shalt  }
0x50: {  	_ =	shalt  }
0x51: {  	_ =	shalt  }
0x52: {  	_ =	shalt  }
0x53: {  	_ =	shalt  }
0x54: {  	_ =	shalt  }
0x55: {  	_ =	shalt  }
0x56: {  	_ =	shalt  }
0x57: {  	_ =	shalt  }
0x58: {  	_ =	shalt  }
0x59: {  	_ =	shalt  }
0x5a: {  	_ =	shalt  }
0x5b: {  	_ =	shalt  }
0x5c: {  	_ =	shalt  }
0x5d: {  	_ =	shalt  }
0x5e: {  	_ =	shalt  }
0x5f: {  	_ =	shalt  }
0x60: {  	_ =	shalt  }
0x61: {  	_ =	shalt  }
0x62: {  	_ =	shalt  }
0x63: {  	_ =	shalt  }
0x64: {  	_ =	shalt  }
0x65: {  	_ =	shalt  }
0x66: {  	_ =	shalt  }
0x67: {  	_ =	shalt  }
0x68: {  	_ =	shalt  }
0x69: {  	_ =	shalt  }
0x6a: {  	_ =	shalt  }
0x6b: {  	_ =	shalt  }
0x6c: {  	_ =	shalt  }
0x6d: {  	_ =	shalt  }
0x6e: {  	_ =	shalt  }
0x6f: {  	_ =	shalt  }
0x70: {  	_ =	shalt  }
0x71: {  	_ =	shalt  }
0x72: {  	_ =	shalt  }
0x73: {  	_ =	shalt  }
0x74: {  	_ =	shalt  }
0x75: {  	_ =	shalt  }
0x76: {  	_ =	shalt  }
0x77: {  	_ =	shalt  }
0x78: {  	_ =	shalt  }
0x79: {  	_ =	shalt  }
0x7a: {  	_ =	shalt  }
0x7b: {  	_ =	shalt  }
0x7c: {  	_ =	shalt  }
0x7d: {  	_ =	shalt  }
0x7e: {  	_ =	shalt  }
0x7f: {  	_ =	shalt  }
0x80: {  	_ =	shalt  }
0x81: {  	_ =	shalt  }
0x82: {  	_ =	shalt  }
0x83: {  	_ =	shalt  }
0x84: {  	_ =	shalt  }
0x85: {  	_ =	shalt  }
0x86: {  	_ =	shalt  }
0x87: {  	_ =	shalt  }
.Lfunc_end0:
.L_simem_size_0:
called_computation_lowered:
.L_overlay_start_0:
0x88: {  	s2 =	sld [smem:$0x3FD9]  }
0x89: {  	s3 =	sld [smem:$0x3FFE];
	_ =	sdelay $0x1  }
0x8a: {  	s1 =	srdreg.scid  }
0x8b: {  	s0 =	sand.u32 $0x1, s1  }
0x8c: {  	s17 =	sshll.u32 s0, $0xA;
	s2 =	sadd.s32 s3, s2  }
0x8d: {  	s2 =	sadd.s32 s2, s17  }
0x8e: {  	[smem:$0x3FC3] =	sst s2  }
0x8f: {  	_ = 	snop  }
0x90: {  	s2 =	sld [smem:$0x3FD0];
	(tm) =	ssettm $0x1  }
0x91: {  	s18 =	sld [smem:$0x3FFB];
	_ =	sdelay $0x3  }
0x92: {  	_ =	strace s18  }
0x93: {  	s3 =	sld [smem:$0x3FFC];
	_ =	sdelay $0x3  }
0x94: {  	_ =	strace s3  }
0x95: {  	s3 =	sld [smem:$0x3FFD];
	_ =	sdelay $0x3  }
0x96: {  	_ =	strace s3  }
0x97: {  	_ =	strace $0x8FFFFFFF  }
0x98: {  	s19 =	sld [smem:$0x3FDB];
	_ =	sdelay $0x1  }
0x99: {  	s4 =	simm.s32 $_scs_section_size  }
0x9a: {  	s5 =	simm.s32 $_size__tile_overlayer_lowered;
	s6 =	simm.s32 $_tile_overlayer_lowered  }
0x9b: {  	s22 =	simm.s32 $0x1BFF;
	s21 =	sshll.u32 s6, $0x1;
	s3 =	sadd.s32 s4, s19  }
0x9c: {  	s7 =	simm.s32 $0x0;
	s20 =	sshll.u32 s5, $0x1;
	s5 =	sadd.s32 s21, s3  }
0x9d: {  	[timem:s7], [sflag:s22] =	dma.local [hbm:s5], s20  }
0x9e: {  	_ =	swait.ge [sflag:s22], s20  }
0x9f: {  	s4 =	ssub.s32 $0x0, s20;
	[sflag:s22] =	ssyncset.done $0x0  }
0xa0: {  	[sflag:s22] =	ssyncadd.s32 s4;
	_ =	sdelay $0x1  }
0xa1: {  	s23 =	simm.s32 $0x1B8B  }
0xa2: {  	_ =	swait.ge [sflag:s23], $0x1  }
0xa3: {  	[sflag:s23] =	ssyncset.done $0x0  }
0xa4: {  	s25 =	simm.s32 $0x1B8E;
	s24 =	sld [smem:$0x3FFE];
	[sflag:s23] =	ssyncadd.s32 $0xFFFFFFFF  }
0xa5: {  	s26 =	simm.s32 $execute0_lowered;
	[smem:$0x3FD2] =	sst s25  }
0xa6: {  	s5 =	sshll.u32 s26, $0x1;
	_ =	strace $0x80000046;
	[dreg:$0x1] =	wrdreg $0xFFFFFFFF  }
0xa7: {  	s28 =	simm.s32 $_size_execute0_lowered;
	s3 =	sadd.s32 s3, s5;
	[dreg:$0x0] =	wrdreg $0x0  }
0xa8: {  	s5 =	sshll.u32 s28, $0x1;
	[dreg:$0x2] =	wrdreg s3  }
0xa9: {  	[dreg:$0x3] =	wrdreg s5  }
0xaa: {  	[dreg:$0x4] =	wrdreg $0xC0  }
0xab: {  	_ =	task [dreg:s7], $0x5FFFF  }
0xac: {  	[dreg:$0x1] =	wrdreg $0xFFFFFFFF  }
0xad: {  	[dreg:$0x0] =	wrdreg $0x60  }
0xae: {  	[dreg:$0x2] =	wrdreg s24  }
0xaf: {  	[dreg:$0x3] =	wrdreg s2  }
0xb0: {  	[dreg:$0x4] =	wrdreg $0x9  }
0xb1: {  	_ =	task.clear_ibuf [dreg:s7], $0x5FFFF;
	_ =	strace $0x90000046  }
0xb2: {  	s29 =	simm.s32 $0x9;
	_ =	strace $0x80000048  }
0xb3: {  	_ =	swait.ge [sflag:s29], $0x1  }
0xb4: {  	[sflag:s29] =	ssyncadd.s32 $0xFFFFFFFF  }
0xb5: {  	_ =	strace $0x90000048  }
0xb6: {  	_ =	sfence  }
0xb7: {  	s30 =	sld [smem:$0x0];
	_ =	sdelay $0x2  }
0xb8: {  	s31 =	sshll.u32 s1, $0xD;
	s1 =	sshrl.u32 s1, $0x2  }
0xb9: {  	s3 =	sand.u32 $0x4000, s31;
	s1 =	sadd.s32 s1, s30  }
0xba: {  	s0 =	sor.u32 s3, s0;
	s1 =	sshll.u32 s1, $0x11  }
0xbb: {  	s0 =	sor.u32 s1, s0  }
0xbc: {  	s0 =	sadd.s32 $0x8F2B, s0  }
0xbd: {  	[sflag:s0] =	ssyncadd.remote.s32 $0x1  }
0xbe: {  	_ =	sfence.sel $0xFFFF  }
0xbf: {  	[dreg:$0x0] =	wrdreg $0xFFFFFFFF;
	(pc) =	sbr.abs _section_cstart, $3  }
0xc0: {  	[dreg:$0x1] =	wrdreg $0xFFFFFFFF  }
0xc1: {  	_ =	task.clear_ibuf [dreg:s7], $0x2FFFF;
	_ =	strace $0x9FFFFFFF  }
0xc2: {  	(tm) =	ssettm $0x7FFFFFFF  }
0xc3: {  	_ =	shalt  }
tec
execute0_lowered:
.L_overlay_start_1:
0x0: {  	(tag) =	ssettag $0x1  }
0x1: {  	s0 =	rddreg [dreg:$0x0]  }
0x2: {  	s1 =	rddreg [dreg:$0x1];
	s2 =	simm.s32 $0x0;
	s3 =	srdreg.scid  }
0x3: {  	s4 =	stileid.u32;
	s10 =	simm.s32 $0x11000;
	s11 =	simm.s32 $0x3  }
0x4: {  	s12 =	simm.s32 $0x15000;
	s13 =	simm.s32 $0x15200;
	s14 =	simm.s32 $0x80  }
0x5: {  	s21 =	simm.s32 $0x10;
	s24 =	simm.s32 $0x8800;
	s25 =	simm.s32 $0xA800  }
0x6: {  	s28 =	simm.s32 $0xE800;
	s29 =	simm.s32 $0x10800;
	s30 =	simm.s32 $0x10C00  }
0x7: {  	s31 =	simm.s32 $0x1;
	s16 =	simm.s32 $0x0;
	[smem:$0x7FF] =	sst s2  }
0x8: {  	s3 =	sand.u32 $0x1, s3;
	s4 =	sshll.u32 s4, $0x1;
	_ =	strace $0x80000047  }
0x9: {  	s4 =	sor.u32 s3, s4;
	s6 =	ssub.s32 $0x2, s3;
	s3 =	sadd.s32 $0x11600, s0  }
0xa: {  	s5 =	sshll.u32 s4, $0xB;
	s8 =	sshll.u32 s4, $0x6;
	s9 =	sshrl.u32 s6, $0x1  }
0xb: {  	s4 =	sadd.s32 $0xE1600, s0;
	s5 =	sadd.s32 s5, s0;
	s7 =	sadd.s32 s8, s0  }
0xc: {  	s26 =	ssub.s32 s6, s9;
	s8 =	sadd.s32 s1, s8;
	s0 =	simm.s32 $0x15400  }
0xd: {  	v0 =	vlaneseq.u32;
	s1 =	simm.s32 $0x2;
	s5 =	sadd.s32 $0x1600, s5;
	s6 =	sadd.s32 $0xE00, s7  }
0xe: {  	v0 =	vmul.u32 $0x10, v0;
	s7 =	sadd.s32 $0x600, s7;
	s9 =	smax.u32 s26, $0x1;
	s26 =	simm.s32 $0xC800  }
.LBB2_1:
0xf: {  	[tilespmem:s10], [sflag:$0x3] =	stream.linear.gather [hbm4b:s5+s2], $0x4000, $0x38;
	[tilespmem:$0x15700] =	vst v63  }
0x10: {  	_ =	swait.ge [sflag:s11], $0x4000  }
0x11: {  	[sflag:s11] =	ssyncset.done $0x0  }
0x12: {  	[sflag:s11] =	ssyncadd.s32 $0xFFFFC000  }
0x13: {  	[tilespmem:s12], [sflag:$0x3] =	stream.linear.gather [hbm4b:s6+s2], $0x200, $0x38;
	[tilespmem:$0x15700] =	vst v63  }
0x14: {  	_ =	swait.ge [sflag:s11], $0x200  }
0x15: {  	[sflag:s11] =	ssyncset.done $0x0  }
0x16: {  	[sflag:s11] =	ssyncadd.s32 $0xFFFFFE00  }
0x17: {  	[tilespmem:s13], [sflag:$0x3] =	stream.linear.gather [hbm4b:s7+s2], $0x200, $0x38;
	[tilespmem:$0x15700] =	vst v63  }
0x18: {  	_ =	swait.ge [sflag:s11], $0x200  }
0x19: {  	[sflag:s11] =	ssyncset.done $0x0  }
0x1a: {  	[sflag:s11] =	ssyncadd.s32 $0xFFFFFE00  }
0x1b: {  	[tilespmem:s2], [sflag:$0x1] =	stream.indirect.gather [hbm4b:s3+s14], $0x40, s10, s14, $0xb8;
	[tilespmem:$0x15700] =	vst v63  }
0x1c: {  	s15 =	simm.s32 $0x11080;
	s17 =	simm.s32 $0x2000  }
0x1d: {  	[tilespmem:s17], [sflag:$0x1] =	stream.indirect.gather [hbm4b:s3+s14], $0x40, s15, s14, $0xb8;
	[tilespmem:$0x15700] =	vst v63  }
0x1e: {  	s18 =	simm.s32 $0x4000;
	s17 =	simm.s32 $0x11100  }
0x1f: {  	[tilespmem:s18], [sflag:$0x1] =	stream.indirect.gather [hbm4b:s3+s14], $0x40, s17, s14, $0xb8;
	[tilespmem:$0x15700] =	vst v63  }
0x20: {  	s19 =	simm.s32 $0x11180;
	s20 =	simm.s32 $0x6000  }
0x21: {  	[tilespmem:s20], [sflag:$0x1] =	stream.indirect.gather [hbm4b:s3+s14], $0x40, s19, s14, $0xb8;
	[tilespmem:$0x15700] =	vst v63  }
0x22: {  	s22 =	simm.s32 $0x8000  }
0x23: {  	[tilespmem:s22], [sflag:$0x1] =	stream.indirect.gather [hbm4b:s3+s21], $0x40, s12, s21, $0xb8;
	[tilespmem:$0x15700] =	vst v63  }
0x24: {  	s23 =	simm.s32 $0x8400;
	s17 =	simm.s32 $0x0  }
0x25: {  	[tilespmem:s23], [sflag:$0x1] =	stream.indirect.gather [hbm4b:s4+s21], $0x40, s13, s21, $0xb8;
	[tilespmem:$0x15700] =	vst v63  }
.LBB2_2:
0x26: {  	s18 =	sshllo.u32 s17, $0x1  }
0x27: {  	s19 =	sshll.u32 s18, $0x9  }
0x28: {  	s19 =	sand.u32 $0x3FFFFE00, s19  }
0x29: {  	s20 =	sadd.s32 $0x11000, s19  }
0x2a: {  	[tilespmem:s24], [sflag:$0x2] =	stream.indirect.gather [hbm4b:s3+s14], $0x40, s20, s14, $0xb8;
	[tilespmem:$0x15700] =	vst v63  }
0x2b: {  	s23 =	sadd.s32 $0x11080, s19  }
0x2c: {  	[tilespmem:s25], [sflag:$0x2] =	stream.indirect.gather [hbm4b:s3+s14], $0x40, s23, s14, $0xb8;
	[tilespmem:$0x15700] =	vst v63  }
0x2d: {  	s15 =	sadd.s32 $0x11100, s19  }
0x2e: {  	[tilespmem:s26], [sflag:$0x2] =	stream.indirect.gather [hbm4b:s3+s14], $0x40, s15, s14, $0xb8;
	[tilespmem:$0x15700] =	vst v63  }
0x2f: {  	s18 =	sshll.u32 s18, $0x4;
	s19 =	sadd.s32 $0x11180, s19  }
0x30: {  	[tilespmem:s28], [sflag:$0x2] =	stream.indirect.gather [hbm4b:s3+s14], $0x40, s19, s14, $0xb8;
	[tilespmem:$0x15700] =	vst v63  }
0x31: {  	s22 =	sadd.s32 $0x15000, s18  }
0x32: {  	[tilespmem:s29], [sflag:$0x2] =	stream.indirect.gather [hbm4b:s3+s21], $0x40, s22, s21, $0xb8;
	[tilespmem:$0x15700] =	vst v63  }
0x33: {  	s23 =	sadd.s32 $0x15200, s18  }
0x34: {  	[tilespmem:s30], [sflag:$0x2] =	stream.indirect.gather [hbm4b:s4+s21], $0x40, s23, s21, $0xb8;
	[tilespmem:$0x15700] =	vst v63  }
0x35: {  	_ =	swait.ge [sflag:s31], $0x2000  }
0x36: {  	[sflag:s31] =	ssyncset.done $0x0  }
0x37: {  	[sflag:s31] =	ssyncadd.s32 $0xFFFFE000  }
0x38: {  	_ =	swait.ge [sflag:s31], $0x2000  }
0x39: {  	[sflag:s31] =	ssyncset.done $0x0  }
0x3a: {  	[sflag:s31] =	ssyncadd.s32 $0xFFFFE000  }
0x3b: {  	_ =	swait.ge [sflag:s31], $0x2000  }
0x3c: {  	[sflag:s31] =	ssyncset.done $0x0  }
0x3d: {  	[sflag:s31] =	ssyncadd.s32 $0xFFFFE000  }
0x3e: {  	_ =	swait.ge [sflag:s31], $0x2000  }
0x3f: {  	[sflag:s31] =	ssyncset.done $0x0  }
0x40: {  	[sflag:s31] =	ssyncadd.s32 $0xFFFFE000  }
0x41: {  	_ =	swait.ge [sflag:s31], $0x400  }
0x42: {  	[sflag:s31] =	ssyncset.done $0x0  }
0x43: {  	[sflag:s31] =	ssyncadd.s32 $0xFFFFFC00  }
0x44: {  	_ =	swait.ge [sflag:s31], $0x400  }
0x45: {  	[sflag:s31] =	ssyncset.done $0x0  }
0x46: {  	s20 =	simm.s32 $0x0;
	s19 =	sshll.u32 s17, $0x1;
	[sflag:s31] =	ssyncadd.s32 $0xFFFFFC00  }
.LBB2_3:
0x47: {  	s22 =	sshll.u32 s20, $0xC  }
0x48: {  	s22 =	sand.u32 $0x3FFFF000, s22  }
0x49: {  	v1 =	vld [tilespmem:s22+$0x0]  }
0x4a: {  	v2 =	vld [tilespmem:s22+$0x10]  }
0x4b: {  	v3 =	vld [tilespmem:s22+$0x20]  }
0x4c: {  	v4 =	vld [tilespmem:s22+$0x30]  }
0x4d: {  	v5 =	vld [tilespmem:s22+$0x40]  }
0x4e: {  	v6 =	vld [tilespmem:s22+$0x50]  }
0x4f: {  	v7 =	vld [tilespmem:s22+$0x60]  }
0x50: {  	v9 =	vld [tilespmem:s22+$0x70];
	v8 =	vadd.f32 $0.0e+00, v1  }
0x51: {  	v12 =	vld [tilespmem:s22+$0x80];
	v1 =	vmul.f32 v1, v1;
	v10 =	vadd.f32 $0.0e+00, v2;
	v2 =	vmul.f32 v2, v2  }
0x52: {  	v15 =	vld [tilespmem:s22+$0x90];
	v11 =	vadd.f32 $0.0e+00, v3;
	v3 =	vmul.f32 v3, v3;
	v14 =	vmul.f32 v5, v5  }
0x53: {  	v16 =	vld [tilespmem:s22+$0xA0];
	v13 =	vadd.f32 $0.0e+00, v4;
	v4 =	vmul.f32 v4, v4;
	v43 =	vmul.f32 v6, v6  }
0x54: {  	v45 =	vld [tilespmem:s22+$0xB0];
	v44 =	vmul.f32 v7, v7;
	v5 =	vadd.f32 v5, v8;
	v1 =	vadd.f32 v14, v1  }
0x55: {  	v47 =	vld [tilespmem:s22+$0xC0];
	v46 =	vmul.f32 v9, v9;
	v6 =	vadd.f32 v6, v10;
	v2 =	vadd.f32 v43, v2  }
0x56: {  	v49 =	vld [tilespmem:s22+$0xD0];
	v48 =	vmul.f32 v12, v12;
	v7 =	vadd.f32 v7, v11;
	v3 =	vadd.f32 v44, v3  }
0x57: {  	v51 =	vld [tilespmem:s22+$0xE0];
	v50 =	vmul.f32 v15, v15;
	v9 =	vadd.f32 v9, v13;
	v4 =	vadd.f32 v46, v4  }
0x58: {  	v53 =	vld [tilespmem:s22+$0xF0];
	v52 =	vmul.f32 v16, v16;
	v5 =	vadd.f32 v12, v5;
	v1 =	vadd.f32 v48, v1  }
0x59: {  	v55 =	vld [tilespmem:s22+$0x100];
	v54 =	vmul.f32 v45, v45;
	v6 =	vadd.f32 v15, v6;
	v2 =	vadd.f32 v50, v2  }
0x5a: {  	v57 =	vld [tilespmem:s22+$0x110];
	v56 =	vmul.f32 v47, v47;
	v7 =	vadd.f32 v16, v7;
	v3 =	vadd.f32 v52, v3  }
0x5b: {  	v59 =	vld [tilespmem:s22+$0x120];
	v58 =	vmul.f32 v49, v49;
	v9 =	vadd.f32 v45, v9;
	v4 =	vadd.f32 v54, v4  }
0x5c: {  	v61 =	vld [tilespmem:s22+$0x130];
	v60 =	vmul.f32 v51, v51;
	v5 =	vadd.f32 v47, v5;
	v1 =	vadd.f32 v56, v1  }
0x5d: {  	v63 =	vld [tilespmem:s22+$0x140];
	v62 =	vmul.f32 v53, v53;
	v6 =	vadd.f32 v49, v6;
	v2 =	vadd.f32 v58, v2  }
0x5e: {  	v21 =	vld [tilespmem:s22+$0x150];
	v20 =	vmul.f32 v55, v55;
	v7 =	vadd.f32 v51, v7;
	v3 =	vadd.f32 v60, v3  }
0x5f: {  	v23 =	vld [tilespmem:s22+$0x160];
	v22 =	vmul.f32 v57, v57;
	v9 =	vadd.f32 v53, v9;
	v4 =	vadd.f32 v62, v4  }
0x60: {  	v25 =	vld [tilespmem:s22+$0x170];
	v24 =	vmul.f32 v59, v59;
	v5 =	vadd.f32 v55, v5;
	v1 =	vadd.f32 v20, v1  }
0x61: {  	v27 =	vld [tilespmem:s22+$0x180];
	v26 =	vmul.f32 v61, v61;
	v6 =	vadd.f32 v57, v6;
	v2 =	vadd.f32 v22, v2  }
0x62: {  	v29 =	vld [tilespmem:s22+$0x190];
	v28 =	vmul.f32 v63, v63;
	v7 =	vadd.f32 v59, v7;
	v3 =	vadd.f32 v24, v3  }
0x63: {  	v31 =	vld [tilespmem:s22+$0x1A0];
	v30 =	vmul.f32 v21, v21;
	v9 =	vadd.f32 v61, v9;
	v4 =	vadd.f32 v26, v4  }
0x64: {  	v33 =	vld [tilespmem:s22+$0x1B0];
	v32 =	vmul.f32 v23, v23;
	v5 =	vadd.f32 v63, v5;
	v1 =	vadd.f32 v28, v1  }
0x65: {  	v35 =	vld [tilespmem:s22+$0x1C0];
	v34 =	vmul.f32 v25, v25;
	v6 =	vadd.f32 v21, v6;
	v2 =	vadd.f32 v30, v2  }
0x66: {  	v37 =	vld [tilespmem:s22+$0x1D0];
	v36 =	vmul.f32 v27, v27;
	v7 =	vadd.f32 v23, v7;
	v3 =	vadd.f32 v32, v3  }
0x67: {  	v39 =	vld [tilespmem:s22+$0x1E0];
	v38 =	vmul.f32 v29, v29;
	v9 =	vadd.f32 v25, v9;
	v4 =	vadd.f32 v34, v4  }
0x68: {  	v41 =	vld [tilespmem:s22+$0x1F0];
	v40 =	vmul.f32 v31, v31;
	v5 =	vadd.f32 v27, v5;
	v1 =	vadd.f32 v36, v1  }
0x69: {  	v42 =	vmul.f32 v33, v33;
	v43 =	vld [tilespmem:s22+$0x200];
	v6 =	vadd.f32 v29, v6;
	v2 =	vadd.f32 v38, v2  }
0x6a: {  	v44 =	vmul.f32 v35, v35;
	v45 =	vld [tilespmem:s22+$0x210];
	v7 =	vadd.f32 v31, v7;
	v3 =	vadd.f32 v40, v3  }
0x6b: {  	v46 =	vmul.f32 v37, v37;
	v47 =	vld [tilespmem:s22+$0x220];
	v9 =	vadd.f32 v33, v9;
	v4 =	vadd.f32 v42, v4  }
0x6c: {  	v48 =	vmul.f32 v39, v39;
	v49 =	vld [tilespmem:s22+$0x230];
	v5 =	vadd.f32 v35, v5;
	v1 =	vadd.f32 v44, v1  }
0x6d: {  	v50 =	vmul.f32 v41, v41;
	v51 =	vld [tilespmem:s22+$0x240];
	v6 =	vadd.f32 v37, v6;
	v2 =	vadd.f32 v46, v2  }
0x6e: {  	v53 =	vld [tilespmem:s22+$0x250];
	v52 =	vmul.f32 v43, v43;
	v7 =	vadd.f32 v39, v7;
	v3 =	vadd.f32 v48, v3  }
0x6f: {  	v55 =	vld [tilespmem:s22+$0x260];
	v54 =	vmul.f32 v45, v45;
	v9 =	vadd.f32 v41, v9;
	v4 =	vadd.f32 v50, v4  }
0x70: {  	v57 =	vld [tilespmem:s22+$0x270];
	v56 =	vmul.f32 v47, v47;
	v5 =	vadd.f32 v43, v5;
	v1 =	vadd.f32 v52, v1  }
0x71: {  	v59 =	vld [tilespmem:s22+$0x280];
	v58 =	vmul.f32 v49, v49;
	v6 =	vadd.f32 v45, v6;
	v2 =	vadd.f32 v54, v2  }
0x72: {  	v61 =	vld [tilespmem:s22+$0x290];
	v60 =	vmul.f32 v51, v51;
	v7 =	vadd.f32 v47, v7;
	v3 =	vadd.f32 v56, v3  }
0x73: {  	v63 =	vld [tilespmem:s22+$0x2A0];
	v62 =	vmul.f32 v53, v53;
	v9 =	vadd.f32 v49, v9;
	v4 =	vadd.f32 v58, v4  }
0x74: {  	v21 =	vld [tilespmem:s22+$0x2B0];
	v20 =	vmul.f32 v55, v55;
	v5 =	vadd.f32 v51, v5;
	v1 =	vadd.f32 v60, v1  }
0x75: {  	v23 =	vld [tilespmem:s22+$0x2C0];
	v22 =	vmul.f32 v57, v57;
	v6 =	vadd.f32 v53, v6;
	v2 =	vadd.f32 v62, v2  }
0x76: {  	v25 =	vld [tilespmem:s22+$0x2D0];
	v24 =	vmul.f32 v59, v59;
	v7 =	vadd.f32 v55, v7;
	v3 =	vadd.f32 v20, v3  }
0x77: {  	v27 =	vld [tilespmem:s22+$0x2E0];
	v26 =	vmul.f32 v61, v61;
	v9 =	vadd.f32 v57, v9;
	v4 =	vadd.f32 v22, v4  }
0x78: {  	v29 =	vld [tilespmem:s22+$0x2F0];
	v28 =	vmul.f32 v63, v63;
	v5 =	vadd.f32 v59, v5;
	v1 =	vadd.f32 v24, v1  }
0x79: {  	v31 =	vld [tilespmem:s22+$0x300];
	v30 =	vmul.f32 v21, v21;
	v6 =	vadd.f32 v61, v6;
	v2 =	vadd.f32 v26, v2  }
0x7a: {  	v33 =	vld [tilespmem:s22+$0x310];
	v32 =	vmul.f32 v23, v23;
	v7 =	vadd.f32 v63, v7;
	v3 =	vadd.f32 v28, v3  }
0x7b: {  	v35 =	vld [tilespmem:s22+$0x320];
	v34 =	vmul.f32 v25, v25;
	v9 =	vadd.f32 v21, v9;
	v4 =	vadd.f32 v30, v4  }
0x7c: {  	v37 =	vld [tilespmem:s22+$0x330];
	v36 =	vmul.f32 v27, v27;
	v5 =	vadd.f32 v23, v5;
	v1 =	vadd.f32 v32, v1  }
0x7d: {  	v39 =	vld [tilespmem:s22+$0x340];
	v38 =	vmul.f32 v29, v29;
	v6 =	vadd.f32 v25, v6;
	v2 =	vadd.f32 v34, v2  }
0x7e: {  	v41 =	vld [tilespmem:s22+$0x350];
	v40 =	vmul.f32 v31, v31;
	v7 =	vadd.f32 v27, v7;
	v3 =	vadd.f32 v36, v3  }
0x7f: {  	v43 =	vld [tilespmem:s22+$0x360];
	v42 =	vmul.f32 v33, v33;
	v9 =	vadd.f32 v29, v9;
	v4 =	vadd.f32 v38, v4  }
0x80: {  	v45 =	vld [tilespmem:s22+$0x370];
	v44 =	vmul.f32 v35, v35;
	v5 =	vadd.f32 v31, v5;
	v1 =	vadd.f32 v40, v1  }
0x81: {  	v47 =	vld [tilespmem:s22+$0x380];
	v46 =	vmul.f32 v37, v37;
	v6 =	vadd.f32 v33, v6;
	v2 =	vadd.f32 v42, v2  }
0x82: {  	v49 =	vld [tilespmem:s22+$0x390];
	v48 =	vmul.f32 v39, v39;
	v7 =	vadd.f32 v35, v7;
	v3 =	vadd.f32 v44, v3  }
0x83: {  	v51 =	vld [tilespmem:s22+$0x3A0];
	v50 =	vmul.f32 v41, v41;
	v9 =	vadd.f32 v37, v9;
	v4 =	vadd.f32 v46, v4  }
0x84: {  	v53 =	vld [tilespmem:s22+$0x3B0];
	v52 =	vmul.f32 v43, v43;
	v5 =	vadd.f32 v39, v5;
	v1 =	vadd.f32 v48, v1  }
0x85: {  	v55 =	vld [tilespmem:s22+$0x3C0];
	v54 =	vmul.f32 v45, v45;
	v6 =	vadd.f32 v41, v6;
	v2 =	vadd.f32 v50, v2  }
0x86: {  	v57 =	vld [tilespmem:s22+$0x3D0];
	v56 =	vmul.f32 v47, v47;
	v7 =	vadd.f32 v43, v7;
	v3 =	vadd.f32 v52, v3  }
0x87: {  	v59 =	vld [tilespmem:s22+$0x3E0];
	v58 =	vmul.f32 v49, v49;
	v9 =	vadd.f32 v45, v9;
	v4 =	vadd.f32 v54, v4  }
0x88: {  	v61 =	vld [tilespmem:s22+$0x3F0];
	v60 =	vmul.f32 v51, v51;
	v5 =	vadd.f32 v47, v5;
	v1 =	vadd.f32 v56, v1  }
0x89: {  	v63 =	vld [tilespmem:s22+$0x400];
	v62 =	vmul.f32 v53, v53;
	v6 =	vadd.f32 v49, v6;
	v2 =	vadd.f32 v58, v2  }
0x8a: {  	v21 =	vld [tilespmem:s22+$0x410];
	v20 =	vmul.f32 v55, v55;
	v7 =	vadd.f32 v51, v7;
	v3 =	vadd.f32 v60, v3  }
0x8b: {  	v23 =	vld [tilespmem:s22+$0x420];
	v22 =	vmul.f32 v57, v57;
	v9 =	vadd.f32 v53, v9;
	v4 =	vadd.f32 v62, v4  }
0x8c: {  	v25 =	vld [tilespmem:s22+$0x430];
	v24 =	vmul.f32 v59, v59;
	v5 =	vadd.f32 v55, v5;
	v1 =	vadd.f32 v20, v1  }
0x8d: {  	v27 =	vld [tilespmem:s22+$0x440];
	v26 =	vmul.f32 v61, v61;
	v6 =	vadd.f32 v57, v6;
	v2 =	vadd.f32 v22, v2  }
0x8e: {  	v29 =	vld [tilespmem:s22+$0x450];
	v28 =	vmul.f32 v63, v63;
	v7 =	vadd.f32 v59, v7;
	v3 =	vadd.f32 v24, v3  }
0x8f: {  	v31 =	vld [tilespmem:s22+$0x460];
	v30 =	vmul.f32 v21, v21;
	v9 =	vadd.f32 v61, v9;
	v4 =	vadd.f32 v26, v4  }
0x90: {  	v33 =	vld [tilespmem:s22+$0x470];
	v32 =	vmul.f32 v23, v23;
	v5 =	vadd.f32 v63, v5;
	v1 =	vadd.f32 v28, v1  }
0x91: {  	v35 =	vld [tilespmem:s22+$0x480];
	v34 =	vmul.f32 v25, v25;
	v6 =	vadd.f32 v21, v6;
	v2 =	vadd.f32 v30, v2  }
0x92: {  	v37 =	vld [tilespmem:s22+$0x490];
	v36 =	vmul.f32 v27, v27;
	v7 =	vadd.f32 v23, v7;
	v3 =	vadd.f32 v32, v3  }
0x93: {  	v39 =	vld [tilespmem:s22+$0x4A0];
	v38 =	vmul.f32 v29, v29;
	v9 =	vadd.f32 v25, v9;
	v4 =	vadd.f32 v34, v4  }
0x94: {  	v41 =	vld [tilespmem:s22+$0x4B0];
	v40 =	vmul.f32 v31, v31;
	v5 =	vadd.f32 v27, v5;
	v1 =	vadd.f32 v36, v1  }
0x95: {  	v43 =	vld [tilespmem:s22+$0x4C0];
	v42 =	vmul.f32 v33, v33;
	v6 =	vadd.f32 v29, v6;
	v2 =	vadd.f32 v38, v2  }
0x96: {  	v45 =	vld [tilespmem:s22+$0x4D0];
	v44 =	vmul.f32 v35, v35;
	v7 =	vadd.f32 v31, v7;
	v3 =	vadd.f32 v40, v3  }
0x97: {  	v47 =	vld [tilespmem:s22+$0x4E0];
	v46 =	vmul.f32 v37, v37;
	v9 =	vadd.f32 v33, v9;
	v4 =	vadd.f32 v42, v4  }
0x98: {  	v49 =	vld [tilespmem:s22+$0x4F0];
	v48 =	vmul.f32 v39, v39;
	v5 =	vadd.f32 v35, v5;
	v1 =	vadd.f32 v44, v1  }
0x99: {  	v51 =	vld [tilespmem:s22+$0x500];
	v50 =	vmul.f32 v41, v41;
	v6 =	vadd.f32 v37, v6;
	v2 =	vadd.f32 v46, v2  }
0x9a: {  	v53 =	vld [tilespmem:s22+$0x510];
	v52 =	vmul.f32 v43, v43;
	v7 =	vadd.f32 v39, v7;
	v3 =	vadd.f32 v48, v3  }
0x9b: {  	v55 =	vld [tilespmem:s22+$0x520];
	v54 =	vmul.f32 v45, v45;
	v9 =	vadd.f32 v41, v9;
	v4 =	vadd.f32 v50, v4  }
0x9c: {  	v57 =	vld [tilespmem:s22+$0x530];
	v56 =	vmul.f32 v47, v47;
	v5 =	vadd.f32 v43, v5;
	v1 =	vadd.f32 v52, v1  }
0x9d: {  	v59 =	vld [tilespmem:s22+$0x540];
	v58 =	vmul.f32 v49, v49;
	v6 =	vadd.f32 v45, v6;
	v2 =	vadd.f32 v54, v2  }
0x9e: {  	v61 =	vld [tilespmem:s22+$0x550];
	v60 =	vmul.f32 v51, v51;
	v7 =	vadd.f32 v47, v7;
	v3 =	vadd.f32 v56, v3  }
0x9f: {  	v63 =	vld [tilespmem:s22+$0x560];
	v62 =	vmul.f32 v53, v53;
	v9 =	vadd.f32 v49, v9;
	v4 =	vadd.f32 v58, v4  }
0xa0: {  	v21 =	vld [tilespmem:s22+$0x570];
	v20 =	vmul.f32 v55, v55;
	v5 =	vadd.f32 v51, v5;
	v1 =	vadd.f32 v60, v1  }
0xa1: {  	v23 =	vld [tilespmem:s22+$0x580];
	v22 =	vmul.f32 v57, v57;
	v6 =	vadd.f32 v53, v6;
	v2 =	vadd.f32 v62, v2  }
0xa2: {  	v25 =	vld [tilespmem:s22+$0x590];
	v24 =	vmul.f32 v59, v59;
	v7 =	vadd.f32 v55, v7;
	v3 =	vadd.f32 v20, v3  }
0xa3: {  	v27 =	vld [tilespmem:s22+$0x5A0];
	v26 =	vmul.f32 v61, v61;
	v9 =	vadd.f32 v57, v9;
	v4 =	vadd.f32 v22, v4  }
0xa4: {  	v29 =	vld [tilespmem:s22+$0x5B0];
	v28 =	vmul.f32 v63, v63;
	v5 =	vadd.f32 v59, v5;
	v1 =	vadd.f32 v24, v1  }
0xa5: {  	v31 =	vld [tilespmem:s22+$0x5C0];
	v30 =	vmul.f32 v21, v21;
	v6 =	vadd.f32 v61, v6;
	v2 =	vadd.f32 v26, v2  }
0xa6: {  	v33 =	vld [tilespmem:s22+$0x5D0];
	v32 =	vmul.f32 v23, v23;
	v7 =	vadd.f32 v63, v7;
	v3 =	vadd.f32 v28, v3  }
0xa7: {  	v35 =	vld [tilespmem:s22+$0x5E0];
	v34 =	vmul.f32 v25, v25;
	v9 =	vadd.f32 v21, v9;
	v4 =	vadd.f32 v30, v4  }
0xa8: {  	v37 =	vld [tilespmem:s22+$0x5F0];
	v36 =	vmul.f32 v27, v27;
	v5 =	vadd.f32 v23, v5;
	v1 =	vadd.f32 v32, v1  }
0xa9: {  	v39 =	vld [tilespmem:s22+$0x600];
	v38 =	vmul.f32 v29, v29;
	v6 =	vadd.f32 v25, v6;
	v2 =	vadd.f32 v34, v2  }
0xaa: {  	v41 =	vld [tilespmem:s22+$0x610];
	v40 =	vmul.f32 v31, v31;
	v7 =	vadd.f32 v27, v7;
	v3 =	vadd.f32 v36, v3  }
0xab: {  	v43 =	vld [tilespmem:s22+$0x620];
	v42 =	vmul.f32 v33, v33;
	v9 =	vadd.f32 v29, v9;
	v4 =	vadd.f32 v38, v4  }
0xac: {  	v45 =	vld [tilespmem:s22+$0x630];
	v44 =	vmul.f32 v35, v35;
	v5 =	vadd.f32 v31, v5;
	v1 =	vadd.f32 v40, v1  }
0xad: {  	v47 =	vld [tilespmem:s22+$0x640];
	v46 =	vmul.f32 v37, v37;
	v6 =	vadd.f32 v33, v6;
	v2 =	vadd.f32 v42, v2  }
0xae: {  	v49 =	vld [tilespmem:s22+$0x650];
	v48 =	vmul.f32 v39, v39;
	v7 =	vadd.f32 v35, v7;
	v3 =	vadd.f32 v44, v3  }
0xaf: {  	v51 =	vld [tilespmem:s22+$0x660];
	v50 =	vmul.f32 v41, v41;
	v9 =	vadd.f32 v37, v9;
	v4 =	vadd.f32 v46, v4  }
0xb0: {  	v53 =	vld [tilespmem:s22+$0x670];
	v52 =	vmul.f32 v43, v43;
	v5 =	vadd.f32 v39, v5;
	v1 =	vadd.f32 v48, v1  }
0xb1: {  	v55 =	vld [tilespmem:s22+$0x680];
	v54 =	vmul.f32 v45, v45;
	v6 =	vadd.f32 v41, v6;
	v2 =	vadd.f32 v50, v2  }
0xb2: {  	v57 =	vld [tilespmem:s22+$0x690];
	v56 =	vmul.f32 v47, v47;
	v7 =	vadd.f32 v43, v7;
	v3 =	vadd.f32 v52, v3  }
0xb3: {  	v59 =	vld [tilespmem:s22+$0x6A0];
	v58 =	vmul.f32 v49, v49;
	v9 =	vadd.f32 v45, v9;
	v4 =	vadd.f32 v54, v4  }
0xb4: {  	v61 =	vld [tilespmem:s22+$0x6B0];
	v60 =	vmul.f32 v51, v51;
	v5 =	vadd.f32 v47, v5;
	v1 =	vadd.f32 v56, v1  }
0xb5: {  	v63 =	vld [tilespmem:s22+$0x6C0];
	v62 =	vmul.f32 v53, v53;
	v6 =	vadd.f32 v49, v6;
	v2 =	vadd.f32 v58, v2  }
0xb6: {  	v20 =	vld [tilespmem:s22+$0x6D0];
	v19 =	vmul.f32 v55, v55;
	v7 =	vadd.f32 v51, v7;
	v3 =	vadd.f32 v60, v3  }
0xb7: {  	v22 =	vld [tilespmem:s22+$0x6E0];
	v21 =	vmul.f32 v57, v57;
	v9 =	vadd.f32 v53, v9;
	v4 =	vadd.f32 v62, v4  }
0xb8: {  	v24 =	vld [tilespmem:s22+$0x6F0];
	v23 =	vmul.f32 v59, v59;
	v5 =	vadd.f32 v55, v5;
	v1 =	vadd.f32 v19, v1  }
0xb9: {  	v26 =	vld [tilespmem:s22+$0x700];
	v25 =	vmul.f32 v61, v61;
	v6 =	vadd.f32 v57, v6;
	v2 =	vadd.f32 v21, v2  }
0xba: {  	v28 =	vld [tilespmem:s22+$0x710];
	v27 =	vmul.f32 v63, v63;
	v7 =	vadd.f32 v59, v7;
	v3 =	vadd.f32 v23, v3  }
0xbb: {  	v30 =	vld [tilespmem:s22+$0x720];
	v29 =	vmul.f32 v20, v20;
	v9 =	vadd.f32 v61, v9;
	v4 =	vadd.f32 v25, v4  }
0xbc: {  	v32 =	vld [tilespmem:s22+$0x730];
	v31 =	vmul.f32 v22, v22;
	v5 =	vadd.f32 v63, v5;
	v1 =	vadd.f32 v27, v1  }
0xbd: {  	v34 =	vld [tilespmem:s22+$0x740];
	v33 =	vmul.f32 v24, v24;
	v6 =	vadd.f32 v20, v6;
	v2 =	vadd.f32 v29, v2  }
0xbe: {  	v36 =	vld [tilespmem:s22+$0x750];
	v35 =	vmul.f32 v26, v26;
	v7 =	vadd.f32 v22, v7;
	v3 =	vadd.f32 v31, v3  }
0xbf: {  	v38 =	vld [tilespmem:s22+$0x760];
	v37 =	vmul.f32 v28, v28;
	v9 =	vadd.f32 v24, v9;
	v4 =	vadd.f32 v33, v4  }
0xc0: {  	v40 =	vld [tilespmem:s22+$0x770];
	v39 =	vmul.f32 v30, v30;
	v5 =	vadd.f32 v26, v5;
	v1 =	vadd.f32 v35, v1  }
0xc1: {  	v42 =	vld [tilespmem:s22+$0x780];
	v41 =	vmul.f32 v32, v32;
	v6 =	vadd.f32 v28, v6;
	v2 =	vadd.f32 v37, v2  }
0xc2: {  	v44 =	vld [tilespmem:s22+$0x790];
	v43 =	vmul.f32 v34, v34;
	v7 =	vadd.f32 v30, v7;
	v3 =	vadd.f32 v39, v3  }
0xc3: {  	v46 =	vld [tilespmem:s22+$0x7A0];
	v45 =	vmul.f32 v36, v36;
	v9 =	vadd.f32 v32, v9;
	v4 =	vadd.f32 v41, v4  }
0xc4: {  	v48 =	vld [tilespmem:s22+$0x7C0];
	v47 =	vmul.f32 v38, v38;
	v5 =	vadd.f32 v34, v5;
	v1 =	vadd.f32 v43, v1  }
0xc5: {  	v51 =	vld [tilespmem:s22+$0x7B0];
	v49 =	vmul.f32 v40, v40;
	v6 =	vadd.f32 v36, v6;
	v2 =	vadd.f32 v45, v2  }
0xc6: {  	v53 =	vld [tilespmem:s22+$0x7D0];
	v50 =	vmul.f32 v42, v42;
	v7 =	vadd.f32 v38, v7;
	v3 =	vadd.f32 v47, v3  }
0xc7: {  	v52 =	vmul.f32 v44, v44;
	v9 =	vadd.f32 v40, v9;
	v4 =	vadd.f32 v49, v4  }
0xc8: {  	v54 =	vmul.f32 v46, v46;
	v55 =	vld [tilespmem:s22+$0x7E0];
	v5 =	vadd.f32 v42, v5;
	v1 =	vadd.f32 v50, v1  }
0xc9: {  	v56 =	vmul.f32 v48, v48;
	v6 =	vadd.f32 v44, v6;
	v2 =	vadd.f32 v52, v2  }
0xca: {  	s23 =	sshll.u32 s20, $0x7;
	v57 =	vld [tilespmem:s22+$0x7F0];
	v59 =	vmul.f32 v51, v51;
	v7 =	vadd.f32 v46, v7;
	v5 =	vadd.f32 v48, v5  }
0xcb: {  	v58 =	vld [tilespmem:s23+$0x8000];
	v61 =	vmul.f32 v53, v53;
	v3 =	vadd.f32 v54, v3;
	v60 =	vadd.f32 v51, v9  }
0xcc: {  	v16 =	vld [tilespmem:s23+$0x8010];
	v1 =	vadd.f32 v56, v1;
	v6 =	vadd.f32 v53, v6;
	v5 =	vmul.f32 v5, v5  }
0xcd: {  	v62 =	vld [tilespmem:s23+$0x8400];
	v63 =	vmul.f32 v55, v55;
	v4 =	vadd.f32 v59, v4;
	v2 =	vadd.f32 v61, v2  }
0xce: {  	v17 =	vld [tilespmem:s23+$0x8410];
	v7 =	vadd.f32 v55, v7;
	v6 =	vmul.f32 v6, v6;
	v1 =	vsub.f32 v5, v1  }
0xcf: {  	v19 =	vld [tilespmem:s23+$0x8020];
	v18 =	vmul.f32 v57, v57;
	v3 =	vadd.f32 v63, v3;
	v8 =	vadd.f32 v57, v60  }
0xd0: {  	v21 =	vld [tilespmem:s23+$0x8030];
	v7 =	vmul.f32 v7, v7;
	v2 =	vsub.f32 v6, v2;
	v1 =	vadd.f32 v58, v1  }
0xd1: {  	v20 =	vld [tilespmem:s23+$0x8420];
	v4 =	vadd.f32 v18, v4;
	v22 =	vmul.f32 v8, v8  }
0xd2: {  	v3 =	vsub.f32 v7, v3;
	v2 =	vadd.f32 v16, v2;
	v1 =	vmul.f32 v1, v62  }
0xd3: {  	v23 =	vld [tilespmem:s23+$0x8430];
	v4 =	vsub.f32 v22, v4  }
0xd4: {  	v3 =	vadd.f32 v19, v3;
	v2 =	vmul.f32 v2, v17;
	v1 =	vadd.f32 $0.0e+00, v1;
	_ =	sdelay $0x1  }
0xd5: {  	v1 =	vadd.f32 v2, v1;
	v2 =	vmul.f32 v3, v20;
	v3 =	vadd.f32 v21, v4;
	_ =	sdelay $0x1  }
0xd6: {  	v1 =	vadd.f32 v2, v1;
	v2 =	vmul.f32 v3, v23;
	_ =	sdelay $0x1  }
0xd7: {  	s22 =	sshllo.u32 s20, $0x1;
	v1 =	vadd.f32 v2, v1  }
0xd8: {  	s15 =	sshll.u32 s22, $0xB;
	s23 =	sshrl.u32 s23, $0x2  }
0xd9: {  	s15 =	sand.u32 $0x3FFFF800, s15;
	[tilespmem:s23+$0x15400] =	vst v1  }
0xda: {  	v1 =	vld [tilespmem:s15+$0x0]  }
0xdb: {  	v2 =	vld [tilespmem:s15+$0x10]  }
0xdc: {  	v3 =	vld [tilespmem:s15+$0x20]  }
0xdd: {  	v24 =	vld [tilespmem:s15+$0x30]  }
0xde: {  	v25 =	vld [tilespmem:s15+$0x40]  }
0xdf: {  	v26 =	vld [tilespmem:s15+$0x50]  }
0xe0: {  	v27 =	vld [tilespmem:s15+$0x60]  }
0xe1: {  	v29 =	vld [tilespmem:s15+$0x70];
	v28 =	vadd.f32 $0.0e+00, v1  }
0xe2: {  	v32 =	vld [tilespmem:s15+$0x80];
	v1 =	vmul.f32 v1, v1;
	v30 =	vadd.f32 $0.0e+00, v2;
	v2 =	vmul.f32 v2, v2  }
0xe3: {  	v35 =	vld [tilespmem:s15+$0x90];
	v31 =	vadd.f32 $0.0e+00, v3;
	v3 =	vmul.f32 v3, v3;
	v34 =	vmul.f32 v25, v25  }
0xe4: {  	v37 =	vld [tilespmem:s15+$0xA0];
	v33 =	vadd.f32 $0.0e+00, v24;
	v4 =	vmul.f32 v24, v24;
	v36 =	vmul.f32 v26, v26  }
0xe5: {  	v39 =	vld [tilespmem:s15+$0xB0];
	v38 =	vmul.f32 v27, v27;
	v5 =	vadd.f32 v25, v28;
	v1 =	vadd.f32 v34, v1  }
0xe6: {  	v41 =	vld [tilespmem:s15+$0xC0];
	v40 =	vmul.f32 v29, v29;
	v6 =	vadd.f32 v26, v30;
	v2 =	vadd.f32 v36, v2  }
0xe7: {  	v43 =	vld [tilespmem:s15+$0xD0];
	v42 =	vmul.f32 v32, v32;
	v7 =	vadd.f32 v27, v31;
	v3 =	vadd.f32 v38, v3  }
0xe8: {  	v45 =	vld [tilespmem:s15+$0xE0];
	v44 =	vmul.f32 v35, v35;
	v9 =	vadd.f32 v29, v33;
	v4 =	vadd.f32 v40, v4  }
0xe9: {  	v47 =	vld [tilespmem:s15+$0xF0];
	v46 =	vmul.f32 v37, v37;
	v5 =	vadd.f32 v32, v5;
	v1 =	vadd.f32 v42, v1  }
0xea: {  	v49 =	vld [tilespmem:s15+$0x100];
	v48 =	vmul.f32 v39, v39;
	v6 =	vadd.f32 v35, v6;
	v2 =	vadd.f32 v44, v2  }
0xeb: {  	v51 =	vld [tilespmem:s15+$0x110];
	v50 =	vmul.f32 v41, v41;
	v7 =	vadd.f32 v37, v7;
	v3 =	vadd.f32 v46, v3  }
0xec: {  	v53 =	vld [tilespmem:s15+$0x120];
	v52 =	vmul.f32 v43, v43;
	v9 =	vadd.f32 v39, v9;
	v4 =	vadd.f32 v48, v4  }
0xed: {  	v55 =	vld [tilespmem:s15+$0x130];
	v54 =	vmul.f32 v45, v45;
	v5 =	vadd.f32 v41, v5;
	v1 =	vadd.f32 v50, v1  }
0xee: {  	v57 =	vld [tilespmem:s15+$0x140];
	v56 =	vmul.f32 v47, v47;
	v6 =	vadd.f32 v43, v6;
	v2 =	vadd.f32 v52, v2  }
0xef: {  	v59 =	vld [tilespmem:s15+$0x150];
	v58 =	vmul.f32 v49, v49;
	v7 =	vadd.f32 v45, v7;
	v3 =	vadd.f32 v54, v3  }
0xf0: {  	v61 =	vld [tilespmem:s15+$0x160];
	v60 =	vmul.f32 v51, v51;
	v9 =	vadd.f32 v47, v9;
	v4 =	vadd.f32 v56, v4  }
0xf1: {  	v63 =	vld [tilespmem:s15+$0x170];
	v62 =	vmul.f32 v53, v53;
	v5 =	vadd.f32 v49, v5;
	v1 =	vadd.f32 v58, v1  }
0xf2: {  	v21 =	vld [tilespmem:s15+$0x180];
	v20 =	vmul.f32 v55, v55;
	v6 =	vadd.f32 v51, v6;
	v2 =	vadd.f32 v60, v2  }
0xf3: {  	v23 =	vld [tilespmem:s15+$0x190];
	v22 =	vmul.f32 v57, v57;
	v7 =	vadd.f32 v53, v7;
	v3 =	vadd.f32 v62, v3  }
0xf4: {  	v24 =	vmul.f32 v59, v59;
	v25 =	vld [tilespmem:s15+$0x1A0];
	v9 =	vadd.f32 v55, v9;
	v4 =	vadd.f32 v20, v4  }
0xf5: {  	v26 =	vmul.f32 v61, v61;
	v27 =	vld [tilespmem:s15+$0x1B0];
	v5 =	vadd.f32 v57, v5;
	v1 =	vadd.f32 v22, v1  }
0xf6: {  	v28 =	vmul.f32 v63, v63;
	v29 =	vld [tilespmem:s15+$0x1C0];
	v6 =	vadd.f32 v59, v6;
	v2 =	vadd.f32 v24, v2  }
0xf7: {  	v30 =	vmul.f32 v21, v21;
	v31 =	vld [tilespmem:s15+$0x1D0];
	v7 =	vadd.f32 v61, v7;
	v3 =	vadd.f32 v26, v3  }
0xf8: {  	v33 =	vld [tilespmem:s15+$0x1E0];
	v32 =	vmul.f32 v23, v23;
	v9 =	vadd.f32 v63, v9;
	v4 =	vadd.f32 v28, v4  }
0xf9: {  	v35 =	vld [tilespmem:s15+$0x1F0];
	v34 =	vmul.f32 v25, v25;
	v5 =	vadd.f32 v21, v5;
	v1 =	vadd.f32 v30, v1  }
0xfa: {  	v37 =	vld [tilespmem:s15+$0x200];
	v36 =	vmul.f32 v27, v27;
	v6 =	vadd.f32 v23, v6;
	v2 =	vadd.f32 v32, v2  }
0xfb: {  	v39 =	vld [tilespmem:s15+$0x210];
	v38 =	vmul.f32 v29, v29;
	v7 =	vadd.f32 v25, v7;
	v3 =	vadd.f32 v34, v3  }
0xfc: {  	v41 =	vld [tilespmem:s15+$0x220];
	v40 =	vmul.f32 v31, v31;
	v9 =	vadd.f32 v27, v9;
	v4 =	vadd.f32 v36, v4  }
0xfd: {  	v43 =	vld [tilespmem:s15+$0x230];
	v42 =	vmul.f32 v33, v33;
	v5 =	vadd.f32 v29, v5;
	v1 =	vadd.f32 v38, v1  }
0xfe: {  	v45 =	vld [tilespmem:s15+$0x240];
	v44 =	vmul.f32 v35, v35;
	v6 =	vadd.f32 v31, v6;
	v2 =	vadd.f32 v40, v2  }
0xff: {  	v47 =	vld [tilespmem:s15+$0x250];
	v46 =	vmul.f32 v37, v37;
	v7 =	vadd.f32 v33, v7;
	v3 =	vadd.f32 v42, v3  }
0x100: {  	v49 =	vld [tilespmem:s15+$0x260];
	v48 =	vmul.f32 v39, v39;
	v9 =	vadd.f32 v35, v9;
	v4 =	vadd.f32 v44, v4  }
0x101: {  	v51 =	vld [tilespmem:s15+$0x270];
	v50 =	vmul.f32 v41, v41;
	v5 =	vadd.f32 v37, v5;
	v1 =	vadd.f32 v46, v1  }
0x102: {  	v53 =	vld [tilespmem:s15+$0x280];
	v52 =	vmul.f32 v43, v43;
	v6 =	vadd.f32 v39, v6;
	v2 =	vadd.f32 v48, v2  }
0x103: {  	v55 =	vld [tilespmem:s15+$0x290];
	v54 =	vmul.f32 v45, v45;
	v7 =	vadd.f32 v41, v7;
	v3 =	vadd.f32 v50, v3  }
0x104: {  	v57 =	vld [tilespmem:s15+$0x2A0];
	v56 =	vmul.f32 v47, v47;
	v9 =	vadd.f32 v43, v9;
	v4 =	vadd.f32 v52, v4  }
0x105: {  	v59 =	vld [tilespmem:s15+$0x2B0];
	v58 =	vmul.f32 v49, v49;
	v5 =	vadd.f32 v45, v5;
	v1 =	vadd.f32 v54, v1  }
0x106: {  	v61 =	vld [tilespmem:s15+$0x2C0];
	v60 =	vmul.f32 v51, v51;
	v6 =	vadd.f32 v47, v6;
	v2 =	vadd.f32 v56, v2  }
0x107: {  	v63 =	vld [tilespmem:s15+$0x2D0];
	v62 =	vmul.f32 v53, v53;
	v7 =	vadd.f32 v49, v7;
	v3 =	vadd.f32 v58, v3  }
0x108: {  	v21 =	vld [tilespmem:s15+$0x2E0];
	v20 =	vmul.f32 v55, v55;
	v9 =	vadd.f32 v51, v9;
	v4 =	vadd.f32 v60, v4  }
0x109: {  	v23 =	vld [tilespmem:s15+$0x2F0];
	v22 =	vmul.f32 v57, v57;
	v5 =	vadd.f32 v53, v5;
	v1 =	vadd.f32 v62, v1  }
0x10a: {  	v25 =	vld [tilespmem:s15+$0x300];
	v24 =	vmul.f32 v59, v59;
	v6 =	vadd.f32 v55, v6;
	v2 =	vadd.f32 v20, v2  }
0x10b: {  	v27 =	vld [tilespmem:s15+$0x310];
	v26 =	vmul.f32 v61, v61;
	v7 =	vadd.f32 v57, v7;
	v3 =	vadd.f32 v22, v3  }
0x10c: {  	v29 =	vld [tilespmem:s15+$0x320];
	v28 =	vmul.f32 v63, v63;
	v9 =	vadd.f32 v59, v9;
	v4 =	vadd.f32 v24, v4  }
0x10d: {  	v31 =	vld [tilespmem:s15+$0x330];
	v30 =	vmul.f32 v21, v21;
	v5 =	vadd.f32 v61, v5;
	v1 =	vadd.f32 v26, v1  }
0x10e: {  	v33 =	vld [tilespmem:s15+$0x340];
	v32 =	vmul.f32 v23, v23;
	v6 =	vadd.f32 v63, v6;
	v2 =	vadd.f32 v28, v2  }
0x10f: {  	v35 =	vld [tilespmem:s15+$0x350];
	v34 =	vmul.f32 v25, v25;
	v7 =	vadd.f32 v21, v7;
	v3 =	vadd.f32 v30, v3  }
0x110: {  	v37 =	vld [tilespmem:s15+$0x360];
	v36 =	vmul.f32 v27, v27;
	v9 =	vadd.f32 v23, v9;
	v4 =	vadd.f32 v32, v4  }
0x111: {  	v39 =	vld [tilespmem:s15+$0x370];
	v38 =	vmul.f32 v29, v29;
	v5 =	vadd.f32 v25, v5;
	v1 =	vadd.f32 v34, v1  }
0x112: {  	v41 =	vld [tilespmem:s15+$0x380];
	v40 =	vmul.f32 v31, v31;
	v6 =	vadd.f32 v27, v6;
	v2 =	vadd.f32 v36, v2  }
0x113: {  	v43 =	vld [tilespmem:s15+$0x390];
	v42 =	vmul.f32 v33, v33;
	v7 =	vadd.f32 v29, v7;
	v3 =	vadd.f32 v38, v3  }
0x114: {  	v45 =	vld [tilespmem:s15+$0x3A0];
	v44 =	vmul.f32 v35, v35;
	v9 =	vadd.f32 v31, v9;
	v4 =	vadd.f32 v40, v4  }
0x115: {  	v47 =	vld [tilespmem:s15+$0x3B0];
	v46 =	vmul.f32 v37, v37;
	v5 =	vadd.f32 v33, v5;
	v1 =	vadd.f32 v42, v1  }
0x116: {  	v49 =	vld [tilespmem:s15+$0x3C0];
	v48 =	vmul.f32 v39, v39;
	v6 =	vadd.f32 v35, v6;
	v2 =	vadd.f32 v44, v2  }
0x117: {  	v51 =	vld [tilespmem:s15+$0x3D0];
	v50 =	vmul.f32 v41, v41;
	v7 =	vadd.f32 v37, v7;
	v3 =	vadd.f32 v46, v3  }
0x118: {  	v53 =	vld [tilespmem:s15+$0x3E0];
	v52 =	vmul.f32 v43, v43;
	v9 =	vadd.f32 v39, v9;
	v4 =	vadd.f32 v48, v4  }
0x119: {  	v55 =	vld [tilespmem:s15+$0x3F0];
	v54 =	vmul.f32 v45, v45;
	v5 =	vadd.f32 v41, v5;
	v1 =	vadd.f32 v50, v1  }
0x11a: {  	v57 =	vld [tilespmem:s15+$0x400];
	v56 =	vmul.f32 v47, v47;
	v6 =	vadd.f32 v43, v6;
	v2 =	vadd.f32 v52, v2  }
0x11b: {  	v59 =	vld [tilespmem:s15+$0x410];
	v58 =	vmul.f32 v49, v49;
	v7 =	vadd.f32 v45, v7;
	v3 =	vadd.f32 v54, v3  }
0x11c: {  	v61 =	vld [tilespmem:s15+$0x420];
	v60 =	vmul.f32 v51, v51;
	v9 =	vadd.f32 v47, v9;
	v4 =	vadd.f32 v56, v4  }
0x11d: {  	v63 =	vld [tilespmem:s15+$0x430];
	v62 =	vmul.f32 v53, v53;
	v5 =	vadd.f32 v49, v5;
	v1 =	vadd.f32 v58, v1  }
0x11e: {  	v21 =	vld [tilespmem:s15+$0x440];
	v20 =	vmul.f32 v55, v55;
	v6 =	vadd.f32 v51, v6;
	v2 =	vadd.f32 v60, v2  }
0x11f: {  	v23 =	vld [tilespmem:s15+$0x450];
	v22 =	vmul.f32 v57, v57;
	v7 =	vadd.f32 v53, v7;
	v3 =	vadd.f32 v62, v3  }
0x120: {  	v25 =	vld [tilespmem:s15+$0x460];
	v24 =	vmul.f32 v59, v59;
	v9 =	vadd.f32 v55, v9;
	v4 =	vadd.f32 v20, v4  }
0x121: {  	v27 =	vld [tilespmem:s15+$0x470];
	v26 =	vmul.f32 v61, v61;
	v5 =	vadd.f32 v57, v5;
	v1 =	vadd.f32 v22, v1  }
0x122: {  	v29 =	vld [tilespmem:s15+$0x480];
	v28 =	vmul.f32 v63, v63;
	v6 =	vadd.f32 v59, v6;
	v2 =	vadd.f32 v24, v2  }
0x123: {  	v31 =	vld [tilespmem:s15+$0x490];
	v30 =	vmul.f32 v21, v21;
	v7 =	vadd.f32 v61, v7;
	v3 =	vadd.f32 v26, v3  }
0x124: {  	v33 =	vld [tilespmem:s15+$0x4A0];
	v32 =	vmul.f32 v23, v23;
	v9 =	vadd.f32 v63, v9;
	v4 =	vadd.f32 v28, v4  }
0x125: {  	v35 =	vld [tilespmem:s15+$0x4B0];
	v34 =	vmul.f32 v25, v25;
	v5 =	vadd.f32 v21, v5;
	v1 =	vadd.f32 v30, v1  }
0x126: {  	v37 =	vld [tilespmem:s15+$0x4C0];
	v36 =	vmul.f32 v27, v27;
	v6 =	vadd.f32 v23, v6;
	v2 =	vadd.f32 v32, v2  }
0x127: {  	v39 =	vld [tilespmem:s15+$0x4D0];
	v38 =	vmul.f32 v29, v29;
	v7 =	vadd.f32 v25, v7;
	v3 =	vadd.f32 v34, v3  }
0x128: {  	v41 =	vld [tilespmem:s15+$0x4E0];
	v40 =	vmul.f32 v31, v31;
	v9 =	vadd.f32 v27, v9;
	v4 =	vadd.f32 v36, v4  }
0x129: {  	v43 =	vld [tilespmem:s15+$0x4F0];
	v42 =	vmul.f32 v33, v33;
	v5 =	vadd.f32 v29, v5;
	v1 =	vadd.f32 v38, v1  }
0x12a: {  	v45 =	vld [tilespmem:s15+$0x500];
	v44 =	vmul.f32 v35, v35;
	v6 =	vadd.f32 v31, v6;
	v2 =	vadd.f32 v40, v2  }
0x12b: {  	v47 =	vld [tilespmem:s15+$0x510];
	v46 =	vmul.f32 v37, v37;
	v7 =	vadd.f32 v33, v7;
	v3 =	vadd.f32 v42, v3  }
0x12c: {  	v49 =	vld [tilespmem:s15+$0x520];
	v48 =	vmul.f32 v39, v39;
	v9 =	vadd.f32 v35, v9;
	v4 =	vadd.f32 v44, v4  }
0x12d: {  	v51 =	vld [tilespmem:s15+$0x530];
	v50 =	vmul.f32 v41, v41;
	v5 =	vadd.f32 v37, v5;
	v1 =	vadd.f32 v46, v1  }
0x12e: {  	v53 =	vld [tilespmem:s15+$0x540];
	v52 =	vmul.f32 v43, v43;
	v6 =	vadd.f32 v39, v6;
	v2 =	vadd.f32 v48, v2  }
0x12f: {  	v55 =	vld [tilespmem:s15+$0x550];
	v54 =	vmul.f32 v45, v45;
	v7 =	vadd.f32 v41, v7;
	v3 =	vadd.f32 v50, v3  }
0x130: {  	v57 =	vld [tilespmem:s15+$0x560];
	v56 =	vmul.f32 v47, v47;
	v9 =	vadd.f32 v43, v9;
	v4 =	vadd.f32 v52, v4  }
0x131: {  	v59 =	vld [tilespmem:s15+$0x570];
	v58 =	vmul.f32 v49, v49;
	v5 =	vadd.f32 v45, v5;
	v1 =	vadd.f32 v54, v1  }
0x132: {  	v61 =	vld [tilespmem:s15+$0x580];
	v60 =	vmul.f32 v51, v51;
	v6 =	vadd.f32 v47, v6;
	v2 =	vadd.f32 v56, v2  }
0x133: {  	v63 =	vld [tilespmem:s15+$0x590];
	v62 =	vmul.f32 v53, v53;
	v7 =	vadd.f32 v49, v7;
	v3 =	vadd.f32 v58, v3  }
0x134: {  	v20 =	vld [tilespmem:s15+$0x5A0];
	v19 =	vmul.f32 v55, v55;
	v9 =	vadd.f32 v51, v9;
	v4 =	vadd.f32 v60, v4  }
0x135: {  	v22 =	vld [tilespmem:s15+$0x5B0];
	v21 =	vmul.f32 v57, v57;
	v5 =	vadd.f32 v53, v5;
	v1 =	vadd.f32 v62, v1  }
0x136: {  	v24 =	vld [tilespmem:s15+$0x5C0];
	v23 =	vmul.f32 v59, v59;
	v6 =	vadd.f32 v55, v6;
	v2 =	vadd.f32 v19, v2  }
0x137: {  	v26 =	vld [tilespmem:s15+$0x5D0];
	v25 =	vmul.f32 v61, v61;
	v7 =	vadd.f32 v57, v7;
	v3 =	vadd.f32 v21, v3  }
0x138: {  	v28 =	vld [tilespmem:s15+$0x5E0];
	v27 =	vmul.f32 v63, v63;
	v9 =	vadd.f32 v59, v9;
	v4 =	vadd.f32 v23, v4  }
0x139: {  	v30 =	vld [tilespmem:s15+$0x5F0];
	v29 =	vmul.f32 v20, v20;
	v5 =	vadd.f32 v61, v5;
	v1 =	vadd.f32 v25, v1  }
0x13a: {  	v32 =	vld [tilespmem:s15+$0x600];
	v31 =	vmul.f32 v22, v22;
	v6 =	vadd.f32 v63, v6;
	v2 =	vadd.f32 v27, v2  }
0x13b: {  	v34 =	vld [tilespmem:s15+$0x610];
	v33 =	vmul.f32 v24, v24;
	v7 =	vadd.f32 v20, v7;
	v3 =	vadd.f32 v29, v3  }
0x13c: {  	v36 =	vld [tilespmem:s15+$0x620];
	v35 =	vmul.f32 v26, v26;
	v9 =	vadd.f32 v22, v9;
	v4 =	vadd.f32 v31, v4  }
0x13d: {  	v38 =	vld [tilespmem:s15+$0x630];
	v37 =	vmul.f32 v28, v28;
	v5 =	vadd.f32 v24, v5;
	v1 =	vadd.f32 v33, v1  }
0x13e: {  	v40 =	vld [tilespmem:s15+$0x640];
	v39 =	vmul.f32 v30, v30;
	v6 =	vadd.f32 v26, v6;
	v2 =	vadd.f32 v35, v2  }
0x13f: {  	v42 =	vld [tilespmem:s15+$0x650];
	v41 =	vmul.f32 v32, v32;
	v7 =	vadd.f32 v28, v7;
	v3 =	vadd.f32 v37, v3  }
0x140: {  	v44 =	vld [tilespmem:s15+$0x660];
	v43 =	vmul.f32 v34, v34;
	v9 =	vadd.f32 v30, v9;
	v4 =	vadd.f32 v39, v4  }
0x141: {  	v46 =	vld [tilespmem:s15+$0x670];
	v45 =	vmul.f32 v36, v36;
	v5 =	vadd.f32 v32, v5;
	v1 =	vadd.f32 v41, v1  }
0x142: {  	v48 =	vld [tilespmem:s15+$0x680];
	v47 =	vmul.f32 v38, v38;
	v6 =	vadd.f32 v34, v6;
	v2 =	vadd.f32 v43, v2  }
0x143: {  	v50 =	vld [tilespmem:s15+$0x690];
	v49 =	vmul.f32 v40, v40;
	v7 =	vadd.f32 v36, v7;
	v3 =	vadd.f32 v45, v3  }
0x144: {  	v52 =	vld [tilespmem:s15+$0x6A0];
	v51 =	vmul.f32 v42, v42;
	v9 =	vadd.f32 v38, v9;
	v4 =	vadd.f32 v47, v4  }
0x145: {  	v54 =	vld [tilespmem:s15+$0x6B0];
	v53 =	vmul.f32 v44, v44;
	v5 =	vadd.f32 v40, v5;
	v1 =	vadd.f32 v49, v1  }
0x146: {  	v56 =	vld [tilespmem:s15+$0x6C0];
	v55 =	vmul.f32 v46, v46;
	v6 =	vadd.f32 v42, v6;
	v2 =	vadd.f32 v51, v2  }
0x147: {  	v58 =	vld [tilespmem:s15+$0x6D0];
	v57 =	vmul.f32 v48, v48;
	v7 =	vadd.f32 v44, v7;
	v3 =	vadd.f32 v53, v3  }
0x148: {  	v60 =	vld [tilespmem:s15+$0x6E0];
	v59 =	vmul.f32 v50, v50;
	v9 =	vadd.f32 v46, v9;
	v4 =	vadd.f32 v55, v4  }
0x149: {  	v62 =	vld [tilespmem:s15+$0x6F0];
	v61 =	vmul.f32 v52, v52;
	v5 =	vadd.f32 v48, v5;
	v1 =	vadd.f32 v57, v1  }
0x14a: {  	v20 =	vld [tilespmem:s15+$0x700];
	v63 =	vmul.f32 v54, v54;
	v6 =	vadd.f32 v50, v6;
	v2 =	vadd.f32 v59, v2  }
0x14b: {  	v22 =	vld [tilespmem:s15+$0x710];
	v21 =	vmul.f32 v56, v56;
	v7 =	vadd.f32 v52, v7;
	v3 =	vadd.f32 v61, v3  }
0x14c: {  	v23 =	vmul.f32 v58, v58;
	v24 =	vld [tilespmem:s15+$0x720];
	v9 =	vadd.f32 v54, v9;
	v4 =	vadd.f32 v63, v4  }
0x14d: {  	v25 =	vmul.f32 v60, v60;
	v26 =	vld [tilespmem:s15+$0x730];
	v5 =	vadd.f32 v56, v5;
	v1 =	vadd.f32 v21, v1  }
0x14e: {  	v28 =	vld [tilespmem:s15+$0x740];
	v27 =	vmul.f32 v62, v62;
	v6 =	vadd.f32 v58, v6;
	v2 =	vadd.f32 v23, v2  }
0x14f: {  	v30 =	vld [tilespmem:s15+$0x750];
	v29 =	vmul.f32 v20, v20;
	v7 =	vadd.f32 v60, v7;
	v3 =	vadd.f32 v25, v3  }
0x150: {  	v32 =	vld [tilespmem:s15+$0x760];
	v31 =	vmul.f32 v22, v22;
	v9 =	vadd.f32 v62, v9;
	v4 =	vadd.f32 v27, v4  }
0x151: {  	v34 =	vld [tilespmem:s15+$0x770];
	v33 =	vmul.f32 v24, v24;
	v5 =	vadd.f32 v20, v5;
	v1 =	vadd.f32 v29, v1  }
0x152: {  	v36 =	vld [tilespmem:s15+$0x780];
	v35 =	vmul.f32 v26, v26;
	v6 =	vadd.f32 v22, v6;
	v2 =	vadd.f32 v31, v2  }
0x153: {  	v38 =	vld [tilespmem:s15+$0x790];
	v37 =	vmul.f32 v28, v28;
	v7 =	vadd.f32 v24, v7;
	v3 =	vadd.f32 v33, v3  }
0x154: {  	v45 =	vld [tilespmem:s15+$0x7B0];
	v39 =	vmul.f32 v30, v30;
	v9 =	vadd.f32 v26, v9;
	v4 =	vadd.f32 v35, v4  }
0x155: {  	v40 =	vld [tilespmem:s15+$0x7A0];
	v41 =	vmul.f32 v32, v32;
	v5 =	vadd.f32 v28, v5;
	v1 =	vadd.f32 v37, v1  }
0x156: {  	v42 =	vld [tilespmem:s15+$0x7C0];
	v43 =	vmul.f32 v34, v34;
	v6 =	vadd.f32 v30, v6;
	v2 =	vadd.f32 v39, v2  }
0x157: {  	v47 =	vld [tilespmem:s15+$0x7D0];
	v44 =	vmul.f32 v36, v36;
	v7 =	vadd.f32 v32, v7;
	v3 =	vadd.f32 v41, v3  }
0x158: {  	v46 =	vmul.f32 v38, v38;
	v9 =	vadd.f32 v34, v9;
	v4 =	vadd.f32 v43, v4  }
0x159: {  	v49 =	vld [tilespmem:s15+$0x7E0];
	v53 =	vmul.f32 v45, v45;
	v5 =	vadd.f32 v36, v5;
	v1 =	vadd.f32 v44, v1  }
0x15a: {  	v48 =	vmul.f32 v40, v40;
	v6 =	vadd.f32 v38, v6;
	v2 =	vadd.f32 v46, v2  }
0x15b: {  	s23 =	sshll.u32 s22, $0x6;
	v51 =	vld [tilespmem:s15+$0x7F0];
	v50 =	vmul.f32 v42, v42;
	v7 =	vadd.f32 v40, v7;
	v5 =	vadd.f32 v42, v5  }
0x15c: {  	v52 =	vld [tilespmem:s23+$0x8000];
	v11 =	vmul.f32 v47, v47;
	v3 =	vadd.f32 v48, v3;
	v9 =	vadd.f32 v45, v9  }
0x15d: {  	v54 =	vld [tilespmem:s23+$0x8400];
	v1 =	vadd.f32 v50, v1;
	v6 =	vadd.f32 v47, v6;
	v5 =	vmul.f32 v5, v5  }
0x15e: {  	v56 =	vld [tilespmem:s23+$0x8010];
	v55 =	vmul.f32 v49, v49;
	v4 =	vadd.f32 v53, v4;
	v2 =	vadd.f32 v11, v2  }
0x15f: {  	v57 =	vld [tilespmem:s23+$0x8410];
	v7 =	vadd.f32 v49, v7;
	v6 =	vmul.f32 v6, v6;
	v1 =	vsub.f32 v5, v1  }
0x160: {  	v59 =	vld [tilespmem:s23+$0x8020];
	v58 =	vmul.f32 v51, v51;
	v3 =	vadd.f32 v55, v3;
	v9 =	vadd.f32 v51, v9  }
0x161: {  	v61 =	vld [tilespmem:s23+$0x8030];
	v7 =	vmul.f32 v7, v7;
	v2 =	vsub.f32 v6, v2;
	v1 =	vadd.f32 v52, v1  }
0x162: {  	v60 =	vld [tilespmem:s23+$0x8420];
	v4 =	vadd.f32 v58, v4;
	v62 =	vmul.f32 v9, v9  }
0x163: {  	v3 =	vsub.f32 v7, v3;
	v2 =	vadd.f32 v56, v2;
	v1 =	vmul.f32 v1, v54  }
0x164: {  	v63 =	vld [tilespmem:s23+$0x8430];
	v4 =	vsub.f32 v62, v4  }
0x165: {  	v3 =	vadd.f32 v59, v3;
	v2 =	vmul.f32 v2, v57;
	v1 =	vadd.f32 $0.0e+00, v1;
	_ =	sdelay $0x1  }
0x166: {  	v1 =	vadd.f32 v2, v1;
	v2 =	vmul.f32 v3, v60;
	v3 =	vadd.f32 v61, v4  }
0x167: {  	p0 =	sne.s32 s20, $0x7  }
.Ltmp0:
0x168: {  	v1 =	vadd.f32 v2, v1;
	v2 =	vmul.f32 v3, v63;
	(pc) =	sbr.rel @p0 .LBB2_3-.Ltmp0, $4  }
0x169: {  	_ = 	snop  }
0x16a: {  	v1 =	vadd.f32 v2, v1  }
0x16b: {  	s15 =	sshrl.u32 s23, $0x2  }
0x16c: {  	s20 =	sadd.s32 $0x1, s20;
	[tilespmem:s15+$0x15400] =	vst v1  }
0x16d: {  	_ = 	snop  }
0x16e: {  	v1 =	vor.u32 $0x1, v0;
	_ =	sdelay $0x1  }
0x16f: {  	v2 =	vor.u32 $0x2, v0  }
0x170: {  	v5 =	vld.idx.msk [tilespmem:v0+s0+$0x0], $0xffff  }
0x171: {  	v3 =	vor.u32 $0x3, v0  }
0x172: {  	v6 =	vld.idx.msk [tilespmem:v1+s0+$0x0], $0xffff  }
0x173: {  	v4 =	vor.u32 $0x4, v0  }
0x174: {  	v7 =	vld.idx.msk [tilespmem:v2+s0+$0x0], $0xffff  }
0x175: {  	v8 =	vadd.f32 $0.0e+00, v5;
	v5 =	vor.u32 $0x5, v0  }
0x176: {  	v9 =	vld.idx.msk [tilespmem:v3+s0+$0x0], $0xffff  }
0x177: {  	v8 =	vadd.f32 v6, v8;
	v6 =	vor.u32 $0x6, v0  }
0x178: {  	v10 =	vld.idx.msk [tilespmem:v4+s0+$0x0], $0xffff  }
0x179: {  	v8 =	vadd.f32 v7, v8;
	v7 =	vor.u32 $0x7, v0  }
0x17a: {  	v11 =	vld.idx.msk [tilespmem:v5+s0+$0x0], $0xffff  }
0x17b: {  	v9 =	vadd.f32 v9, v8;
	v8 =	vor.u32 $0x8, v0  }
0x17c: {  	v12 =	vld.idx.msk [tilespmem:v6+s0+$0x0], $0xffff  }
0x17d: {  	v10 =	vadd.f32 v10, v9;
	v9 =	vor.u32 $0x9, v0  }
0x17e: {  	v13 =	vld.idx.msk [tilespmem:v7+s0+$0x0], $0xffff  }
0x17f: {  	v11 =	vadd.f32 v11, v10;
	v10 =	vor.u32 $0xA, v0  }
0x180: {  	v14 =	vld.idx.msk [tilespmem:v8+s0+$0x0], $0xffff  }
0x181: {  	v12 =	vadd.f32 v12, v11;
	v11 =	vor.u32 $0xB, v0  }
0x182: {  	v15 =	vld.idx.msk [tilespmem:v9+s0+$0x0], $0xffff  }
0x183: {  	v13 =	vadd.f32 v13, v12;
	v12 =	vor.u32 $0xC, v0  }
0x184: {  	v16 =	vld.idx.msk [tilespmem:v10+s0+$0x0], $0xffff  }
0x185: {  	v14 =	vadd.f32 v14, v13;
	v13 =	vor.u32 $0xD, v0  }
0x186: {  	v17 =	vld.idx.msk [tilespmem:v11+s0+$0x0], $0xffff  }
0x187: {  	v15 =	vadd.f32 v15, v14;
	v14 =	vor.u32 $0xE, v0  }
0x188: {  	v18 =	vld.idx.msk [tilespmem:v12+s0+$0x0], $0xffff  }
0x189: {  	v16 =	vadd.f32 v16, v15;
	v15 =	vor.u32 $0xF, v0  }
0x18a: {  	v19 =	vld.idx.msk [tilespmem:v13+s0+$0x0], $0xffff  }
0x18b: {  	v16 =	vadd.f32 v17, v16  }
0x18c: {  	v17 =	vld.idx.msk [tilespmem:v14+s0+$0x0], $0xffff  }
0x18d: {  	v16 =	vadd.f32 v18, v16  }
0x18e: {  	v63 =	vld.idx.msk [tilespmem:v15+s0+$0x0], $0xffff  }
0x18f: {  	v16 =	vadd.f32 v19, v16;
	_ =	sdelay $0x1  }
0x190: {  	v16 =	vadd.f32 v17, v16;
	_ =	sdelay $0x1  }
0x191: {  	v16 =	vadd.f32 v63, v16;
	_ =	sdelay $0x1  }
0x192: {  	v16 =	vsub.f32 $0.0e+00, v16;
	_ =	sdelay $0x1  }
0x193: {  	v16 =	vmul.f32 $1.442695020e+00, v16;
	_ =	sdelay $0x1  }
0x194: {  	(erf) = vpow2.f32 v16;
	_ =	sdelay $0x8  }
0x195: {  	v16 =	vpop (erf)  }
0x196: {  	v16 =	vadd.f32 $1.000000000e+00, v16;
	_ =	sdelay $0x1  }
0x197: {  	(erf) = vrcp.f32 v16;
	_ =	sdelay $0x5  }
0x198: {  	p0 =	seq.s32 s17, $0xF  }
0x199: {  	s15 =	sadd.s32 @!p0 $0x2, s19  }
0x19a: {  	s23 =	sshll.u32 s17, $0x5;
	s20 =	sshll.u32 @!p0 s15, $0x9  }
0x19b: {  	s19 =	sand.u32 $0x3FFFFFE0, s23;
	s20 =	sand.u32 @!p0 $0x3FFFFE00, s20;
	v16 =	vpop (erf)  }
0x19c: {  	s22 =	simm.s32 @!p0 $0x80;
	s23 =	simm.s32 @!p0 $0x0;
	[tilespmem:s19+$0x15500] =	vst v16;
	s19 =	sadd.s32 @!p0 $0x11000, s20  }
0x19d: {  	[tilespmem:s23], [sflag:$0x1] =	stream.indirect.gather @!p0 [hbm4b:s3+s22], $0x40, s19, s22, $0xb8;
	[tilespmem:$0x15700] =	vst v63  }
0x19e: {  	s19 =	sadd.s32 @!p0 $0x11080, s20;
	s23 =	simm.s32 @!p0 $0x2000  }
0x19f: {  	[tilespmem:s23], [sflag:$0x1] =	stream.indirect.gather @!p0 [hbm4b:s3+s22], $0x40, s19, s22, $0xb8;
	[tilespmem:$0x15700] =	vst v63  }
0x1a0: {  	s19 =	sadd.s32 @!p0 $0x11100, s20;
	s23 =	simm.s32 @!p0 $0x4000  }
0x1a1: {  	[tilespmem:s23], [sflag:$0x1] =	stream.indirect.gather @!p0 [hbm4b:s3+s22], $0x40, s19, s22, $0xb8;
	[tilespmem:$0x15700] =	vst v63  }
0x1a2: {  	s15 =	sshll.u32 @!p0 s15, $0x4;
	s19 =	sadd.s32 @!p0 $0x11180, s20;
	s20 =	simm.s32 @!p0 $0x6000  }
0x1a3: {  	[tilespmem:s20], [sflag:$0x1] =	stream.indirect.gather @!p0 [hbm4b:s3+s22], $0x40, s19, s22, $0xb8;
	[tilespmem:$0x15700] =	vst v63  }
0x1a4: {  	s19 =	sadd.s32 @!p0 $0x15000, s15;
	s20 =	simm.s32 @!p0 $0x10;
	s22 =	simm.s32 @!p0 $0x8000  }
0x1a5: {  	[tilespmem:s22], [sflag:$0x1] =	stream.indirect.gather @!p0 [hbm4b:s3+s20], $0x40, s19, s20, $0xb8;
	[tilespmem:$0x15700] =	vst v63  }
0x1a6: {  	s15 =	sadd.s32 @!p0 $0x15200, s15;
	s19 =	simm.s32 @!p0 $0x8400  }
0x1a7: {  	[tilespmem:s19], [sflag:$0x1] =	stream.indirect.gather @!p0 [hbm4b:s4+s20], $0x40, s15, s20, $0xb8;
	[tilespmem:$0x15700] =	vst v63  }
0x1a8: {  	_ =	swait.ge [sflag:s1], $0x2000  }
0x1a9: {  	[sflag:s1] =	ssyncset.done $0x0  }
0x1aa: {  	[sflag:s1] =	ssyncadd.s32 $0xFFFFE000  }
0x1ab: {  	_ =	swait.ge [sflag:s1], $0x2000  }
0x1ac: {  	[sflag:s1] =	ssyncset.done $0x0  }
0x1ad: {  	[sflag:s1] =	ssyncadd.s32 $0xFFFFE000  }
0x1ae: {  	_ =	swait.ge [sflag:s1], $0x2000  }
0x1af: {  	[sflag:s1] =	ssyncset.done $0x0  }
0x1b0: {  	[sflag:s1] =	ssyncadd.s32 $0xFFFFE000  }
0x1b1: {  	_ =	swait.ge [sflag:s1], $0x2000  }
0x1b2: {  	[sflag:s1] =	ssyncset.done $0x0  }
0x1b3: {  	[sflag:s1] =	ssyncadd.s32 $0xFFFFE000  }
0x1b4: {  	_ =	swait.ge [sflag:s1], $0x400  }
0x1b5: {  	[sflag:s1] =	ssyncset.done $0x0  }
0x1b6: {  	[sflag:s1] =	ssyncadd.s32 $0xFFFFFC00  }
0x1b7: {  	_ =	swait.ge [sflag:s1], $0x400  }
0x1b8: {  	[sflag:s1] =	ssyncset.done $0x0  }
0x1b9: {  	s19 =	simm.s32 $0x0;
	[sflag:s1] =	ssyncadd.s32 $0xFFFFFC00  }
.LBB2_5:
0x1ba: {  	s15 =	sshll.u32 s19, $0xC  }
0x1bb: {  	s20 =	sand.u32 $0x3FFFF000, s15  }
0x1bc: {  	v16 =	vld [tilespmem:s20+$0x8800]  }
0x1bd: {  	v17 =	vld [tilespmem:s20+$0x8810]  }
0x1be: {  	v18 =	vld [tilespmem:s20+$0x8820]  }
0x1bf: {  	v19 =	vld [tilespmem:s20+$0x8830]  }
0x1c0: {  	v20 =	vld [tilespmem:s20+$0x8840]  }
0x1c1: {  	v21 =	vld [tilespmem:s20+$0x8850]  }
0x1c2: {  	v22 =	vld [tilespmem:s20+$0x8860]  }
0x1c3: {  	v24 =	vld [tilespmem:s20+$0x8870];
	v23 =	vadd.f32 $0.0e+00, v16  }
0x1c4: {  	v27 =	vld [tilespmem:s20+$0x8880];
	v16 =	vmul.f32 v16, v16;
	v25 =	vadd.f32 $0.0e+00, v17;
	v17 =	vmul.f32 v17, v17  }
0x1c5: {  	v30 =	vld [tilespmem:s20+$0x8890];
	v26 =	vadd.f32 $0.0e+00, v18;
	v18 =	vmul.f32 v18, v18;
	v29 =	vmul.f32 v20, v20  }
0x1c6: {  	v31 =	vld [tilespmem:s20+$0x88A0];
	v28 =	vadd.f32 $0.0e+00, v19;
	v19 =	vmul.f32 v19, v19;
	v51 =	vmul.f32 v21, v21  }
0x1c7: {  	v53 =	vld [tilespmem:s20+$0x88B0];
	v52 =	vmul.f32 v22, v22;
	v20 =	vadd.f32 v20, v23;
	v16 =	vadd.f32 v29, v16  }
0x1c8: {  	v55 =	vld [tilespmem:s20+$0x88C0];
	v54 =	vmul.f32 v24, v24;
	v21 =	vadd.f32 v21, v25;
	v17 =	vadd.f32 v51, v17  }
0x1c9: {  	v57 =	vld [tilespmem:s20+$0x88D0];
	v56 =	vmul.f32 v27, v27;
	v22 =	vadd.f32 v22, v26;
	v18 =	vadd.f32 v52, v18  }
0x1ca: {  	v59 =	vld [tilespmem:s20+$0x88E0];
	v58 =	vmul.f32 v30, v30;
	v24 =	vadd.f32 v24, v28;
	v19 =	vadd.f32 v54, v19  }
0x1cb: {  	v61 =	vld [tilespmem:s20+$0x88F0];
	v60 =	vmul.f32 v31, v31;
	v20 =	vadd.f32 v27, v20;
	v16 =	vadd.f32 v56, v16  }
0x1cc: {  	v63 =	vld [tilespmem:s20+$0x8900];
	v62 =	vmul.f32 v53, v53;
	v21 =	vadd.f32 v30, v21;
	v17 =	vadd.f32 v58, v17  }
0x1cd: {  	v34 =	vld [tilespmem:s20+$0x8910];
	v33 =	vmul.f32 v55, v55;
	v22 =	vadd.f32 v31, v22;
	v18 =	vadd.f32 v60, v18  }
0x1ce: {  	v36 =	vld [tilespmem:s20+$0x8920];
	v35 =	vmul.f32 v57, v57;
	v24 =	vadd.f32 v53, v24;
	v19 =	vadd.f32 v62, v19  }
0x1cf: {  	v38 =	vld [tilespmem:s20+$0x8930];
	v37 =	vmul.f32 v59, v59;
	v20 =	vadd.f32 v55, v20;
	v16 =	vadd.f32 v33, v16  }
0x1d0: {  	v40 =	vld [tilespmem:s20+$0x8940];
	v39 =	vmul.f32 v61, v61;
	v21 =	vadd.f32 v57, v21;
	v17 =	vadd.f32 v35, v17  }
0x1d1: {  	v42 =	vld [tilespmem:s20+$0x8950];
	v41 =	vmul.f32 v63, v63;
	v22 =	vadd.f32 v59, v22;
	v18 =	vadd.f32 v37, v18  }
0x1d2: {  	v44 =	vld [tilespmem:s20+$0x8960];
	v43 =	vmul.f32 v34, v34;
	v24 =	vadd.f32 v61, v24;
	v19 =	vadd.f32 v39, v19  }
0x1d3: {  	v46 =	vld [tilespmem:s20+$0x8970];
	v45 =	vmul.f32 v36, v36;
	v20 =	vadd.f32 v63, v20;
	v16 =	vadd.f32 v41, v16  }
0x1d4: {  	v48 =	vld [tilespmem:s20+$0x8980];
	v47 =	vmul.f32 v38, v38;
	v21 =	vadd.f32 v34, v21;
	v17 =	vadd.f32 v43, v17  }
0x1d5: {  	v50 =	vld [tilespmem:s20+$0x8990];
	v49 =	vmul.f32 v40, v40;
	v22 =	vadd.f32 v36, v22;
	v18 =	vadd.f32 v45, v18  }
0x1d6: {  	v51 =	vmul.f32 v42, v42;
	v52 =	vld [tilespmem:s20+$0x89A0];
	v24 =	vadd.f32 v38, v24;
	v19 =	vadd.f32 v47, v19  }
0x1d7: {  	v54 =	vld [tilespmem:s20+$0x89B0];
	v53 =	vmul.f32 v44, v44;
	v20 =	vadd.f32 v40, v20;
	v16 =	vadd.f32 v49, v16  }
0x1d8: {  	v56 =	vld [tilespmem:s20+$0x89C0];
	v55 =	vmul.f32 v46, v46;
	v21 =	vadd.f32 v42, v21;
	v17 =	vadd.f32 v51, v17  }
0x1d9: {  	v58 =	vld [tilespmem:s20+$0x89D0];
	v57 =	vmul.f32 v48, v48;
	v22 =	vadd.f32 v44, v22;
	v18 =	vadd.f32 v53, v18  }
0x1da: {  	v60 =	vld [tilespmem:s20+$0x89E0];
	v59 =	vmul.f32 v50, v50;
	v24 =	vadd.f32 v46, v24;
	v19 =	vadd.f32 v55, v19  }
0x1db: {  	v62 =	vld [tilespmem:s20+$0x89F0];
	v61 =	vmul.f32 v52, v52;
	v20 =	vadd.f32 v48, v20;
	v16 =	vadd.f32 v57, v16  }
0x1dc: {  	v33 =	vld [tilespmem:s20+$0x8A00];
	v63 =	vmul.f32 v54, v54;
	v21 =	vadd.f32 v50, v21;
	v17 =	vadd.f32 v59, v17  }
0x1dd: {  	v35 =	vld [tilespmem:s20+$0x8A10];
	v34 =	vmul.f32 v56, v56;
	v22 =	vadd.f32 v52, v22;
	v18 =	vadd.f32 v61, v18  }
0x1de: {  	v37 =	vld [tilespmem:s20+$0x8A20];
	v36 =	vmul.f32 v58, v58;
	v24 =	vadd.f32 v54, v24;
	v19 =	vadd.f32 v63, v19  }
0x1df: {  	v39 =	vld [tilespmem:s20+$0x8A30];
	v38 =	vmul.f32 v60, v60;
	v20 =	vadd.f32 v56, v20;
	v16 =	vadd.f32 v34, v16  }
0x1e0: {  	v41 =	vld [tilespmem:s20+$0x8A40];
	v40 =	vmul.f32 v62, v62;
	v21 =	vadd.f32 v58, v21;
	v17 =	vadd.f32 v36, v17  }
0x1e1: {  	v43 =	vld [tilespmem:s20+$0x8A50];
	v42 =	vmul.f32 v33, v33;
	v22 =	vadd.f32 v60, v22;
	v18 =	vadd.f32 v38, v18  }
0x1e2: {  	v45 =	vld [tilespmem:s20+$0x8A60];
	v44 =	vmul.f32 v35, v35;
	v24 =	vadd.f32 v62, v24;
	v19 =	vadd.f32 v40, v19  }
0x1e3: {  	v47 =	vld [tilespmem:s20+$0x8A70];
	v46 =	vmul.f32 v37, v37;
	v20 =	vadd.f32 v33, v20;
	v16 =	vadd.f32 v42, v16  }
0x1e4: {  	v49 =	vld [tilespmem:s20+$0x8A80];
	v48 =	vmul.f32 v39, v39;
	v21 =	vadd.f32 v35, v21;
	v17 =	vadd.f32 v44, v17  }
0x1e5: {  	v51 =	vld [tilespmem:s20+$0x8A90];
	v50 =	vmul.f32 v41, v41;
	v22 =	vadd.f32 v37, v22;
	v18 =	vadd.f32 v46, v18  }
0x1e6: {  	v53 =	vld [tilespmem:s20+$0x8AA0];
	v52 =	vmul.f32 v43, v43;
	v24 =	vadd.f32 v39, v24;
	v19 =	vadd.f32 v48, v19  }
0x1e7: {  	v55 =	vld [tilespmem:s20+$0x8AB0];
	v54 =	vmul.f32 v45, v45;
	v20 =	vadd.f32 v41, v20;
	v16 =	vadd.f32 v50, v16  }
0x1e8: {  	v57 =	vld [tilespmem:s20+$0x8AC0];
	v56 =	vmul.f32 v47, v47;
	v21 =	vadd.f32 v43, v21;
	v17 =	vadd.f32 v52, v17  }
0x1e9: {  	v59 =	vld [tilespmem:s20+$0x8AD0];
	v58 =	vmul.f32 v49, v49;
	v22 =	vadd.f32 v45, v22;
	v18 =	vadd.f32 v54, v18  }
0x1ea: {  	v61 =	vld [tilespmem:s20+$0x8AE0];
	v60 =	vmul.f32 v51, v51;
	v24 =	vadd.f32 v47, v24;
	v19 =	vadd.f32 v56, v19  }
0x1eb: {  	v63 =	vld [tilespmem:s20+$0x8AF0];
	v62 =	vmul.f32 v53, v53;
	v20 =	vadd.f32 v49, v20;
	v16 =	vadd.f32 v58, v16  }
0x1ec: {  	v34 =	vld [tilespmem:s20+$0x8B00];
	v33 =	vmul.f32 v55, v55;
	v21 =	vadd.f32 v51, v21;
	v17 =	vadd.f32 v60, v17  }
0x1ed: {  	v36 =	vld [tilespmem:s20+$0x8B10];
	v35 =	vmul.f32 v57, v57;
	v22 =	vadd.f32 v53, v22;
	v18 =	vadd.f32 v62, v18  }
0x1ee: {  	v38 =	vld [tilespmem:s20+$0x8B20];
	v37 =	vmul.f32 v59, v59;
	v24 =	vadd.f32 v55, v24;
	v19 =	vadd.f32 v33, v19  }
0x1ef: {  	v40 =	vld [tilespmem:s20+$0x8B30];
	v39 =	vmul.f32 v61, v61;
	v20 =	vadd.f32 v57, v20;
	v16 =	vadd.f32 v35, v16  }
0x1f0: {  	v42 =	vld [tilespmem:s20+$0x8B40];
	v41 =	vmul.f32 v63, v63;
	v21 =	vadd.f32 v59, v21;
	v17 =	vadd.f32 v37, v17  }
0x1f1: {  	v44 =	vld [tilespmem:s20+$0x8B50];
	v43 =	vmul.f32 v34, v34;
	v22 =	vadd.f32 v61, v22;
	v18 =	vadd.f32 v39, v18  }
0x1f2: {  	v46 =	vld [tilespmem:s20+$0x8B60];
	v45 =	vmul.f32 v36, v36;
	v24 =	vadd.f32 v63, v24;
	v19 =	vadd.f32 v41, v19  }
0x1f3: {  	v48 =	vld [tilespmem:s20+$0x8B70];
	v47 =	vmul.f32 v38, v38;
	v20 =	vadd.f32 v34, v20;
	v16 =	vadd.f32 v43, v16  }
0x1f4: {  	v50 =	vld [tilespmem:s20+$0x8B80];
	v49 =	vmul.f32 v40, v40;
	v21 =	vadd.f32 v36, v21;
	v17 =	vadd.f32 v45, v17  }
0x1f5: {  	v52 =	vld [tilespmem:s20+$0x8B90];
	v51 =	vmul.f32 v42, v42;
	v22 =	vadd.f32 v38, v22;
	v18 =	vadd.f32 v47, v18  }
0x1f6: {  	v54 =	vld [tilespmem:s20+$0x8BA0];
	v53 =	vmul.f32 v44, v44;
	v24 =	vadd.f32 v40, v24;
	v19 =	vadd.f32 v49, v19  }
0x1f7: {  	v56 =	vld [tilespmem:s20+$0x8BB0];
	v55 =	vmul.f32 v46, v46;
	v20 =	vadd.f32 v42, v20;
	v16 =	vadd.f32 v51, v16  }
0x1f8: {  	v58 =	vld [tilespmem:s20+$0x8BC0];
	v57 =	vmul.f32 v48, v48;
	v21 =	vadd.f32 v44, v21;
	v17 =	vadd.f32 v53, v17  }
0x1f9: {  	v60 =	vld [tilespmem:s20+$0x8BD0];
	v59 =	vmul.f32 v50, v50;
	v22 =	vadd.f32 v46, v22;
	v18 =	vadd.f32 v55, v18  }
0x1fa: {  	v62 =	vld [tilespmem:s20+$0x8BE0];
	v61 =	vmul.f32 v52, v52;
	v24 =	vadd.f32 v48, v24;
	v19 =	vadd.f32 v57, v19  }
0x1fb: {  	v33 =	vld [tilespmem:s20+$0x8BF0];
	v63 =	vmul.f32 v54, v54;
	v20 =	vadd.f32 v50, v20;
	v16 =	vadd.f32 v59, v16  }
0x1fc: {  	v35 =	vld [tilespmem:s20+$0x8C00];
	v34 =	vmul.f32 v56, v56;
	v21 =	vadd.f32 v52, v21;
	v17 =	vadd.f32 v61, v17  }
0x1fd: {  	v37 =	vld [tilespmem:s20+$0x8C10];
	v36 =	vmul.f32 v58, v58;
	v22 =	vadd.f32 v54, v22;
	v18 =	vadd.f32 v63, v18  }
0x1fe: {  	v39 =	vld [tilespmem:s20+$0x8C20];
	v38 =	vmul.f32 v60, v60;
	v24 =	vadd.f32 v56, v24;
	v19 =	vadd.f32 v34, v19  }
0x1ff: {  	v41 =	vld [tilespmem:s20+$0x8C30];
	v40 =	vmul.f32 v62, v62;
	v20 =	vadd.f32 v58, v20;
	v16 =	vadd.f32 v36, v16  }
0x200: {  	v43 =	vld [tilespmem:s20+$0x8C40];
	v42 =	vmul.f32 v33, v33;
	v21 =	vadd.f32 v60, v21;
	v17 =	vadd.f32 v38, v17  }
0x201: {  	v45 =	vld [tilespmem:s20+$0x8C50];
	v44 =	vmul.f32 v35, v35;
	v22 =	vadd.f32 v62, v22;
	v18 =	vadd.f32 v40, v18  }
0x202: {  	v47 =	vld [tilespmem:s20+$0x8C60];
	v46 =	vmul.f32 v37, v37;
	v24 =	vadd.f32 v33, v24;
	v19 =	vadd.f32 v42, v19  }
0x203: {  	v49 =	vld [tilespmem:s20+$0x8C70];
	v48 =	vmul.f32 v39, v39;
	v20 =	vadd.f32 v35, v20;
	v16 =	vadd.f32 v44, v16  }
0x204: {  	v51 =	vld [tilespmem:s20+$0x8C80];
	v50 =	vmul.f32 v41, v41;
	v21 =	vadd.f32 v37, v21;
	v17 =	vadd.f32 v46, v17  }
0x205: {  	v53 =	vld [tilespmem:s20+$0x8C90];
	v52 =	vmul.f32 v43, v43;
	v22 =	vadd.f32 v39, v22;
	v18 =	vadd.f32 v48, v18  }
0x206: {  	v55 =	vld [tilespmem:s20+$0x8CA0];
	v54 =	vmul.f32 v45, v45;
	v24 =	vadd.f32 v41, v24;
	v19 =	vadd.f32 v50, v19  }
0x207: {  	v57 =	vld [tilespmem:s20+$0x8CB0];
	v56 =	vmul.f32 v47, v47;
	v20 =	vadd.f32 v43, v20;
	v16 =	vadd.f32 v52, v16  }
0x208: {  	v59 =	vld [tilespmem:s20+$0x8CC0];
	v58 =	vmul.f32 v49, v49;
	v21 =	vadd.f32 v45, v21;
	v17 =	vadd.f32 v54, v17  }
0x209: {  	v61 =	vld [tilespmem:s20+$0x8CD0];
	v60 =	vmul.f32 v51, v51;
	v22 =	vadd.f32 v47, v22;
	v18 =	vadd.f32 v56, v18  }
0x20a: {  	v63 =	vld [tilespmem:s20+$0x8CE0];
	v62 =	vmul.f32 v53, v53;
	v24 =	vadd.f32 v49, v24;
	v19 =	vadd.f32 v58, v19  }
0x20b: {  	v33 =	vld [tilespmem:s20+$0x8CF0];
	v32 =	vmul.f32 v55, v55;
	v20 =	vadd.f32 v51, v20;
	v16 =	vadd.f32 v60, v16  }
0x20c: {  	v34 =	vmul.f32 v57, v57;
	v35 =	vld [tilespmem:s20+$0x8D00];
	v21 =	vadd.f32 v53, v21;
	v17 =	vadd.f32 v62, v17  }
0x20d: {  	v37 =	vld [tilespmem:s20+$0x8D10];
	v36 =	vmul.f32 v59, v59;
	v22 =	vadd.f32 v55, v22;
	v18 =	vadd.f32 v32, v18  }
0x20e: {  	v39 =	vld [tilespmem:s20+$0x8D20];
	v38 =	vmul.f32 v61, v61;
	v24 =	vadd.f32 v57, v24;
	v19 =	vadd.f32 v34, v19  }
0x20f: {  	v41 =	vld [tilespmem:s20+$0x8D30];
	v40 =	vmul.f32 v63, v63;
	v20 =	vadd.f32 v59, v20;
	v16 =	vadd.f32 v36, v16  }
0x210: {  	v43 =	vld [tilespmem:s20+$0x8D40];
	v42 =	vmul.f32 v33, v33;
	v21 =	vadd.f32 v61, v21;
	v17 =	vadd.f32 v38, v17  }
0x211: {  	v45 =	vld [tilespmem:s20+$0x8D50];
	v44 =	vmul.f32 v35, v35;
	v22 =	vadd.f32 v63, v22;
	v18 =	vadd.f32 v40, v18  }
0x212: {  	v47 =	vld [tilespmem:s20+$0x8D60];
	v46 =	vmul.f32 v37, v37;
	v24 =	vadd.f32 v33, v24;
	v19 =	vadd.f32 v42, v19  }
0x213: {  	v49 =	vld [tilespmem:s20+$0x8D70];
	v48 =	vmul.f32 v39, v39;
	v20 =	vadd.f32 v35, v20;
	v16 =	vadd.f32 v44, v16  }
0x214: {  	v51 =	vld [tilespmem:s20+$0x8D80];
	v50 =	vmul.f32 v41, v41;
	v21 =	vadd.f32 v37, v21;
	v17 =	vadd.f32 v46, v17  }
0x215: {  	v53 =	vld [tilespmem:s20+$0x8D90];
	v52 =	vmul.f32 v43, v43;
	v22 =	vadd.f32 v39, v22;
	v18 =	vadd.f32 v48, v18  }
0x216: {  	v55 =	vld [tilespmem:s20+$0x8DA0];
	v54 =	vmul.f32 v45, v45;
	v24 =	vadd.f32 v41, v24;
	v19 =	vadd.f32 v50, v19  }
0x217: {  	v57 =	vld [tilespmem:s20+$0x8DB0];
	v56 =	vmul.f32 v47, v47;
	v20 =	vadd.f32 v43, v20;
	v16 =	vadd.f32 v52, v16  }
0x218: {  	v59 =	vld [tilespmem:s20+$0x8DC0];
	v58 =	vmul.f32 v49, v49;
	v21 =	vadd.f32 v45, v21;
	v17 =	vadd.f32 v54, v17  }
0x219: {  	v61 =	vld [tilespmem:s20+$0x8DD0];
	v60 =	vmul.f32 v51, v51;
	v22 =	vadd.f32 v47, v22;
	v18 =	vadd.f32 v56, v18  }
0x21a: {  	v63 =	vld [tilespmem:s20+$0x8DE0];
	v62 =	vmul.f32 v53, v53;
	v24 =	vadd.f32 v49, v24;
	v19 =	vadd.f32 v58, v19  }
0x21b: {  	v33 =	vld [tilespmem:s20+$0x8DF0];
	v32 =	vmul.f32 v55, v55;
	v20 =	vadd.f32 v51, v20;
	v16 =	vadd.f32 v60, v16  }
0x21c: {  	v35 =	vld [tilespmem:s20+$0x8E00];
	v34 =	vmul.f32 v57, v57;
	v21 =	vadd.f32 v53, v21;
	v17 =	vadd.f32 v62, v17  }
0x21d: {  	v37 =	vld [tilespmem:s20+$0x8E10];
	v36 =	vmul.f32 v59, v59;
	v22 =	vadd.f32 v55, v22;
	v18 =	vadd.f32 v32, v18  }
0x21e: {  	v39 =	vld [tilespmem:s20+$0x8E20];
	v38 =	vmul.f32 v61, v61;
	v24 =	vadd.f32 v57, v24;
	v19 =	vadd.f32 v34, v19  }
0x21f: {  	v41 =	vld [tilespmem:s20+$0x8E30];
	v40 =	vmul.f32 v63, v63;
	v20 =	vadd.f32 v59, v20;
	v16 =	vadd.f32 v36, v16  }
0x220: {  	v43 =	vld [tilespmem:s20+$0x8E40];
	v42 =	vmul.f32 v33, v33;
	v21 =	vadd.f32 v61, v21;
	v17 =	vadd.f32 v38, v17  }
0x221: {  	v45 =	vld [tilespmem:s20+$0x8E50];
	v44 =	vmul.f32 v35, v35;
	v22 =	vadd.f32 v63, v22;
	v18 =	vadd.f32 v40, v18  }
0x222: {  	v47 =	vld [tilespmem:s20+$0x8E60];
	v46 =	vmul.f32 v37, v37;
	v24 =	vadd.f32 v33, v24;
	v19 =	vadd.f32 v42, v19  }
0x223: {  	v49 =	vld [tilespmem:s20+$0x8E70];
	v48 =	vmul.f32 v39, v39;
	v20 =	vadd.f32 v35, v20;
	v16 =	vadd.f32 v44, v16  }
0x224: {  	v51 =	vld [tilespmem:s20+$0x8E80];
	v50 =	vmul.f32 v41, v41;
	v21 =	vadd.f32 v37, v21;
	v17 =	vadd.f32 v46, v17  }
0x225: {  	v53 =	vld [tilespmem:s20+$0x8E90];
	v52 =	vmul.f32 v43, v43;
	v22 =	vadd.f32 v39, v22;
	v18 =	vadd.f32 v48, v18  }
0x226: {  	v55 =	vld [tilespmem:s20+$0x8EA0];
	v54 =	vmul.f32 v45, v45;
	v24 =	vadd.f32 v41, v24;
	v19 =	vadd.f32 v50, v19  }
0x227: {  	v57 =	vld [tilespmem:s20+$0x8EB0];
	v56 =	vmul.f32 v47, v47;
	v20 =	vadd.f32 v43, v20;
	v16 =	vadd.f32 v52, v16  }
0x228: {  	v59 =	vld [tilespmem:s20+$0x8EC0];
	v58 =	vmul.f32 v49, v49;
	v21 =	vadd.f32 v45, v21;
	v17 =	vadd.f32 v54, v17  }
0x229: {  	v61 =	vld [tilespmem:s20+$0x8ED0];
	v60 =	vmul.f32 v51, v51;
	v22 =	vadd.f32 v47, v22;
	v18 =	vadd.f32 v56, v18  }
0x22a: {  	v63 =	vld [tilespmem:s20+$0x8EE0];
	v62 =	vmul.f32 v53, v53;
	v24 =	vadd.f32 v49, v24;
	v19 =	vadd.f32 v58, v19  }
0x22b: {  	v34 =	vld [tilespmem:s20+$0x8EF0];
	v33 =	vmul.f32 v55, v55;
	v20 =	vadd.f32 v51, v20;
	v16 =	vadd.f32 v60, v16  }
0x22c: {  	v36 =	vld [tilespmem:s20+$0x8F00];
	v35 =	vmul.f32 v57, v57;
	v21 =	vadd.f32 v53, v21;
	v17 =	vadd.f32 v62, v17  }
0x22d: {  	v38 =	vld [tilespmem:s20+$0x8F10];
	v37 =	vmul.f32 v59, v59;
	v22 =	vadd.f32 v55, v22;
	v18 =	vadd.f32 v33, v18  }
0x22e: {  	v40 =	vld [tilespmem:s20+$0x8F20];
	v39 =	vmul.f32 v61, v61;
	v24 =	vadd.f32 v57, v24;
	v19 =	vadd.f32 v35, v19  }
0x22f: {  	v42 =	vld [tilespmem:s20+$0x8F30];
	v41 =	vmul.f32 v63, v63;
	v20 =	vadd.f32 v59, v20;
	v16 =	vadd.f32 v37, v16  }
0x230: {  	v44 =	vld [tilespmem:s20+$0x8F40];
	v43 =	vmul.f32 v34, v34;
	v21 =	vadd.f32 v61, v21;
	v17 =	vadd.f32 v39, v17  }
0x231: {  	v46 =	vld [tilespmem:s20+$0x8F50];
	v45 =	vmul.f32 v36, v36;
	v22 =	vadd.f32 v63, v22;
	v18 =	vadd.f32 v41, v18  }
0x232: {  	v48 =	vld [tilespmem:s20+$0x8F60];
	v47 =	vmul.f32 v38, v38;
	v24 =	vadd.f32 v34, v24;
	v19 =	vadd.f32 v43, v19  }
0x233: {  	v50 =	vld [tilespmem:s20+$0x8F70];
	v49 =	vmul.f32 v40, v40;
	v20 =	vadd.f32 v36, v20;
	v16 =	vadd.f32 v45, v16  }
0x234: {  	v52 =	vld [tilespmem:s20+$0x8F80];
	v51 =	vmul.f32 v42, v42;
	v21 =	vadd.f32 v38, v21;
	v17 =	vadd.f32 v47, v17  }
0x235: {  	v54 =	vld [tilespmem:s20+$0x8F90];
	v53 =	vmul.f32 v44, v44;
	v22 =	vadd.f32 v40, v22;
	v18 =	vadd.f32 v49, v18  }
0x236: {  	v56 =	vld [tilespmem:s20+$0x8FA0];
	v55 =	vmul.f32 v46, v46;
	v24 =	vadd.f32 v42, v24;
	v19 =	vadd.f32 v51, v19  }
0x237: {  	v58 =	vld [tilespmem:s20+$0x8FC0];
	v57 =	vmul.f32 v48, v48;
	v20 =	vadd.f32 v44, v20;
	v16 =	vadd.f32 v53, v16  }
0x238: {  	v59 =	vmul.f32 v50, v50;
	v61 =	vld [tilespmem:s20+$0x8FB0];
	v21 =	vadd.f32 v46, v21;
	v17 =	vadd.f32 v55, v17  }
0x239: {  	v63 =	vld [tilespmem:s20+$0x8FD0];
	v60 =	vmul.f32 v52, v52;
	v22 =	vadd.f32 v48, v22;
	v18 =	vadd.f32 v57, v18  }
0x23a: {  	v62 =	vmul.f32 v54, v54;
	v24 =	vadd.f32 v50, v24;
	v19 =	vadd.f32 v59, v19  }
0x23b: {  	v34 =	vld [tilespmem:s20+$0x8FE0];
	v33 =	vmul.f32 v56, v56;
	v20 =	vadd.f32 v52, v20;
	v16 =	vadd.f32 v60, v16  }
0x23c: {  	v35 =	vmul.f32 v58, v58;
	v21 =	vadd.f32 v54, v21;
	v17 =	vadd.f32 v62, v17  }
0x23d: {  	s22 =	sshll.u32 s19, $0x7;
	v36 =	vld [tilespmem:s20+$0x8FF0];
	v38 =	vmul.f32 v61, v61;
	v22 =	vadd.f32 v56, v22;
	v20 =	vadd.f32 v58, v20  }
0x23e: {  	v37 =	vld [tilespmem:s22+$0x10800];
	v40 =	vmul.f32 v63, v63;
	v18 =	vadd.f32 v33, v18;
	v39 =	vadd.f32 v61, v24  }
0x23f: {  	v41 =	vld [tilespmem:s22+$0x10C00];
	v16 =	vadd.f32 v35, v16;
	v21 =	vadd.f32 v63, v21;
	v20 =	vmul.f32 v20, v20  }
0x240: {  	v43 =	vld [tilespmem:s22+$0x10810];
	v42 =	vmul.f32 v34, v34;
	v19 =	vadd.f32 v38, v19;
	v17 =	vadd.f32 v40, v17  }
0x241: {  	v44 =	vld [tilespmem:s22+$0x10C10];
	v22 =	vadd.f32 v34, v22;
	v21 =	vmul.f32 v21, v21;
	v16 =	vsub.f32 v20, v16  }
0x242: {  	v46 =	vld [tilespmem:s22+$0x10820];
	v45 =	vmul.f32 v36, v36;
	v18 =	vadd.f32 v42, v18;
	v23 =	vadd.f32 v36, v39  }
0x243: {  	v47 =	vld [tilespmem:s22+$0x10C20];
	v22 =	vmul.f32 v22, v22;
	v17 =	vsub.f32 v21, v17;
	v16 =	vadd.f32 v37, v16  }
0x244: {  	v48 =	vld [tilespmem:s22+$0x10830];
	v19 =	vadd.f32 v45, v19;
	v49 =	vmul.f32 v23, v23  }
0x245: {  	v18 =	vsub.f32 v22, v18;
	v17 =	vadd.f32 v43, v17;
	v16 =	vmul.f32 v16, v41  }
0x246: {  	v50 =	vld [tilespmem:s22+$0x10C30];
	v19 =	vsub.f32 v49, v19  }
0x247: {  	v18 =	vadd.f32 v46, v18;
	v17 =	vmul.f32 v17, v44;
	v16 =	vadd.f32 $0.0e+00, v16;
	_ =	sdelay $0x1  }
0x248: {  	v51 =	vadd.f32 v48, v19;
	v16 =	vadd.f32 v17, v16;
	v17 =	vmul.f32 v18, v47;
	_ =	sdelay $0x1  }
0x249: {  	v16 =	vadd.f32 v17, v16;
	v17 =	vmul.f32 v51, v50;
	_ =	sdelay $0x1  }
0x24a: {  	s23 =	sshllo.u32 s19, $0x1;
	v16 =	vadd.f32 v17, v16  }
0x24b: {  	s15 =	sshrl.u32 s22, $0x2;
	s22 =	sshll.u32 s23, $0xB  }
0x24c: {  	s22 =	sand.u32 $0x3FFFF800, s22;
	[tilespmem:s15+$0x15400] =	vst v16  }
0x24d: {  	v16 =	vld [tilespmem:s22+$0x8800]  }
0x24e: {  	v17 =	vld [tilespmem:s22+$0x8810]  }
0x24f: {  	v52 =	vld [tilespmem:s22+$0x8820]  }
0x250: {  	v53 =	vld [tilespmem:s22+$0x8830]  }
0x251: {  	v54 =	vld [tilespmem:s22+$0x8840]  }
0x252: {  	v55 =	vld [tilespmem:s22+$0x8850]  }
0x253: {  	v56 =	vld [tilespmem:s22+$0x8860]  }
0x254: {  	v58 =	vld [tilespmem:s22+$0x8870];
	v57 =	vadd.f32 $0.0e+00, v16  }
0x255: {  	v61 =	vld [tilespmem:s22+$0x8880];
	v16 =	vmul.f32 v16, v16;
	v59 =	vadd.f32 $0.0e+00, v17;
	v17 =	vmul.f32 v17, v17  }
0x256: {  	v33 =	vld [tilespmem:s22+$0x8890];
	v60 =	vadd.f32 $0.0e+00, v52;
	v18 =	vmul.f32 v52, v52;
	v63 =	vmul.f32 v54, v54  }
0x257: {  	v35 =	vld [tilespmem:s22+$0x88A0];
	v62 =	vadd.f32 $0.0e+00, v53;
	v19 =	vmul.f32 v53, v53;
	v34 =	vmul.f32 v55, v55  }
0x258: {  	v37 =	vld [tilespmem:s22+$0x88B0];
	v36 =	vmul.f32 v56, v56;
	v20 =	vadd.f32 v54, v57;
	v16 =	vadd.f32 v63, v16  }
0x259: {  	v39 =	vld [tilespmem:s22+$0x88C0];
	v38 =	vmul.f32 v58, v58;
	v21 =	vadd.f32 v55, v59;
	v17 =	vadd.f32 v34, v17  }
0x25a: {  	v41 =	vld [tilespmem:s22+$0x88D0];
	v40 =	vmul.f32 v61, v61;
	v22 =	vadd.f32 v56, v60;
	v18 =	vadd.f32 v36, v18  }
0x25b: {  	v43 =	vld [tilespmem:s22+$0x88E0];
	v42 =	vmul.f32 v33, v33;
	v24 =	vadd.f32 v58, v62;
	v19 =	vadd.f32 v38, v19  }
0x25c: {  	v45 =	vld [tilespmem:s22+$0x88F0];
	v44 =	vmul.f32 v35, v35;
	v20 =	vadd.f32 v61, v20;
	v16 =	vadd.f32 v40, v16  }
0x25d: {  	v47 =	vld [tilespmem:s22+$0x8900];
	v46 =	vmul.f32 v37, v37;
	v21 =	vadd.f32 v33, v21;
	v17 =	vadd.f32 v42, v17  }
0x25e: {  	v49 =	vld [tilespmem:s22+$0x8910];
	v48 =	vmul.f32 v39, v39;
	v22 =	vadd.f32 v35, v22;
	v18 =	vadd.f32 v44, v18  }
0x25f: {  	v51 =	vld [tilespmem:s22+$0x8920];
	v50 =	vmul.f32 v41, v41;
	v24 =	vadd.f32 v37, v24;
	v19 =	vadd.f32 v46, v19  }
0x260: {  	v52 =	vmul.f32 v43, v43;
	v53 =	vld [tilespmem:s22+$0x8930];
	v20 =	vadd.f32 v39, v20;
	v16 =	vadd.f32 v48, v16  }
0x261: {  	v54 =	vmul.f32 v45, v45;
	v55 =	vld [tilespmem:s22+$0x8940];
	v21 =	vadd.f32 v41, v21;
	v17 =	vadd.f32 v50, v17  }
0x262: {  	v56 =	vmul.f32 v47, v47;
	v57 =	vld [tilespmem:s22+$0x8950];
	v22 =	vadd.f32 v43, v22;
	v18 =	vadd.f32 v52, v18  }
0x263: {  	v58 =	vmul.f32 v49, v49;
	v59 =	vld [tilespmem:s22+$0x8960];
	v24 =	vadd.f32 v45, v24;
	v19 =	vadd.f32 v54, v19  }
0x264: {  	v60 =	vmul.f32 v51, v51;
	v61 =	vld [tilespmem:s22+$0x8970];
	v20 =	vadd.f32 v47, v20;
	v16 =	vadd.f32 v56, v16  }
0x265: {  	v63 =	vld [tilespmem:s22+$0x8980];
	v62 =	vmul.f32 v53, v53;
	v21 =	vadd.f32 v49, v21;
	v17 =	vadd.f32 v58, v17  }
0x266: {  	v33 =	vld [tilespmem:s22+$0x8990];
	v32 =	vmul.f32 v55, v55;
	v22 =	vadd.f32 v51, v22;
	v18 =	vadd.f32 v60, v18  }
0x267: {  	v35 =	vld [tilespmem:s22+$0x89A0];
	v34 =	vmul.f32 v57, v57;
	v24 =	vadd.f32 v53, v24;
	v19 =	vadd.f32 v62, v19  }
0x268: {  	v37 =	vld [tilespmem:s22+$0x89B0];
	v36 =	vmul.f32 v59, v59;
	v20 =	vadd.f32 v55, v20;
	v16 =	vadd.f32 v32, v16  }
0x269: {  	v39 =	vld [tilespmem:s22+$0x89C0];
	v38 =	vmul.f32 v61, v61;
	v21 =	vadd.f32 v57, v21;
	v17 =	vadd.f32 v34, v17  }
0x26a: {  	v41 =	vld [tilespmem:s22+$0x89D0];
	v40 =	vmul.f32 v63, v63;
	v22 =	vadd.f32 v59, v22;
	v18 =	vadd.f32 v36, v18  }
0x26b: {  	v43 =	vld [tilespmem:s22+$0x89E0];
	v42 =	vmul.f32 v33, v33;
	v24 =	vadd.f32 v61, v24;
	v19 =	vadd.f32 v38, v19  }
0x26c: {  	v45 =	vld [tilespmem:s22+$0x89F0];
	v44 =	vmul.f32 v35, v35;
	v20 =	vadd.f32 v63, v20;
	v16 =	vadd.f32 v40, v16  }
0x26d: {  	v47 =	vld [tilespmem:s22+$0x8A00];
	v46 =	vmul.f32 v37, v37;
	v21 =	vadd.f32 v33, v21;
	v17 =	vadd.f32 v42, v17  }
0x26e: {  	v49 =	vld [tilespmem:s22+$0x8A10];
	v48 =	vmul.f32 v39, v39;
	v22 =	vadd.f32 v35, v22;
	v18 =	vadd.f32 v44, v18  }
0x26f: {  	v51 =	vld [tilespmem:s22+$0x8A20];
	v50 =	vmul.f32 v41, v41;
	v24 =	vadd.f32 v37, v24;
	v19 =	vadd.f32 v46, v19  }
0x270: {  	v53 =	vld [tilespmem:s22+$0x8A30];
	v52 =	vmul.f32 v43, v43;
	v20 =	vadd.f32 v39, v20;
	v16 =	vadd.f32 v48, v16  }
0x271: {  	v55 =	vld [tilespmem:s22+$0x8A40];
	v54 =	vmul.f32 v45, v45;
	v21 =	vadd.f32 v41, v21;
	v17 =	vadd.f32 v50, v17  }
0x272: {  	v57 =	vld [tilespmem:s22+$0x8A50];
	v56 =	vmul.f32 v47, v47;
	v22 =	vadd.f32 v43, v22;
	v18 =	vadd.f32 v52, v18  }
0x273: {  	v59 =	vld [tilespmem:s22+$0x8A60];
	v58 =	vmul.f32 v49, v49;
	v24 =	vadd.f32 v45, v24;
	v19 =	vadd.f32 v54, v19  }
0x274: {  	v61 =	vld [tilespmem:s22+$0x8A70];
	v60 =	vmul.f32 v51, v51;
	v20 =	vadd.f32 v47, v20;
	v16 =	vadd.f32 v56, v16  }
0x275: {  	v63 =	vld [tilespmem:s22+$0x8A80];
	v62 =	vmul.f32 v53, v53;
	v21 =	vadd.f32 v49, v21;
	v17 =	vadd.f32 v58, v17  }
0x276: {  	v34 =	vld [tilespmem:s22+$0x8A90];
	v33 =	vmul.f32 v55, v55;
	v22 =	vadd.f32 v51, v22;
	v18 =	vadd.f32 v60, v18  }
0x277: {  	v36 =	vld [tilespmem:s22+$0x8AA0];
	v35 =	vmul.f32 v57, v57;
	v24 =	vadd.f32 v53, v24;
	v19 =	vadd.f32 v62, v19  }
0x278: {  	v38 =	vld [tilespmem:s22+$0x8AB0];
	v37 =	vmul.f32 v59, v59;
	v20 =	vadd.f32 v55, v20;
	v16 =	vadd.f32 v33, v16  }
0x279: {  	v40 =	vld [tilespmem:s22+$0x8AC0];
	v39 =	vmul.f32 v61, v61;
	v21 =	vadd.f32 v57, v21;
	v17 =	vadd.f32 v35, v17  }
0x27a: {  	v42 =	vld [tilespmem:s22+$0x8AD0];
	v41 =	vmul.f32 v63, v63;
	v22 =	vadd.f32 v59, v22;
	v18 =	vadd.f32 v37, v18  }
0x27b: {  	v44 =	vld [tilespmem:s22+$0x8AE0];
	v43 =	vmul.f32 v34, v34;
	v24 =	vadd.f32 v61, v24;
	v19 =	vadd.f32 v39, v19  }
0x27c: {  	v46 =	vld [tilespmem:s22+$0x8AF0];
	v45 =	vmul.f32 v36, v36;
	v20 =	vadd.f32 v63, v20;
	v16 =	vadd.f32 v41, v16  }
0x27d: {  	v48 =	vld [tilespmem:s22+$0x8B00];
	v47 =	vmul.f32 v38, v38;
	v21 =	vadd.f32 v34, v21;
	v17 =	vadd.f32 v43, v17  }
0x27e: {  	v50 =	vld [tilespmem:s22+$0x8B10];
	v49 =	vmul.f32 v40, v40;
	v22 =	vadd.f32 v36, v22;
	v18 =	vadd.f32 v45, v18  }
0x27f: {  	v52 =	vld [tilespmem:s22+$0x8B20];
	v51 =	vmul.f32 v42, v42;
	v24 =	vadd.f32 v38, v24;
	v19 =	vadd.f32 v47, v19  }
0x280: {  	v54 =	vld [tilespmem:s22+$0x8B30];
	v53 =	vmul.f32 v44, v44;
	v20 =	vadd.f32 v40, v20;
	v16 =	vadd.f32 v49, v16  }
0x281: {  	v56 =	vld [tilespmem:s22+$0x8B40];
	v55 =	vmul.f32 v46, v46;
	v21 =	vadd.f32 v42, v21;
	v17 =	vadd.f32 v51, v17  }
0x282: {  	v58 =	vld [tilespmem:s22+$0x8B50];
	v57 =	vmul.f32 v48, v48;
	v22 =	vadd.f32 v44, v22;
	v18 =	vadd.f32 v53, v18  }
0x283: {  	v60 =	vld [tilespmem:s22+$0x8B60];
	v59 =	vmul.f32 v50, v50;
	v24 =	vadd.f32 v46, v24;
	v19 =	vadd.f32 v55, v19  }
0x284: {  	v62 =	vld [tilespmem:s22+$0x8B70];
	v61 =	vmul.f32 v52, v52;
	v20 =	vadd.f32 v48, v20;
	v16 =	vadd.f32 v57, v16  }
0x285: {  	v33 =	vld [tilespmem:s22+$0x8B80];
	v63 =	vmul.f32 v54, v54;
	v21 =	vadd.f32 v50, v21;
	v17 =	vadd.f32 v59, v17  }
0x286: {  	v35 =	vld [tilespmem:s22+$0x8B90];
	v34 =	vmul.f32 v56, v56;
	v22 =	vadd.f32 v52, v22;
	v18 =	vadd.f32 v61, v18  }
0x287: {  	v37 =	vld [tilespmem:s22+$0x8BA0];
	v36 =	vmul.f32 v58, v58;
	v24 =	vadd.f32 v54, v24;
	v19 =	vadd.f32 v63, v19  }
0x288: {  	v39 =	vld [tilespmem:s22+$0x8BB0];
	v38 =	vmul.f32 v60, v60;
	v20 =	vadd.f32 v56, v20;
	v16 =	vadd.f32 v34, v16  }
0x289: {  	v41 =	vld [tilespmem:s22+$0x8BC0];
	v40 =	vmul.f32 v62, v62;
	v21 =	vadd.f32 v58, v21;
	v17 =	vadd.f32 v36, v17  }
0x28a: {  	v43 =	vld [tilespmem:s22+$0x8BD0];
	v42 =	vmul.f32 v33, v33;
	v22 =	vadd.f32 v60, v22;
	v18 =	vadd.f32 v38, v18  }
0x28b: {  	v45 =	vld [tilespmem:s22+$0x8BE0];
	v44 =	vmul.f32 v35, v35;
	v24 =	vadd.f32 v62, v24;
	v19 =	vadd.f32 v40, v19  }
0x28c: {  	v47 =	vld [tilespmem:s22+$0x8BF0];
	v46 =	vmul.f32 v37, v37;
	v20 =	vadd.f32 v33, v20;
	v16 =	vadd.f32 v42, v16  }
0x28d: {  	v49 =	vld [tilespmem:s22+$0x8C00];
	v48 =	vmul.f32 v39, v39;
	v21 =	vadd.f32 v35, v21;
	v17 =	vadd.f32 v44, v17  }
0x28e: {  	v51 =	vld [tilespmem:s22+$0x8C10];
	v50 =	vmul.f32 v41, v41;
	v22 =	vadd.f32 v37, v22;
	v18 =	vadd.f32 v46, v18  }
0x28f: {  	v53 =	vld [tilespmem:s22+$0x8C20];
	v52 =	vmul.f32 v43, v43;
	v24 =	vadd.f32 v39, v24;
	v19 =	vadd.f32 v48, v19  }
0x290: {  	v55 =	vld [tilespmem:s22+$0x8C30];
	v54 =	vmul.f32 v45, v45;
	v20 =	vadd.f32 v41, v20;
	v16 =	vadd.f32 v50, v16  }
0x291: {  	v57 =	vld [tilespmem:s22+$0x8C40];
	v56 =	vmul.f32 v47, v47;
	v21 =	vadd.f32 v43, v21;
	v17 =	vadd.f32 v52, v17  }
0x292: {  	v59 =	vld [tilespmem:s22+$0x8C50];
	v58 =	vmul.f32 v49, v49;
	v22 =	vadd.f32 v45, v22;
	v18 =	vadd.f32 v54, v18  }
0x293: {  	v61 =	vld [tilespmem:s22+$0x8C60];
	v60 =	vmul.f32 v51, v51;
	v24 =	vadd.f32 v47, v24;
	v19 =	vadd.f32 v56, v19  }
0x294: {  	v63 =	vld [tilespmem:s22+$0x8C70];
	v62 =	vmul.f32 v53, v53;
	v20 =	vadd.f32 v49, v20;
	v16 =	vadd.f32 v58, v16  }
0x295: {  	v34 =	vld [tilespmem:s22+$0x8C80];
	v33 =	vmul.f32 v55, v55;
	v21 =	vadd.f32 v51, v21;
	v17 =	vadd.f32 v60, v17  }
0x296: {  	v36 =	vld [tilespmem:s22+$0x8C90];
	v35 =	vmul.f32 v57, v57;
	v22 =	vadd.f32 v53, v22;
	v18 =	vadd.f32 v62, v18  }
0x297: {  	v38 =	vld [tilespmem:s22+$0x8CA0];
	v37 =	vmul.f32 v59, v59;
	v24 =	vadd.f32 v55, v24;
	v19 =	vadd.f32 v33, v19  }
0x298: {  	v40 =	vld [tilespmem:s22+$0x8CB0];
	v39 =	vmul.f32 v61, v61;
	v20 =	vadd.f32 v57, v20;
	v16 =	vadd.f32 v35, v16  }
0x299: {  	v42 =	vld [tilespmem:s22+$0x8CC0];
	v41 =	vmul.f32 v63, v63;
	v21 =	vadd.f32 v59, v21;
	v17 =	vadd.f32 v37, v17  }
0x29a: {  	v44 =	vld [tilespmem:s22+$0x8CD0];
	v43 =	vmul.f32 v34, v34;
	v22 =	vadd.f32 v61, v22;
	v18 =	vadd.f32 v39, v18  }
0x29b: {  	v46 =	vld [tilespmem:s22+$0x8CE0];
	v45 =	vmul.f32 v36, v36;
	v24 =	vadd.f32 v63, v24;
	v19 =	vadd.f32 v41, v19  }
0x29c: {  	v48 =	vld [tilespmem:s22+$0x8CF0];
	v47 =	vmul.f32 v38, v38;
	v20 =	vadd.f32 v34, v20;
	v16 =	vadd.f32 v43, v16  }
0x29d: {  	v50 =	vld [tilespmem:s22+$0x8D00];
	v49 =	vmul.f32 v40, v40;
	v21 =	vadd.f32 v36, v21;
	v17 =	vadd.f32 v45, v17  }
0x29e: {  	v52 =	vld [tilespmem:s22+$0x8D10];
	v51 =	vmul.f32 v42, v42;
	v22 =	vadd.f32 v38, v22;
	v18 =	vadd.f32 v47, v18  }
0x29f: {  	v54 =	vld [tilespmem:s22+$0x8D20];
	v53 =	vmul.f32 v44, v44;
	v24 =	vadd.f32 v40, v24;
	v19 =	vadd.f32 v49, v19  }
0x2a0: {  	v56 =	vld [tilespmem:s22+$0x8D30];
	v55 =	vmul.f32 v46, v46;
	v20 =	vadd.f32 v42, v20;
	v16 =	vadd.f32 v51, v16  }
0x2a1: {  	v58 =	vld [tilespmem:s22+$0x8D40];
	v57 =	vmul.f32 v48, v48;
	v21 =	vadd.f32 v44, v21;
	v17 =	vadd.f32 v53, v17  }
0x2a2: {  	v60 =	vld [tilespmem:s22+$0x8D50];
	v59 =	vmul.f32 v50, v50;
	v22 =	vadd.f32 v46, v22;
	v18 =	vadd.f32 v55, v18  }
0x2a3: {  	v62 =	vld [tilespmem:s22+$0x8D60];
	v61 =	vmul.f32 v52, v52;
	v24 =	vadd.f32 v48, v24;
	v19 =	vadd.f32 v57, v19  }
0x2a4: {  	v33 =	vld [tilespmem:s22+$0x8D70];
	v63 =	vmul.f32 v54, v54;
	v20 =	vadd.f32 v50, v20;
	v16 =	vadd.f32 v59, v16  }
0x2a5: {  	v35 =	vld [tilespmem:s22+$0x8D80];
	v34 =	vmul.f32 v56, v56;
	v21 =	vadd.f32 v52, v21;
	v17 =	vadd.f32 v61, v17  }
0x2a6: {  	v37 =	vld [tilespmem:s22+$0x8D90];
	v36 =	vmul.f32 v58, v58;
	v22 =	vadd.f32 v54, v22;
	v18 =	vadd.f32 v63, v18  }
0x2a7: {  	v39 =	vld [tilespmem:s22+$0x8DA0];
	v38 =	vmul.f32 v60, v60;
	v24 =	vadd.f32 v56, v24;
	v19 =	vadd.f32 v34, v19  }
0x2a8: {  	v41 =	vld [tilespmem:s22+$0x8DB0];
	v40 =	vmul.f32 v62, v62;
	v20 =	vadd.f32 v58, v20;
	v16 =	vadd.f32 v36, v16  }
0x2a9: {  	v43 =	vld [tilespmem:s22+$0x8DC0];
	v42 =	vmul.f32 v33, v33;
	v21 =	vadd.f32 v60, v21;
	v17 =	vadd.f32 v38, v17  }
0x2aa: {  	v45 =	vld [tilespmem:s22+$0x8DD0];
	v44 =	vmul.f32 v35, v35;
	v22 =	vadd.f32 v62, v22;
	v18 =	vadd.f32 v40, v18  }
0x2ab: {  	v47 =	vld [tilespmem:s22+$0x8DE0];
	v46 =	vmul.f32 v37, v37;
	v24 =	vadd.f32 v33, v24;
	v19 =	vadd.f32 v42, v19  }
0x2ac: {  	v49 =	vld [tilespmem:s22+$0x8DF0];
	v48 =	vmul.f32 v39, v39;
	v20 =	vadd.f32 v35, v20;
	v16 =	vadd.f32 v44, v16  }
0x2ad: {  	v51 =	vld [tilespmem:s22+$0x8E00];
	v50 =	vmul.f32 v41, v41;
	v21 =	vadd.f32 v37, v21;
	v17 =	vadd.f32 v46, v17  }
0x2ae: {  	v53 =	vld [tilespmem:s22+$0x8E10];
	v52 =	vmul.f32 v43, v43;
	v22 =	vadd.f32 v39, v22;
	v18 =	vadd.f32 v48, v18  }
0x2af: {  	v55 =	vld [tilespmem:s22+$0x8E20];
	v54 =	vmul.f32 v45, v45;
	v24 =	vadd.f32 v41, v24;
	v19 =	vadd.f32 v50, v19  }
0x2b0: {  	v57 =	vld [tilespmem:s22+$0x8E30];
	v56 =	vmul.f32 v47, v47;
	v20 =	vadd.f32 v43, v20;
	v16 =	vadd.f32 v52, v16  }
0x2b1: {  	v59 =	vld [tilespmem:s22+$0x8E40];
	v58 =	vmul.f32 v49, v49;
	v21 =	vadd.f32 v45, v21;
	v17 =	vadd.f32 v54, v17  }
0x2b2: {  	v61 =	vld [tilespmem:s22+$0x8E50];
	v60 =	vmul.f32 v51, v51;
	v22 =	vadd.f32 v47, v22;
	v18 =	vadd.f32 v56, v18  }
0x2b3: {  	v63 =	vld [tilespmem:s22+$0x8E60];
	v62 =	vmul.f32 v53, v53;
	v24 =	vadd.f32 v49, v24;
	v19 =	vadd.f32 v58, v19  }
0x2b4: {  	v33 =	vld [tilespmem:s22+$0x8E70];
	v32 =	vmul.f32 v55, v55;
	v20 =	vadd.f32 v51, v20;
	v16 =	vadd.f32 v60, v16  }
0x2b5: {  	v34 =	vmul.f32 v57, v57;
	v35 =	vld [tilespmem:s22+$0x8E80];
	v21 =	vadd.f32 v53, v21;
	v17 =	vadd.f32 v62, v17  }
0x2b6: {  	v37 =	vld [tilespmem:s22+$0x8E90];
	v36 =	vmul.f32 v59, v59;
	v22 =	vadd.f32 v55, v22;
	v18 =	vadd.f32 v32, v18  }
0x2b7: {  	v39 =	vld [tilespmem:s22+$0x8EA0];
	v38 =	vmul.f32 v61, v61;
	v24 =	vadd.f32 v57, v24;
	v19 =	vadd.f32 v34, v19  }
0x2b8: {  	v41 =	vld [tilespmem:s22+$0x8EB0];
	v40 =	vmul.f32 v63, v63;
	v20 =	vadd.f32 v59, v20;
	v16 =	vadd.f32 v36, v16  }
0x2b9: {  	v43 =	vld [tilespmem:s22+$0x8EC0];
	v42 =	vmul.f32 v33, v33;
	v21 =	vadd.f32 v61, v21;
	v17 =	vadd.f32 v38, v17  }
0x2ba: {  	v45 =	vld [tilespmem:s22+$0x8ED0];
	v44 =	vmul.f32 v35, v35;
	v22 =	vadd.f32 v63, v22;
	v18 =	vadd.f32 v40, v18  }
0x2bb: {  	v47 =	vld [tilespmem:s22+$0x8EE0];
	v46 =	vmul.f32 v37, v37;
	v24 =	vadd.f32 v33, v24;
	v19 =	vadd.f32 v42, v19  }
0x2bc: {  	v49 =	vld [tilespmem:s22+$0x8EF0];
	v48 =	vmul.f32 v39, v39;
	v20 =	vadd.f32 v35, v20;
	v16 =	vadd.f32 v44, v16  }
0x2bd: {  	v51 =	vld [tilespmem:s22+$0x8F00];
	v50 =	vmul.f32 v41, v41;
	v21 =	vadd.f32 v37, v21;
	v17 =	vadd.f32 v46, v17  }
0x2be: {  	v53 =	vld [tilespmem:s22+$0x8F10];
	v52 =	vmul.f32 v43, v43;
	v22 =	vadd.f32 v39, v22;
	v18 =	vadd.f32 v48, v18  }
0x2bf: {  	v55 =	vld [tilespmem:s22+$0x8F20];
	v54 =	vmul.f32 v45, v45;
	v24 =	vadd.f32 v41, v24;
	v19 =	vadd.f32 v50, v19  }
0x2c0: {  	v57 =	vld [tilespmem:s22+$0x8F30];
	v56 =	vmul.f32 v47, v47;
	v20 =	vadd.f32 v43, v20;
	v16 =	vadd.f32 v52, v16  }
0x2c1: {  	v59 =	vld [tilespmem:s22+$0x8F40];
	v58 =	vmul.f32 v49, v49;
	v21 =	vadd.f32 v45, v21;
	v17 =	vadd.f32 v54, v17  }
0x2c2: {  	v61 =	vld [tilespmem:s22+$0x8F50];
	v60 =	vmul.f32 v51, v51;
	v22 =	vadd.f32 v47, v22;
	v18 =	vadd.f32 v56, v18  }
0x2c3: {  	v63 =	vld [tilespmem:s22+$0x8F60];
	v62 =	vmul.f32 v53, v53;
	v24 =	vadd.f32 v49, v24;
	v19 =	vadd.f32 v58, v19  }
0x2c4: {  	v33 =	vld [tilespmem:s22+$0x8F70];
	v32 =	vmul.f32 v55, v55;
	v20 =	vadd.f32 v51, v20;
	v16 =	vadd.f32 v60, v16  }
0x2c5: {  	v35 =	vld [tilespmem:s22+$0x8F80];
	v34 =	vmul.f32 v57, v57;
	v21 =	vadd.f32 v53, v21;
	v17 =	vadd.f32 v62, v17  }
0x2c6: {  	v37 =	vld [tilespmem:s22+$0x8F90];
	v36 =	vmul.f32 v59, v59;
	v22 =	vadd.f32 v55, v22;
	v18 =	vadd.f32 v32, v18  }
0x2c7: {  	v39 =	vld [tilespmem:s22+$0x8FA0];
	v38 =	vmul.f32 v61, v61;
	v24 =	vadd.f32 v57, v24;
	v19 =	vadd.f32 v34, v19  }
0x2c8: {  	v41 =	vld [tilespmem:s22+$0x8FC0];
	v40 =	vmul.f32 v63, v63;
	v20 =	vadd.f32 v59, v20;
	v16 =	vadd.f32 v36, v16  }
0x2c9: {  	v44 =	vld [tilespmem:s22+$0x8FB0];
	v42 =	vmul.f32 v33, v33;
	v21 =	vadd.f32 v61, v21;
	v17 =	vadd.f32 v38, v17  }
0x2ca: {  	v46 =	vld [tilespmem:s22+$0x8FD0];
	v43 =	vmul.f32 v35, v35;
	v22 =	vadd.f32 v63, v22;
	v18 =	vadd.f32 v40, v18  }
0x2cb: {  	v45 =	vmul.f32 v37, v37;
	v24 =	vadd.f32 v33, v24;
	v19 =	vadd.f32 v42, v19  }
0x2cc: {  	v48 =	vld [tilespmem:s22+$0x8FE0];
	v47 =	vmul.f32 v39, v39;
	v20 =	vadd.f32 v35, v20;
	v16 =	vadd.f32 v43, v16  }
0x2cd: {  	v49 =	vmul.f32 v41, v41;
	v21 =	vadd.f32 v37, v21;
	v17 =	vadd.f32 v45, v17  }
0x2ce: {  	s23 =	sshll.u32 s23, $0x6;
	v50 =	vld [tilespmem:s22+$0x8FF0];
	v52 =	vmul.f32 v44, v44;
	v22 =	vadd.f32 v39, v22;
	v20 =	vadd.f32 v41, v20  }
0x2cf: {  	v51 =	vld [tilespmem:s23+$0x10800];
	v26 =	vmul.f32 v46, v46;
	v18 =	vadd.f32 v47, v18;
	v24 =	vadd.f32 v44, v24  }
0x2d0: {  	v53 =	vld [tilespmem:s23+$0x10C00];
	v16 =	vadd.f32 v49, v16;
	v21 =	vadd.f32 v46, v21;
	v20 =	vmul.f32 v20, v20  }
0x2d1: {  	v55 =	vld [tilespmem:s23+$0x10810];
	v54 =	vmul.f32 v48, v48;
	v19 =	vadd.f32 v52, v19;
	v17 =	vadd.f32 v26, v17  }
0x2d2: {  	v56 =	vld [tilespmem:s23+$0x10C10];
	v22 =	vadd.f32 v48, v22;
	v21 =	vmul.f32 v21, v21;
	v16 =	vsub.f32 v20, v16  }
0x2d3: {  	v58 =	vld [tilespmem:s23+$0x10820];
	v57 =	vmul.f32 v50, v50;
	v18 =	vadd.f32 v54, v18;
	v24 =	vadd.f32 v50, v24  }
0x2d4: {  	v60 =	vld [tilespmem:s23+$0x10830];
	v22 =	vmul.f32 v22, v22;
	v17 =	vsub.f32 v21, v17;
	v16 =	vadd.f32 v51, v16  }
0x2d5: {  	v59 =	vld [tilespmem:s23+$0x10C20];
	v19 =	vadd.f32 v57, v19;
	v61 =	vmul.f32 v24, v24  }
0x2d6: {  	v18 =	vsub.f32 v22, v18;
	v17 =	vadd.f32 v55, v17;
	v16 =	vmul.f32 v16, v53  }
0x2d7: {  	v62 =	vld [tilespmem:s23+$0x10C30];
	v19 =	vsub.f32 v61, v19  }
0x2d8: {  	v18 =	vadd.f32 v58, v18;
	v17 =	vmul.f32 v17, v56;
	v16 =	vadd.f32 $0.0e+00, v16;
	_ =	sdelay $0x1  }
0x2d9: {  	v63 =	vadd.f32 v60, v19;
	v16 =	vadd.f32 v17, v16;
	v17 =	vmul.f32 v18, v59  }
0x2da: {  	p0 =	sne.s32 s19, $0x7  }
.Ltmp1:
0x2db: {  	v16 =	vadd.f32 v17, v16;
	v17 =	vmul.f32 v63, v62;
	(pc) =	sbr.rel @p0 .LBB2_5-.Ltmp1, $4  }
0x2dc: {  	_ = 	snop  }
0x2dd: {  	v16 =	vadd.f32 v17, v16  }
0x2de: {  	s15 =	sshrl.u32 s23, $0x2  }
0x2df: {  	s19 =	sadd.s32 $0x1, s19;
	[tilespmem:s15+$0x15400] =	vst v16  }
0x2e0: {  	_ =	sdelay $0x3  }
0x2e1: {  	v16 =	vld.idx.msk [tilespmem:v0+s0+$0x0], $0xffff;
	_ =	sdelay $0x1  }
0x2e2: {  	v1 =	vld.idx.msk [tilespmem:v1+s0+$0x0], $0xffff;
	_ =	sdelay $0x1  }
0x2e3: {  	v2 =	vld.idx.msk [tilespmem:v2+s0+$0x0], $0xffff  }
0x2e4: {  	v16 =	vadd.f32 $0.0e+00, v16  }
0x2e5: {  	v3 =	vld.idx.msk [tilespmem:v3+s0+$0x0], $0xffff  }
0x2e6: {  	v1 =	vadd.f32 v1, v16  }
0x2e7: {  	v4 =	vld.idx.msk [tilespmem:v4+s0+$0x0], $0xffff  }
0x2e8: {  	v1 =	vadd.f32 v2, v1  }
0x2e9: {  	v2 =	vld.idx.msk [tilespmem:v5+s0+$0x0], $0xffff  }
0x2ea: {  	v1 =	vadd.f32 v3, v1  }
0x2eb: {  	v3 =	vld.idx.msk [tilespmem:v6+s0+$0x0], $0xffff  }
0x2ec: {  	v1 =	vadd.f32 v4, v1  }
0x2ed: {  	v61 =	vld.idx.msk [tilespmem:v7+s0+$0x0], $0xffff  }
0x2ee: {  	v1 =	vadd.f32 v2, v1  }
0x2ef: {  	v2 =	vld.idx.msk [tilespmem:v8+s0+$0x0], $0xffff  }
0x2f0: {  	v1 =	vadd.f32 v3, v1  }
0x2f1: {  	v3 =	vld.idx.msk [tilespmem:v9+s0+$0x0], $0xffff  }
0x2f2: {  	v1 =	vadd.f32 v61, v1  }
0x2f3: {  	v62 =	vld.idx.msk [tilespmem:v10+s0+$0x0], $0xffff  }
0x2f4: {  	v1 =	vadd.f32 v2, v1  }
0x2f5: {  	v2 =	vld.idx.msk [tilespmem:v11+s0+$0x0], $0xffff  }
0x2f6: {  	v1 =	vadd.f32 v3, v1  }
0x2f7: {  	v3 =	vld.idx.msk [tilespmem:v12+s0+$0x0], $0xffff  }
0x2f8: {  	v1 =	vadd.f32 v62, v1  }
0x2f9: {  	v63 =	vld.idx.msk [tilespmem:v13+s0+$0x0], $0xffff  }
0x2fa: {  	v1 =	vadd.f32 v2, v1  }
0x2fb: {  	v2 =	vld.idx.msk [tilespmem:v14+s0+$0x0], $0xffff  }
0x2fc: {  	v1 =	vadd.f32 v3, v1  }
0x2fd: {  	v3 =	vld.idx.msk [tilespmem:v15+s0+$0x0], $0xffff  }
0x2fe: {  	v1 =	vadd.f32 v63, v1;
	_ =	sdelay $0x1  }
0x2ff: {  	v1 =	vadd.f32 v2, v1;
	_ =	sdelay $0x1  }
0x300: {  	v1 =	vadd.f32 v3, v1;
	_ =	sdelay $0x1  }
0x301: {  	v1 =	vsub.f32 $0.0e+00, v1;
	_ =	sdelay $0x1  }
0x302: {  	v1 =	vmul.f32 $1.442695020e+00, v1;
	_ =	sdelay $0x1  }
0x303: {  	(erf) = vpow2.f32 v1;
	_ =	sdelay $0x8  }
0x304: {  	v1 =	vpop (erf)  }
0x305: {  	v1 =	vadd.f32 $1.000000000e+00, v1;
	_ =	sdelay $0x1  }
0x306: {  	(erf) = vrcp.f32 v1;
	_ =	sdelay $0x3  }
0x307: {  	s17 =	sadd.s32 $0x1, s17  }
0x308: {  	p0 =	sne.s32 s17, $0x10  }
.Ltmp2:
0x309: {  	_ = 	snop;
	(pc) =	sbr.rel @p0 .LBB2_2-.Ltmp2, $3  }
0x30a: {  	_ =	sdelay $0x1  }
0x30b: {  	s15 =	sand.u32 $0x3FFFFFF0, s18;
	v1 =	vpop (erf)  }
0x30c: {  	[tilespmem:s15+$0x15500] =	vst v1  }
0x30d: {  	s16 =	sadd.s32 $0x1, s16  }
0x30e: {  	p0 =	sne.s32 s16, s9  }
.Ltmp3:
0x30f: {  	s15 =	simm.s32 $0x15500;
	(pc) =	sbr.rel @p0 .LBB2_1-.Ltmp3, $4  }
0x310: {  	[hbm4b:s8+s2] =	stream.linear.scatter [tilespmem:s15], [sflag:$0x3], $0x200, $0x38;
	[tilespmem:$0x15700] =	vst v63  }
0x311: {  	_ =	swait.ge [sflag:s11], $0x200  }
0x312: {  	[sflag:s11] =	ssyncset.done $0x0  }
0x313: {  	[sflag:s11] =	ssyncadd.s32 $0xFFFFFE00  }
0x314: {  	_ =	sfence.sel $0x180000  }
0x315: {  	[bflag:$0x0] =	sbarrier.arrive $0xFFFF  }
0x316: {  	_ =	strace $0x90000047  }
0x317: {  	s0 =	stileid.u32;
	[bflag:$0x2] =	sbarrier.arrive $0xFFFF  }
0x318: {  	p0 =	sne.s32 s0, $0x0;
	s0 =	rddreg [dreg:$0x2]  }
0x319: {  	s0 =	sadd.s32 @!p0 $0x100000, s0  }
0x31a: {  	[sflag:s0] =	ssyncadd.tile.s32 @!p0 $0x1;
	_ =	shalt  }
.Lfunc_end2:
_tile_overlayer_lowered:
.L_overlay_start_2:
0x31b: {  	(tag) =	ssettag $0x2  }
0x31c: {  	s0 =	rddreg [dreg:$0x0];
	s2 =	stileid.u32  }
0x31d: {  	s1 =	rddreg [dreg:$0x1];
	p0 =	sne.s32 s2, $0x0  }
0x31e: {  	s3 =	rddreg [dreg:$0x2];
	[bflag:$0x3] =	sbarrier.arrive $0xFFFF;
	s2 =	simm.s32 @!p0 $0x1C03  }
0x31f: {  	[timem:s3], [sflag:s2] =	dma.local @!p0 [hbm:s0], s1  }
0x320: {  	s0 =	simm.s32 @!p0 $0x3  }
0x321: {  	_ =	swait.ge @!p0 [sflag:s0], s1  }
0x322: {  	s1 =	ssub.s32 @!p0 $0x0, s1;
	[sflag:s0] =	ssyncset.done @!p0 $0x0  }
0x323: {  	[sflag:s0] =	ssyncadd.s32 @!p0 s1  }
0x324: {  	[bflag:$0x3] =	sbarrier.arrive $0xFFFF  }
0x325: {  	_ =	shalt  }

</sc_bundles>
